<compile_context>
chip_gen: v7x
topology: tpu7x:2x2x1
jax: 0.10.2.dev20260603
libtpu: 0.0.44.dev20260713+nightly
codegen_flags: <defaults>
</compile_context>

<pallas_src>
import jax
import jax.numpy as jnp
from jax import lax
from jax.experimental import pallas as pl
from jax.experimental.pallas import tpu as pltpu
from jax.experimental.pallas import tpu_sc as plsc

NUM_VIEWS = 12
PROJECTION_DIM = 512
BATCH = 4096

V_SC = 1
V_TC = NUM_VIEWS - V_SC

_info = plsc.get_sparse_core_info()
NC, NS, L = _info.num_cores, _info.num_subcores, _info.num_lanes
NW = NC * NS

ROWS_PER_W = BATCH // NW
CHUNK = 16
NCHUNK = ROWS_PER_W // CHUNK
NBUF = 4
TOTAL = V_SC * NCHUNK
NGROUP = TOTAL // NBUF


def _tc_body(x_ref, p_ref, _sc_ref, o_ref):
    o_ref[...] = x_ref[...] + p_ref[...]


def _sc_body(x_hbm, p_hbm, o_hbm, ibuf, obuf, posall, isem, osem):
    wid = lax.axis_index("s") * NC + lax.axis_index("c")
    base = wid * ROWS_PER_W

    pltpu.sync_copy(p_hbm, posall)

    def src_slice(t):
        vo = t // NCHUNK
        r0 = base + (t - vo * NCHUNK) * CHUNK
        return vo, r0

    def in_copy(t, b):
        vo, r0 = src_slice(t)
        return pltpu.make_async_copy(
            x_hbm.at[V_TC + vo, pl.ds(r0, CHUNK)], ibuf.at[b], isem.at[b]
        )

    def out_copy(t, b):
        vo, r0 = src_slice(t)
        return pltpu.make_async_copy(
            obuf.at[b], o_hbm.at[V_TC + vo, pl.ds(r0, CHUNK)], osem.at[b]
        )

    for b in range(NBUF):
        in_copy(b, b).start()

    def group(g, carry):
        for b in range(NBUF):
            t = g * NBUF + b
            vo = t // NCHUNK
            in_copy(t, b).wait()

            @pl.when(t >= NBUF)
            def _():
                out_copy(t - NBUF, b).wait()

            def add_row(i, c2):
                for c in range(PROJECTION_DIM // L):
                    sl = pl.ds(c * L, L)
                    obuf[b, i, sl] = ibuf[b, i, sl] + posall[V_TC + vo, sl]
                return c2

            lax.fori_loop(0, CHUNK, add_row, 0)
            out_copy(t, b).start()

            @pl.when(t + NBUF < TOTAL)
            def _():
                in_copy(t + NBUF, b).start()
        return carry

    lax.fori_loop(0, NGROUP, group, 0)

    for b in range(NBUF):
        out_copy(TOTAL - NBUF + b, b).wait()


def _sc_call(xt, pos_table):
    mesh = plsc.VectorSubcoreMesh(core_axis_name="c", subcore_axis_name="s")
    return pl.kernel(
        _sc_body,
        mesh=mesh,
        out_type=jax.ShapeDtypeStruct((NUM_VIEWS, BATCH, PROJECTION_DIM), jnp.float32),
        scratch_types=[
            pltpu.VMEM((NBUF, CHUNK, PROJECTION_DIM), jnp.float32),
            pltpu.VMEM((NBUF, CHUNK, PROJECTION_DIM), jnp.float32),
            pltpu.VMEM((NUM_VIEWS, PROJECTION_DIM), jnp.float32),
            pltpu.SemaphoreType.DMA((NBUF,)),
            pltpu.SemaphoreType.DMA((NBUF,)),
        ],
    )(xt, pos_table)


def _tc_call(xt, pos_table, sc_full):
    p3 = pos_table.reshape(NUM_VIEWS, 1, PROJECTION_DIM)
    return pl.pallas_call(
        _tc_body,
        grid=(V_TC,),
        in_specs=[
            pl.BlockSpec((1, BATCH, PROJECTION_DIM), lambda v: (v, 0, 0)),
            pl.BlockSpec((1, 1, PROJECTION_DIM), lambda v: (v, 0, 0)),
            pl.BlockSpec(memory_space=pl.ANY),
        ],
        out_specs=pl.BlockSpec((1, BATCH, PROJECTION_DIM), lambda v: (v, 0, 0)),
        out_shape=jax.ShapeDtypeStruct((NUM_VIEWS, BATCH, PROJECTION_DIM), jnp.float32),
        input_output_aliases={2: 0},
    )(xt, p3, sc_full)


def kernel(onedimage, pos_table):
    xt = jnp.transpose(onedimage, (1, 0, 2))
    sc_full = _sc_call(xt, pos_table)
    out_t = _tc_call(xt, pos_table, sc_full)
    return jnp.transpose(out_t, (1, 0, 2))

# --- scband reference (transcript-rebuilt; emitter-appended) ---
"""Pipeline reference for scband-pos-encoder-7344394076681 (READ-ONLY COPY).

The authoritative reference and input builder live on the scoring server;
editing this copy changes nothing except your own understanding.
"""

import jax, jax.numpy as jnp
import numpy as np

NUM_VIEWS = 12
PROJECTION_DIM = 512
BATCH = 4096

def setup_inputs(seed: int = 0) -> dict:
    key = jax.random.key(seed)
    k1, k2 = jax.random.split(key)
    onedimage = jax.random.normal(k1, (BATCH, NUM_VIEWS, PROJECTION_DIM), dtype=jnp.float32)
    # Embedding table: input_dim=num_views, output_dim=projection_dim
    pos_table = jax.random.normal(k2, (NUM_VIEWS, PROJECTION_DIM), dtype=jnp.float32) * 0.05
    return {"onedimage": onedimage, "pos_table": pos_table}

def reference(onedimage, pos_table):
    positions = jnp.arange(0, NUM_VIEWS, 1)
    # embedding lookup: table[positions] -> [num_views, projection_dim]
    pos_emb = jnp.take(pos_table, positions, axis=0)
    encoded = onedimage + pos_emb  # broadcast over batch
    return encoded

if __name__ == "__main__":
    import jax
    _d = setup_inputs()
    print(jax.jit(kernel)(*tuple(_d.values())))

</pallas_src>

<mosaic_0001>
#map = affine_map<(d0, d1) -> (0, 0, 0)>
#map1 = affine_map<(d0, d1) -> (0, 0)>
module attributes {stable_mosaic.version = 14 : i64} {
  func.func @_sc_body(%arg0: i32, %arg1: i32, %arg2: memref<12x4096x512xf32, #tpu.memory_space<hbm>>, %arg3: memref<12x512xf32, #tpu.memory_space<hbm>>, %arg4: memref<12x4096x512xf32, #tpu.memory_space<hbm>>, %arg5: memref<4x16x512xf32, #tpu.memory_space<vmem>>, %arg6: memref<4x16x512xf32, #tpu.memory_space<vmem>>, %arg7: memref<12x512xf32, #tpu.memory_space<vmem>>, %arg8: memref<4x!tpu.dma_semaphore, #tpu.memory_space<semaphore_mem>>, %arg9: memref<4x!tpu.dma_semaphore, #tpu.memory_space<semaphore_mem>>) attributes {dimension_semantics = [#tpu.dimension_semantics<core_parallel>, #tpu.dimension_semantics<subcore_parallel>], iteration_bounds = array<i64: 2, 16>, scalar_prefetch = 0 : i64, scratch_operands = 5 : i64, tpu.core_type = #tpu.core_type<sc_vector_subcore>, window_params = [{transform_indices = #map}, {transform_indices = #map1}, {transform_indices = #map}]} {
    %mul3A = arith.constant 2 : i32
    %mul3A_0 = arith.muli %arg1, %mul3A : i32
    %add3A = arith.addi %mul3A_0, %arg0 : i32
    %mul3A_1 = arith.constant 128 : i32
    %mul3A_2 = arith.muli %add3A, %mul3A_1 : i32
    "tpu.region"() ({
      %run_scoped3A = tpu.sem_alloc : memref<!tpu.dma_semaphore, #tpu.memory_space<semaphore_mem>>
      tpu.enqueue_dma source(%arg3 : memref<12x512xf32, #tpu.memory_space<hbm>>) target(%arg7 : memref<12x512xf32, #tpu.memory_space<vmem>>) target_semaphore(%run_scoped3A : memref<!tpu.dma_semaphore, #tpu.memory_space<semaphore_mem>>)
      tpu.wait_dma2 semaphore(%run_scoped3A : memref<!tpu.dma_semaphore, #tpu.memory_space<semaphore_mem>>) src(%arg3 : memref<12x512xf32, #tpu.memory_space<hbm>>) dst(%arg7 : memref<12x512xf32, #tpu.memory_space<vmem>>)
      tpu.yield
    }) : () -> ()
    %add3A_3 = arith.constant 0 : i32
    %add3A_4 = arith.addi %mul3A_2, %add3A_3 : i32
    %dma_start3A = arith.constant 11 : i32
    %dma_start3A_5 = arith.constant 0 : i32
    %dma_start3A_6 = arith.constant 0 : i32
    %dma_start3A_7 = arith.constant 0 : i32
    %dma_start3A_8 = arith.constant 0 : i32
    %dma_start3A_9 = tpu.memref_slice %arg5[%dma_start3A_5, %dma_start3A_7, %dma_start3A_8] : memref<4x16x512xf32, #tpu.memory_space<vmem>> -> memref<1x16x512xf32, #tpu.memory_space<vmem>>
    %dma_start3A_10 = tpu.memref_squeeze %dma_start3A_9 : memref<1x16x512xf32, #tpu.memory_space<vmem>> -> memref<16x512xf32, #tpu.memory_space<vmem>>
    %dma_start3A_11 = arith.constant 0 : i32
    %dma_start3A_12 = tpu.memref_slice %arg2[%dma_start3A, %add3A_4, %dma_start3A_11] : memref<12x4096x512xf32, #tpu.memory_space<hbm>> -> memref<1x16x512xf32, #tpu.memory_space<hbm>>
    %dma_start3A_13 = tpu.memref_squeeze %dma_start3A_12 : memref<1x16x512xf32, #tpu.memory_space<hbm>> -> memref<16x512xf32, #tpu.memory_space<hbm>>
    %dma_start3A_14 = tpu.memref_slice %arg8[%dma_start3A_6] : memref<4x!tpu.dma_semaphore, #tpu.memory_space<semaphore_mem>> -> memref<1x!tpu.dma_semaphore, #tpu.memory_space<semaphore_mem>>
    %dma_start3A_15 = tpu.memref_squeeze %dma_start3A_14 : memref<1x!tpu.dma_semaphore, #tpu.memory_space<semaphore_mem>> -> memref<!tpu.dma_semaphore, #tpu.memory_space<semaphore_mem>>
    %dma_start3A_16 = arith.constant 0 : i32
    %dma_start3A_17 = arith.constant 0 : i32
    %dma_start3A_18 = tpu.memref_slice %arg5[%dma_start3A_5, %dma_start3A_16, %dma_start3A_17] : memref<4x16x512xf32, #tpu.memory_space<vmem>> -> memref<1x16x512xf32, #tpu.memory_space<vmem>>
    %dma_start3A_19 = tpu.memref_squeeze %dma_start3A_18 : memref<1x16x512xf32, #tpu.memory_space<vmem>> -> memref<16x512xf32, #tpu.memory_space<vmem>>
    %dma_start3A_20 = arith.constant 0 : i32
    %dma_start3A_21 = tpu.memref_slice %arg2[%dma_start3A, %add3A_4, %dma_start3A_20] : memref<12x4096x512xf32, #tpu.memory_space<hbm>> -> memref<1x16x512xf32, #tpu.memory_space<hbm>>
    %dma_start3A_22 = tpu.memref_squeeze %dma_start3A_21 : memref<1x16x512xf32, #tpu.memory_space<hbm>> -> memref<16x512xf32, #tpu.memory_space<hbm>>
    tpu.enqueue_dma source(%dma_start3A_22 : memref<16x512xf32, #tpu.memory_space<hbm>>) target(%dma_start3A_19 : memref<16x512xf32, #tpu.memory_space<vmem>>) target_semaphore(%dma_start3A_15 : memref<!tpu.dma_semaphore, #tpu.memory_space<semaphore_mem>>)
    %add3A_23 = arith.constant 16 : i32
    %add3A_24 = arith.addi %mul3A_2, %add3A_23 : i32
    %dma_start3A_25 = arith.constant 11 : i32
    %dma_start3A_26 = arith.constant 1 : i32
    %dma_start3A_27 = arith.constant 1 : i32
    %dma_start3A_28 = arith.constant 0 : i32
    %dma_start3A_29 = arith.constant 0 : i32
    %dma_start3A_30 = tpu.memref_slice %arg5[%dma_start3A_26, %dma_start3A_28, %dma_start3A_29] : memref<4x16x512xf32, #tpu.memory_space<vmem>> -> memref<1x16x512xf32, #tpu.memory_space<vmem>>
    %dma_start3A_31 = tpu.memref_squeeze %dma_start3A_30 : memref<1x16x512xf32, #tpu.memory_space<vmem>> -> memref<16x512xf32, #tpu.memory_space<vmem>>
    %dma_start3A_32 = arith.constant 0 : i32
    %dma_start3A_33 = tpu.memref_slice %arg2[%dma_start3A_25, %add3A_24, %dma_start3A_32] : memref<12x4096x512xf32, #tpu.memory_space<hbm>> -> memref<1x16x512xf32, #tpu.memory_space<hbm>>
    %dma_start3A_34 = tpu.memref_squeeze %dma_start3A_33 : memref<1x16x512xf32, #tpu.memory_space<hbm>> -> memref<16x512xf32, #tpu.memory_space<hbm>>
    %dma_start3A_35 = tpu.memref_slice %arg8[%dma_start3A_27] : memref<4x!tpu.dma_semaphore, #tpu.memory_space<semaphore_mem>> -> memref<1x!tpu.dma_semaphore, #tpu.memory_space<semaphore_mem>>
    %dma_start3A_36 = tpu.memref_squeeze %dma_start3A_35 : memref<1x!tpu.dma_semaphore, #tpu.memory_space<semaphore_mem>> -> memref<!tpu.dma_semaphore, #tpu.memory_space<semaphore_mem>>
    %dma_start3A_37 = arith.constant 0 : i32
    %dma_start3A_38 = arith.constant 0 : i32
    %dma_start3A_39 = tpu.memref_slice %arg5[%dma_start3A_26, %dma_start3A_37, %dma_start3A_38] : memref<4x16x512xf32, #tpu.memory_space<vmem>> -> memref<1x16x512xf32, #tpu.memory_space<vmem>>
    %dma_start3A_40 = tpu.memref_squeeze %dma_start3A_39 : memref<1x16x512xf32, #tpu.memory_space<vmem>> -> memref<16x512xf32, #tpu.memory_space<vmem>>
    %dma_start3A_41 = arith.constant 0 : i32
    %dma_start3A_42 = tpu.memref_slice %arg2[%dma_start3A_25, %add3A_24, %dma_start3A_41] : memref<12x4096x512xf32, #tpu.memory_space<hbm>> -> memref<1x16x512xf32, #tpu.memory_space<hbm>>
    %dma_start3A_43 = tpu.memref_squeeze %dma_start3A_42 : memref<1x16x512xf32, #tpu.memory_space<hbm>> -> memref<16x512xf32, #tpu.memory_space<hbm>>
    tpu.enqueue_dma source(%dma_start3A_43 : memref<16x512xf32, #tpu.memory_space<hbm>>) target(%dma_start3A_40 : memref<16x512xf32, #tpu.memory_space<vmem>>) target_semaphore(%dma_start3A_36 : memref<!tpu.dma_semaphore, #tpu.memory_space<semaphore_mem>>)
    %add3A_44 = arith.constant 32 : i32
    %add3A_45 = arith.addi %mul3A_2, %add3A_44 : i32
    %dma_start3A_46 = arith.constant 11 : i32
    %dma_start3A_47 = arith.constant 2 : i32
    %dma_start3A_48 = arith.constant 2 : i32
    %dma_start3A_49 = arith.constant 0 : i32
    %dma_start3A_50 = arith.constant 0 : i32
    %dma_start3A_51 = tpu.memref_slice %arg5[%dma_start3A_47, %dma_start3A_49, %dma_start3A_50] : memref<4x16x512xf32, #tpu.memory_space<vmem>> -> memref<1x16x512xf32, #tpu.memory_space<vmem>>
    %dma_start3A_52 = tpu.memref_squeeze %dma_start3A_51 : memref<1x16x512xf32, #tpu.memory_space<vmem>> -> memref<16x512xf32, #tpu.memory_space<vmem>>
    %dma_start3A_53 = arith.constant 0 : i32
    %dma_start3A_54 = tpu.memref_slice %arg2[%dma_start3A_46, %add3A_45, %dma_start3A_53] : memref<12x4096x512xf32, #tpu.memory_space<hbm>> -> memref<1x16x512xf32, #tpu.memory_space<hbm>>
    %dma_start3A_55 = tpu.memref_squeeze %dma_start3A_54 : memref<1x16x512xf32, #tpu.memory_space<hbm>> -> memref<16x512xf32, #tpu.memory_space<hbm>>
    %dma_start3A_56 = tpu.memref_slice %arg8[%dma_start3A_48] : memref<4x!tpu.dma_semaphore, #tpu.memory_space<semaphore_mem>> -> memref<1x!tpu.dma_semaphore, #tpu.memory_space<semaphore_mem>>
    %dma_start3A_57 = tpu.memref_squeeze %dma_start3A_56 : memref<1x!tpu.dma_semaphore, #tpu.memory_space<semaphore_mem>> -> memref<!tpu.dma_semaphore, #tpu.memory_space<semaphore_mem>>
    %dma_start3A_58 = arith.constant 0 : i32
    %dma_start3A_59 = arith.constant 0 : i32
    %dma_start3A_60 = tpu.memref_slice %arg5[%dma_start3A_47, %dma_start3A_58, %dma_start3A_59] : memref<4x16x512xf32, #tpu.memory_space<vmem>> -> memref<1x16x512xf32, #tpu.memory_space<vmem>>
    %dma_start3A_61 = tpu.memref_squeeze %dma_start3A_60 : memref<1x16x512xf32, #tpu.memory_space<vmem>> -> memref<16x512xf32, #tpu.memory_space<vmem>>
    %dma_start3A_62 = arith.constant 0 : i32
    %dma_start3A_63 = tpu.memref_slice %arg2[%dma_start3A_46, %add3A_45, %dma_start3A_62] : memref<12x4096x512xf32, #tpu.memory_space<hbm>> -> memref<1x16x512xf32, #tpu.memory_space<hbm>>
    %dma_start3A_64 = tpu.memref_squeeze %dma_start3A_63 : memref<1x16x512xf32, #tpu.memory_space<hbm>> -> memref<16x512xf32, #tpu.memory_space<hbm>>
    tpu.enqueue_dma source(%dma_start3A_64 : memref<16x512xf32, #tpu.memory_space<hbm>>) target(%dma_start3A_61 : memref<16x512xf32, #tpu.memory_space<vmem>>) target_semaphore(%dma_start3A_57 : memref<!tpu.dma_semaphore, #tpu.memory_space<semaphore_mem>>)
    %add3A_65 = arith.constant 48 : i32
    %add3A_66 = arith.addi %mul3A_2, %add3A_65 : i32
    %dma_start3A_67 = arith.constant 11 : i32
    %dma_start3A_68 = arith.constant 3 : i32
    %dma_start3A_69 = arith.constant 3 : i32
    %dma_start3A_70 = arith.constant 0 : i32
    %dma_start3A_71 = arith.constant 0 : i32
    %dma_start3A_72 = tpu.memref_slice %arg5[%dma_start3A_68, %dma_start3A_70, %dma_start3A_71] : memref<4x16x512xf32, #tpu.memory_space<vmem>> -> memref<1x16x512xf32, #tpu.memory_space<vmem>>
    %dma_start3A_73 = tpu.memref_squeeze %dma_start3A_72 : memref<1x16x512xf32, #tpu.memory_space<vmem>> -> memref<16x512xf32, #tpu.memory_space<vmem>>
    %dma_start3A_74 = arith.constant 0 : i32
    %dma_start3A_75 = tpu.memref_slice %arg2[%dma_start3A_67, %add3A_66, %dma_start3A_74] : memref<12x4096x512xf32, #tpu.memory_space<hbm>> -> memref<1x16x512xf32, #tpu.memory_space<hbm>>
    %dma_start3A_76 = tpu.memref_squeeze %dma_start3A_75 : memref<1x16x512xf32, #tpu.memory_space<hbm>> -> memref<16x512xf32, #tpu.memory_space<hbm>>
    %dma_start3A_77 = tpu.memref_slice %arg8[%dma_start3A_69] : memref<4x!tpu.dma_semaphore, #tpu.memory_space<semaphore_mem>> -> memref<1x!tpu.dma_semaphore, #tpu.memory_space<semaphore_mem>>
    %dma_start3A_78 = tpu.memref_squeeze %dma_start3A_77 : memref<1x!tpu.dma_semaphore, #tpu.memory_space<semaphore_mem>> -> memref<!tpu.dma_semaphore, #tpu.memory_space<semaphore_mem>>
    %dma_start3A_79 = arith.constant 0 : i32
    %dma_start3A_80 = arith.constant 0 : i32
    %dma_start3A_81 = tpu.memref_slice %arg5[%dma_start3A_68, %dma_start3A_79, %dma_start3A_80] : memref<4x16x512xf32, #tpu.memory_space<vmem>> -> memref<1x16x512xf32, #tpu.memory_space<vmem>>
    %dma_start3A_82 = tpu.memref_squeeze %dma_start3A_81 : memref<1x16x512xf32, #tpu.memory_space<vmem>> -> memref<16x512xf32, #tpu.memory_space<vmem>>
    %dma_start3A_83 = arith.constant 0 : i32
    %dma_start3A_84 = tpu.memref_slice %arg2[%dma_start3A_67, %add3A_66, %dma_start3A_83] : memref<12x4096x512xf32, #tpu.memory_space<hbm>> -> memref<1x16x512xf32, #tpu.memory_space<hbm>>
    %dma_start3A_85 = tpu.memref_squeeze %dma_start3A_84 : memref<1x16x512xf32, #tpu.memory_space<hbm>> -> memref<16x512xf32, #tpu.memory_space<hbm>>
    tpu.enqueue_dma source(%dma_start3A_85 : memref<16x512xf32, #tpu.memory_space<hbm>>) target(%dma_start3A_82 : memref<16x512xf32, #tpu.memory_space<vmem>>) target_semaphore(%dma_start3A_78 : memref<!tpu.dma_semaphore, #tpu.memory_space<semaphore_mem>>)
    %scan3A = arith.constant 0 : i32
    %scan3A_86 = arith.constant 0 : i32
    %scan3A_87 = arith.constant 2 : i32
    %scan3A_88 = arith.addi %scan3A_86, %scan3A_87 : i32
    %scan3A_89 = arith.constant 1 : i32
    scf.for %scan3A_174 = %scan3A_86 to %scan3A_88 step %scan3A_89  : i32 {
      %mul3A_175 = arith.constant 4 : i32
      %mul3A_176 = arith.muli %scan3A_174, %mul3A_175 : i32
      %add3A_177 = arith.constant 0 : i32
      %add3A_178 = arith.addi %mul3A_176, %add3A_177 : i32
      %jit3A = arith.constant 8 : i32
      %div3A = arith.divsi %add3A_178, %jit3A : i32
      %sign3A = arith.constant 0 : i32
      %sign3A_179 = arith.cmpi sgt, %add3A_178, %sign3A : i32
      %sign3A_180 = arith.extui %sign3A_179 : i1 to i32
      %sign3A_181 = arith.constant 0 : i32
      %sign3A_182 = arith.cmpi slt, %add3A_178, %sign3A_181 : i32
      %sign3A_183 = arith.extui %sign3A_182 : i1 to i32
      %sign3A_184 = arith.subi %sign3A_180, %sign3A_183 : i32
      %sign3A_185 = arith.constant 0 : i32
      %sign3A_186 = arith.cmpi sgt, %jit3A, %sign3A_185 : i32
      %sign3A_187 = arith.extui %sign3A_186 : i1 to i32
      %sign3A_188 = arith.constant 0 : i32
      %sign3A_189 = arith.cmpi slt, %jit3A, %sign3A_188 : i32
      %sign3A_190 = arith.extui %sign3A_189 : i1 to i32
      %sign3A_191 = arith.subi %sign3A_187, %sign3A_190 : i32
      %ne3A = arith.cmpi ne, %sign3A_184, %sign3A_191 : i32
      %rem3A = arith.remsi %add3A_178, %jit3A : i32
      %ne3A_192 = arith.constant 0 : i32
      %ne3A_193 = arith.cmpi ne, %rem3A, %ne3A_192 : i32
      %and3A = arith.andi %ne3A, %ne3A_193 : i1
      %sub3A = arith.constant 1 : i32
      %sub3A_194 = arith.subi %div3A, %sub3A : i32
      %select_n3A = arith.select %and3A, %sub3A_194, %div3A : i32
      %jit3A_195 = arith.constant 8 : i32
      %div3A_196 = arith.divsi %add3A_178, %jit3A_195 : i32
      %sign3A_197 = arith.constant 0 : i32
      %sign3A_198 = arith.cmpi sgt, %add3A_178, %sign3A_197 : i32
      %sign3A_199 = arith.extui %sign3A_198 : i1 to i32
      %sign3A_200 = arith.constant 0 : i32
      %sign3A_201 = arith.cmpi slt, %add3A_178, %sign3A_200 : i32
      %sign3A_202 = arith.extui %sign3A_201 : i1 to i32
      %sign3A_203 = arith.subi %sign3A_199, %sign3A_202 : i32
      %sign3A_204 = arith.constant 0 : i32
      %sign3A_205 = arith.cmpi sgt, %jit3A_195, %sign3A_204 : i32
      %sign3A_206 = arith.extui %sign3A_205 : i1 to i32
      %sign3A_207 = arith.constant 0 : i32
      %sign3A_208 = arith.cmpi slt, %jit3A_195, %sign3A_207 : i32
      %sign3A_209 = arith.extui %sign3A_208 : i1 to i32
      %sign3A_210 = arith.subi %sign3A_206, %sign3A_209 : i32
      %ne3A_211 = arith.cmpi ne, %sign3A_203, %sign3A_210 : i32
      %rem3A_212 = arith.remsi %add3A_178, %jit3A_195 : i32
      %ne3A_213 = arith.constant 0 : i32
      %ne3A_214 = arith.cmpi ne, %rem3A_212, %ne3A_213 : i32
      %and3A_215 = arith.andi %ne3A_211, %ne3A_214 : i1
      %sub3A_216 = arith.constant 1 : i32
      %sub3A_217 = arith.subi %div3A_196, %sub3A_216 : i32
      %select_n3A_218 = arith.select %and3A_215, %sub3A_217, %div3A_196 : i32
      %mul3A_219 = arith.constant 8 : i32
      %mul3A_220 = arith.muli %select_n3A_218, %mul3A_219 : i32
      %sub3A_221 = arith.subi %add3A_178, %mul3A_220 : i32
      %mul3A_222 = arith.constant 16 : i32
      %mul3A_223 = arith.muli %sub3A_221, %mul3A_222 : i32
      %add3A_224 = arith.addi %mul3A_2, %mul3A_223 : i32
      %add3A_225 = arith.constant 11 : i32
      %add3A_226 = arith.addi %add3A_225, %select_n3A_218 : i32
      %dma_wait3A_227 = arith.constant 0 : i32
      %dma_wait3A_228 = arith.constant 0 : i32
      %dma_wait3A_229 = arith.constant 0 : i32
      %dma_wait3A_230 = arith.constant 0 : i32
      %dma_wait3A_231 = tpu.memref_slice %arg5[%dma_wait3A_227, %dma_wait3A_229, %dma_wait3A_230] : memref<4x16x512xf32, #tpu.memory_space<vmem>> -> memref<1x16x512xf32, #tpu.memory_space<vmem>>
      %dma_wait3A_232 = tpu.memref_squeeze %dma_wait3A_231 : memref<1x16x512xf32, #tpu.memory_space<vmem>> -> memref<16x512xf32, #tpu.memory_space<vmem>>
      %dma_wait3A_233 = arith.constant 0 : i32
      %dma_wait3A_234 = tpu.memref_slice %arg2[%add3A_226, %add3A_224, %dma_wait3A_233] : memref<12x4096x512xf32, #tpu.memory_space<hbm>> -> memref<1x16x512xf32, #tpu.memory_space<hbm>>
      %dma_wait3A_235 = tpu.memref_squeeze %dma_wait3A_234 : memref<1x16x512xf32, #tpu.memory_space<hbm>> -> memref<16x512xf32, #tpu.memory_space<hbm>>
      %dma_wait3A_236 = tpu.memref_slice %arg8[%dma_wait3A_228] : memref<4x!tpu.dma_semaphore, #tpu.memory_space<semaphore_mem>> -> memref<1x!tpu.dma_semaphore, #tpu.memory_space<semaphore_mem>>
      %dma_wait3A_237 = tpu.memref_squeeze %dma_wait3A_236 : memref<1x!tpu.dma_semaphore, #tpu.memory_space<semaphore_mem>> -> memref<!tpu.dma_semaphore, #tpu.memory_space<semaphore_mem>>
      %dma_wait3A_238 = arith.constant 0 : i32
      %dma_wait3A_239 = arith.constant 0 : i32
      %dma_wait3A_240 = tpu.memref_slice %arg5[%dma_wait3A_227, %dma_wait3A_238, %dma_wait3A_239] : memref<4x16x512xf32, #tpu.memory_space<vmem>> -> memref<1x16x512xf32, #tpu.memory_space<vmem>>
      %dma_wait3A_241 = tpu.memref_squeeze %dma_wait3A_240 : memref<1x16x512xf32, #tpu.memory_space<vmem>> -> memref<16x512xf32, #tpu.memory_space<vmem>>
      %dma_wait3A_242 = arith.constant 0 : i32
      %dma_wait3A_243 = tpu.memref_slice %arg2[%add3A_226, %add3A_224, %dma_wait3A_242] : memref<12x4096x512xf32, #tpu.memory_space<hbm>> -> memref<1x16x512xf32, #tpu.memory_space<hbm>>
      %dma_wait3A_244 = tpu.memref_squeeze %dma_wait3A_243 : memref<1x16x512xf32, #tpu.memory_space<hbm>> -> memref<16x512xf32, #tpu.memory_space<hbm>>
      tpu.wait_dma2 semaphore(%dma_wait3A_237 : memref<!tpu.dma_semaphore, #tpu.memory_space<semaphore_mem>>) src(%dma_wait3A_244 : memref<16x512xf32, #tpu.memory_space<hbm>>) dst(%dma_wait3A_241 : memref<16x512xf32, #tpu.memory_space<vmem>>)
      %ge3A = arith.constant 4 : i32
      %ge3A_245 = arith.cmpi sge, %add3A_178, %ge3A : i32
      %convert_element_type3A = arith.extui %ge3A_245 : i1 to i32
      %cond3A = arith.constant 0 : i32
      %cond3A_246 = arith.cmpi ne, %convert_element_type3A, %cond3A : i32
      scf.if %cond3A_246 {
        %sub3A_747 = arith.constant 4 : i32
        %sub3A_748 = arith.subi %add3A_178, %sub3A_747 : i32
        %jit3A_749 = arith.constant 8 : i32
        %div3A_750 = arith.divsi %sub3A_748, %jit3A_749 : i32
        %sign3A_751 = arith.constant 0 : i32
        %sign3A_752 = arith.cmpi sgt, %sub3A_748, %sign3A_751 : i32
        %sign3A_753 = arith.extui %sign3A_752 : i1 to i32
        %sign3A_754 = arith.constant 0 : i32
        %sign3A_755 = arith.cmpi slt, %sub3A_748, %sign3A_754 : i32
        %sign3A_756 = arith.extui %sign3A_755 : i1 to i32
        %sign3A_757 = arith.subi %sign3A_753, %sign3A_756 : i32
        %sign3A_758 = arith.constant 0 : i32
        %sign3A_759 = arith.cmpi sgt, %jit3A_749, %sign3A_758 : i32
        %sign3A_760 = arith.extui %sign3A_759 : i1 to i32
        %sign3A_761 = arith.constant 0 : i32
        %sign3A_762 = arith.cmpi slt, %jit3A_749, %sign3A_761 : i32
        %sign3A_763 = arith.extui %sign3A_762 : i1 to i32
        %sign3A_764 = arith.subi %sign3A_760, %sign3A_763 : i32
        %ne3A_765 = arith.cmpi ne, %sign3A_757, %sign3A_764 : i32
        %rem3A_766 = arith.remsi %sub3A_748, %jit3A_749 : i32
        %ne3A_767 = arith.constant 0 : i32
        %ne3A_768 = arith.cmpi ne, %rem3A_766, %ne3A_767 : i32
        %and3A_769 = arith.andi %ne3A_765, %ne3A_768 : i1
        %sub3A_770 = arith.constant 1 : i32
        %sub3A_771 = arith.subi %div3A_750, %sub3A_770 : i32
        %select_n3A_772 = arith.select %and3A_769, %sub3A_771, %div3A_750 : i32
        %mul3A_773 = arith.constant 8 : i32
        %mul3A_774 = arith.muli %select_n3A_772, %mul3A_773 : i32
        %sub3A_775 = arith.subi %sub3A_748, %mul3A_774 : i32
        %mul3A_776 = arith.constant 16 : i32
        %mul3A_777 = arith.muli %sub3A_775, %mul3A_776 : i32
        %add3A_778 = arith.addi %mul3A_2, %mul3A_777 : i32
        %add3A_779 = arith.constant 11 : i32
        %add3A_780 = arith.addi %add3A_779, %select_n3A_772 : i32
        %dma_wait3A_781 = arith.constant 0 : i32
        %dma_wait3A_782 = arith.constant 0 : i32
        %dma_wait3A_783 = arith.constant 0 : i32
        %dma_wait3A_784 = arith.constant 0 : i32
        %dma_wait3A_785 = tpu.memref_slice %arg6[%dma_wait3A_781, %dma_wait3A_783, %dma_wait3A_784] : memref<4x16x512xf32, #tpu.memory_space<vmem>> -> memref<1x16x512xf32, #tpu.memory_space<vmem>>
        %dma_wait3A_786 = tpu.memref_squeeze %dma_wait3A_785 : memref<1x16x512xf32, #tpu.memory_space<vmem>> -> memref<16x512xf32, #tpu.memory_space<vmem>>
        %dma_wait3A_787 = arith.constant 0 : i32
        %dma_wait3A_788 = tpu.memref_slice %arg4[%add3A_780, %add3A_778, %dma_wait3A_787] : memref<12x4096x512xf32, #tpu.memory_space<hbm>> -> memref<1x16x512xf32, #tpu.memory_space<hbm>>
        %dma_wait3A_789 = tpu.memref_squeeze %dma_wait3A_788 : memref<1x16x512xf32, #tpu.memory_space<hbm>> -> memref<16x512xf32, #tpu.memory_space<hbm>>
        %dma_wait3A_790 = tpu.memref_slice %arg9[%dma_wait3A_782] : memref<4x!tpu.dma_semaphore, #tpu.memory_space<semaphore_mem>> -> memref<1x!tpu.dma_semaphore, #tpu.memory_space<semaphore_mem>>
        %dma_wait3A_791 = tpu.memref_squeeze %dma_wait3A_790 : memref<1x!tpu.dma_semaphore, #tpu.memory_space<semaphore_mem>> -> memref<!tpu.dma_semaphore, #tpu.memory_space<semaphore_mem>>
        %dma_wait3A_792 = arith.constant 0 : i32
        %dma_wait3A_793 = tpu.memref_slice %arg4[%add3A_780, %add3A_778, %dma_wait3A_792] : memref<12x4096x512xf32, #tpu.memory_space<hbm>> -> memref<1x16x512xf32, #tpu.memory_space<hbm>>
        %dma_wait3A_794 = tpu.memref_squeeze %dma_wait3A_793 : memref<1x16x512xf32, #tpu.memory_space<hbm>> -> memref<16x512xf32, #tpu.memory_space<hbm>>
        %dma_wait3A_795 = arith.constant 0 : i32
        %dma_wait3A_796 = arith.constant 0 : i32
        %dma_wait3A_797 = tpu.memref_slice %arg6[%dma_wait3A_781, %dma_wait3A_795, %dma_wait3A_796] : memref<4x16x512xf32, #tpu.memory_space<vmem>> -> memref<1x16x512xf32, #tpu.memory_space<vmem>>
        %dma_wait3A_798 = tpu.memref_squeeze %dma_wait3A_797 : memref<1x16x512xf32, #tpu.memory_space<vmem>> -> memref<16x512xf32, #tpu.memory_space<vmem>>
        tpu.wait_dma2 semaphore(%dma_wait3A_791 : memref<!tpu.dma_semaphore, #tpu.memory_space<semaphore_mem>>) src(%dma_wait3A_798 : memref<16x512xf32, #tpu.memory_space<vmem>>) dst(%dma_wait3A_794 : memref<16x512xf32, #tpu.memory_space<hbm>>)
      } else {
      }
      %scan3A_247 = arith.constant 0 : i32
      %scan3A_248 = arith.constant 0 : i32
      %scan3A_249 = arith.constant 16 : i32
      %scan3A_250 = arith.addi %scan3A_248, %scan3A_249 : i32
      %scan3A_251 = arith.constant 1 : i32
      scf.for %scan3A_747 = %scan3A_248 to %scan3A_250 step %scan3A_251  : i32 {
        %get3A = arith.constant 0 : i32
        %get3A_748 = arith.index_cast %get3A : i32 to index
        %get3A_749 = arith.index_cast %scan3A_747 : i32 to index
        %get3A_750 = arith.constant 0 : index
        %get3A_751 = tpu.vector_load %arg5[%get3A_748, %get3A_749, %get3A_750] {strides = array<i32>} : memref<4x16x512xf32, #tpu.memory_space<vmem>>, vector<1x1x16xf32>,
        %get3A_752 = vector.shape_cast %get3A_751 : vector<1x1x16xf32> to vector<16xf32>
        %add3A_753 = arith.constant 11 : i32
        %add3A_754 = arith.addi %add3A_753, %select_n3A : i32
        %get3A_755 = arith.index_cast %add3A_754 : i32 to index
        %get3A_756 = arith.constant 0 : index
        %get3A_757 = tpu.vector_load %arg7[%get3A_755, %get3A_756] {strides = array<i32>} : memref<12x512xf32, #tpu.memory_space<vmem>>, vector<1x16xf32>,
        %get3A_758 = vector.shape_cast %get3A_757 : vector<1x16xf32> to vector<16xf32>
        %add3A_759 = arith.addf %get3A_752, %get3A_758 : vector<16xf32>
        %swap3A = arith.constant 0 : i32
        %swap3A_760 = arith.index_cast %swap3A : i32 to index
        %swap3A_761 = arith.index_cast %scan3A_747 : i32 to index
        %swap3A_762 = arith.constant 0 : index
        %swap3A_763 = tpu.vector_load %arg6[%swap3A_760, %swap3A_761, %swap3A_762] {strides = array<i32>} : memref<4x16x512xf32, #tpu.memory_space<vmem>>, vector<1x1x16xf32>,
        %swap3A_764 = vector.shape_cast %swap3A_763 : vector<1x1x16xf32> to vector<16xf32>
        %swap3A_765 = vector.shape_cast %add3A_759 : vector<16xf32> to vector<1x1x16xf32>
        tpu.vector_store %arg6[%swap3A_760, %swap3A_761, %swap3A_762], %swap3A_765 {strides = array<i32>} : memref<4x16x512xf32, #tpu.memory_space<vmem>>, vector<1x1x16xf32>,
        %get3A_766 = arith.constant 0 : i32
        %get3A_767 = arith.index_cast %get3A_766 : i32 to index
        %get3A_768 = arith.index_cast %scan3A_747 : i32 to index
        %get3A_769 = arith.constant 16 : index
        %get3A_770 = tpu.vector_load %arg5[%get3A_767, %get3A_768, %get3A_769] {strides = array<i32>} : memref<4x16x512xf32, #tpu.memory_space<vmem>>, vector<1x1x16xf32>,
        %get3A_771 = vector.shape_cast %get3A_770 : vector<1x1x16xf32> to vector<16xf32>
        %add3A_772 = arith.constant 11 : i32
        %add3A_773 = arith.addi %add3A_772, %select_n3A : i32
        %get3A_774 = arith.index_cast %add3A_773 : i32 to index
        %get3A_775 = arith.constant 16 : index
        %get3A_776 = tpu.vector_load %arg7[%get3A_774, %get3A_775] {strides = array<i32>} : memref<12x512xf32, #tpu.memory_space<vmem>>, vector<1x16xf32>,
        %get3A_777 = vector.shape_cast %get3A_776 : vector<1x16xf32> to vector<16xf32>
        %add3A_778 = arith.addf %get3A_771, %get3A_777 : vector<16xf32>
        %swap3A_779 = arith.constant 0 : i32
        %swap3A_780 = arith.index_cast %swap3A_779 : i32 to index
        %swap3A_781 = arith.index_cast %scan3A_747 : i32 to index
        %swap3A_782 = arith.constant 16 : index
        %swap3A_783 = tpu.vector_load %arg6[%swap3A_780, %swap3A_781, %swap3A_782] {strides = array<i32>} : memref<4x16x512xf32, #tpu.memory_space<vmem>>, vector<1x1x16xf32>,
        %swap3A_784 = vector.shape_cast %swap3A_783 : vector<1x1x16xf32> to vector<16xf32>
        %swap3A_785 = vector.shape_cast %add3A_778 : vector<16xf32> to vector<1x1x16xf32>
        tpu.vector_store %arg6[%swap3A_780, %swap3A_781, %swap3A_782], %swap3A_785 {strides = array<i32>} : memref<4x16x512xf32, #tpu.memory_space<vmem>>, vector<1x1x16xf32>,
        %get3A_786 = arith.constant 0 : i32
        %get3A_787 = arith.index_cast %get3A_786 : i32 to index
        %get3A_788 = arith.index_cast %scan3A_747 : i32 to index
        %get3A_789 = arith.constant 32 : index
        %get3A_790 = tpu.vector_load %arg5[%get3A_787, %get3A_788, %get3A_789] {strides = array<i32>} : memref<4x16x512xf32, #tpu.memory_space<vmem>>, vector<1x1x16xf32>,
        %get3A_791 = vector.shape_cast %get3A_790 : vector<1x1x16xf32> to vector<16xf32>
        %add3A_792 = arith.constant 11 : i32
        %add3A_793 = arith.addi %add3A_792, %select_n3A : i32
        %get3A_794 = arith.index_cast %add3A_793 : i32 to index
        %get3A_795 = arith.constant 32 : index
        %get3A_796 = tpu.vector_load %arg7[%get3A_794, %get3A_795] {strides = array<i32>} : memref<12x512xf32, #tpu.memory_space<vmem>>, vector<1x16xf32>,
        %get3A_797 = vector.shape_cast %get3A_796 : vector<1x16xf32> to vector<16xf32>
        %add3A_798 = arith.addf %get3A_791, %get3A_797 : vector<16xf32>
        %swap3A_799 = arith.constant 0 : i32
        %swap3A_800 = arith.index_cast %swap3A_799 : i32 to index
        %swap3A_801 = arith.index_cast %scan3A_747 : i32 to index
        %swap3A_802 = arith.constant 32 : index
        %swap3A_803 = tpu.vector_load %arg6[%swap3A_800, %swap3A_801, %swap3A_802] {strides = array<i32>} : memref<4x16x512xf32, #tpu.memory_space<vmem>>, vector<1x1x16xf32>,
        %swap3A_804 = vector.shape_cast %swap3A_803 : vector<1x1x16xf32> to vector<16xf32>
        %swap3A_805 = vector.shape_cast %add3A_798 : vector<16xf32> to vector<1x1x16xf32>
        tpu.vector_store %arg6[%swap3A_800, %swap3A_801, %swap3A_802], %swap3A_805 {strides = array<i32>} : memref<4x16x512xf32, #tpu.memory_space<vmem>>, vector<1x1x16xf32>,
        %get3A_806 = arith.constant 0 : i32
        %get3A_807 = arith.index_cast %get3A_806 : i32 to index
        %get3A_808 = arith.index_cast %scan3A_747 : i32 to index
        %get3A_809 = arith.constant 48 : index
        %get3A_810 = tpu.vector_load %arg5[%get3A_807, %get3A_808, %get3A_809] {strides = array<i32>} : memref<4x16x512xf32, #tpu.memory_space<vmem>>, vector<1x1x16xf32>,
        %get3A_811 = vector.shape_cast %get3A_810 : vector<1x1x16xf32> to vector<16xf32>
        %add3A_812 = arith.constant 11 : i32
        %add3A_813 = arith.addi %add3A_812, %select_n3A : i32
        %get3A_814 = arith.index_cast %add3A_813 : i32 to index
        %get3A_815 = arith.constant 48 : index
        %get3A_816 = tpu.vector_load %arg7[%get3A_814, %get3A_815] {strides = array<i32>} : memref<12x512xf32, #tpu.memory_space<vmem>>, vector<1x16xf32>,
        %get3A_817 = vector.shape_cast %get3A_816 : vector<1x16xf32> to vector<16xf32>
        %add3A_818 = arith.addf %get3A_811, %get3A_817 : vector<16xf32>
        %swap3A_819 = arith.constant 0 : i32
        %swap3A_820 = arith.index_cast %swap3A_819 : i32 to index
        %swap3A_821 = arith.index_cast %scan3A_747 : i32 to index
        %swap3A_822 = arith.constant 48 : index
        %swap3A_823 = tpu.vector_load %arg6[%swap3A_820, %swap3A_821, %swap3A_822] {strides = array<i32>} : memref<4x16x512xf32, #tpu.memory_space<vmem>>, vector<1x1x16xf32>,
        %swap3A_824 = vector.shape_cast %swap3A_823 : vector<1x1x16xf32> to vector<16xf32>
        %swap3A_825 = vector.shape_cast %add3A_818 : vector<16xf32> to vector<1x1x16xf32>
        tpu.vector_store %arg6[%swap3A_820, %swap3A_821, %swap3A_822], %swap3A_825 {strides = array<i32>} : memref<4x16x512xf32, #tpu.memory_space<vmem>>, vector<1x1x16xf32>,
        %get3A_826 = arith.constant 0 : i32
        %get3A_827 = arith.index_cast %get3A_826 : i32 to index
        %get3A_828 = arith.index_cast %scan3A_747 : i32 to index
        %get3A_829 = arith.constant 64 : index
        %get3A_830 = tpu.vector_load %arg5[%get3A_827, %get3A_828, %get3A_829] {strides = array<i32>} : memref<4x16x512xf32, #tpu.memory_space<vmem>>, vector<1x1x16xf32>,
        %get3A_831 = vector.shape_cast %get3A_830 : vector<1x1x16xf32> to vector<16xf32>
        %add3A_832 = arith.constant 11 : i32
        %add3A_833 = arith.addi %add3A_832, %select_n3A : i32
        %get3A_834 = arith.index_cast %add3A_833 : i32 to index
        %get3A_835 = arith.constant 64 : index
        %get3A_836 = tpu.vector_load %arg7[%get3A_834, %get3A_835] {strides = array<i32>} : memref<12x512xf32, #tpu.memory_space<vmem>>, vector<1x16xf32>,
        %get3A_837 = vector.shape_cast %get3A_836 : vector<1x16xf32> to vector<16xf32>
        %add3A_838 = arith.addf %get3A_831, %get3A_837 : vector<16xf32>
        %swap3A_839 = arith.constant 0 : i32
        %swap3A_840 = arith.index_cast %swap3A_839 : i32 to index
        %swap3A_841 = arith.index_cast %scan3A_747 : i32 to index
        %swap3A_842 = arith.constant 64 : index
        %swap3A_843 = tpu.vector_load %arg6[%swap3A_840, %swap3A_841, %swap3A_842] {strides = array<i32>} : memref<4x16x512xf32, #tpu.memory_space<vmem>>, vector<1x1x16xf32>,
        %swap3A_844 = vector.shape_cast %swap3A_843 : vector<1x1x16xf32> to vector<16xf32>
        %swap3A_845 = vector.shape_cast %add3A_838 : vector<16xf32> to vector<1x1x16xf32>
        tpu.vector_store %arg6[%swap3A_840, %swap3A_841, %swap3A_842], %swap3A_845 {strides = array<i32>} : memref<4x16x512xf32, #tpu.memory_space<vmem>>, vector<1x1x16xf32>,
        %get3A_846 = arith.constant 0 : i32
        %get3A_847 = arith.index_cast %get3A_846 : i32 to index
        %get3A_848 = arith.index_cast %scan3A_747 : i32 to index
        %get3A_849 = arith.constant 80 : index
        %get3A_850 = tpu.vector_load %arg5[%get3A_847, %get3A_848, %get3A_849] {strides = array<i32>} : memref<4x16x512xf32, #tpu.memory_space<vmem>>, vector<1x1x16xf32>,
        %get3A_851 = vector.shape_cast %get3A_850 : vector<1x1x16xf32> to vector<16xf32>
        %add3A_852 = arith.constant 11 : i32
        %add3A_853 = arith.addi %add3A_852, %select_n3A : i32
        %get3A_854 = arith.index_cast %add3A_853 : i32 to index
        %get3A_855 = arith.constant 80 : index
        %get3A_856 = tpu.vector_load %arg7[%get3A_854, %get3A_855] {strides = array<i32>} : memref<12x512xf32, #tpu.memory_space<vmem>>, vector<1x16xf32>,
        %get3A_857 = vector.shape_cast %get3A_856 : vector<1x16xf32> to vector<16xf32>
        %add3A_858 = arith.addf %get3A_851, %get3A_857 : vector<16xf32>
        %swap3A_859 = arith.constant 0 : i32
        %swap3A_860 = arith.index_cast %swap3A_859 : i32 to index
        %swap3A_861 = arith.index_cast %scan3A_747 : i32 to index
        %swap3A_862 = arith.constant 80 : index
        %swap3A_863 = tpu.vector_load %arg6[%swap3A_860, %swap3A_861, %swap3A_862] {strides = array<i32>} : memref<4x16x512xf32, #tpu.memory_space<vmem>>, vector<1x1x16xf32>,
        %swap3A_864 = vector.shape_cast %swap3A_863 : vector<1x1x16xf32> to vector<16xf32>
        %swap3A_865 = vector.shape_cast %add3A_858 : vector<16xf32> to vector<1x1x16xf32>
        tpu.vector_store %arg6[%swap3A_860, %swap3A_861, %swap3A_862], %swap3A_865 {strides = array<i32>} : memref<4x16x512xf32, #tpu.memory_space<vmem>>, vector<1x1x16xf32>,
        %get3A_866 = arith.constant 0 : i32
        %get3A_867 = arith.index_cast %get3A_866 : i32 to index
        %get3A_868 = arith.index_cast %scan3A_747 : i32 to index
        %get3A_869 = arith.constant 96 : index
        %get3A_870 = tpu.vector_load %arg5[%get3A_867, %get3A_868, %get3A_869] {strides = array<i32>} : memref<4x16x512xf32, #tpu.memory_space<vmem>>, vector<1x1x16xf32>,
        %get3A_871 = vector.shape_cast %get3A_870 : vector<1x1x16xf32> to vector<16xf32>
        %add3A_872 = arith.constant 11 : i32
        %add3A_873 = arith.addi %add3A_872, %select_n3A : i32
        %get3A_874 = arith.index_cast %add3A_873 : i32 to index
        %get3A_875 = arith.constant 96 : index
        %get3A_876 = tpu.vector_load %arg7[%get3A_874, %get3A_875] {strides = array<i32>} : memref<12x512xf32, #tpu.memory_space<vmem>>, vector<1x16xf32>,
        %get3A_877 = vector.shape_cast %get3A_876 : vector<1x16xf32> to vector<16xf32>
        %add3A_878 = arith.addf %get3A_871, %get3A_877 : vector<16xf32>
        %swap3A_879 = arith.constant 0 : i32
        %swap3A_880 = arith.index_cast %swap3A_879 : i32 to index
        %swap3A_881 = arith.index_cast %scan3A_747 : i32 to index
        %swap3A_882 = arith.constant 96 : index
        %swap3A_883 = tpu.vector_load %arg6[%swap3A_880, %swap3A_881, %swap3A_882] {strides = array<i32>} : memref<4x16x512xf32, #tpu.memory_space<vmem>>, vector<1x1x16xf32>,
        %swap3A_884 = vector.shape_cast %swap3A_883 : vector<1x1x16xf32> to vector<16xf32>
        %swap3A_885 = vector.shape_cast %add3A_878 : vector<16xf32> to vector<1x1x16xf32>
        tpu.vector_store %arg6[%swap3A_880, %swap3A_881, %swap3A_882], %swap3A_885 {strides = array<i32>} : memref<4x16x512xf32, #tpu.memory_space<vmem>>, vector<1x1x16xf32>,
        %get3A_886 = arith.constant 0 : i32
        %get3A_887 = arith.index_cast %get3A_886 : i32 to index
        %get3A_888 = arith.index_cast %scan3A_747 : i32 to index
        %get3A_889 = arith.constant 112 : index
        %get3A_890 = tpu.vector_load %arg5[%get3A_887, %get3A_888, %get3A_889] {strides = array<i32>} : memref<4x16x512xf32, #tpu.memory_space<vmem>>, vector<1x1x16xf32>,
        %get3A_891 = vector.shape_cast %get3A_890 : vector<1x1x16xf32> to vector<16xf32>
        %add3A_892 = arith.constant 11 : i32
        %add3A_893 = arith.addi %add3A_892, %select_n3A : i32
        %get3A_894 = arith.index_cast %add3A_893 : i32 to index
        %get3A_895 = arith.constant 112 : index
        %get3A_896 = tpu.vector_load %arg7[%get3A_894, %get3A_895] {strides = array<i32>} : memref<12x512xf32, #tpu.memory_space<vmem>>, vector<1x16xf32>,
        %get3A_897 = vector.shape_cast %get3A_896 : vector<1x16xf32> to vector<16xf32>
        %add3A_898 = arith.addf %get3A_891, %get3A_897 : vector<16xf32>
        %swap3A_899 = arith.constant 0 : i32
        %swap3A_900 = arith.index_cast %swap3A_899 : i32 to index
        %swap3A_901 = arith.index_cast %scan3A_747 : i32 to index
        %swap3A_902 = arith.constant 112 : index
        %swap3A_903 = tpu.vector_load %arg6[%swap3A_900, %swap3A_901, %swap3A_902] {strides = array<i32>} : memref<4x16x512xf32, #tpu.memory_space<vmem>>, vector<1x1x16xf32>,
        %swap3A_904 = vector.shape_cast %swap3A_903 : vector<1x1x16xf32> to vector<16xf32>
        %swap3A_905 = vector.shape_cast %add3A_898 : vector<16xf32> to vector<1x1x16xf32>
        tpu.vector_store %arg6[%swap3A_900, %swap3A_901, %swap3A_902], %swap3A_905 {strides = array<i32>} : memref<4x16x512xf32, #tpu.memory_space<vmem>>, vector<1x1x16xf32>,
        %get3A_906 = arith.constant 0 : i32
        %get3A_907 = arith.index_cast %get3A_906 : i32 to index
        %get3A_908 = arith.index_cast %scan3A_747 : i32 to index
        %get3A_909 = arith.constant 128 : index
        %get3A_910 = tpu.vector_load %arg5[%get3A_907, %get3A_908, %get3A_909] {strides = array<i32>} : memref<4x16x512xf32, #tpu.memory_space<vmem>>, vector<1x1x16xf32>,
        %get3A_911 = vector.shape_cast %get3A_910 : vector<1x1x16xf32> to vector<16xf32>
        %add3A_912 = arith.constant 11 : i32
        %add3A_913 = arith.addi %add3A_912, %select_n3A : i32
        %get3A_914 = arith.index_cast %add3A_913 : i32 to index
        %get3A_915 = arith.constant 128 : index
        %get3A_916 = tpu.vector_load %arg7[%get3A_914, %get3A_915] {strides = array<i32>} : memref<12x512xf32, #tpu.memory_space<vmem>>, vector<1x16xf32>,
        %get3A_917 = vector.shape_cast %get3A_916 : vector<1x16xf32> to vector<16xf32>
        %add3A_918 = arith.addf %get3A_911, %get3A_917 : vector<16xf32>
        %swap3A_919 = arith.constant 0 : i32
        %swap3A_920 = arith.index_cast %swap3A_919 : i32 to index
        %swap3A_921 = arith.index_cast %scan3A_747 : i32 to index
        %swap3A_922 = arith.constant 128 : index
        %swap3A_923 = tpu.vector_load %arg6[%swap3A_920, %swap3A_921, %swap3A_922] {strides = array<i32>} : memref<4x16x512xf32, #tpu.memory_space<vmem>>, vector<1x1x16xf32>,
        %swap3A_924 = vector.shape_cast %swap3A_923 : vector<1x1x16xf32> to vector<16xf32>
        %swap3A_925 = vector.shape_cast %add3A_918 : vector<16xf32> to vector<1x1x16xf32>
        tpu.vector_store %arg6[%swap3A_920, %swap3A_921, %swap3A_922], %swap3A_925 {strides = array<i32>} : memref<4x16x512xf32, #tpu.memory_space<vmem>>, vector<1x1x16xf32>,
        %get3A_926 = arith.constant 0 : i32
        %get3A_927 = arith.index_cast %get3A_926 : i32 to index
        %get3A_928 = arith.index_cast %scan3A_747 : i32 to index
        %get3A_929 = arith.constant 144 : index
        %get3A_930 = tpu.vector_load %arg5[%get3A_927, %get3A_928, %get3A_929] {strides = array<i32>} : memref<4x16x512xf32, #tpu.memory_space<vmem>>, vector<1x1x16xf32>,
        %get3A_931 = vector.shape_cast %get3A_930 : vector<1x1x16xf32> to vector<16xf32>
        %add3A_932 = arith.constant 11 : i32
        %add3A_933 = arith.addi %add3A_932, %select_n3A : i32
        %get3A_934 = arith.index_cast %add3A_933 : i32 to index
        %get3A_935 = arith.constant 144 : index
        %get3A_936 = tpu.vector_load %arg7[%get3A_934, %get3A_935] {strides = array<i32>} : memref<12x512xf32, #tpu.memory_space<vmem>>, vector<1x16xf32>,
        %get3A_937 = vector.shape_cast %get3A_936 : vector<1x16xf32> to vector<16xf32>
        %add3A_938 = arith.addf %get3A_931, %get3A_937 : vector<16xf32>
        %swap3A_939 = arith.constant 0 : i32
        %swap3A_940 = arith.index_cast %swap3A_939 : i32 to index
        %swap3A_941 = arith.index_cast %scan3A_747 : i32 to index
        %swap3A_942 = arith.constant 144 : index
        %swap3A_943 = tpu.vector_load %arg6[%swap3A_940, %swap3A_941, %swap3A_942] {strides = array<i32>} : memref<4x16x512xf32, #tpu.memory_space<vmem>>, vector<1x1x16xf32>,
        %swap3A_944 = vector.shape_cast %swap3A_943 : vector<1x1x16xf32> to vector<16xf32>
        %swap3A_945 = vector.shape_cast %add3A_938 : vector<16xf32> to vector<1x1x16xf32>
        tpu.vector_store %arg6[%swap3A_940, %swap3A_941, %swap3A_942], %swap3A_945 {strides = array<i32>} : memref<4x16x512xf32, #tpu.memory_space<vmem>>, vector<1x1x16xf32>,
        %get3A_946 = arith.constant 0 : i32
        %get3A_947 = arith.index_cast %get3A_946 : i32 to index
        %get3A_948 = arith.index_cast %scan3A_747 : i32 to index
        %get3A_949 = arith.constant 160 : index
        %get3A_950 = tpu.vector_load %arg5[%get3A_947, %get3A_948, %get3A_949] {strides = array<i32>} : memref<4x16x512xf32, #tpu.memory_space<vmem>>, vector<1x1x16xf32>,
        %get3A_951 = vector.shape_cast %get3A_950 : vector<1x1x16xf32> to vector<16xf32>
        %add3A_952 = arith.constant 11 : i32
        %add3A_953 = arith.addi %add3A_952, %select_n3A : i32
        %get3A_954 = arith.index_cast %add3A_953 : i32 to index
        %get3A_955 = arith.constant 160 : index
        %get3A_956 = tpu.vector_load %arg7[%get3A_954, %get3A_955] {strides = array<i32>} : memref<12x512xf32, #tpu.memory_space<vmem>>, vector<1x16xf32>,
        %get3A_957 = vector.shape_cast %get3A_956 : vector<1x16xf32> to vector<16xf32>
        %add3A_958 = arith.addf %get3A_951, %get3A_957 : vector<16xf32>
        %swap3A_959 = arith.constant 0 : i32
        %swap3A_960 = arith.index_cast %swap3A_959 : i32 to index
        %swap3A_961 = arith.index_cast %scan3A_747 : i32 to index
        %swap3A_962 = arith.constant 160 : index
        %swap3A_963 = tpu.vector_load %arg6[%swap3A_960, %swap3A_961, %swap3A_962] {strides = array<i32>} : memref<4x16x512xf32, #tpu.memory_space<vmem>>, vector<1x1x16xf32>,
        %swap3A_964 = vector.shape_cast %swap3A_963 : vector<1x1x16xf32> to vector<16xf32>
        %swap3A_965 = vector.shape_cast %add3A_958 : vector<16xf32> to vector<1x1x16xf32>
        tpu.vector_store %arg6[%swap3A_960, %swap3A_961, %swap3A_962], %swap3A_965 {strides = array<i32>} : memref<4x16x512xf32, #tpu.memory_space<vmem>>, vector<1x1x16xf32>,
        %get3A_966 = arith.constant 0 : i32
        %get3A_967 = arith.index_cast %get3A_966 : i32 to index
        %get3A_968 = arith.index_cast %scan3A_747 : i32 to index
        %get3A_969 = arith.constant 176 : index
        %get3A_970 = tpu.vector_load %arg5[%get3A_967, %get3A_968, %get3A_969] {strides = array<i32>} : memref<4x16x512xf32, #tpu.memory_space<vmem>>, vector<1x1x16xf32>,
        %get3A_971 = vector.shape_cast %get3A_970 : vector<1x1x16xf32> to vector<16xf32>
        %add3A_972 = arith.constant 11 : i32
        %add3A_973 = arith.addi %add3A_972, %select_n3A : i32
        %get3A_974 = arith.index_cast %add3A_973 : i32 to index
        %get3A_975 = arith.constant 176 : index
        %get3A_976 = tpu.vector_load %arg7[%get3A_974, %get3A_975] {strides = array<i32>} : memref<12x512xf32, #tpu.memory_space<vmem>>, vector<1x16xf32>,
        %get3A_977 = vector.shape_cast %get3A_976 : vector<1x16xf32> to vector<16xf32>
        %add3A_978 = arith.addf %get3A_971, %get3A_977 : vector<16xf32>
        %swap3A_979 = arith.constant 0 : i32
        %swap3A_980 = arith.index_cast %swap3A_979 : i32 to index
        %swap3A_981 = arith.index_cast %scan3A_747 : i32 to index
        %swap3A_982 = arith.constant 176 : index
        %swap3A_983 = tpu.vector_load %arg6[%swap3A_980, %swap3A_981, %swap3A_982] {strides = array<i32>} : memref<4x16x512xf32, #tpu.memory_space<vmem>>, vector<1x1x16xf32>,
        %swap3A_984 = vector.shape_cast %swap3A_983 : vector<1x1x16xf32> to vector<16xf32>
        %swap3A_985 = vector.shape_cast %add3A_978 : vector<16xf32> to vector<1x1x16xf32>
        tpu.vector_store %arg6[%swap3A_980, %swap3A_981, %swap3A_982], %swap3A_985 {strides = array<i32>} : memref<4x16x512xf32, #tpu.memory_space<vmem>>, vector<1x1x16xf32>,
        %get3A_986 = arith.constant 0 : i32
        %get3A_987 = arith.index_cast %get3A_986 : i32 to index
        %get3A_988 = arith.index_cast %scan3A_747 : i32 to index
        %get3A_989 = arith.constant 192 : index
        %get3A_990 = tpu.vector_load %arg5[%get3A_987, %get3A_988, %get3A_989] {strides = array<i32>} : memref<4x16x512xf32, #tpu.memory_space<vmem>>, vector<1x1x16xf32>,
        %get3A_991 = vector.shape_cast %get3A_990 : vector<1x1x16xf32> to vector<16xf32>
        %add3A_992 = arith.constant 11 : i32
        %add3A_993 = arith.addi %add3A_992, %select_n3A : i32
        %get3A_994 = arith.index_cast %add3A_993 : i32 to index
        %get3A_995 = arith.constant 192 : index
        %get3A_996 = tpu.vector_load %arg7[%get3A_994, %get3A_995] {strides = array<i32>} : memref<12x512xf32, #tpu.memory_space<vmem>>, vector<1x16xf32>,
        %get3A_997 = vector.shape_cast %get3A_996 : vector<1x16xf32> to vector<16xf32>
        %add3A_998 = arith.addf %get3A_991, %get3A_997 : vector<16xf32>
        %swap3A_999 = arith.constant 0 : i32
        %swap3A_1000 = arith.index_cast %swap3A_999 : i32 to index
        %swap3A_1001 = arith.index_cast %scan3A_747 : i32 to index
        %swap3A_1002 = arith.constant 192 : index
        %swap3A_1003 = tpu.vector_load %arg6[%swap3A_1000, %swap3A_1001, %swap3A_1002] {strides = array<i32>} : memref<4x16x512xf32, #tpu.memory_space<vmem>>, vector<1x1x16xf32>,
        %swap3A_1004 = vector.shape_cast %swap3A_1003 : vector<1x1x16xf32> to vector<16xf32>
        %swap3A_1005 = vector.shape_cast %add3A_998 : vector<16xf32> to vector<1x1x16xf32>
        tpu.vector_store %arg6[%swap3A_1000, %swap3A_1001, %swap3A_1002], %swap3A_1005 {strides = array<i32>} : memref<4x16x512xf32, #tpu.memory_space<vmem>>, vector<1x1x16xf32>,
        %get3A_1006 = arith.constant 0 : i32
        %get3A_1007 = arith.index_cast %get3A_1006 : i32 to index
        %get3A_1008 = arith.index_cast %scan3A_747 : i32 to index
        %get3A_1009 = arith.constant 208 : index
        %get3A_1010 = tpu.vector_load %arg5[%get3A_1007, %get3A_1008, %get3A_1009] {strides = array<i32>} : memref<4x16x512xf32, #tpu.memory_space<vmem>>, vector<1x1x16xf32>,
        %get3A_1011 = vector.shape_cast %get3A_1010 : vector<1x1x16xf32> to vector<16xf32>
        %add3A_1012 = arith.constant 11 : i32
        %add3A_1013 = arith.addi %add3A_1012, %select_n3A : i32
        %get3A_1014 = arith.index_cast %add3A_1013 : i32 to index
        %get3A_1015 = arith.constant 208 : index
        %get3A_1016 = tpu.vector_load %arg7[%get3A_1014, %get3A_1015] {strides = array<i32>} : memref<12x512xf32, #tpu.memory_space<vmem>>, vector<1x16xf32>,
        %get3A_1017 = vector.shape_cast %get3A_1016 : vector<1x16xf32> to vector<16xf32>
        %add3A_1018 = arith.addf %get3A_1011, %get3A_1017 : vector<16xf32>
        %swap3A_1019 = arith.constant 0 : i32
        %swap3A_1020 = arith.index_cast %swap3A_1019 : i32 to index
        %swap3A_1021 = arith.index_cast %scan3A_747 : i32 to index
        %swap3A_1022 = arith.constant 208 : index
        %swap3A_1023 = tpu.vector_load %arg6[%swap3A_1020, %swap3A_1021, %swap3A_1022] {strides = array<i32>} : memref<4x16x512xf32, #tpu.memory_space<vmem>>, vector<1x1x16xf32>,
        %swap3A_1024 = vector.shape_cast %swap3A_1023 : vector<1x1x16xf32> to vector<16xf32>
        %swap3A_1025 = vector.shape_cast %add3A_1018 : vector<16xf32> to vector<1x1x16xf32>
        tpu.vector_store %arg6[%swap3A_1020, %swap3A_1021, %swap3A_1022], %swap3A_1025 {strides = array<i32>} : memref<4x16x512xf32, #tpu.memory_space<vmem>>, vector<1x1x16xf32>,
        %get3A_1026 = arith.constant 0 : i32
        %get3A_1027 = arith.index_cast %get3A_1026 : i32 to index
        %get3A_1028 = arith.index_cast %scan3A_747 : i32 to index
        %get3A_1029 = arith.constant 224 : index
        %get3A_1030 = tpu.vector_load %arg5[%get3A_1027, %get3A_1028, %get3A_1029] {strides = array<i32>} : memref<4x16x512xf32, #tpu.memory_space<vmem>>, vector<1x1x16xf32>,
        %get3A_1031 = vector.shape_cast %get3A_1030 : vector<1x1x16xf32> to vector<16xf32>
        %add3A_1032 = arith.constant 11 : i32
        %add3A_1033 = arith.addi %add3A_1032, %select_n3A : i32
        %get3A_1034 = arith.index_cast %add3A_1033 : i32 to index
        %get3A_1035 = arith.constant 224 : index
        %get3A_1036 = tpu.vector_load %arg7[%get3A_1034, %get3A_1035] {strides = array<i32>} : memref<12x512xf32, #tpu.memory_space<vmem>>, vector<1x16xf32>,
        %get3A_1037 = vector.shape_cast %get3A_1036 : vector<1x16xf32> to vector<16xf32>
        %add3A_1038 = arith.addf %get3A_1031, %get3A_1037 : vector<16xf32>
        %swap3A_1039 = arith.constant 0 : i32
        %swap3A_1040 = arith.index_cast %swap3A_1039 : i32 to index
        %swap3A_1041 = arith.index_cast %scan3A_747 : i32 to index
        %swap3A_1042 = arith.constant 224 : index
        %swap3A_1043 = tpu.vector_load %arg6[%swap3A_1040, %swap3A_1041, %swap3A_1042] {strides = array<i32>} : memref<4x16x512xf32, #tpu.memory_space<vmem>>, vector<1x1x16xf32>,
        %swap3A_1044 = vector.shape_cast %swap3A_1043 : vector<1x1x16xf32> to vector<16xf32>
        %swap3A_1045 = vector.shape_cast %add3A_1038 : vector<16xf32> to vector<1x1x16xf32>
        tpu.vector_store %arg6[%swap3A_1040, %swap3A_1041, %swap3A_1042], %swap3A_1045 {strides = array<i32>} : memref<4x16x512xf32, #tpu.memory_space<vmem>>, vector<1x1x16xf32>,
        %get3A_1046 = arith.constant 0 : i32
        %get3A_1047 = arith.index_cast %get3A_1046 : i32 to index
        %get3A_1048 = arith.index_cast %scan3A_747 : i32 to index
        %get3A_1049 = arith.constant 240 : index
        %get3A_1050 = tpu.vector_load %arg5[%get3A_1047, %get3A_1048, %get3A_1049] {strides = array<i32>} : memref<4x16x512xf32, #tpu.memory_space<vmem>>, vector<1x1x16xf32>,
        %get3A_1051 = vector.shape_cast %get3A_1050 : vector<1x1x16xf32> to vector<16xf32>
        %add3A_1052 = arith.constant 11 : i32
        %add3A_1053 = arith.addi %add3A_1052, %select_n3A : i32
        %get3A_1054 = arith.index_cast %add3A_1053 : i32 to index
        %get3A_1055 = arith.constant 240 : index
        %get3A_1056 = tpu.vector_load %arg7[%get3A_1054, %get3A_1055] {strides = array<i32>} : memref<12x512xf32, #tpu.memory_space<vmem>>, vector<1x16xf32>,
        %get3A_1057 = vector.shape_cast %get3A_1056 : vector<1x16xf32> to vector<16xf32>
        %add3A_1058 = arith.addf %get3A_1051, %get3A_1057 : vector<16xf32>
        %swap3A_1059 = arith.constant 0 : i32
        %swap3A_1060 = arith.index_cast %swap3A_1059 : i32 to index
        %swap3A_1061 = arith.index_cast %scan3A_747 : i32 to index
        %swap3A_1062 = arith.constant 240 : index
        %swap3A_1063 = tpu.vector_load %arg6[%swap3A_1060, %swap3A_1061, %swap3A_1062] {strides = array<i32>} : memref<4x16x512xf32, #tpu.memory_space<vmem>>, vector<1x1x16xf32>,
        %swap3A_1064 = vector.shape_cast %swap3A_1063 : vector<1x1x16xf32> to vector<16xf32>
        %swap3A_1065 = vector.shape_cast %add3A_1058 : vector<16xf32> to vector<1x1x16xf32>
        tpu.vector_store %arg6[%swap3A_1060, %swap3A_1061, %swap3A_1062], %swap3A_1065 {strides = array<i32>} : memref<4x16x512xf32, #tpu.memory_space<vmem>>, vector<1x1x16xf32>,
        %get3A_1066 = arith.constant 0 : i32
        %get3A_1067 = arith.index_cast %get3A_1066 : i32 to index
        %get3A_1068 = arith.index_cast %scan3A_747 : i32 to index
        %get3A_1069 = arith.constant 256 : index
        %get3A_1070 = tpu.vector_load %arg5[%get3A_1067, %get3A_1068, %get3A_1069] {strides = array<i32>} : memref<4x16x512xf32, #tpu.memory_space<vmem>>, vector<1x1x16xf32>,
        %get3A_1071 = vector.shape_cast %get3A_1070 : vector<1x1x16xf32> to vector<16xf32>
        %add3A_1072 = arith.constant 11 : i32
        %add3A_1073 = arith.addi %add3A_1072, %select_n3A : i32
        %get3A_1074 = arith.index_cast %add3A_1073 : i32 to index
        %get3A_1075 = arith.constant 256 : index
        %get3A_1076 = tpu.vector_load %arg7[%get3A_1074, %get3A_1075] {strides = array<i32>} : memref<12x512xf32, #tpu.memory_space<vmem>>, vector<1x16xf32>,
        %get3A_1077 = vector.shape_cast %get3A_1076 : vector<1x16xf32> to vector<16xf32>
        %add3A_1078 = arith.addf %get3A_1071, %get3A_1077 : vector<16xf32>
        %swap3A_1079 = arith.constant 0 : i32
        %swap3A_1080 = arith.index_cast %swap3A_1079 : i32 to index
        %swap3A_1081 = arith.index_cast %scan3A_747 : i32 to index
        %swap3A_1082 = arith.constant 256 : index
        %swap3A_1083 = tpu.vector_load %arg6[%swap3A_1080, %swap3A_1081, %swap3A_1082] {strides = array<i32>} : memref<4x16x512xf32, #tpu.memory_space<vmem>>, vector<1x1x16xf32>,
        %swap3A_1084 = vector.shape_cast %swap3A_1083 : vector<1x1x16xf32> to vector<16xf32>
        %swap3A_1085 = vector.shape_cast %add3A_1078 : vector<16xf32> to vector<1x1x16xf32>
        tpu.vector_store %arg6[%swap3A_1080, %swap3A_1081, %swap3A_1082], %swap3A_1085 {strides = array<i32>} : memref<4x16x512xf32, #tpu.memory_space<vmem>>, vector<1x1x16xf32>,
        %get3A_1086 = arith.constant 0 : i32
        %get3A_1087 = arith.index_cast %get3A_1086 : i32 to index
        %get3A_1088 = arith.index_cast %scan3A_747 : i32 to index
        %get3A_1089 = arith.constant 272 : index
        %get3A_1090 = tpu.vector_load %arg5[%get3A_1087, %get3A_1088, %get3A_1089] {strides = array<i32>} : memref<4x16x512xf32, #tpu.memory_space<vmem>>, vector<1x1x16xf32>,
        %get3A_1091 = vector.shape_cast %get3A_1090 : vector<1x1x16xf32> to vector<16xf32>
        %add3A_1092 = arith.constant 11 : i32
        %add3A_1093 = arith.addi %add3A_1092, %select_n3A : i32
        %get3A_1094 = arith.index_cast %add3A_1093 : i32 to index
        %get3A_1095 = arith.constant 272 : index
        %get3A_1096 = tpu.vector_load %arg7[%get3A_1094, %get3A_1095] {strides = array<i32>} : memref<12x512xf32, #tpu.memory_space<vmem>>, vector<1x16xf32>,
        %get3A_1097 = vector.shape_cast %get3A_1096 : vector<1x16xf32> to vector<16xf32>
        %add3A_1098 = arith.addf %get3A_1091, %get3A_1097 : vector<16xf32>
        %swap3A_1099 = arith.constant 0 : i32
        %swap3A_1100 = arith.index_cast %swap3A_1099 : i32 to index
        %swap3A_1101 = arith.index_cast %scan3A_747 : i32 to index
        %swap3A_1102 = arith.constant 272 : index
        %swap3A_1103 = tpu.vector_load %arg6[%swap3A_1100, %swap3A_1101, %swap3A_1102] {strides = array<i32>} : memref<4x16x512xf32, #tpu.memory_space<vmem>>, vector<1x1x16xf32>,
        %swap3A_1104 = vector.shape_cast %swap3A_1103 : vector<1x1x16xf32> to vector<16xf32>
        %swap3A_1105 = vector.shape_cast %add3A_1098 : vector<16xf32> to vector<1x1x16xf32>
        tpu.vector_store %arg6[%swap3A_1100, %swap3A_1101, %swap3A_1102], %swap3A_1105 {strides = array<i32>} : memref<4x16x512xf32, #tpu.memory_space<vmem>>, vector<1x1x16xf32>,
        %get3A_1106 = arith.constant 0 : i32
        %get3A_1107 = arith.index_cast %get3A_1106 : i32 to index
        %get3A_1108 = arith.index_cast %scan3A_747 : i32 to index
        %get3A_1109 = arith.constant 288 : index
        %get3A_1110 = tpu.vector_load %arg5[%get3A_1107, %get3A_1108, %get3A_1109] {strides = array<i32>} : memref<4x16x512xf32, #tpu.memory_space<vmem>>, vector<1x1x16xf32>,
        %get3A_1111 = vector.shape_cast %get3A_1110 : vector<1x1x16xf32> to vector<16xf32>
        %add3A_1112 = arith.constant 11 : i32
        %add3A_1113 = arith.addi %add3A_1112, %select_n3A : i32
        %get3A_1114 = arith.index_cast %add3A_1113 : i32 to index
        %get3A_1115 = arith.constant 288 : index
        %get3A_1116 = tpu.vector_load %arg7[%get3A_1114, %get3A_1115] {strides = array<i32>} : memref<12x512xf32, #tpu.memory_space<vmem>>, vector<1x16xf32>,
        %get3A_1117 = vector.shape_cast %get3A_1116 : vector<1x16xf32> to vector<16xf32>
        %add3A_1118 = arith.addf %get3A_1111, %get3A_1117 : vector<16xf32>
        %swap3A_1119 = arith.constant 0 : i32
        %swap3A_1120 = arith.index_cast %swap3A_1119 : i32 to index
        %swap3A_1121 = arith.index_cast %scan3A_747 : i32 to index
        %swap3A_1122 = arith.constant 288 : index
        %swap3A_1123 = tpu.vector_load %arg6[%swap3A_1120, %swap3A_1121, %swap3A_1122] {strides = array<i32>} : memref<4x16x512xf32, #tpu.memory_space<vmem>>, vector<1x1x16xf32>,
        %swap3A_1124 = vector.shape_cast %swap3A_1123 : vector<1x1x16xf32> to vector<16xf32>
        %swap3A_1125 = vector.shape_cast %add3A_1118 : vector<16xf32> to vector<1x1x16xf32>
        tpu.vector_store %arg6[%swap3A_1120, %swap3A_1121, %swap3A_1122], %swap3A_1125 {strides = array<i32>} : memref<4x16x512xf32, #tpu.memory_space<vmem>>, vector<1x1x16xf32>,
        %get3A_1126 = arith.constant 0 : i32
        %get3A_1127 = arith.index_cast %get3A_1126 : i32 to index
        %get3A_1128 = arith.index_cast %scan3A_747 : i32 to index
        %get3A_1129 = arith.constant 304 : index
        %get3A_1130 = tpu.vector_load %arg5[%get3A_1127, %get3A_1128, %get3A_1129] {strides = array<i32>} : memref<4x16x512xf32, #tpu.memory_space<vmem>>, vector<1x1x16xf32>,
        %get3A_1131 = vector.shape_cast %get3A_1130 : vector<1x1x16xf32> to vector<16xf32>
        %add3A_1132 = arith.constant 11 : i32
        %add3A_1133 = arith.addi %add3A_1132, %select_n3A : i32
        %get3A_1134 = arith.index_cast %add3A_1133 : i32 to index
        %get3A_1135 = arith.constant 304 : index
        %get3A_1136 = tpu.vector_load %arg7[%get3A_1134, %get3A_1135] {strides = array<i32>} : memref<12x512xf32, #tpu.memory_space<vmem>>, vector<1x16xf32>,
        %get3A_1137 = vector.shape_cast %get3A_1136 : vector<1x16xf32> to vector<16xf32>
        %add3A_1138 = arith.addf %get3A_1131, %get3A_1137 : vector<16xf32>
        %swap3A_1139 = arith.constant 0 : i32
        %swap3A_1140 = arith.index_cast %swap3A_1139 : i32 to index
        %swap3A_1141 = arith.index_cast %scan3A_747 : i32 to index
        %swap3A_1142 = arith.constant 304 : index
        %swap3A_1143 = tpu.vector_load %arg6[%swap3A_1140, %swap3A_1141, %swap3A_1142] {strides = array<i32>} : memref<4x16x512xf32, #tpu.memory_space<vmem>>, vector<1x1x16xf32>,
        %swap3A_1144 = vector.shape_cast %swap3A_1143 : vector<1x1x16xf32> to vector<16xf32>
        %swap3A_1145 = vector.shape_cast %add3A_1138 : vector<16xf32> to vector<1x1x16xf32>
        tpu.vector_store %arg6[%swap3A_1140, %swap3A_1141, %swap3A_1142], %swap3A_1145 {strides = array<i32>} : memref<4x16x512xf32, #tpu.memory_space<vmem>>, vector<1x1x16xf32>,
        %get3A_1146 = arith.constant 0 : i32
        %get3A_1147 = arith.index_cast %get3A_1146 : i32 to index
        %get3A_1148 = arith.index_cast %scan3A_747 : i32 to index
        %get3A_1149 = arith.constant 320 : index
        %get3A_1150 = tpu.vector_load %arg5[%get3A_1147, %get3A_1148, %get3A_1149] {strides = array<i32>} : memref<4x16x512xf32, #tpu.memory_space<vmem>>, vector<1x1x16xf32>,
        %get3A_1151 = vector.shape_cast %get3A_1150 : vector<1x1x16xf32> to vector<16xf32>
        %add3A_1152 = arith.constant 11 : i32
        %add3A_1153 = arith.addi %add3A_1152, %select_n3A : i32
        %get3A_1154 = arith.index_cast %add3A_1153 : i32 to index
        %get3A_1155 = arith.constant 320 : index
        %get3A_1156 = tpu.vector_load %arg7[%get3A_1154, %get3A_1155] {strides = array<i32>} : memref<12x512xf32, #tpu.memory_space<vmem>>, vector<1x16xf32>,
        %get3A_1157 = vector.shape_cast %get3A_1156 : vector<1x16xf32> to vector<16xf32>
        %add3A_1158 = arith.addf %get3A_1151, %get3A_1157 : vector<16xf32>
        %swap3A_1159 = arith.constant 0 : i32
        %swap3A_1160 = arith.index_cast %swap3A_1159 : i32 to index
        %swap3A_1161 = arith.index_cast %scan3A_747 : i32 to index
        %swap3A_1162 = arith.constant 320 : index
        %swap3A_1163 = tpu.vector_load %arg6[%swap3A_1160, %swap3A_1161, %swap3A_1162] {strides = array<i32>} : memref<4x16x512xf32, #tpu.memory_space<vmem>>, vector<1x1x16xf32>,
        %swap3A_1164 = vector.shape_cast %swap3A_1163 : vector<1x1x16xf32> to vector<16xf32>
        %swap3A_1165 = vector.shape_cast %add3A_1158 : vector<16xf32> to vector<1x1x16xf32>
        tpu.vector_store %arg6[%swap3A_1160, %swap3A_1161, %swap3A_1162], %swap3A_1165 {strides = array<i32>} : memref<4x16x512xf32, #tpu.memory_space<vmem>>, vector<1x1x16xf32>,
        %get3A_1166 = arith.constant 0 : i32
        %get3A_1167 = arith.index_cast %get3A_1166 : i32 to index
        %get3A_1168 = arith.index_cast %scan3A_747 : i32 to index
        %get3A_1169 = arith.constant 336 : index
        %get3A_1170 = tpu.vector_load %arg5[%get3A_1167, %get3A_1168, %get3A_1169] {strides = array<i32>} : memref<4x16x512xf32, #tpu.memory_space<vmem>>, vector<1x1x16xf32>,
        %get3A_1171 = vector.shape_cast %get3A_1170 : vector<1x1x16xf32> to vector<16xf32>
        %add3A_1172 = arith.constant 11 : i32
        %add3A_1173 = arith.addi %add3A_1172, %select_n3A : i32
        %get3A_1174 = arith.index_cast %add3A_1173 : i32 to index
        %get3A_1175 = arith.constant 336 : index
        %get3A_1176 = tpu.vector_load %arg7[%get3A_1174, %get3A_1175] {strides = array<i32>} : memref<12x512xf32, #tpu.memory_space<vmem>>, vector<1x16xf32>,
        %get3A_1177 = vector.shape_cast %get3A_1176 : vector<1x16xf32> to vector<16xf32>
        %add3A_1178 = arith.addf %get3A_1171, %get3A_1177 : vector<16xf32>
        %swap3A_1179 = arith.constant 0 : i32
        %swap3A_1180 = arith.index_cast %swap3A_1179 : i32 to index
        %swap3A_1181 = arith.index_cast %scan3A_747 : i32 to index
        %swap3A_1182 = arith.constant 336 : index
        %swap3A_1183 = tpu.vector_load %arg6[%swap3A_1180, %swap3A_1181, %swap3A_1182] {strides = array<i32>} : memref<4x16x512xf32, #tpu.memory_space<vmem>>, vector<1x1x16xf32>,
        %swap3A_1184 = vector.shape_cast %swap3A_1183 : vector<1x1x16xf32> to vector<16xf32>
        %swap3A_1185 = vector.shape_cast %add3A_1178 : vector<16xf32> to vector<1x1x16xf32>
        tpu.vector_store %arg6[%swap3A_1180, %swap3A_1181, %swap3A_1182], %swap3A_1185 {strides = array<i32>} : memref<4x16x512xf32, #tpu.memory_space<vmem>>, vector<1x1x16xf32>,
        %get3A_1186 = arith.constant 0 : i32
        %get3A_1187 = arith.index_cast %get3A_1186 : i32 to index
        %get3A_1188 = arith.index_cast %scan3A_747 : i32 to index
        %get3A_1189 = arith.constant 352 : index
        %get3A_1190 = tpu.vector_load %arg5[%get3A_1187, %get3A_1188, %get3A_1189] {strides = array<i32>} : memref<4x16x512xf32, #tpu.memory_space<vmem>>, vector<1x1x16xf32>,
        %get3A_1191 = vector.shape_cast %get3A_1190 : vector<1x1x16xf32> to vector<16xf32>
        %add3A_1192 = arith.constant 11 : i32
        %add3A_1193 = arith.addi %add3A_1192, %select_n3A : i32
        %get3A_1194 = arith.index_cast %add3A_1193 : i32 to index
        %get3A_1195 = arith.constant 352 : index
        %get3A_1196 = tpu.vector_load %arg7[%get3A_1194, %get3A_1195] {strides = array<i32>} : memref<12x512xf32, #tpu.memory_space<vmem>>, vector<1x16xf32>,
        %get3A_1197 = vector.shape_cast %get3A_1196 : vector<1x16xf32> to vector<16xf32>
        %add3A_1198 = arith.addf %get3A_1191, %get3A_1197 : vector<16xf32>
        %swap3A_1199 = arith.constant 0 : i32
        %swap3A_1200 = arith.index_cast %swap3A_1199 : i32 to index
        %swap3A_1201 = arith.index_cast %scan3A_747 : i32 to index
        %swap3A_1202 = arith.constant 352 : index
        %swap3A_1203 = tpu.vector_load %arg6[%swap3A_1200, %swap3A_1201, %swap3A_1202] {strides = array<i32>} : memref<4x16x512xf32, #tpu.memory_space<vmem>>, vector<1x1x16xf32>,
        %swap3A_1204 = vector.shape_cast %swap3A_1203 : vector<1x1x16xf32> to vector<16xf32>
        %swap3A_1205 = vector.shape_cast %add3A_1198 : vector<16xf32> to vector<1x1x16xf32>
        tpu.vector_store %arg6[%swap3A_1200, %swap3A_1201, %swap3A_1202], %swap3A_1205 {strides = array<i32>} : memref<4x16x512xf32, #tpu.memory_space<vmem>>, vector<1x1x16xf32>,
        %get3A_1206 = arith.constant 0 : i32
        %get3A_1207 = arith.index_cast %get3A_1206 : i32 to index
        %get3A_1208 = arith.index_cast %scan3A_747 : i32 to index
        %get3A_1209 = arith.constant 368 : index
        %get3A_1210 = tpu.vector_load %arg5[%get3A_1207, %get3A_1208, %get3A_1209] {strides = array<i32>} : memref<4x16x512xf32, #tpu.memory_space<vmem>>, vector<1x1x16xf32>,
        %get3A_1211 = vector.shape_cast %get3A_1210 : vector<1x1x16xf32> to vector<16xf32>
        %add3A_1212 = arith.constant 11 : i32
        %add3A_1213 = arith.addi %add3A_1212, %select_n3A : i32
        %get3A_1214 = arith.index_cast %add3A_1213 : i32 to index
        %get3A_1215 = arith.constant 368 : index
        %get3A_1216 = tpu.vector_load %arg7[%get3A_1214, %get3A_1215] {strides = array<i32>} : memref<12x512xf32, #tpu.memory_space<vmem>>, vector<1x16xf32>,
        %get3A_1217 = vector.shape_cast %get3A_1216 : vector<1x16xf32> to vector<16xf32>
        %add3A_1218 = arith.addf %get3A_1211, %get3A_1217 : vector<16xf32>
        %swap3A_1219 = arith.constant 0 : i32
        %swap3A_1220 = arith.index_cast %swap3A_1219 : i32 to index
        %swap3A_1221 = arith.index_cast %scan3A_747 : i32 to index
        %swap3A_1222 = arith.constant 368 : index
        %swap3A_1223 = tpu.vector_load %arg6[%swap3A_1220, %swap3A_1221, %swap3A_1222] {strides = array<i32>} : memref<4x16x512xf32, #tpu.memory_space<vmem>>, vector<1x1x16xf32>,
        %swap3A_1224 = vector.shape_cast %swap3A_1223 : vector<1x1x16xf32> to vector<16xf32>
        %swap3A_1225 = vector.shape_cast %add3A_1218 : vector<16xf32> to vector<1x1x16xf32>
        tpu.vector_store %arg6[%swap3A_1220, %swap3A_1221, %swap3A_1222], %swap3A_1225 {strides = array<i32>} : memref<4x16x512xf32, #tpu.memory_space<vmem>>, vector<1x1x16xf32>,
        %get3A_1226 = arith.constant 0 : i32
        %get3A_1227 = arith.index_cast %get3A_1226 : i32 to index
        %get3A_1228 = arith.index_cast %scan3A_747 : i32 to index
        %get3A_1229 = arith.constant 384 : index
        %get3A_1230 = tpu.vector_load %arg5[%get3A_1227, %get3A_1228, %get3A_1229] {strides = array<i32>} : memref<4x16x512xf32, #tpu.memory_space<vmem>>, vector<1x1x16xf32>,
        %get3A_1231 = vector.shape_cast %get3A_1230 : vector<1x1x16xf32> to vector<16xf32>
        %add3A_1232 = arith.constant 11 : i32
        %add3A_1233 = arith.addi %add3A_1232, %select_n3A : i32
        %get3A_1234 = arith.index_cast %add3A_1233 : i32 to index
        %get3A_1235 = arith.constant 384 : index
        %get3A_1236 = tpu.vector_load %arg7[%get3A_1234, %get3A_1235] {strides = array<i32>} : memref<12x512xf32, #tpu.memory_space<vmem>>, vector<1x16xf32>,
        %get3A_1237 = vector.shape_cast %get3A_1236 : vector<1x16xf32> to vector<16xf32>
        %add3A_1238 = arith.addf %get3A_1231, %get3A_1237 : vector<16xf32>
        %swap3A_1239 = arith.constant 0 : i32
        %swap3A_1240 = arith.index_cast %swap3A_1239 : i32 to index
        %swap3A_1241 = arith.index_cast %scan3A_747 : i32 to index
        %swap3A_1242 = arith.constant 384 : index
        %swap3A_1243 = tpu.vector_load %arg6[%swap3A_1240, %swap3A_1241, %swap3A_1242] {strides = array<i32>} : memref<4x16x512xf32, #tpu.memory_space<vmem>>, vector<1x1x16xf32>,
        %swap3A_1244 = vector.shape_cast %swap3A_1243 : vector<1x1x16xf32> to vector<16xf32>
        %swap3A_1245 = vector.shape_cast %add3A_1238 : vector<16xf32> to vector<1x1x16xf32>
        tpu.vector_store %arg6[%swap3A_1240, %swap3A_1241, %swap3A_1242], %swap3A_1245 {strides = array<i32>} : memref<4x16x512xf32, #tpu.memory_space<vmem>>, vector<1x1x16xf32>,
        %get3A_1246 = arith.constant 0 : i32
        %get3A_1247 = arith.index_cast %get3A_1246 : i32 to index
        %get3A_1248 = arith.index_cast %scan3A_747 : i32 to index
        %get3A_1249 = arith.constant 400 : index
        %get3A_1250 = tpu.vector_load %arg5[%get3A_1247, %get3A_1248, %get3A_1249] {strides = array<i32>} : memref<4x16x512xf32, #tpu.memory_space<vmem>>, vector<1x1x16xf32>,
        %get3A_1251 = vector.shape_cast %get3A_1250 : vector<1x1x16xf32> to vector<16xf32>
        %add3A_1252 = arith.constant 11 : i32
        %add3A_1253 = arith.addi %add3A_1252, %select_n3A : i32
        %get3A_1254 = arith.index_cast %add3A_1253 : i32 to index
        %get3A_1255 = arith.constant 400 : index
        %get3A_1256 = tpu.vector_load %arg7[%get3A_1254, %get3A_1255] {strides = array<i32>} : memref<12x512xf32, #tpu.memory_space<vmem>>, vector<1x16xf32>,
        %get3A_1257 = vector.shape_cast %get3A_1256 : vector<1x16xf32> to vector<16xf32>
        %add3A_1258 = arith.addf %get3A_1251, %get3A_1257 : vector<16xf32>
        %swap3A_1259 = arith.constant 0 : i32
        %swap3A_1260 = arith.index_cast %swap3A_1259 : i32 to index
        %swap3A_1261 = arith.index_cast %scan3A_747 : i32 to index
        %swap3A_1262 = arith.constant 400 : index
        %swap3A_1263 = tpu.vector_load %arg6[%swap3A_1260, %swap3A_1261, %swap3A_1262] {strides = array<i32>} : memref<4x16x512xf32, #tpu.memory_space<vmem>>, vector<1x1x16xf32>,
        %swap3A_1264 = vector.shape_cast %swap3A_1263 : vector<1x1x16xf32> to vector<16xf32>
        %swap3A_1265 = vector.shape_cast %add3A_1258 : vector<16xf32> to vector<1x1x16xf32>
        tpu.vector_store %arg6[%swap3A_1260, %swap3A_1261, %swap3A_1262], %swap3A_1265 {strides = array<i32>} : memref<4x16x512xf32, #tpu.memory_space<vmem>>, vector<1x1x16xf32>,
        %get3A_1266 = arith.constant 0 : i32
        %get3A_1267 = arith.index_cast %get3A_1266 : i32 to index
        %get3A_1268 = arith.index_cast %scan3A_747 : i32 to index
        %get3A_1269 = arith.constant 416 : index
        %get3A_1270 = tpu.vector_load %arg5[%get3A_1267, %get3A_1268, %get3A_1269] {strides = array<i32>} : memref<4x16x512xf32, #tpu.memory_space<vmem>>, vector<1x1x16xf32>,
        %get3A_1271 = vector.shape_cast %get3A_1270 : vector<1x1x16xf32> to vector<16xf32>
        %add3A_1272 = arith.constant 11 : i32
        %add3A_1273 = arith.addi %add3A_1272, %select_n3A : i32
        %get3A_1274 = arith.index_cast %add3A_1273 : i32 to index
        %get3A_1275 = arith.constant 416 : index
        %get3A_1276 = tpu.vector_load %arg7[%get3A_1274, %get3A_1275] {strides = array<i32>} : memref<12x512xf32, #tpu.memory_space<vmem>>, vector<1x16xf32>,
        %get3A_1277 = vector.shape_cast %get3A_1276 : vector<1x16xf32> to vector<16xf32>
        %add3A_1278 = arith.addf %get3A_1271, %get3A_1277 : vector<16xf32>
        %swap3A_1279 = arith.constant 0 : i32
        %swap3A_1280 = arith.index_cast %swap3A_1279 : i32 to index
        %swap3A_1281 = arith.index_cast %scan3A_747 : i32 to index
        %swap3A_1282 = arith.constant 416 : index
        %swap3A_1283 = tpu.vector_load %arg6[%swap3A_1280, %swap3A_1281, %swap3A_1282] {strides = array<i32>} : memref<4x16x512xf32, #tpu.memory_space<vmem>>, vector<1x1x16xf32>,
        %swap3A_1284 = vector.shape_cast %swap3A_1283 : vector<1x1x16xf32> to vector<16xf32>
        %swap3A_1285 = vector.shape_cast %add3A_1278 : vector<16xf32> to vector<1x1x16xf32>
        tpu.vector_store %arg6[%swap3A_1280, %swap3A_1281, %swap3A_1282], %swap3A_1285 {strides = array<i32>} : memref<4x16x512xf32, #tpu.memory_space<vmem>>, vector<1x1x16xf32>,
        %get3A_1286 = arith.constant 0 : i32
        %get3A_1287 = arith.index_cast %get3A_1286 : i32 to index
        %get3A_1288 = arith.index_cast %scan3A_747 : i32 to index
        %get3A_1289 = arith.constant 432 : index
        %get3A_1290 = tpu.vector_load %arg5[%get3A_1287, %get3A_1288, %get3A_1289] {strides = array<i32>} : memref<4x16x512xf32, #tpu.memory_space<vmem>>, vector<1x1x16xf32>,
        %get3A_1291 = vector.shape_cast %get3A_1290 : vector<1x1x16xf32> to vector<16xf32>
        %add3A_1292 = arith.constant 11 : i32
        %add3A_1293 = arith.addi %add3A_1292, %select_n3A : i32
        %get3A_1294 = arith.index_cast %add3A_1293 : i32 to index
        %get3A_1295 = arith.constant 432 : index
        %get3A_1296 = tpu.vector_load %arg7[%get3A_1294, %get3A_1295] {strides = array<i32>} : memref<12x512xf32, #tpu.memory_space<vmem>>, vector<1x16xf32>,
        %get3A_1297 = vector.shape_cast %get3A_1296 : vector<1x16xf32> to vector<16xf32>
        %add3A_1298 = arith.addf %get3A_1291, %get3A_1297 : vector<16xf32>
        %swap3A_1299 = arith.constant 0 : i32
        %swap3A_1300 = arith.index_cast %swap3A_1299 : i32 to index
        %swap3A_1301 = arith.index_cast %scan3A_747 : i32 to index
        %swap3A_1302 = arith.constant 432 : index
        %swap3A_1303 = tpu.vector_load %arg6[%swap3A_1300, %swap3A_1301, %swap3A_1302] {strides = array<i32>} : memref<4x16x512xf32, #tpu.memory_space<vmem>>, vector<1x1x16xf32>,
        %swap3A_1304 = vector.shape_cast %swap3A_1303 : vector<1x1x16xf32> to vector<16xf32>
        %swap3A_1305 = vector.shape_cast %add3A_1298 : vector<16xf32> to vector<1x1x16xf32>
        tpu.vector_store %arg6[%swap3A_1300, %swap3A_1301, %swap3A_1302], %swap3A_1305 {strides = array<i32>} : memref<4x16x512xf32, #tpu.memory_space<vmem>>, vector<1x1x16xf32>,
        %get3A_1306 = arith.constant 0 : i32
        %get3A_1307 = arith.index_cast %get3A_1306 : i32 to index
        %get3A_1308 = arith.index_cast %scan3A_747 : i32 to index
        %get3A_1309 = arith.constant 448 : index
        %get3A_1310 = tpu.vector_load %arg5[%get3A_1307, %get3A_1308, %get3A_1309] {strides = array<i32>} : memref<4x16x512xf32, #tpu.memory_space<vmem>>, vector<1x1x16xf32>,
        %get3A_1311 = vector.shape_cast %get3A_1310 : vector<1x1x16xf32> to vector<16xf32>
        %add3A_1312 = arith.constant 11 : i32
        %add3A_1313 = arith.addi %add3A_1312, %select_n3A : i32
        %get3A_1314 = arith.index_cast %add3A_1313 : i32 to index
        %get3A_1315 = arith.constant 448 : index
        %get3A_1316 = tpu.vector_load %arg7[%get3A_1314, %get3A_1315] {strides = array<i32>} : memref<12x512xf32, #tpu.memory_space<vmem>>, vector<1x16xf32>,
        %get3A_1317 = vector.shape_cast %get3A_1316 : vector<1x16xf32> to vector<16xf32>
        %add3A_1318 = arith.addf %get3A_1311, %get3A_1317 : vector<16xf32>
        %swap3A_1319 = arith.constant 0 : i32
        %swap3A_1320 = arith.index_cast %swap3A_1319 : i32 to index
        %swap3A_1321 = arith.index_cast %scan3A_747 : i32 to index
        %swap3A_1322 = arith.constant 448 : index
        %swap3A_1323 = tpu.vector_load %arg6[%swap3A_1320, %swap3A_1321, %swap3A_1322] {strides = array<i32>} : memref<4x16x512xf32, #tpu.memory_space<vmem>>, vector<1x1x16xf32>,
        %swap3A_1324 = vector.shape_cast %swap3A_1323 : vector<1x1x16xf32> to vector<16xf32>
        %swap3A_1325 = vector.shape_cast %add3A_1318 : vector<16xf32> to vector<1x1x16xf32>
        tpu.vector_store %arg6[%swap3A_1320, %swap3A_1321, %swap3A_1322], %swap3A_1325 {strides = array<i32>} : memref<4x16x512xf32, #tpu.memory_space<vmem>>, vector<1x1x16xf32>,
        %get3A_1326 = arith.constant 0 : i32
        %get3A_1327 = arith.index_cast %get3A_1326 : i32 to index
        %get3A_1328 = arith.index_cast %scan3A_747 : i32 to index
        %get3A_1329 = arith.constant 464 : index
        %get3A_1330 = tpu.vector_load %arg5[%get3A_1327, %get3A_1328, %get3A_1329] {strides = array<i32>} : memref<4x16x512xf32, #tpu.memory_space<vmem>>, vector<1x1x16xf32>,
        %get3A_1331 = vector.shape_cast %get3A_1330 : vector<1x1x16xf32> to vector<16xf32>
        %add3A_1332 = arith.constant 11 : i32
        %add3A_1333 = arith.addi %add3A_1332, %select_n3A : i32
        %get3A_1334 = arith.index_cast %add3A_1333 : i32 to index
        %get3A_1335 = arith.constant 464 : index
        %get3A_1336 = tpu.vector_load %arg7[%get3A_1334, %get3A_1335] {strides = array<i32>} : memref<12x512xf32, #tpu.memory_space<vmem>>, vector<1x16xf32>,
        %get3A_1337 = vector.shape_cast %get3A_1336 : vector<1x16xf32> to vector<16xf32>
        %add3A_1338 = arith.addf %get3A_1331, %get3A_1337 : vector<16xf32>
        %swap3A_1339 = arith.constant 0 : i32
        %swap3A_1340 = arith.index_cast %swap3A_1339 : i32 to index
        %swap3A_1341 = arith.index_cast %scan3A_747 : i32 to index
        %swap3A_1342 = arith.constant 464 : index
        %swap3A_1343 = tpu.vector_load %arg6[%swap3A_1340, %swap3A_1341, %swap3A_1342] {strides = array<i32>} : memref<4x16x512xf32, #tpu.memory_space<vmem>>, vector<1x1x16xf32>,
        %swap3A_1344 = vector.shape_cast %swap3A_1343 : vector<1x1x16xf32> to vector<16xf32>
        %swap3A_1345 = vector.shape_cast %add3A_1338 : vector<16xf32> to vector<1x1x16xf32>
        tpu.vector_store %arg6[%swap3A_1340, %swap3A_1341, %swap3A_1342], %swap3A_1345 {strides = array<i32>} : memref<4x16x512xf32, #tpu.memory_space<vmem>>, vector<1x1x16xf32>,
        %get3A_1346 = arith.constant 0 : i32
        %get3A_1347 = arith.index_cast %get3A_1346 : i32 to index
        %get3A_1348 = arith.index_cast %scan3A_747 : i32 to index
        %get3A_1349 = arith.constant 480 : index
        %get3A_1350 = tpu.vector_load %arg5[%get3A_1347, %get3A_1348, %get3A_1349] {strides = array<i32>} : memref<4x16x512xf32, #tpu.memory_space<vmem>>, vector<1x1x16xf32>,
        %get3A_1351 = vector.shape_cast %get3A_1350 : vector<1x1x16xf32> to vector<16xf32>
        %add3A_1352 = arith.constant 11 : i32
        %add3A_1353 = arith.addi %add3A_1352, %select_n3A : i32
        %get3A_1354 = arith.index_cast %add3A_1353 : i32 to index
        %get3A_1355 = arith.constant 480 : index
        %get3A_1356 = tpu.vector_load %arg7[%get3A_1354, %get3A_1355] {strides = array<i32>} : memref<12x512xf32, #tpu.memory_space<vmem>>, vector<1x16xf32>,
        %get3A_1357 = vector.shape_cast %get3A_1356 : vector<1x16xf32> to vector<16xf32>
        %add3A_1358 = arith.addf %get3A_1351, %get3A_1357 : vector<16xf32>
        %swap3A_1359 = arith.constant 0 : i32
        %swap3A_1360 = arith.index_cast %swap3A_1359 : i32 to index
        %swap3A_1361 = arith.index_cast %scan3A_747 : i32 to index
        %swap3A_1362 = arith.constant 480 : index
        %swap3A_1363 = tpu.vector_load %arg6[%swap3A_1360, %swap3A_1361, %swap3A_1362] {strides = array<i32>} : memref<4x16x512xf32, #tpu.memory_space<vmem>>, vector<1x1x16xf32>,
        %swap3A_1364 = vector.shape_cast %swap3A_1363 : vector<1x1x16xf32> to vector<16xf32>
        %swap3A_1365 = vector.shape_cast %add3A_1358 : vector<16xf32> to vector<1x1x16xf32>
        tpu.vector_store %arg6[%swap3A_1360, %swap3A_1361, %swap3A_1362], %swap3A_1365 {strides = array<i32>} : memref<4x16x512xf32, #tpu.memory_space<vmem>>, vector<1x1x16xf32>,
        %get3A_1366 = arith.constant 0 : i32
        %get3A_1367 = arith.index_cast %get3A_1366 : i32 to index
        %get3A_1368 = arith.index_cast %scan3A_747 : i32 to index
        %get3A_1369 = arith.constant 496 : index
        %get3A_1370 = tpu.vector_load %arg5[%get3A_1367, %get3A_1368, %get3A_1369] {strides = array<i32>} : memref<4x16x512xf32, #tpu.memory_space<vmem>>, vector<1x1x16xf32>,
        %get3A_1371 = vector.shape_cast %get3A_1370 : vector<1x1x16xf32> to vector<16xf32>
        %add3A_1372 = arith.constant 11 : i32
        %add3A_1373 = arith.addi %add3A_1372, %select_n3A : i32
        %get3A_1374 = arith.index_cast %add3A_1373 : i32 to index
        %get3A_1375 = arith.constant 496 : index
        %get3A_1376 = tpu.vector_load %arg7[%get3A_1374, %get3A_1375] {strides = array<i32>} : memref<12x512xf32, #tpu.memory_space<vmem>>, vector<1x16xf32>,
        %get3A_1377 = vector.shape_cast %get3A_1376 : vector<1x16xf32> to vector<16xf32>
        %add3A_1378 = arith.addf %get3A_1371, %get3A_1377 : vector<16xf32>
        %swap3A_1379 = arith.constant 0 : i32
        %swap3A_1380 = arith.index_cast %swap3A_1379 : i32 to index
        %swap3A_1381 = arith.index_cast %scan3A_747 : i32 to index
        %swap3A_1382 = arith.constant 496 : index
        %swap3A_1383 = tpu.vector_load %arg6[%swap3A_1380, %swap3A_1381, %swap3A_1382] {strides = array<i32>} : memref<4x16x512xf32, #tpu.memory_space<vmem>>, vector<1x1x16xf32>,
        %swap3A_1384 = vector.shape_cast %swap3A_1383 : vector<1x1x16xf32> to vector<16xf32>
        %swap3A_1385 = vector.shape_cast %add3A_1378 : vector<16xf32> to vector<1x1x16xf32>
        tpu.vector_store %arg6[%swap3A_1380, %swap3A_1381, %swap3A_1382], %swap3A_1385 {strides = array<i32>} : memref<4x16x512xf32, #tpu.memory_space<vmem>>, vector<1x1x16xf32>,
      }
      %scan3A_252 = arith.constant 16 : i32
      %jit3A_253 = arith.constant 8 : i32
      %div3A_254 = arith.divsi %add3A_178, %jit3A_253 : i32
      %sign3A_255 = arith.constant 0 : i32
      %sign3A_256 = arith.cmpi sgt, %add3A_178, %sign3A_255 : i32
      %sign3A_257 = arith.extui %sign3A_256 : i1 to i32
      %sign3A_258 = arith.constant 0 : i32
      %sign3A_259 = arith.cmpi slt, %add3A_178, %sign3A_258 : i32
      %sign3A_260 = arith.extui %sign3A_259 : i1 to i32
      %sign3A_261 = arith.subi %sign3A_257, %sign3A_260 : i32
      %sign3A_262 = arith.constant 0 : i32
      %sign3A_263 = arith.cmpi sgt, %jit3A_253, %sign3A_262 : i32
      %sign3A_264 = arith.extui %sign3A_263 : i1 to i32
      %sign3A_265 = arith.constant 0 : i32
      %sign3A_266 = arith.cmpi slt, %jit3A_253, %sign3A_265 : i32
      %sign3A_267 = arith.extui %sign3A_266 : i1 to i32
      %sign3A_268 = arith.subi %sign3A_264, %sign3A_267 : i32
      %ne3A_269 = arith.cmpi ne, %sign3A_261, %sign3A_268 : i32
      %rem3A_270 = arith.remsi %add3A_178, %jit3A_253 : i32
      %ne3A_271 = arith.constant 0 : i32
      %ne3A_272 = arith.cmpi ne, %rem3A_270, %ne3A_271 : i32
      %and3A_273 = arith.andi %ne3A_269, %ne3A_272 : i1
      %sub3A_274 = arith.constant 1 : i32
      %sub3A_275 = arith.subi %div3A_254, %sub3A_274 : i32
      %select_n3A_276 = arith.select %and3A_273, %sub3A_275, %div3A_254 : i32
      %mul3A_277 = arith.constant 8 : i32
      %mul3A_278 = arith.muli %select_n3A_276, %mul3A_277 : i32
      %sub3A_279 = arith.subi %add3A_178, %mul3A_278 : i32
      %mul3A_280 = arith.constant 16 : i32
      %mul3A_281 = arith.muli %sub3A_279, %mul3A_280 : i32
      %add3A_282 = arith.addi %mul3A_2, %mul3A_281 : i32
      %add3A_283 = arith.constant 11 : i32
      %add3A_284 = arith.addi %add3A_283, %select_n3A_276 : i32
      %dma_start3A_285 = arith.constant 0 : i32
      %dma_start3A_286 = arith.constant 0 : i32
      %dma_start3A_287 = arith.constant 0 : i32
      %dma_start3A_288 = arith.constant 0 : i32
      %dma_start3A_289 = tpu.memref_slice %arg6[%dma_start3A_285, %dma_start3A_287, %dma_start3A_288] : memref<4x16x512xf32, #tpu.memory_space<vmem>> -> memref<1x16x512xf32, #tpu.memory_space<vmem>>
      %dma_start3A_290 = tpu.memref_squeeze %dma_start3A_289 : memref<1x16x512xf32, #tpu.memory_space<vmem>> -> memref<16x512xf32, #tpu.memory_space<vmem>>
      %dma_start3A_291 = arith.constant 0 : i32
      %dma_start3A_292 = tpu.memref_slice %arg4[%add3A_284, %add3A_282, %dma_start3A_291] : memref<12x4096x512xf32, #tpu.memory_space<hbm>> -> memref<1x16x512xf32, #tpu.memory_space<hbm>>
      %dma_start3A_293 = tpu.memref_squeeze %dma_start3A_292 : memref<1x16x512xf32, #tpu.memory_space<hbm>> -> memref<16x512xf32, #tpu.memory_space<hbm>>
      %dma_start3A_294 = tpu.memref_slice %arg9[%dma_start3A_286] : memref<4x!tpu.dma_semaphore, #tpu.memory_space<semaphore_mem>> -> memref<1x!tpu.dma_semaphore, #tpu.memory_space<semaphore_mem>>
      %dma_start3A_295 = tpu.memref_squeeze %dma_start3A_294 : memref<1x!tpu.dma_semaphore, #tpu.memory_space<semaphore_mem>> -> memref<!tpu.dma_semaphore, #tpu.memory_space<semaphore_mem>>
      %dma_start3A_296 = arith.constant 0 : i32
      %dma_start3A_297 = tpu.memref_slice %arg4[%add3A_284, %add3A_282, %dma_start3A_296] : memref<12x4096x512xf32, #tpu.memory_space<hbm>> -> memref<1x16x512xf32, #tpu.memory_space<hbm>>
      %dma_start3A_298 = tpu.memref_squeeze %dma_start3A_297 : memref<1x16x512xf32, #tpu.memory_space<hbm>> -> memref<16x512xf32, #tpu.memory_space<hbm>>
      %dma_start3A_299 = arith.constant 0 : i32
      %dma_start3A_300 = arith.constant 0 : i32
      %dma_start3A_301 = tpu.memref_slice %arg6[%dma_start3A_285, %dma_start3A_299, %dma_start3A_300] : memref<4x16x512xf32, #tpu.memory_space<vmem>> -> memref<1x16x512xf32, #tpu.memory_space<vmem>>
      %dma_start3A_302 = tpu.memref_squeeze %dma_start3A_301 : memref<1x16x512xf32, #tpu.memory_space<vmem>> -> memref<16x512xf32, #tpu.memory_space<vmem>>
      tpu.enqueue_dma source(%dma_start3A_302 : memref<16x512xf32, #tpu.memory_space<vmem>>) target(%dma_start3A_298 : memref<16x512xf32, #tpu.memory_space<hbm>>) target_semaphore(%dma_start3A_295 : memref<!tpu.dma_semaphore, #tpu.memory_space<semaphore_mem>>)
      %add3A_303 = arith.constant 4 : i32
      %add3A_304 = arith.addi %add3A_178, %add3A_303 : i32
      %lt3A = arith.constant 8 : i32
      %lt3A_305 = arith.cmpi slt, %add3A_304, %lt3A : i32
      %convert_element_type3A_306 = arith.extui %lt3A_305 : i1 to i32
      %cond3A_307 = arith.constant 0 : i32
      %cond3A_308 = arith.cmpi ne, %convert_element_type3A_306, %cond3A_307 : i32
      scf.if %cond3A_308 {
        %add3A_747 = arith.constant 4 : i32
        %add3A_748 = arith.addi %add3A_178, %add3A_747 : i32
        %jit3A_749 = arith.constant 8 : i32
        %div3A_750 = arith.divsi %add3A_748, %jit3A_749 : i32
        %sign3A_751 = arith.constant 0 : i32
        %sign3A_752 = arith.cmpi sgt, %add3A_748, %sign3A_751 : i32
        %sign3A_753 = arith.extui %sign3A_752 : i1 to i32
        %sign3A_754 = arith.constant 0 : i32
        %sign3A_755 = arith.cmpi slt, %add3A_748, %sign3A_754 : i32
        %sign3A_756 = arith.extui %sign3A_755 : i1 to i32
        %sign3A_757 = arith.subi %sign3A_753, %sign3A_756 : i32
        %sign3A_758 = arith.constant 0 : i32
        %sign3A_759 = arith.cmpi sgt, %jit3A_749, %sign3A_758 : i32
        %sign3A_760 = arith.extui %sign3A_759 : i1 to i32
        %sign3A_761 = arith.constant 0 : i32
        %sign3A_762 = arith.cmpi slt, %jit3A_749, %sign3A_761 : i32
        %sign3A_763 = arith.extui %sign3A_762 : i1 to i32
        %sign3A_764 = arith.subi %sign3A_760, %sign3A_763 : i32
        %ne3A_765 = arith.cmpi ne, %sign3A_757, %sign3A_764 : i32
        %rem3A_766 = arith.remsi %add3A_748, %jit3A_749 : i32
        %ne3A_767 = arith.constant 0 : i32
        %ne3A_768 = arith.cmpi ne, %rem3A_766, %ne3A_767 : i32
        %and3A_769 = arith.andi %ne3A_765, %ne3A_768 : i1
        %sub3A_770 = arith.constant 1 : i32
        %sub3A_771 = arith.subi %div3A_750, %sub3A_770 : i32
        %select_n3A_772 = arith.select %and3A_769, %sub3A_771, %div3A_750 : i32
        %mul3A_773 = arith.constant 8 : i32
        %mul3A_774 = arith.muli %select_n3A_772, %mul3A_773 : i32
        %sub3A_775 = arith.subi %add3A_748, %mul3A_774 : i32
        %mul3A_776 = arith.constant 16 : i32
        %mul3A_777 = arith.muli %sub3A_775, %mul3A_776 : i32
        %add3A_778 = arith.addi %mul3A_2, %mul3A_777 : i32
        %add3A_779 = arith.constant 11 : i32
        %add3A_780 = arith.addi %add3A_779, %select_n3A_772 : i32
        %dma_start3A_781 = arith.constant 0 : i32
        %dma_start3A_782 = arith.constant 0 : i32
        %dma_start3A_783 = arith.constant 0 : i32
        %dma_start3A_784 = arith.constant 0 : i32
        %dma_start3A_785 = tpu.memref_slice %arg5[%dma_start3A_781, %dma_start3A_783, %dma_start3A_784] : memref<4x16x512xf32, #tpu.memory_space<vmem>> -> memref<1x16x512xf32, #tpu.memory_space<vmem>>
        %dma_start3A_786 = tpu.memref_squeeze %dma_start3A_785 : memref<1x16x512xf32, #tpu.memory_space<vmem>> -> memref<16x512xf32, #tpu.memory_space<vmem>>
        %dma_start3A_787 = arith.constant 0 : i32
        %dma_start3A_788 = tpu.memref_slice %arg2[%add3A_780, %add3A_778, %dma_start3A_787] : memref<12x4096x512xf32, #tpu.memory_space<hbm>> -> memref<1x16x512xf32, #tpu.memory_space<hbm>>
        %dma_start3A_789 = tpu.memref_squeeze %dma_start3A_788 : memref<1x16x512xf32, #tpu.memory_space<hbm>> -> memref<16x512xf32, #tpu.memory_space<hbm>>
        %dma_start3A_790 = tpu.memref_slice %arg8[%dma_start3A_782] : memref<4x!tpu.dma_semaphore, #tpu.memory_space<semaphore_mem>> -> memref<1x!tpu.dma_semaphore, #tpu.memory_space<semaphore_mem>>
        %dma_start3A_791 = tpu.memref_squeeze %dma_start3A_790 : memref<1x!tpu.dma_semaphore, #tpu.memory_space<semaphore_mem>> -> memref<!tpu.dma_semaphore, #tpu.memory_space<semaphore_mem>>
        %dma_start3A_792 = arith.constant 0 : i32
        %dma_start3A_793 = arith.constant 0 : i32
        %dma_start3A_794 = tpu.memref_slice %arg5[%dma_start3A_781, %dma_start3A_792, %dma_start3A_793] : memref<4x16x512xf32, #tpu.memory_space<vmem>> -> memref<1x16x512xf32, #tpu.memory_space<vmem>>
        %dma_start3A_795 = tpu.memref_squeeze %dma_start3A_794 : memref<1x16x512xf32, #tpu.memory_space<vmem>> -> memref<16x512xf32, #tpu.memory_space<vmem>>
        %dma_start3A_796 = arith.constant 0 : i32
        %dma_start3A_797 = tpu.memref_slice %arg2[%add3A_780, %add3A_778, %dma_start3A_796] : memref<12x4096x512xf32, #tpu.memory_space<hbm>> -> memref<1x16x512xf32, #tpu.memory_space<hbm>>
        %dma_start3A_798 = tpu.memref_squeeze %dma_start3A_797 : memref<1x16x512xf32, #tpu.memory_space<hbm>> -> memref<16x512xf32, #tpu.memory_space<hbm>>
        tpu.enqueue_dma source(%dma_start3A_798 : memref<16x512xf32, #tpu.memory_space<hbm>>) target(%dma_start3A_795 : memref<16x512xf32, #tpu.memory_space<vmem>>) target_semaphore(%dma_start3A_791 : memref<!tpu.dma_semaphore, #tpu.memory_space<semaphore_mem>>)
      } else {
      }
      %mul3A_309 = arith.constant 4 : i32
      %mul3A_310 = arith.muli %scan3A_174, %mul3A_309 : i32
      %add3A_311 = arith.constant 1 : i32
      %add3A_312 = arith.addi %mul3A_310, %add3A_311 : i32
      %jit3A_313 = arith.constant 8 : i32
      %div3A_314 = arith.divsi %add3A_312, %jit3A_313 : i32
      %sign3A_315 = arith.constant 0 : i32
      %sign3A_316 = arith.cmpi sgt, %add3A_312, %sign3A_315 : i32
      %sign3A_317 = arith.extui %sign3A_316 : i1 to i32
      %sign3A_318 = arith.constant 0 : i32
      %sign3A_319 = arith.cmpi slt, %add3A_312, %sign3A_318 : i32
      %sign3A_320 = arith.extui %sign3A_319 : i1 to i32
      %sign3A_321 = arith.subi %sign3A_317, %sign3A_320 : i32
      %sign3A_322 = arith.constant 0 : i32
      %sign3A_323 = arith.cmpi sgt, %jit3A_313, %sign3A_322 : i32
      %sign3A_324 = arith.extui %sign3A_323 : i1 to i32
      %sign3A_325 = arith.constant 0 : i32
      %sign3A_326 = arith.cmpi slt, %jit3A_313, %sign3A_325 : i32
      %sign3A_327 = arith.extui %sign3A_326 : i1 to i32
      %sign3A_328 = arith.subi %sign3A_324, %sign3A_327 : i32
      %ne3A_329 = arith.cmpi ne, %sign3A_321, %sign3A_328 : i32
      %rem3A_330 = arith.remsi %add3A_312, %jit3A_313 : i32
      %ne3A_331 = arith.constant 0 : i32
      %ne3A_332 = arith.cmpi ne, %rem3A_330, %ne3A_331 : i32
      %and3A_333 = arith.andi %ne3A_329, %ne3A_332 : i1
      %sub3A_334 = arith.constant 1 : i32
      %sub3A_335 = arith.subi %div3A_314, %sub3A_334 : i32
      %select_n3A_336 = arith.select %and3A_333, %sub3A_335, %div3A_314 : i32
      %jit3A_337 = arith.constant 8 : i32
      %div3A_338 = arith.divsi %add3A_312, %jit3A_337 : i32
      %sign3A_339 = arith.constant 0 : i32
      %sign3A_340 = arith.cmpi sgt, %add3A_312, %sign3A_339 : i32
      %sign3A_341 = arith.extui %sign3A_340 : i1 to i32
      %sign3A_342 = arith.constant 0 : i32
      %sign3A_343 = arith.cmpi slt, %add3A_312, %sign3A_342 : i32
      %sign3A_344 = arith.extui %sign3A_343 : i1 to i32
      %sign3A_345 = arith.subi %sign3A_341, %sign3A_344 : i32
      %sign3A_346 = arith.constant 0 : i32
      %sign3A_347 = arith.cmpi sgt, %jit3A_337, %sign3A_346 : i32
      %sign3A_348 = arith.extui %sign3A_347 : i1 to i32
      %sign3A_349 = arith.constant 0 : i32
      %sign3A_350 = arith.cmpi slt, %jit3A_337, %sign3A_349 : i32
      %sign3A_351 = arith.extui %sign3A_350 : i1 to i32
      %sign3A_352 = arith.subi %sign3A_348, %sign3A_351 : i32
      %ne3A_353 = arith.cmpi ne, %sign3A_345, %sign3A_352 : i32
      %rem3A_354 = arith.remsi %add3A_312, %jit3A_337 : i32
      %ne3A_355 = arith.constant 0 : i32
      %ne3A_356 = arith.cmpi ne, %rem3A_354, %ne3A_355 : i32
      %and3A_357 = arith.andi %ne3A_353, %ne3A_356 : i1
      %sub3A_358 = arith.constant 1 : i32
      %sub3A_359 = arith.subi %div3A_338, %sub3A_358 : i32
      %select_n3A_360 = arith.select %and3A_357, %sub3A_359, %div3A_338 : i32
      %mul3A_361 = arith.constant 8 : i32
      %mul3A_362 = arith.muli %select_n3A_360, %mul3A_361 : i32
      %sub3A_363 = arith.subi %add3A_312, %mul3A_362 : i32
      %mul3A_364 = arith.constant 16 : i32
      %mul3A_365 = arith.muli %sub3A_363, %mul3A_364 : i32
      %add3A_366 = arith.addi %mul3A_2, %mul3A_365 : i32
      %add3A_367 = arith.constant 11 : i32
      %add3A_368 = arith.addi %add3A_367, %select_n3A_360 : i32
      %dma_wait3A_369 = arith.constant 1 : i32
      %dma_wait3A_370 = arith.constant 1 : i32
      %dma_wait3A_371 = arith.constant 0 : i32
      %dma_wait3A_372 = arith.constant 0 : i32
      %dma_wait3A_373 = tpu.memref_slice %arg5[%dma_wait3A_369, %dma_wait3A_371, %dma_wait3A_372] : memref<4x16x512xf32, #tpu.memory_space<vmem>> -> memref<1x16x512xf32, #tpu.memory_space<vmem>>
      %dma_wait3A_374 = tpu.memref_squeeze %dma_wait3A_373 : memref<1x16x512xf32, #tpu.memory_space<vmem>> -> memref<16x512xf32, #tpu.memory_space<vmem>>
      %dma_wait3A_375 = arith.constant 0 : i32
      %dma_wait3A_376 = tpu.memref_slice %arg2[%add3A_368, %add3A_366, %dma_wait3A_375] : memref<12x4096x512xf32, #tpu.memory_space<hbm>> -> memref<1x16x512xf32, #tpu.memory_space<hbm>>
      %dma_wait3A_377 = tpu.memref_squeeze %dma_wait3A_376 : memref<1x16x512xf32, #tpu.memory_space<hbm>> -> memref<16x512xf32, #tpu.memory_space<hbm>>
      %dma_wait3A_378 = tpu.memref_slice %arg8[%dma_wait3A_370] : memref<4x!tpu.dma_semaphore, #tpu.memory_space<semaphore_mem>> -> memref<1x!tpu.dma_semaphore, #tpu.memory_space<semaphore_mem>>
      %dma_wait3A_379 = tpu.memref_squeeze %dma_wait3A_378 : memref<1x!tpu.dma_semaphore, #tpu.memory_space<semaphore_mem>> -> memref<!tpu.dma_semaphore, #tpu.memory_space<semaphore_mem>>
      %dma_wait3A_380 = arith.constant 0 : i32
      %dma_wait3A_381 = arith.constant 0 : i32
      %dma_wait3A_382 = tpu.memref_slice %arg5[%dma_wait3A_369, %dma_wait3A_380, %dma_wait3A_381] : memref<4x16x512xf32, #tpu.memory_space<vmem>> -> memref<1x16x512xf32, #tpu.memory_space<vmem>>
      %dma_wait3A_383 = tpu.memref_squeeze %dma_wait3A_382 : memref<1x16x512xf32, #tpu.memory_space<vmem>> -> memref<16x512xf32, #tpu.memory_space<vmem>>
      %dma_wait3A_384 = arith.constant 0 : i32
      %dma_wait3A_385 = tpu.memref_slice %arg2[%add3A_368, %add3A_366, %dma_wait3A_384] : memref<12x4096x512xf32, #tpu.memory_space<hbm>> -> memref<1x16x512xf32, #tpu.memory_space<hbm>>
      %dma_wait3A_386 = tpu.memref_squeeze %dma_wait3A_385 : memref<1x16x512xf32, #tpu.memory_space<hbm>> -> memref<16x512xf32, #tpu.memory_space<hbm>>
      tpu.wait_dma2 semaphore(%dma_wait3A_379 : memref<!tpu.dma_semaphore, #tpu.memory_space<semaphore_mem>>) src(%dma_wait3A_386 : memref<16x512xf32, #tpu.memory_space<hbm>>) dst(%dma_wait3A_383 : memref<16x512xf32, #tpu.memory_space<vmem>>)
      %ge3A_387 = arith.constant 4 : i32
      %ge3A_388 = arith.cmpi sge, %add3A_312, %ge3A_387 : i32
      %convert_element_type3A_389 = arith.extui %ge3A_388 : i1 to i32
      %cond3A_390 = arith.constant 0 : i32
      %cond3A_391 = arith.cmpi ne, %convert_element_type3A_389, %cond3A_390 : i32
      scf.if %cond3A_391 {
        %sub3A_747 = arith.constant 4 : i32
        %sub3A_748 = arith.subi %add3A_312, %sub3A_747 : i32
        %jit3A_749 = arith.constant 8 : i32
        %div3A_750 = arith.divsi %sub3A_748, %jit3A_749 : i32
        %sign3A_751 = arith.constant 0 : i32
        %sign3A_752 = arith.cmpi sgt, %sub3A_748, %sign3A_751 : i32
        %sign3A_753 = arith.extui %sign3A_752 : i1 to i32
        %sign3A_754 = arith.constant 0 : i32
        %sign3A_755 = arith.cmpi slt, %sub3A_748, %sign3A_754 : i32
        %sign3A_756 = arith.extui %sign3A_755 : i1 to i32
        %sign3A_757 = arith.subi %sign3A_753, %sign3A_756 : i32
        %sign3A_758 = arith.constant 0 : i32
        %sign3A_759 = arith.cmpi sgt, %jit3A_749, %sign3A_758 : i32
        %sign3A_760 = arith.extui %sign3A_759 : i1 to i32
        %sign3A_761 = arith.constant 0 : i32
        %sign3A_762 = arith.cmpi slt, %jit3A_749, %sign3A_761 : i32
        %sign3A_763 = arith.extui %sign3A_762 : i1 to i32
        %sign3A_764 = arith.subi %sign3A_760, %sign3A_763 : i32
        %ne3A_765 = arith.cmpi ne, %sign3A_757, %sign3A_764 : i32
        %rem3A_766 = arith.remsi %sub3A_748, %jit3A_749 : i32
        %ne3A_767 = arith.constant 0 : i32
        %ne3A_768 = arith.cmpi ne, %rem3A_766, %ne3A_767 : i32
        %and3A_769 = arith.andi %ne3A_765, %ne3A_768 : i1
        %sub3A_770 = arith.constant 1 : i32
        %sub3A_771 = arith.subi %div3A_750, %sub3A_770 : i32
        %select_n3A_772 = arith.select %and3A_769, %sub3A_771, %div3A_750 : i32
        %mul3A_773 = arith.constant 8 : i32
        %mul3A_774 = arith.muli %select_n3A_772, %mul3A_773 : i32
        %sub3A_775 = arith.subi %sub3A_748, %mul3A_774 : i32
        %mul3A_776 = arith.constant 16 : i32
        %mul3A_777 = arith.muli %sub3A_775, %mul3A_776 : i32
        %add3A_778 = arith.addi %mul3A_2, %mul3A_777 : i32
        %add3A_779 = arith.constant 11 : i32
        %add3A_780 = arith.addi %add3A_779, %select_n3A_772 : i32
        %dma_wait3A_781 = arith.constant 1 : i32
        %dma_wait3A_782 = arith.constant 1 : i32
        %dma_wait3A_783 = arith.constant 0 : i32
        %dma_wait3A_784 = arith.constant 0 : i32
        %dma_wait3A_785 = tpu.memref_slice %arg6[%dma_wait3A_781, %dma_wait3A_783, %dma_wait3A_784] : memref<4x16x512xf32, #tpu.memory_space<vmem>> -> memref<1x16x512xf32, #tpu.memory_space<vmem>>
        %dma_wait3A_786 = tpu.memref_squeeze %dma_wait3A_785 : memref<1x16x512xf32, #tpu.memory_space<vmem>> -> memref<16x512xf32, #tpu.memory_space<vmem>>
        %dma_wait3A_787 = arith.constant 0 : i32
        %dma_wait3A_788 = tpu.memref_slice %arg4[%add3A_780, %add3A_778, %dma_wait3A_787] : memref<12x4096x512xf32, #tpu.memory_space<hbm>> -> memref<1x16x512xf32, #tpu.memory_space<hbm>>
        %dma_wait3A_789 = tpu.memref_squeeze %dma_wait3A_788 : memref<1x16x512xf32, #tpu.memory_space<hbm>> -> memref<16x512xf32, #tpu.memory_space<hbm>>
        %dma_wait3A_790 = tpu.memref_slice %arg9[%dma_wait3A_782] : memref<4x!tpu.dma_semaphore, #tpu.memory_space<semaphore_mem>> -> memref<1x!tpu.dma_semaphore, #tpu.memory_space<semaphore_mem>>
        %dma_wait3A_791 = tpu.memref_squeeze %dma_wait3A_790 : memref<1x!tpu.dma_semaphore, #tpu.memory_space<semaphore_mem>> -> memref<!tpu.dma_semaphore, #tpu.memory_space<semaphore_mem>>
        %dma_wait3A_792 = arith.constant 0 : i32
        %dma_wait3A_793 = tpu.memref_slice %arg4[%add3A_780, %add3A_778, %dma_wait3A_792] : memref<12x4096x512xf32, #tpu.memory_space<hbm>> -> memref<1x16x512xf32, #tpu.memory_space<hbm>>
        %dma_wait3A_794 = tpu.memref_squeeze %dma_wait3A_793 : memref<1x16x512xf32, #tpu.memory_space<hbm>> -> memref<16x512xf32, #tpu.memory_space<hbm>>
        %dma_wait3A_795 = arith.constant 0 : i32
        %dma_wait3A_796 = arith.constant 0 : i32
        %dma_wait3A_797 = tpu.memref_slice %arg6[%dma_wait3A_781, %dma_wait3A_795, %dma_wait3A_796] : memref<4x16x512xf32, #tpu.memory_space<vmem>> -> memref<1x16x512xf32, #tpu.memory_space<vmem>>
        %dma_wait3A_798 = tpu.memref_squeeze %dma_wait3A_797 : memref<1x16x512xf32, #tpu.memory_space<vmem>> -> memref<16x512xf32, #tpu.memory_space<vmem>>
        tpu.wait_dma2 semaphore(%dma_wait3A_791 : memref<!tpu.dma_semaphore, #tpu.memory_space<semaphore_mem>>) src(%dma_wait3A_798 : memref<16x512xf32, #tpu.memory_space<vmem>>) dst(%dma_wait3A_794 : memref<16x512xf32, #tpu.memory_space<hbm>>)
      } else {
      }
      %scan3A_392 = arith.constant 0 : i32
      %scan3A_393 = arith.constant 0 : i32
      %scan3A_394 = arith.constant 16 : i32
      %scan3A_395 = arith.addi %scan3A_393, %scan3A_394 : i32
      %scan3A_396 = arith.constant 1 : i32
      scf.for %scan3A_747 = %scan3A_393 to %scan3A_395 step %scan3A_396  : i32 {
        %get3A = arith.constant 1 : i32
        %get3A_748 = arith.index_cast %get3A : i32 to index
        %get3A_749 = arith.index_cast %scan3A_747 : i32 to index
        %get3A_750 = arith.constant 0 : index
        %get3A_751 = tpu.vector_load %arg5[%get3A_748, %get3A_749, %get3A_750] {strides = array<i32>} : memref<4x16x512xf32, #tpu.memory_space<vmem>>, vector<1x1x16xf32>,
        %get3A_752 = vector.shape_cast %get3A_751 : vector<1x1x16xf32> to vector<16xf32>
        %add3A_753 = arith.constant 11 : i32
        %add3A_754 = arith.addi %add3A_753, %select_n3A_336 : i32
        %get3A_755 = arith.index_cast %add3A_754 : i32 to index
        %get3A_756 = arith.constant 0 : index
        %get3A_757 = tpu.vector_load %arg7[%get3A_755, %get3A_756] {strides = array<i32>} : memref<12x512xf32, #tpu.memory_space<vmem>>, vector<1x16xf32>,
        %get3A_758 = vector.shape_cast %get3A_757 : vector<1x16xf32> to vector<16xf32>
        %add3A_759 = arith.addf %get3A_752, %get3A_758 : vector<16xf32>
        %swap3A = arith.constant 1 : i32
        %swap3A_760 = arith.index_cast %swap3A : i32 to index
        %swap3A_761 = arith.index_cast %scan3A_747 : i32 to index
        %swap3A_762 = arith.constant 0 : index
        %swap3A_763 = tpu.vector_load %arg6[%swap3A_760, %swap3A_761, %swap3A_762] {strides = array<i32>} : memref<4x16x512xf32, #tpu.memory_space<vmem>>, vector<1x1x16xf32>,
        %swap3A_764 = vector.shape_cast %swap3A_763 : vector<1x1x16xf32> to vector<16xf32>
        %swap3A_765 = vector.shape_cast %add3A_759 : vector<16xf32> to vector<1x1x16xf32>
        tpu.vector_store %arg6[%swap3A_760, %swap3A_761, %swap3A_762], %swap3A_765 {strides = array<i32>} : memref<4x16x512xf32, #tpu.memory_space<vmem>>, vector<1x1x16xf32>,
        %get3A_766 = arith.constant 1 : i32
        %get3A_767 = arith.index_cast %get3A_766 : i32 to index
        %get3A_768 = arith.index_cast %scan3A_747 : i32 to index
        %get3A_769 = arith.constant 16 : index
        %get3A_770 = tpu.vector_load %arg5[%get3A_767, %get3A_768, %get3A_769] {strides = array<i32>} : memref<4x16x512xf32, #tpu.memory_space<vmem>>, vector<1x1x16xf32>,
        %get3A_771 = vector.shape_cast %get3A_770 : vector<1x1x16xf32> to vector<16xf32>
        %add3A_772 = arith.constant 11 : i32
        %add3A_773 = arith.addi %add3A_772, %select_n3A_336 : i32
        %get3A_774 = arith.index_cast %add3A_773 : i32 to index
        %get3A_775 = arith.constant 16 : index
        %get3A_776 = tpu.vector_load %arg7[%get3A_774, %get3A_775] {strides = array<i32>} : memref<12x512xf32, #tpu.memory_space<vmem>>, vector<1x16xf32>,
        %get3A_777 = vector.shape_cast %get3A_776 : vector<1x16xf32> to vector<16xf32>
        %add3A_778 = arith.addf %get3A_771, %get3A_777 : vector<16xf32>
        %swap3A_779 = arith.constant 1 : i32
        %swap3A_780 = arith.index_cast %swap3A_779 : i32 to index
        %swap3A_781 = arith.index_cast %scan3A_747 : i32 to index
        %swap3A_782 = arith.constant 16 : index
        %swap3A_783 = tpu.vector_load %arg6[%swap3A_780, %swap3A_781, %swap3A_782] {strides = array<i32>} : memref<4x16x512xf32, #tpu.memory_space<vmem>>, vector<1x1x16xf32>,
        %swap3A_784 = vector.shape_cast %swap3A_783 : vector<1x1x16xf32> to vector<16xf32>
        %swap3A_785 = vector.shape_cast %add3A_778 : vector<16xf32> to vector<1x1x16xf32>
        tpu.vector_store %arg6[%swap3A_780, %swap3A_781, %swap3A_782], %swap3A_785 {strides = array<i32>} : memref<4x16x512xf32, #tpu.memory_space<vmem>>, vector<1x1x16xf32>,
        %get3A_786 = arith.constant 1 : i32
        %get3A_787 = arith.index_cast %get3A_786 : i32 to index
        %get3A_788 = arith.index_cast %scan3A_747 : i32 to index
        %get3A_789 = arith.constant 32 : index
        %get3A_790 = tpu.vector_load %arg5[%get3A_787, %get3A_788, %get3A_789] {strides = array<i32>} : memref<4x16x512xf32, #tpu.memory_space<vmem>>, vector<1x1x16xf32>,
        %get3A_791 = vector.shape_cast %get3A_790 : vector<1x1x16xf32> to vector<16xf32>
        %add3A_792 = arith.constant 11 : i32
        %add3A_793 = arith.addi %add3A_792, %select_n3A_336 : i32
        %get3A_794 = arith.index_cast %add3A_793 : i32 to index
        %get3A_795 = arith.constant 32 : index
        %get3A_796 = tpu.vector_load %arg7[%get3A_794, %get3A_795] {strides = array<i32>} : memref<12x512xf32, #tpu.memory_space<vmem>>, vector<1x16xf32>,
        %get3A_797 = vector.shape_cast %get3A_796 : vector<1x16xf32> to vector<16xf32>
        %add3A_798 = arith.addf %get3A_791, %get3A_797 : vector<16xf32>
        %swap3A_799 = arith.constant 1 : i32
        %swap3A_800 = arith.index_cast %swap3A_799 : i32 to index
        %swap3A_801 = arith.index_cast %scan3A_747 : i32 to index
        %swap3A_802 = arith.constant 32 : index
        %swap3A_803 = tpu.vector_load %arg6[%swap3A_800, %swap3A_801, %swap3A_802] {strides = array<i32>} : memref<4x16x512xf32, #tpu.memory_space<vmem>>, vector<1x1x16xf32>,
        %swap3A_804 = vector.shape_cast %swap3A_803 : vector<1x1x16xf32> to vector<16xf32>
        %swap3A_805 = vector.shape_cast %add3A_798 : vector<16xf32> to vector<1x1x16xf32>
        tpu.vector_store %arg6[%swap3A_800, %swap3A_801, %swap3A_802], %swap3A_805 {strides = array<i32>} : memref<4x16x512xf32, #tpu.memory_space<vmem>>, vector<1x1x16xf32>,
        %get3A_806 = arith.constant 1 : i32
        %get3A_807 = arith.index_cast %get3A_806 : i32 to index
        %get3A_808 = arith.index_cast %scan3A_747 : i32 to index
        %get3A_809 = arith.constant 48 : index
        %get3A_810 = tpu.vector_load %arg5[%get3A_807, %get3A_808, %get3A_809] {strides = array<i32>} : memref<4x16x512xf32, #tpu.memory_space<vmem>>, vector<1x1x16xf32>,
        %get3A_811 = vector.shape_cast %get3A_810 : vector<1x1x16xf32> to vector<16xf32>
        %add3A_812 = arith.constant 11 : i32
        %add3A_813 = arith.addi %add3A_812, %select_n3A_336 : i32
        %get3A_814 = arith.index_cast %add3A_813 : i32 to index
        %get3A_815 = arith.constant 48 : index
        %get3A_816 = tpu.vector_load %arg7[%get3A_814, %get3A_815] {strides = array<i32>} : memref<12x512xf32, #tpu.memory_space<vmem>>, vector<1x16xf32>,
        %get3A_817 = vector.shape_cast %get3A_816 : vector<1x16xf32> to vector<16xf32>
        %add3A_818 = arith.addf %get3A_811, %get3A_817 : vector<16xf32>
        %swap3A_819 = arith.constant 1 : i32
        %swap3A_820 = arith.index_cast %swap3A_819 : i32 to index
        %swap3A_821 = arith.index_cast %scan3A_747 : i32 to index
        %swap3A_822 = arith.constant 48 : index
        %swap3A_823 = tpu.vector_load %arg6[%swap3A_820, %swap3A_821, %swap3A_822] {strides = array<i32>} : memref<4x16x512xf32, #tpu.memory_space<vmem>>, vector<1x1x16xf32>,
        %swap3A_824 = vector.shape_cast %swap3A_823 : vector<1x1x16xf32> to vector<16xf32>
        %swap3A_825 = vector.shape_cast %add3A_818 : vector<16xf32> to vector<1x1x16xf32>
        tpu.vector_store %arg6[%swap3A_820, %swap3A_821, %swap3A_822], %swap3A_825 {strides = array<i32>} : memref<4x16x512xf32, #tpu.memory_space<vmem>>, vector<1x1x16xf32>,
        %get3A_826 = arith.constant 1 : i32
        %get3A_827 = arith.index_cast %get3A_826 : i32 to index
        %get3A_828 = arith.index_cast %scan3A_747 : i32 to index
        %get3A_829 = arith.constant 64 : index
        %get3A_830 = tpu.vector_load %arg5[%get3A_827, %get3A_828, %get3A_829] {strides = array<i32>} : memref<4x16x512xf32, #tpu.memory_space<vmem>>, vector<1x1x16xf32>,
        %get3A_831 = vector.shape_cast %get3A_830 : vector<1x1x16xf32> to vector<16xf32>
        %add3A_832 = arith.constant 11 : i32
        %add3A_833 = arith.addi %add3A_832, %select_n3A_336 : i32
        %get3A_834 = arith.index_cast %add3A_833 : i32 to index
        %get3A_835 = arith.constant 64 : index
        %get3A_836 = tpu.vector_load %arg7[%get3A_834, %get3A_835] {strides = array<i32>} : memref<12x512xf32, #tpu.memory_space<vmem>>, vector<1x16xf32>,
        %get3A_837 = vector.shape_cast %get3A_836 : vector<1x16xf32> to vector<16xf32>
        %add3A_838 = arith.addf %get3A_831, %get3A_837 : vector<16xf32>
        %swap3A_839 = arith.constant 1 : i32
        %swap3A_840 = arith.index_cast %swap3A_839 : i32 to index
        %swap3A_841 = arith.index_cast %scan3A_747 : i32 to index
        %swap3A_842 = arith.constant 64 : index
        %swap3A_843 = tpu.vector_load %arg6[%swap3A_840, %swap3A_841, %swap3A_842] {strides = array<i32>} : memref<4x16x512xf32, #tpu.memory_space<vmem>>, vector<1x1x16xf32>,
        %swap3A_844 = vector.shape_cast %swap3A_843 : vector<1x1x16xf32> to vector<16xf32>
        %swap3A_845 = vector.shape_cast %add3A_838 : vector<16xf32> to vector<1x1x16xf32>
        tpu.vector_store %arg6[%swap3A_840, %swap3A_841, %swap3A_842], %swap3A_845 {strides = array<i32>} : memref<4x16x512xf32, #tpu.memory_space<vmem>>, vector<1x1x16xf32>,
        %get3A_846 = arith.constant 1 : i32
        %get3A_847 = arith.index_cast %get3A_846 : i32 to index
        %get3A_848 = arith.index_cast %scan3A_747 : i32 to index
        %get3A_849 = arith.constant 80 : index
        %get3A_850 = tpu.vector_load %arg5[%get3A_847, %get3A_848, %get3A_849] {strides = array<i32>} : memref<4x16x512xf32, #tpu.memory_space<vmem>>, vector<1x1x16xf32>,
        %get3A_851 = vector.shape_cast %get3A_850 : vector<1x1x16xf32> to vector<16xf32>
        %add3A_852 = arith.constant 11 : i32
        %add3A_853 = arith.addi %add3A_852, %select_n3A_336 : i32
        %get3A_854 = arith.index_cast %add3A_853 : i32 to index
        %get3A_855 = arith.constant 80 : index
        %get3A_856 = tpu.vector_load %arg7[%get3A_854, %get3A_855] {strides = array<i32>} : memref<12x512xf32, #tpu.memory_space<vmem>>, vector<1x16xf32>,
        %get3A_857 = vector.shape_cast %get3A_856 : vector<1x16xf32> to vector<16xf32>
        %add3A_858 = arith.addf %get3A_851, %get3A_857 : vector<16xf32>
        %swap3A_859 = arith.constant 1 : i32
        %swap3A_860 = arith.index_cast %swap3A_859 : i32 to index
        %swap3A_861 = arith.index_cast %scan3A_747 : i32 to index
        %swap3A_862 = arith.constant 80 : index
        %swap3A_863 = tpu.vector_load %arg6[%swap3A_860, %swap3A_861, %swap3A_862] {strides = array<i32>} : memref<4x16x512xf32, #tpu.memory_space<vmem>>, vector<1x1x16xf32>,
        %swap3A_864 = vector.shape_cast %swap3A_863 : vector<1x1x16xf32> to vector<16xf32>
        %swap3A_865 = vector.shape_cast %add3A_858 : vector<16xf32> to vector<1x1x16xf32>
        tpu.vector_store %arg6[%swap3A_860, %swap3A_861, %swap3A_862], %swap3A_865 {strides = array<i32>} : memref<4x16x512xf32, #tpu.memory_space<vmem>>, vector<1x1x16xf32>,
        %get3A_866 = arith.constant 1 : i32
        %get3A_867 = arith.index_cast %get3A_866 : i32 to index
        %get3A_868 = arith.index_cast %scan3A_747 : i32 to index
        %get3A_869 = arith.constant 96 : index
        %get3A_870 = tpu.vector_load %arg5[%get3A_867, %get3A_868, %get3A_869] {strides = array<i32>} : memref<4x16x512xf32, #tpu.memory_space<vmem>>, vector<1x1x16xf32>,
        %get3A_871 = vector.shape_cast %get3A_870 : vector<1x1x16xf32> to vector<16xf32>
        %add3A_872 = arith.constant 11 : i32
        %add3A_873 = arith.addi %add3A_872, %select_n3A_336 : i32
        %get3A_874 = arith.index_cast %add3A_873 : i32 to index
        %get3A_875 = arith.constant 96 : index
        %get3A_876 = tpu.vector_load %arg7[%get3A_874, %get3A_875] {strides = array<i32>} : memref<12x512xf32, #tpu.memory_space<vmem>>, vector<1x16xf32>,
        %get3A_877 = vector.shape_cast %get3A_876 : vector<1x16xf32> to vector<16xf32>
        %add3A_878 = arith.addf %get3A_871, %get3A_877 : vector<16xf32>
        %swap3A_879 = arith.constant 1 : i32
        %swap3A_880 = arith.index_cast %swap3A_879 : i32 to index
        %swap3A_881 = arith.index_cast %scan3A_747 : i32 to index
        %swap3A_882 = arith.constant 96 : index
        %swap3A_883 = tpu.vector_load %arg6[%swap3A_880, %swap3A_881, %swap3A_882] {strides = array<i32>} : memref<4x16x512xf32, #tpu.memory_space<vmem>>, vector<1x1x16xf32>,
        %swap3A_884 = vector.shape_cast %swap3A_883 : vector<1x1x16xf32> to vector<16xf32>
        %swap3A_885 = vector.shape_cast %add3A_878 : vector<16xf32> to vector<1x1x16xf32>
        tpu.vector_store %arg6[%swap3A_880, %swap3A_881, %swap3A_882], %swap3A_885 {strides = array<i32>} : memref<4x16x512xf32, #tpu.memory_space<vmem>>, vector<1x1x16xf32>,
        %get3A_886 = arith.constant 1 : i32
        %get3A_887 = arith.index_cast %get3A_886 : i32 to index
        %get3A_888 = arith.index_cast %scan3A_747 : i32 to index
        %get3A_889 = arith.constant 112 : index
        %get3A_890 = tpu.vector_load %arg5[%get3A_887, %get3A_888, %get3A_889] {strides = array<i32>} : memref<4x16x512xf32, #tpu.memory_space<vmem>>, vector<1x1x16xf32>,
        %get3A_891 = vector.shape_cast %get3A_890 : vector<1x1x16xf32> to vector<16xf32>
        %add3A_892 = arith.constant 11 : i32
        %add3A_893 = arith.addi %add3A_892, %select_n3A_336 : i32
        %get3A_894 = arith.index_cast %add3A_893 : i32 to index
        %get3A_895 = arith.constant 112 : index
        %get3A_896 = tpu.vector_load %arg7[%get3A_894, %get3A_895] {strides = array<i32>} : memref<12x512xf32, #tpu.memory_space<vmem>>, vector<1x16xf32>,
        %get3A_897 = vector.shape_cast %get3A_896 : vector<1x16xf32> to vector<16xf32>
        %add3A_898 = arith.addf %get3A_891, %get3A_897 : vector<16xf32>
        %swap3A_899 = arith.constant 1 : i32
        %swap3A_900 = arith.index_cast %swap3A_899 : i32 to index
        %swap3A_901 = arith.index_cast %scan3A_747 : i32 to index
        %swap3A_902 = arith.constant 112 : index
        %swap3A_903 = tpu.vector_load %arg6[%swap3A_900, %swap3A_901, %swap3A_902] {strides = array<i32>} : memref<4x16x512xf32, #tpu.memory_space<vmem>>, vector<1x1x16xf32>,
        %swap3A_904 = vector.shape_cast %swap3A_903 : vector<1x1x16xf32> to vector<16xf32>
        %swap3A_905 = vector.shape_cast %add3A_898 : vector<16xf32> to vector<1x1x16xf32>
        tpu.vector_store %arg6[%swap3A_900, %swap3A_901, %swap3A_902], %swap3A_905 {strides = array<i32>} : memref<4x16x512xf32, #tpu.memory_space<vmem>>, vector<1x1x16xf32>,
        %get3A_906 = arith.constant 1 : i32
        %get3A_907 = arith.index_cast %get3A_906 : i32 to index
        %get3A_908 = arith.index_cast %scan3A_747 : i32 to index
        %get3A_909 = arith.constant 128 : index
        %get3A_910 = tpu.vector_load %arg5[%get3A_907, %get3A_908, %get3A_909] {strides = array<i32>} : memref<4x16x512xf32, #tpu.memory_space<vmem>>, vector<1x1x16xf32>,
        %get3A_911 = vector.shape_cast %get3A_910 : vector<1x1x16xf32> to vector<16xf32>
        %add3A_912 = arith.constant 11 : i32
        %add3A_913 = arith.addi %add3A_912, %select_n3A_336 : i32
        %get3A_914 = arith.index_cast %add3A_913 : i32 to index
        %get3A_915 = arith.constant 128 : index
        %get3A_916 = tpu.vector_load %arg7[%get3A_914, %get3A_915] {strides = array<i32>} : memref<12x512xf32, #tpu.memory_space<vmem>>, vector<1x16xf32>,
        %get3A_917 = vector.shape_cast %get3A_916 : vector<1x16xf32> to vector<16xf32>
        %add3A_918 = arith.addf %get3A_911, %get3A_917 : vector<16xf32>
        %swap3A_919 = arith.constant 1 : i32
        %swap3A_920 = arith.index_cast %swap3A_919 : i32 to index
        %swap3A_921 = arith.index_cast %scan3A_747 : i32 to index
        %swap3A_922 = arith.constant 128 : index
        %swap3A_923 = tpu.vector_load %arg6[%swap3A_920, %swap3A_921, %swap3A_922] {strides = array<i32>} : memref<4x16x512xf32, #tpu.memory_space<vmem>>, vector<1x1x16xf32>,
        %swap3A_924 = vector.shape_cast %swap3A_923 : vector<1x1x16xf32> to vector<16xf32>
        %swap3A_925 = vector.shape_cast %add3A_918 : vector<16xf32> to vector<1x1x16xf32>
        tpu.vector_store %arg6[%swap3A_920, %swap3A_921, %swap3A_922], %swap3A_925 {strides = array<i32>} : memref<4x16x512xf32, #tpu.memory_space<vmem>>, vector<1x1x16xf32>,
        %get3A_926 = arith.constant 1 : i32
        %get3A_927 = arith.index_cast %get3A_926 : i32 to index
        %get3A_928 = arith.index_cast %scan3A_747 : i32 to index
        %get3A_929 = arith.constant 144 : index
        %get3A_930 = tpu.vector_load %arg5[%get3A_927, %get3A_928, %get3A_929] {strides = array<i32>} : memref<4x16x512xf32, #tpu.memory_space<vmem>>, vector<1x1x16xf32>,
        %get3A_931 = vector.shape_cast %get3A_930 : vector<1x1x16xf32> to vector<16xf32>
        %add3A_932 = arith.constant 11 : i32
        %add3A_933 = arith.addi %add3A_932, %select_n3A_336 : i32
        %get3A_934 = arith.index_cast %add3A_933 : i32 to index
        %get3A_935 = arith.constant 144 : index
        %get3A_936 = tpu.vector_load %arg7[%get3A_934, %get3A_935] {strides = array<i32>} : memref<12x512xf32, #tpu.memory_space<vmem>>, vector<1x16xf32>,
        %get3A_937 = vector.shape_cast %get3A_936 : vector<1x16xf32> to vector<16xf32>
        %add3A_938 = arith.addf %get3A_931, %get3A_937 : vector<16xf32>
        %swap3A_939 = arith.constant 1 : i32
        %swap3A_940 = arith.index_cast %swap3A_939 : i32 to index
        %swap3A_941 = arith.index_cast %scan3A_747 : i32 to index
        %swap3A_942 = arith.constant 144 : index
        %swap3A_943 = tpu.vector_load %arg6[%swap3A_940, %swap3A_941, %swap3A_942] {strides = array<i32>} : memref<4x16x512xf32, #tpu.memory_space<vmem>>, vector<1x1x16xf32>,
        %swap3A_944 = vector.shape_cast %swap3A_943 : vector<1x1x16xf32> to vector<16xf32>
        %swap3A_945 = vector.shape_cast %add3A_938 : vector<16xf32> to vector<1x1x16xf32>
        tpu.vector_store %arg6[%swap3A_940, %swap3A_941, %swap3A_942], %swap3A_945 {strides = array<i32>} : memref<4x16x512xf32, #tpu.memory_space<vmem>>, vector<1x1x16xf32>,
        %get3A_946 = arith.constant 1 : i32
        %get3A_947 = arith.index_cast %get3A_946 : i32 to index
        %get3A_948 = arith.index_cast %scan3A_747 : i32 to index
        %get3A_949 = arith.constant 160 : index
        %get3A_950 = tpu.vector_load %arg5[%get3A_947, %get3A_948, %get3A_949] {strides = array<i32>} : memref<4x16x512xf32, #tpu.memory_space<vmem>>, vector<1x1x16xf32>,
        %get3A_951 = vector.shape_cast %get3A_950 : vector<1x1x16xf32> to vector<16xf32>
        %add3A_952 = arith.constant 11 : i32
        %add3A_953 = arith.addi %add3A_952, %select_n3A_336 : i32
        %get3A_954 = arith.index_cast %add3A_953 : i32 to index
        %get3A_955 = arith.constant 160 : index
        %get3A_956 = tpu.vector_load %arg7[%get3A_954, %get3A_955] {strides = array<i32>} : memref<12x512xf32, #tpu.memory_space<vmem>>, vector<1x16xf32>,
        %get3A_957 = vector.shape_cast %get3A_956 : vector<1x16xf32> to vector<16xf32>
        %add3A_958 = arith.addf %get3A_951, %get3A_957 : vector<16xf32>
        %swap3A_959 = arith.constant 1 : i32
        %swap3A_960 = arith.index_cast %swap3A_959 : i32 to index
        %swap3A_961 = arith.index_cast %scan3A_747 : i32 to index
        %swap3A_962 = arith.constant 160 : index
        %swap3A_963 = tpu.vector_load %arg6[%swap3A_960, %swap3A_961, %swap3A_962] {strides = array<i32>} : memref<4x16x512xf32, #tpu.memory_space<vmem>>, vector<1x1x16xf32>,
        %swap3A_964 = vector.shape_cast %swap3A_963 : vector<1x1x16xf32> to vector<16xf32>
        %swap3A_965 = vector.shape_cast %add3A_958 : vector<16xf32> to vector<1x1x16xf32>
        tpu.vector_store %arg6[%swap3A_960, %swap3A_961, %swap3A_962], %swap3A_965 {strides = array<i32>} : memref<4x16x512xf32, #tpu.memory_space<vmem>>, vector<1x1x16xf32>,
        %get3A_966 = arith.constant 1 : i32
        %get3A_967 = arith.index_cast %get3A_966 : i32 to index
        %get3A_968 = arith.index_cast %scan3A_747 : i32 to index
        %get3A_969 = arith.constant 176 : index
        %get3A_970 = tpu.vector_load %arg5[%get3A_967, %get3A_968, %get3A_969] {strides = array<i32>} : memref<4x16x512xf32, #tpu.memory_space<vmem>>, vector<1x1x16xf32>,
        %get3A_971 = vector.shape_cast %get3A_970 : vector<1x1x16xf32> to vector<16xf32>
        %add3A_972 = arith.constant 11 : i32
        %add3A_973 = arith.addi %add3A_972, %select_n3A_336 : i32
        %get3A_974 = arith.index_cast %add3A_973 : i32 to index
        %get3A_975 = arith.constant 176 : index
        %get3A_976 = tpu.vector_load %arg7[%get3A_974, %get3A_975] {strides = array<i32>} : memref<12x512xf32, #tpu.memory_space<vmem>>, vector<1x16xf32>,
        %get3A_977 = vector.shape_cast %get3A_976 : vector<1x16xf32> to vector<16xf32>
        %add3A_978 = arith.addf %get3A_971, %get3A_977 : vector<16xf32>
        %swap3A_979 = arith.constant 1 : i32
        %swap3A_980 = arith.index_cast %swap3A_979 : i32 to index
        %swap3A_981 = arith.index_cast %scan3A_747 : i32 to index
        %swap3A_982 = arith.constant 176 : index
        %swap3A_983 = tpu.vector_load %arg6[%swap3A_980, %swap3A_981, %swap3A_982] {strides = array<i32>} : memref<4x16x512xf32, #tpu.memory_space<vmem>>, vector<1x1x16xf32>,
        %swap3A_984 = vector.shape_cast %swap3A_983 : vector<1x1x16xf32> to vector<16xf32>
        %swap3A_985 = vector.shape_cast %add3A_978 : vector<16xf32> to vector<1x1x16xf32>
        tpu.vector_store %arg6[%swap3A_980, %swap3A_981, %swap3A_982], %swap3A_985 {strides = array<i32>} : memref<4x16x512xf32, #tpu.memory_space<vmem>>, vector<1x1x16xf32>,
        %get3A_986 = arith.constant 1 : i32
        %get3A_987 = arith.index_cast %get3A_986 : i32 to index
        %get3A_988 = arith.index_cast %scan3A_747 : i32 to index
        %get3A_989 = arith.constant 192 : index
        %get3A_990 = tpu.vector_load %arg5[%get3A_987, %get3A_988, %get3A_989] {strides = array<i32>} : memref<4x16x512xf32, #tpu.memory_space<vmem>>, vector<1x1x16xf32>,
        %get3A_991 = vector.shape_cast %get3A_990 : vector<1x1x16xf32> to vector<16xf32>
        %add3A_992 = arith.constant 11 : i32
        %add3A_993 = arith.addi %add3A_992, %select_n3A_336 : i32
        %get3A_994 = arith.index_cast %add3A_993 : i32 to index
        %get3A_995 = arith.constant 192 : index
        %get3A_996 = tpu.vector_load %arg7[%get3A_994, %get3A_995] {strides = array<i32>} : memref<12x512xf32, #tpu.memory_space<vmem>>, vector<1x16xf32>,
        %get3A_997 = vector.shape_cast %get3A_996 : vector<1x16xf32> to vector<16xf32>
        %add3A_998 = arith.addf %get3A_991, %get3A_997 : vector<16xf32>
        %swap3A_999 = arith.constant 1 : i32
        %swap3A_1000 = arith.index_cast %swap3A_999 : i32 to index
        %swap3A_1001 = arith.index_cast %scan3A_747 : i32 to index
        %swap3A_1002 = arith.constant 192 : index
        %swap3A_1003 = tpu.vector_load %arg6[%swap3A_1000, %swap3A_1001, %swap3A_1002] {strides = array<i32>} : memref<4x16x512xf32, #tpu.memory_space<vmem>>, vector<1x1x16xf32>,
        %swap3A_1004 = vector.shape_cast %swap3A_1003 : vector<1x1x16xf32> to vector<16xf32>
        %swap3A_1005 = vector.shape_cast %add3A_998 : vector<16xf32> to vector<1x1x16xf32>
        tpu.vector_store %arg6[%swap3A_1000, %swap3A_1001, %swap3A_1002], %swap3A_1005 {strides = array<i32>} : memref<4x16x512xf32, #tpu.memory_space<vmem>>, vector<1x1x16xf32>,
        %get3A_1006 = arith.constant 1 : i32
        %get3A_1007 = arith.index_cast %get3A_1006 : i32 to index
        %get3A_1008 = arith.index_cast %scan3A_747 : i32 to index
        %get3A_1009 = arith.constant 208 : index
        %get3A_1010 = tpu.vector_load %arg5[%get3A_1007, %get3A_1008, %get3A_1009] {strides = array<i32>} : memref<4x16x512xf32, #tpu.memory_space<vmem>>, vector<1x1x16xf32>,
        %get3A_1011 = vector.shape_cast %get3A_1010 : vector<1x1x16xf32> to vector<16xf32>
        %add3A_1012 = arith.constant 11 : i32
        %add3A_1013 = arith.addi %add3A_1012, %select_n3A_336 : i32
        %get3A_1014 = arith.index_cast %add3A_1013 : i32 to index
        %get3A_1015 = arith.constant 208 : index
        %get3A_1016 = tpu.vector_load %arg7[%get3A_1014, %get3A_1015] {strides = array<i32>} : memref<12x512xf32, #tpu.memory_space<vmem>>, vector<1x16xf32>,
        %get3A_1017 = vector.shape_cast %get3A_1016 : vector<1x16xf32> to vector<16xf32>
        %add3A_1018 = arith.addf %get3A_1011, %get3A_1017 : vector<16xf32>
        %swap3A_1019 = arith.constant 1 : i32
        %swap3A_1020 = arith.index_cast %swap3A_1019 : i32 to index
        %swap3A_1021 = arith.index_cast %scan3A_747 : i32 to index
        %swap3A_1022 = arith.constant 208 : index
        %swap3A_1023 = tpu.vector_load %arg6[%swap3A_1020, %swap3A_1021, %swap3A_1022] {strides = array<i32>} : memref<4x16x512xf32, #tpu.memory_space<vmem>>, vector<1x1x16xf32>,
        %swap3A_1024 = vector.shape_cast %swap3A_1023 : vector<1x1x16xf32> to vector<16xf32>
        %swap3A_1025 = vector.shape_cast %add3A_1018 : vector<16xf32> to vector<1x1x16xf32>
        tpu.vector_store %arg6[%swap3A_1020, %swap3A_1021, %swap3A_1022], %swap3A_1025 {strides = array<i32>} : memref<4x16x512xf32, #tpu.memory_space<vmem>>, vector<1x1x16xf32>,
        %get3A_1026 = arith.constant 1 : i32
        %get3A_1027 = arith.index_cast %get3A_1026 : i32 to index
        %get3A_1028 = arith.index_cast %scan3A_747 : i32 to index
        %get3A_1029 = arith.constant 224 : index
        %get3A_1030 = tpu.vector_load %arg5[%get3A_1027, %get3A_1028, %get3A_1029] {strides = array<i32>} : memref<4x16x512xf32, #tpu.memory_space<vmem>>, vector<1x1x16xf32>,
        %get3A_1031 = vector.shape_cast %get3A_1030 : vector<1x1x16xf32> to vector<16xf32>
        %add3A_1032 = arith.constant 11 : i32
        %add3A_1033 = arith.addi %add3A_1032, %select_n3A_336 : i32
        %get3A_1034 = arith.index_cast %add3A_1033 : i32 to index
        %get3A_1035 = arith.constant 224 : index
        %get3A_1036 = tpu.vector_load %arg7[%get3A_1034, %get3A_1035] {strides = array<i32>} : memref<12x512xf32, #tpu.memory_space<vmem>>, vector<1x16xf32>,
        %get3A_1037 = vector.shape_cast %get3A_1036 : vector<1x16xf32> to vector<16xf32>
        %add3A_1038 = arith.addf %get3A_1031, %get3A_1037 : vector<16xf32>
        %swap3A_1039 = arith.constant 1 : i32
        %swap3A_1040 = arith.index_cast %swap3A_1039 : i32 to index
        %swap3A_1041 = arith.index_cast %scan3A_747 : i32 to index
        %swap3A_1042 = arith.constant 224 : index
        %swap3A_1043 = tpu.vector_load %arg6[%swap3A_1040, %swap3A_1041, %swap3A_1042] {strides = array<i32>} : memref<4x16x512xf32, #tpu.memory_space<vmem>>, vector<1x1x16xf32>,
        %swap3A_1044 = vector.shape_cast %swap3A_1043 : vector<1x1x16xf32> to vector<16xf32>
        %swap3A_1045 = vector.shape_cast %add3A_1038 : vector<16xf32> to vector<1x1x16xf32>
        tpu.vector_store %arg6[%swap3A_1040, %swap3A_1041, %swap3A_1042], %swap3A_1045 {strides = array<i32>} : memref<4x16x512xf32, #tpu.memory_space<vmem>>, vector<1x1x16xf32>,
        %get3A_1046 = arith.constant 1 : i32
        %get3A_1047 = arith.index_cast %get3A_1046 : i32 to index
        %get3A_1048 = arith.index_cast %scan3A_747 : i32 to index
        %get3A_1049 = arith.constant 240 : index
        %get3A_1050 = tpu.vector_load %arg5[%get3A_1047, %get3A_1048, %get3A_1049] {strides = array<i32>} : memref<4x16x512xf32, #tpu.memory_space<vmem>>, vector<1x1x16xf32>,
        %get3A_1051 = vector.shape_cast %get3A_1050 : vector<1x1x16xf32> to vector<16xf32>
        %add3A_1052 = arith.constant 11 : i32
        %add3A_1053 = arith.addi %add3A_1052, %select_n3A_336 : i32
        %get3A_1054 = arith.index_cast %add3A_1053 : i32 to index
        %get3A_1055 = arith.constant 240 : index
        %get3A_1056 = tpu.vector_load %arg7[%get3A_1054, %get3A_1055] {strides = array<i32>} : memref<12x512xf32, #tpu.memory_space<vmem>>, vector<1x16xf32>,
        %get3A_1057 = vector.shape_cast %get3A_1056 : vector<1x16xf32> to vector<16xf32>
        %add3A_1058 = arith.addf %get3A_1051, %get3A_1057 : vector<16xf32>
        %swap3A_1059 = arith.constant 1 : i32
        %swap3A_1060 = arith.index_cast %swap3A_1059 : i32 to index
        %swap3A_1061 = arith.index_cast %scan3A_747 : i32 to index
        %swap3A_1062 = arith.constant 240 : index
        %swap3A_1063 = tpu.vector_load %arg6[%swap3A_1060, %swap3A_1061, %swap3A_1062] {strides = array<i32>} : memref<4x16x512xf32, #tpu.memory_space<vmem>>, vector<1x1x16xf32>,
        %swap3A_1064 = vector.shape_cast %swap3A_1063 : vector<1x1x16xf32> to vector<16xf32>
        %swap3A_1065 = vector.shape_cast %add3A_1058 : vector<16xf32> to vector<1x1x16xf32>
        tpu.vector_store %arg6[%swap3A_1060, %swap3A_1061, %swap3A_1062], %swap3A_1065 {strides = array<i32>} : memref<4x16x512xf32, #tpu.memory_space<vmem>>, vector<1x1x16xf32>,
        %get3A_1066 = arith.constant 1 : i32
        %get3A_1067 = arith.index_cast %get3A_1066 : i32 to index
        %get3A_1068 = arith.index_cast %scan3A_747 : i32 to index
        %get3A_1069 = arith.constant 256 : index
        %get3A_1070 = tpu.vector_load %arg5[%get3A_1067, %get3A_1068, %get3A_1069] {strides = array<i32>} : memref<4x16x512xf32, #tpu.memory_space<vmem>>, vector<1x1x16xf32>,
        %get3A_1071 = vector.shape_cast %get3A_1070 : vector<1x1x16xf32> to vector<16xf32>
        %add3A_1072 = arith.constant 11 : i32
        %add3A_1073 = arith.addi %add3A_1072, %select_n3A_336 : i32
        %get3A_1074 = arith.index_cast %add3A_1073 : i32 to index
        %get3A_1075 = arith.constant 256 : index
        %get3A_1076 = tpu.vector_load %arg7[%get3A_1074, %get3A_1075] {strides = array<i32>} : memref<12x512xf32, #tpu.memory_space<vmem>>, vector<1x16xf32>,
        %get3A_1077 = vector.shape_cast %get3A_1076 : vector<1x16xf32> to vector<16xf32>
        %add3A_1078 = arith.addf %get3A_1071, %get3A_1077 : vector<16xf32>
        %swap3A_1079 = arith.constant 1 : i32
        %swap3A_1080 = arith.index_cast %swap3A_1079 : i32 to index
        %swap3A_1081 = arith.index_cast %scan3A_747 : i32 to index
        %swap3A_1082 = arith.constant 256 : index
        %swap3A_1083 = tpu.vector_load %arg6[%swap3A_1080, %swap3A_1081, %swap3A_1082] {strides = array<i32>} : memref<4x16x512xf32, #tpu.memory_space<vmem>>, vector<1x1x16xf32>,
        %swap3A_1084 = vector.shape_cast %swap3A_1083 : vector<1x1x16xf32> to vector<16xf32>
        %swap3A_1085 = vector.shape_cast %add3A_1078 : vector<16xf32> to vector<1x1x16xf32>
        tpu.vector_store %arg6[%swap3A_1080, %swap3A_1081, %swap3A_1082], %swap3A_1085 {strides = array<i32>} : memref<4x16x512xf32, #tpu.memory_space<vmem>>, vector<1x1x16xf32>,
        %get3A_1086 = arith.constant 1 : i32
        %get3A_1087 = arith.index_cast %get3A_1086 : i32 to index
        %get3A_1088 = arith.index_cast %scan3A_747 : i32 to index
        %get3A_1089 = arith.constant 272 : index
        %get3A_1090 = tpu.vector_load %arg5[%get3A_1087, %get3A_1088, %get3A_1089] {strides = array<i32>} : memref<4x16x512xf32, #tpu.memory_space<vmem>>, vector<1x1x16xf32>,
        %get3A_1091 = vector.shape_cast %get3A_1090 : vector<1x1x16xf32> to vector<16xf32>
        %add3A_1092 = arith.constant 11 : i32
        %add3A_1093 = arith.addi %add3A_1092, %select_n3A_336 : i32
        %get3A_1094 = arith.index_cast %add3A_1093 : i32 to index
        %get3A_1095 = arith.constant 272 : index
        %get3A_1096 = tpu.vector_load %arg7[%get3A_1094, %get3A_1095] {strides = array<i32>} : memref<12x512xf32, #tpu.memory_space<vmem>>, vector<1x16xf32>,
        %get3A_1097 = vector.shape_cast %get3A_1096 : vector<1x16xf32> to vector<16xf32>
        %add3A_1098 = arith.addf %get3A_1091, %get3A_1097 : vector<16xf32>
        %swap3A_1099 = arith.constant 1 : i32
        %swap3A_1100 = arith.index_cast %swap3A_1099 : i32 to index
        %swap3A_1101 = arith.index_cast %scan3A_747 : i32 to index
        %swap3A_1102 = arith.constant 272 : index
        %swap3A_1103 = tpu.vector_load %arg6[%swap3A_1100, %swap3A_1101, %swap3A_1102] {strides = array<i32>} : memref<4x16x512xf32, #tpu.memory_space<vmem>>, vector<1x1x16xf32>,
        %swap3A_1104 = vector.shape_cast %swap3A_1103 : vector<1x1x16xf32> to vector<16xf32>
        %swap3A_1105 = vector.shape_cast %add3A_1098 : vector<16xf32> to vector<1x1x16xf32>
        tpu.vector_store %arg6[%swap3A_1100, %swap3A_1101, %swap3A_1102], %swap3A_1105 {strides = array<i32>} : memref<4x16x512xf32, #tpu.memory_space<vmem>>, vector<1x1x16xf32>,
        %get3A_1106 = arith.constant 1 : i32
        %get3A_1107 = arith.index_cast %get3A_1106 : i32 to index
        %get3A_1108 = arith.index_cast %scan3A_747 : i32 to index
        %get3A_1109 = arith.constant 288 : index
        %get3A_1110 = tpu.vector_load %arg5[%get3A_1107, %get3A_1108, %get3A_1109] {strides = array<i32>} : memref<4x16x512xf32, #tpu.memory_space<vmem>>, vector<1x1x16xf32>,
        %get3A_1111 = vector.shape_cast %get3A_1110 : vector<1x1x16xf32> to vector<16xf32>
        %add3A_1112 = arith.constant 11 : i32
        %add3A_1113 = arith.addi %add3A_1112, %select_n3A_336 : i32
        %get3A_1114 = arith.index_cast %add3A_1113 : i32 to index
        %get3A_1115 = arith.constant 288 : index
        %get3A_1116 = tpu.vector_load %arg7[%get3A_1114, %get3A_1115] {strides = array<i32>} : memref<12x512xf32, #tpu.memory_space<vmem>>, vector<1x16xf32>,
        %get3A_1117 = vector.shape_cast %get3A_1116 : vector<1x16xf32> to vector<16xf32>
        %add3A_1118 = arith.addf %get3A_1111, %get3A_1117 : vector<16xf32>
        %swap3A_1119 = arith.constant 1 : i32
        %swap3A_1120 = arith.index_cast %swap3A_1119 : i32 to index
        %swap3A_1121 = arith.index_cast %scan3A_747 : i32 to index
        %swap3A_1122 = arith.constant 288 : index
        %swap3A_1123 = tpu.vector_load %arg6[%swap3A_1120, %swap3A_1121, %swap3A_1122] {strides = array<i32>} : memref<4x16x512xf32, #tpu.memory_space<vmem>>, vector<1x1x16xf32>,
        %swap3A_1124 = vector.shape_cast %swap3A_1123 : vector<1x1x16xf32> to vector<16xf32>
        %swap3A_1125 = vector.shape_cast %add3A_1118 : vector<16xf32> to vector<1x1x16xf32>
        tpu.vector_store %arg6[%swap3A_1120, %swap3A_1121, %swap3A_1122], %swap3A_1125 {strides = array<i32>} : memref<4x16x512xf32, #tpu.memory_space<vmem>>, vector<1x1x16xf32>,
        %get3A_1126 = arith.constant 1 : i32
        %get3A_1127 = arith.index_cast %get3A_1126 : i32 to index
        %get3A_1128 = arith.index_cast %scan3A_747 : i32 to index
        %get3A_1129 = arith.constant 304 : index
        %get3A_1130 = tpu.vector_load %arg5[%get3A_1127, %get3A_1128, %get3A_1129] {strides = array<i32>} : memref<4x16x512xf32, #tpu.memory_space<vmem>>, vector<1x1x16xf32>,
        %get3A_1131 = vector.shape_cast %get3A_1130 : vector<1x1x16xf32> to vector<16xf32>
        %add3A_1132 = arith.constant 11 : i32
        %add3A_1133 = arith.addi %add3A_1132, %select_n3A_336 : i32
        %get3A_1134 = arith.index_cast %add3A_1133 : i32 to index
        %get3A_1135 = arith.constant 304 : index
        %get3A_1136 = tpu.vector_load %arg7[%get3A_1134, %get3A_1135] {strides = array<i32>} : memref<12x512xf32, #tpu.memory_space<vmem>>, vector<1x16xf32>,
        %get3A_1137 = vector.shape_cast %get3A_1136 : vector<1x16xf32> to vector<16xf32>
        %add3A_1138 = arith.addf %get3A_1131, %get3A_1137 : vector<16xf32>
        %swap3A_1139 = arith.constant 1 : i32
        %swap3A_1140 = arith.index_cast %swap3A_1139 : i32 to index
        %swap3A_1141 = arith.index_cast %scan3A_747 : i32 to index
        %swap3A_1142 = arith.constant 304 : index
        %swap3A_1143 = tpu.vector_load %arg6[%swap3A_1140, %swap3A_1141, %swap3A_1142] {strides = array<i32>} : memref<4x16x512xf32, #tpu.memory_space<vmem>>, vector<1x1x16xf32>,
        %swap3A_1144 = vector.shape_cast %swap3A_1143 : vector<1x1x16xf32> to vector<16xf32>
        %swap3A_1145 = vector.shape_cast %add3A_1138 : vector<16xf32> to vector<1x1x16xf32>
        tpu.vector_store %arg6[%swap3A_1140, %swap3A_1141, %swap3A_1142], %swap3A_1145 {strides = array<i32>} : memref<4x16x512xf32, #tpu.memory_space<vmem>>, vector<1x1x16xf32>,
        %get3A_1146 = arith.constant 1 : i32
        %get3A_1147 = arith.index_cast %get3A_1146 : i32 to index
        %get3A_1148 = arith.index_cast %scan3A_747 : i32 to index
        %get3A_1149 = arith.constant 320 : index
        %get3A_1150 = tpu.vector_load %arg5[%get3A_1147, %get3A_1148, %get3A_1149] {strides = array<i32>} : memref<4x16x512xf32, #tpu.memory_space<vmem>>, vector<1x1x16xf32>,
        %get3A_1151 = vector.shape_cast %get3A_1150 : vector<1x1x16xf32> to vector<16xf32>
        %add3A_1152 = arith.constant 11 : i32
        %add3A_1153 = arith.addi %add3A_1152, %select_n3A_336 : i32
        %get3A_1154 = arith.index_cast %add3A_1153 : i32 to index
        %get3A_1155 = arith.constant 320 : index
        %get3A_1156 = tpu.vector_load %arg7[%get3A_1154, %get3A_1155] {strides = array<i32>} : memref<12x512xf32, #tpu.memory_space<vmem>>, vector<1x16xf32>,
        %get3A_1157 = vector.shape_cast %get3A_1156 : vector<1x16xf32> to vector<16xf32>
        %add3A_1158 = arith.addf %get3A_1151, %get3A_1157 : vector<16xf32>
        %swap3A_1159 = arith.constant 1 : i32
        %swap3A_1160 = arith.index_cast %swap3A_1159 : i32 to index
        %swap3A_1161 = arith.index_cast %scan3A_747 : i32 to index
        %swap3A_1162 = arith.constant 320 : index
        %swap3A_1163 = tpu.vector_load %arg6[%swap3A_1160, %swap3A_1161, %swap3A_1162] {strides = array<i32>} : memref<4x16x512xf32, #tpu.memory_space<vmem>>, vector<1x1x16xf32>,
        %swap3A_1164 = vector.shape_cast %swap3A_1163 : vector<1x1x16xf32> to vector<16xf32>
        %swap3A_1165 = vector.shape_cast %add3A_1158 : vector<16xf32> to vector<1x1x16xf32>
        tpu.vector_store %arg6[%swap3A_1160, %swap3A_1161, %swap3A_1162], %swap3A_1165 {strides = array<i32>} : memref<4x16x512xf32, #tpu.memory_space<vmem>>, vector<1x1x16xf32>,
        %get3A_1166 = arith.constant 1 : i32
        %get3A_1167 = arith.index_cast %get3A_1166 : i32 to index
        %get3A_1168 = arith.index_cast %scan3A_747 : i32 to index
        %get3A_1169 = arith.constant 336 : index
        %get3A_1170 = tpu.vector_load %arg5[%get3A_1167, %get3A_1168, %get3A_1169] {strides = array<i32>} : memref<4x16x512xf32, #tpu.memory_space<vmem>>, vector<1x1x16xf32>,
        %get3A_1171 = vector.shape_cast %get3A_1170 : vector<1x1x16xf32> to vector<16xf32>
        %add3A_1172 = arith.constant 11 : i32
        %add3A_1173 = arith.addi %add3A_1172, %select_n3A_336 : i32
        %get3A_1174 = arith.index_cast %add3A_1173 : i32 to index
        %get3A_1175 = arith.constant 336 : index
        %get3A_1176 = tpu.vector_load %arg7[%get3A_1174, %get3A_1175] {strides = array<i32>} : memref<12x512xf32, #tpu.memory_space<vmem>>, vector<1x16xf32>,
        %get3A_1177 = vector.shape_cast %get3A_1176 : vector<1x16xf32> to vector<16xf32>
        %add3A_1178 = arith.addf %get3A_1171, %get3A_1177 : vector<16xf32>
        %swap3A_1179 = arith.constant 1 : i32
        %swap3A_1180 = arith.index_cast %swap3A_1179 : i32 to index
        %swap3A_1181 = arith.index_cast %scan3A_747 : i32 to index
        %swap3A_1182 = arith.constant 336 : index
        %swap3A_1183 = tpu.vector_load %arg6[%swap3A_1180, %swap3A_1181, %swap3A_1182] {strides = array<i32>} : memref<4x16x512xf32, #tpu.memory_space<vmem>>, vector<1x1x16xf32>,
        %swap3A_1184 = vector.shape_cast %swap3A_1183 : vector<1x1x16xf32> to vector<16xf32>
        %swap3A_1185 = vector.shape_cast %add3A_1178 : vector<16xf32> to vector<1x1x16xf32>
        tpu.vector_store %arg6[%swap3A_1180, %swap3A_1181, %swap3A_1182], %swap3A_1185 {strides = array<i32>} : memref<4x16x512xf32, #tpu.memory_space<vmem>>, vector<1x1x16xf32>,
        %get3A_1186 = arith.constant 1 : i32
        %get3A_1187 = arith.index_cast %get3A_1186 : i32 to index
        %get3A_1188 = arith.index_cast %scan3A_747 : i32 to index
        %get3A_1189 = arith.constant 352 : index
        %get3A_1190 = tpu.vector_load %arg5[%get3A_1187, %get3A_1188, %get3A_1189] {strides = array<i32>} : memref<4x16x512xf32, #tpu.memory_space<vmem>>, vector<1x1x16xf32>,
        %get3A_1191 = vector.shape_cast %get3A_1190 : vector<1x1x16xf32> to vector<16xf32>
        %add3A_1192 = arith.constant 11 : i32
        %add3A_1193 = arith.addi %add3A_1192, %select_n3A_336 : i32
        %get3A_1194 = arith.index_cast %add3A_1193 : i32 to index
        %get3A_1195 = arith.constant 352 : index
        %get3A_1196 = tpu.vector_load %arg7[%get3A_1194, %get3A_1195] {strides = array<i32>} : memref<12x512xf32, #tpu.memory_space<vmem>>, vector<1x16xf32>,
        %get3A_1197 = vector.shape_cast %get3A_1196 : vector<1x16xf32> to vector<16xf32>
        %add3A_1198 = arith.addf %get3A_1191, %get3A_1197 : vector<16xf32>
        %swap3A_1199 = arith.constant 1 : i32
        %swap3A_1200 = arith.index_cast %swap3A_1199 : i32 to index
        %swap3A_1201 = arith.index_cast %scan3A_747 : i32 to index
        %swap3A_1202 = arith.constant 352 : index
        %swap3A_1203 = tpu.vector_load %arg6[%swap3A_1200, %swap3A_1201, %swap3A_1202] {strides = array<i32>} : memref<4x16x512xf32, #tpu.memory_space<vmem>>, vector<1x1x16xf32>,
        %swap3A_1204 = vector.shape_cast %swap3A_1203 : vector<1x1x16xf32> to vector<16xf32>
        %swap3A_1205 = vector.shape_cast %add3A_1198 : vector<16xf32> to vector<1x1x16xf32>
        tpu.vector_store %arg6[%swap3A_1200, %swap3A_1201, %swap3A_1202], %swap3A_1205 {strides = array<i32>} : memref<4x16x512xf32, #tpu.memory_space<vmem>>, vector<1x1x16xf32>,
        %get3A_1206 = arith.constant 1 : i32
        %get3A_1207 = arith.index_cast %get3A_1206 : i32 to index
        %get3A_1208 = arith.index_cast %scan3A_747 : i32 to index
        %get3A_1209 = arith.constant 368 : index
        %get3A_1210 = tpu.vector_load %arg5[%get3A_1207, %get3A_1208, %get3A_1209] {strides = array<i32>} : memref<4x16x512xf32, #tpu.memory_space<vmem>>, vector<1x1x16xf32>,
        %get3A_1211 = vector.shape_cast %get3A_1210 : vector<1x1x16xf32> to vector<16xf32>
        %add3A_1212 = arith.constant 11 : i32
        %add3A_1213 = arith.addi %add3A_1212, %select_n3A_336 : i32
        %get3A_1214 = arith.index_cast %add3A_1213 : i32 to index
        %get3A_1215 = arith.constant 368 : index
        %get3A_1216 = tpu.vector_load %arg7[%get3A_1214, %get3A_1215] {strides = array<i32>} : memref<12x512xf32, #tpu.memory_space<vmem>>, vector<1x16xf32>,
        %get3A_1217 = vector.shape_cast %get3A_1216 : vector<1x16xf32> to vector<16xf32>
        %add3A_1218 = arith.addf %get3A_1211, %get3A_1217 : vector<16xf32>
        %swap3A_1219 = arith.constant 1 : i32
        %swap3A_1220 = arith.index_cast %swap3A_1219 : i32 to index
        %swap3A_1221 = arith.index_cast %scan3A_747 : i32 to index
        %swap3A_1222 = arith.constant 368 : index
        %swap3A_1223 = tpu.vector_load %arg6[%swap3A_1220, %swap3A_1221, %swap3A_1222] {strides = array<i32>} : memref<4x16x512xf32, #tpu.memory_space<vmem>>, vector<1x1x16xf32>,
        %swap3A_1224 = vector.shape_cast %swap3A_1223 : vector<1x1x16xf32> to vector<16xf32>
        %swap3A_1225 = vector.shape_cast %add3A_1218 : vector<16xf32> to vector<1x1x16xf32>
        tpu.vector_store %arg6[%swap3A_1220, %swap3A_1221, %swap3A_1222], %swap3A_1225 {strides = array<i32>} : memref<4x16x512xf32, #tpu.memory_space<vmem>>, vector<1x1x16xf32>,
        %get3A_1226 = arith.constant 1 : i32
        %get3A_1227 = arith.index_cast %get3A_1226 : i32 to index
        %get3A_1228 = arith.index_cast %scan3A_747 : i32 to index
        %get3A_1229 = arith.constant 384 : index
        %get3A_1230 = tpu.vector_load %arg5[%get3A_1227, %get3A_1228, %get3A_1229] {strides = array<i32>} : memref<4x16x512xf32, #tpu.memory_space<vmem>>, vector<1x1x16xf32>,
        %get3A_1231 = vector.shape_cast %get3A_1230 : vector<1x1x16xf32> to vector<16xf32>
        %add3A_1232 = arith.constant 11 : i32
        %add3A_1233 = arith.addi %add3A_1232, %select_n3A_336 : i32
        %get3A_1234 = arith.index_cast %add3A_1233 : i32 to index
        %get3A_1235 = arith.constant 384 : index
        %get3A_1236 = tpu.vector_load %arg7[%get3A_1234, %get3A_1235] {strides = array<i32>} : memref<12x512xf32, #tpu.memory_space<vmem>>, vector<1x16xf32>,
        %get3A_1237 = vector.shape_cast %get3A_1236 : vector<1x16xf32> to vector<16xf32>
        %add3A_1238 = arith.addf %get3A_1231, %get3A_1237 : vector<16xf32>
        %swap3A_1239 = arith.constant 1 : i32
        %swap3A_1240 = arith.index_cast %swap3A_1239 : i32 to index
        %swap3A_1241 = arith.index_cast %scan3A_747 : i32 to index
        %swap3A_1242 = arith.constant 384 : index
        %swap3A_1243 = tpu.vector_load %arg6[%swap3A_1240, %swap3A_1241, %swap3A_1242] {strides = array<i32>} : memref<4x16x512xf32, #tpu.memory_space<vmem>>, vector<1x1x16xf32>,
        %swap3A_1244 = vector.shape_cast %swap3A_1243 : vector<1x1x16xf32> to vector<16xf32>
        %swap3A_1245 = vector.shape_cast %add3A_1238 : vector<16xf32> to vector<1x1x16xf32>
        tpu.vector_store %arg6[%swap3A_1240, %swap3A_1241, %swap3A_1242], %swap3A_1245 {strides = array<i32>} : memref<4x16x512xf32, #tpu.memory_space<vmem>>, vector<1x1x16xf32>,
        %get3A_1246 = arith.constant 1 : i32
        %get3A_1247 = arith.index_cast %get3A_1246 : i32 to index
        %get3A_1248 = arith.index_cast %scan3A_747 : i32 to index
        %get3A_1249 = arith.constant 400 : index
        %get3A_1250 = tpu.vector_load %arg5[%get3A_1247, %get3A_1248, %get3A_1249] {strides = array<i32>} : memref<4x16x512xf32, #tpu.memory_space<vmem>>, vector<1x1x16xf32>,
        %get3A_1251 = vector.shape_cast %get3A_1250 : vector<1x1x16xf32> to vector<16xf32>
        %add3A_1252 = arith.constant 11 : i32
        %add3A_1253 = arith.addi %add3A_1252, %select_n3A_336 : i32
        %get3A_1254 = arith.index_cast %add3A_1253 : i32 to index
        %get3A_1255 = arith.constant 400 : index
        %get3A_1256 = tpu.vector_load %arg7[%get3A_1254, %get3A_1255] {strides = array<i32>} : memref<12x512xf32, #tpu.memory_space<vmem>>, vector<1x16xf32>,
        %get3A_1257 = vector.shape_cast %get3A_1256 : vector<1x16xf32> to vector<16xf32>
        %add3A_1258 = arith.addf %get3A_1251, %get3A_1257 : vector<16xf32>
        %swap3A_1259 = arith.constant 1 : i32
        %swap3A_1260 = arith.index_cast %swap3A_1259 : i32 to index
        %swap3A_1261 = arith.index_cast %scan3A_747 : i32 to index
        %swap3A_1262 = arith.constant 400 : index
        %swap3A_1263 = tpu.vector_load %arg6[%swap3A_1260, %swap3A_1261, %swap3A_1262] {strides = array<i32>} : memref<4x16x512xf32, #tpu.memory_space<vmem>>, vector<1x1x16xf32>,
        %swap3A_1264 = vector.shape_cast %swap3A_1263 : vector<1x1x16xf32> to vector<16xf32>
        %swap3A_1265 = vector.shape_cast %add3A_1258 : vector<16xf32> to vector<1x1x16xf32>
        tpu.vector_store %arg6[%swap3A_1260, %swap3A_1261, %swap3A_1262], %swap3A_1265 {strides = array<i32>} : memref<4x16x512xf32, #tpu.memory_space<vmem>>, vector<1x1x16xf32>,
        %get3A_1266 = arith.constant 1 : i32
        %get3A_1267 = arith.index_cast %get3A_1266 : i32 to index
        %get3A_1268 = arith.index_cast %scan3A_747 : i32 to index
        %get3A_1269 = arith.constant 416 : index
        %get3A_1270 = tpu.vector_load %arg5[%get3A_1267, %get3A_1268, %get3A_1269] {strides = array<i32>} : memref<4x16x512xf32, #tpu.memory_space<vmem>>, vector<1x1x16xf32>,
        %get3A_1271 = vector.shape_cast %get3A_1270 : vector<1x1x16xf32> to vector<16xf32>
        %add3A_1272 = arith.constant 11 : i32
        %add3A_1273 = arith.addi %add3A_1272, %select_n3A_336 : i32
        %get3A_1274 = arith.index_cast %add3A_1273 : i32 to index
        %get3A_1275 = arith.constant 416 : index
        %get3A_1276 = tpu.vector_load %arg7[%get3A_1274, %get3A_1275] {strides = array<i32>} : memref<12x512xf32, #tpu.memory_space<vmem>>, vector<1x16xf32>,
        %get3A_1277 = vector.shape_cast %get3A_1276 : vector<1x16xf32> to vector<16xf32>
        %add3A_1278 = arith.addf %get3A_1271, %get3A_1277 : vector<16xf32>
        %swap3A_1279 = arith.constant 1 : i32
        %swap3A_1280 = arith.index_cast %swap3A_1279 : i32 to index
        %swap3A_1281 = arith.index_cast %scan3A_747 : i32 to index
        %swap3A_1282 = arith.constant 416 : index
        %swap3A_1283 = tpu.vector_load %arg6[%swap3A_1280, %swap3A_1281, %swap3A_1282] {strides = array<i32>} : memref<4x16x512xf32, #tpu.memory_space<vmem>>, vector<1x1x16xf32>,
        %swap3A_1284 = vector.shape_cast %swap3A_1283 : vector<1x1x16xf32> to vector<16xf32>
        %swap3A_1285 = vector.shape_cast %add3A_1278 : vector<16xf32> to vector<1x1x16xf32>
        tpu.vector_store %arg6[%swap3A_1280, %swap3A_1281, %swap3A_1282], %swap3A_1285 {strides = array<i32>} : memref<4x16x512xf32, #tpu.memory_space<vmem>>, vector<1x1x16xf32>,
        %get3A_1286 = arith.constant 1 : i32
        %get3A_1287 = arith.index_cast %get3A_1286 : i32 to index
        %get3A_1288 = arith.index_cast %scan3A_747 : i32 to index
        %get3A_1289 = arith.constant 432 : index
        %get3A_1290 = tpu.vector_load %arg5[%get3A_1287, %get3A_1288, %get3A_1289] {strides = array<i32>} : memref<4x16x512xf32, #tpu.memory_space<vmem>>, vector<1x1x16xf32>,
        %get3A_1291 = vector.shape_cast %get3A_1290 : vector<1x1x16xf32> to vector<16xf32>
        %add3A_1292 = arith.constant 11 : i32
        %add3A_1293 = arith.addi %add3A_1292, %select_n3A_336 : i32
        %get3A_1294 = arith.index_cast %add3A_1293 : i32 to index
        %get3A_1295 = arith.constant 432 : index
        %get3A_1296 = tpu.vector_load %arg7[%get3A_1294, %get3A_1295] {strides = array<i32>} : memref<12x512xf32, #tpu.memory_space<vmem>>, vector<1x16xf32>,
        %get3A_1297 = vector.shape_cast %get3A_1296 : vector<1x16xf32> to vector<16xf32>
        %add3A_1298 = arith.addf %get3A_1291, %get3A_1297 : vector<16xf32>
        %swap3A_1299 = arith.constant 1 : i32
        %swap3A_1300 = arith.index_cast %swap3A_1299 : i32 to index
        %swap3A_1301 = arith.index_cast %scan3A_747 : i32 to index
        %swap3A_1302 = arith.constant 432 : index
        %swap3A_1303 = tpu.vector_load %arg6[%swap3A_1300, %swap3A_1301, %swap3A_1302] {strides = array<i32>} : memref<4x16x512xf32, #tpu.memory_space<vmem>>, vector<1x1x16xf32>,
        %swap3A_1304 = vector.shape_cast %swap3A_1303 : vector<1x1x16xf32> to vector<16xf32>
        %swap3A_1305 = vector.shape_cast %add3A_1298 : vector<16xf32> to vector<1x1x16xf32>
        tpu.vector_store %arg6[%swap3A_1300, %swap3A_1301, %swap3A_1302], %swap3A_1305 {strides = array<i32>} : memref<4x16x512xf32, #tpu.memory_space<vmem>>, vector<1x1x16xf32>,
        %get3A_1306 = arith.constant 1 : i32
        %get3A_1307 = arith.index_cast %get3A_1306 : i32 to index
        %get3A_1308 = arith.index_cast %scan3A_747 : i32 to index
        %get3A_1309 = arith.constant 448 : index
        %get3A_1310 = tpu.vector_load %arg5[%get3A_1307, %get3A_1308, %get3A_1309] {strides = array<i32>} : memref<4x16x512xf32, #tpu.memory_space<vmem>>, vector<1x1x16xf32>,
        %get3A_1311 = vector.shape_cast %get3A_1310 : vector<1x1x16xf32> to vector<16xf32>
        %add3A_1312 = arith.constant 11 : i32
        %add3A_1313 = arith.addi %add3A_1312, %select_n3A_336 : i32
        %get3A_1314 = arith.index_cast %add3A_1313 : i32 to index
        %get3A_1315 = arith.constant 448 : index
        %get3A_1316 = tpu.vector_load %arg7[%get3A_1314, %get3A_1315] {strides = array<i32>} : memref<12x512xf32, #tpu.memory_space<vmem>>, vector<1x16xf32>,
        %get3A_1317 = vector.shape_cast %get3A_1316 : vector<1x16xf32> to vector<16xf32>
        %add3A_1318 = arith.addf %get3A_1311, %get3A_1317 : vector<16xf32>
        %swap3A_1319 = arith.constant 1 : i32
        %swap3A_1320 = arith.index_cast %swap3A_1319 : i32 to index
        %swap3A_1321 = arith.index_cast %scan3A_747 : i32 to index
        %swap3A_1322 = arith.constant 448 : index
        %swap3A_1323 = tpu.vector_load %arg6[%swap3A_1320, %swap3A_1321, %swap3A_1322] {strides = array<i32>} : memref<4x16x512xf32, #tpu.memory_space<vmem>>, vector<1x1x16xf32>,
        %swap3A_1324 = vector.shape_cast %swap3A_1323 : vector<1x1x16xf32> to vector<16xf32>
        %swap3A_1325 = vector.shape_cast %add3A_1318 : vector<16xf32> to vector<1x1x16xf32>
        tpu.vector_store %arg6[%swap3A_1320, %swap3A_1321, %swap3A_1322], %swap3A_1325 {strides = array<i32>} : memref<4x16x512xf32, #tpu.memory_space<vmem>>, vector<1x1x16xf32>,
        %get3A_1326 = arith.constant 1 : i32
        %get3A_1327 = arith.index_cast %get3A_1326 : i32 to index
        %get3A_1328 = arith.index_cast %scan3A_747 : i32 to index
        %get3A_1329 = arith.constant 464 : index
        %get3A_1330 = tpu.vector_load %arg5[%get3A_1327, %get3A_1328, %get3A_1329] {strides = array<i32>} : memref<4x16x512xf32, #tpu.memory_space<vmem>>, vector<1x1x16xf32>,
        %get3A_1331 = vector.shape_cast %get3A_1330 : vector<1x1x16xf32> to vector<16xf32>
        %add3A_1332 = arith.constant 11 : i32
        %add3A_1333 = arith.addi %add3A_1332, %select_n3A_336 : i32
        %get3A_1334 = arith.index_cast %add3A_1333 : i32 to index
        %get3A_1335 = arith.constant 464 : index
        %get3A_1336 = tpu.vector_load %arg7[%get3A_1334, %get3A_1335] {strides = array<i32>} : memref<12x512xf32, #tpu.memory_space<vmem>>, vector<1x16xf32>,
        %get3A_1337 = vector.shape_cast %get3A_1336 : vector<1x16xf32> to vector<16xf32>
        %add3A_1338 = arith.addf %get3A_1331, %get3A_1337 : vector<16xf32>
        %swap3A_1339 = arith.constant 1 : i32
        %swap3A_1340 = arith.index_cast %swap3A_1339 : i32 to index
        %swap3A_1341 = arith.index_cast %scan3A_747 : i32 to index
        %swap3A_1342 = arith.constant 464 : index
        %swap3A_1343 = tpu.vector_load %arg6[%swap3A_1340, %swap3A_1341, %swap3A_1342] {strides = array<i32>} : memref<4x16x512xf32, #tpu.memory_space<vmem>>, vector<1x1x16xf32>,
        %swap3A_1344 = vector.shape_cast %swap3A_1343 : vector<1x1x16xf32> to vector<16xf32>
        %swap3A_1345 = vector.shape_cast %add3A_1338 : vector<16xf32> to vector<1x1x16xf32>
        tpu.vector_store %arg6[%swap3A_1340, %swap3A_1341, %swap3A_1342], %swap3A_1345 {strides = array<i32>} : memref<4x16x512xf32, #tpu.memory_space<vmem>>, vector<1x1x16xf32>,
        %get3A_1346 = arith.constant 1 : i32
        %get3A_1347 = arith.index_cast %get3A_1346 : i32 to index
        %get3A_1348 = arith.index_cast %scan3A_747 : i32 to index
        %get3A_1349 = arith.constant 480 : index
        %get3A_1350 = tpu.vector_load %arg5[%get3A_1347, %get3A_1348, %get3A_1349] {strides = array<i32>} : memref<4x16x512xf32, #tpu.memory_space<vmem>>, vector<1x1x16xf32>,
        %get3A_1351 = vector.shape_cast %get3A_1350 : vector<1x1x16xf32> to vector<16xf32>
        %add3A_1352 = arith.constant 11 : i32
        %add3A_1353 = arith.addi %add3A_1352, %select_n3A_336 : i32
        %get3A_1354 = arith.index_cast %add3A_1353 : i32 to index
        %get3A_1355 = arith.constant 480 : index
        %get3A_1356 = tpu.vector_load %arg7[%get3A_1354, %get3A_1355] {strides = array<i32>} : memref<12x512xf32, #tpu.memory_space<vmem>>, vector<1x16xf32>,
        %get3A_1357 = vector.shape_cast %get3A_1356 : vector<1x16xf32> to vector<16xf32>
        %add3A_1358 = arith.addf %get3A_1351, %get3A_1357 : vector<16xf32>
        %swap3A_1359 = arith.constant 1 : i32
        %swap3A_1360 = arith.index_cast %swap3A_1359 : i32 to index
        %swap3A_1361 = arith.index_cast %scan3A_747 : i32 to index
        %swap3A_1362 = arith.constant 480 : index
        %swap3A_1363 = tpu.vector_load %arg6[%swap3A_1360, %swap3A_1361, %swap3A_1362] {strides = array<i32>} : memref<4x16x512xf32, #tpu.memory_space<vmem>>, vector<1x1x16xf32>,
        %swap3A_1364 = vector.shape_cast %swap3A_1363 : vector<1x1x16xf32> to vector<16xf32>
        %swap3A_1365 = vector.shape_cast %add3A_1358 : vector<16xf32> to vector<1x1x16xf32>
        tpu.vector_store %arg6[%swap3A_1360, %swap3A_1361, %swap3A_1362], %swap3A_1365 {strides = array<i32>} : memref<4x16x512xf32, #tpu.memory_space<vmem>>, vector<1x1x16xf32>,
        %get3A_1366 = arith.constant 1 : i32
        %get3A_1367 = arith.index_cast %get3A_1366 : i32 to index
        %get3A_1368 = arith.index_cast %scan3A_747 : i32 to index
        %get3A_1369 = arith.constant 496 : index
        %get3A_1370 = tpu.vector_load %arg5[%get3A_1367, %get3A_1368, %get3A_1369] {strides = array<i32>} : memref<4x16x512xf32, #tpu.memory_space<vmem>>, vector<1x1x16xf32>,
        %get3A_1371 = vector.shape_cast %get3A_1370 : vector<1x1x16xf32> to vector<16xf32>
        %add3A_1372 = arith.constant 11 : i32
        %add3A_1373 = arith.addi %add3A_1372, %select_n3A_336 : i32
        %get3A_1374 = arith.index_cast %add3A_1373 : i32 to index
        %get3A_1375 = arith.constant 496 : index
        %get3A_1376 = tpu.vector_load %arg7[%get3A_1374, %get3A_1375] {strides = array<i32>} : memref<12x512xf32, #tpu.memory_space<vmem>>, vector<1x16xf32>,
        %get3A_1377 = vector.shape_cast %get3A_1376 : vector<1x16xf32> to vector<16xf32>
        %add3A_1378 = arith.addf %get3A_1371, %get3A_1377 : vector<16xf32>
        %swap3A_1379 = arith.constant 1 : i32
        %swap3A_1380 = arith.index_cast %swap3A_1379 : i32 to index
        %swap3A_1381 = arith.index_cast %scan3A_747 : i32 to index
        %swap3A_1382 = arith.constant 496 : index
        %swap3A_1383 = tpu.vector_load %arg6[%swap3A_1380, %swap3A_1381, %swap3A_1382] {strides = array<i32>} : memref<4x16x512xf32, #tpu.memory_space<vmem>>, vector<1x1x16xf32>,
        %swap3A_1384 = vector.shape_cast %swap3A_1383 : vector<1x1x16xf32> to vector<16xf32>
        %swap3A_1385 = vector.shape_cast %add3A_1378 : vector<16xf32> to vector<1x1x16xf32>
        tpu.vector_store %arg6[%swap3A_1380, %swap3A_1381, %swap3A_1382], %swap3A_1385 {strides = array<i32>} : memref<4x16x512xf32, #tpu.memory_space<vmem>>, vector<1x1x16xf32>,
      }
      %scan3A_397 = arith.constant 16 : i32
      %jit3A_398 = arith.constant 8 : i32
      %div3A_399 = arith.divsi %add3A_312, %jit3A_398 : i32
      %sign3A_400 = arith.constant 0 : i32
      %sign3A_401 = arith.cmpi sgt, %add3A_312, %sign3A_400 : i32
      %sign3A_402 = arith.extui %sign3A_401 : i1 to i32
      %sign3A_403 = arith.constant 0 : i32
      %sign3A_404 = arith.cmpi slt, %add3A_312, %sign3A_403 : i32
      %sign3A_405 = arith.extui %sign3A_404 : i1 to i32
      %sign3A_406 = arith.subi %sign3A_402, %sign3A_405 : i32
      %sign3A_407 = arith.constant 0 : i32
      %sign3A_408 = arith.cmpi sgt, %jit3A_398, %sign3A_407 : i32
      %sign3A_409 = arith.extui %sign3A_408 : i1 to i32
      %sign3A_410 = arith.constant 0 : i32
      %sign3A_411 = arith.cmpi slt, %jit3A_398, %sign3A_410 : i32
      %sign3A_412 = arith.extui %sign3A_411 : i1 to i32
      %sign3A_413 = arith.subi %sign3A_409, %sign3A_412 : i32
      %ne3A_414 = arith.cmpi ne, %sign3A_406, %sign3A_413 : i32
      %rem3A_415 = arith.remsi %add3A_312, %jit3A_398 : i32
      %ne3A_416 = arith.constant 0 : i32
      %ne3A_417 = arith.cmpi ne, %rem3A_415, %ne3A_416 : i32
      %and3A_418 = arith.andi %ne3A_414, %ne3A_417 : i1
      %sub3A_419 = arith.constant 1 : i32
      %sub3A_420 = arith.subi %div3A_399, %sub3A_419 : i32
      %select_n3A_421 = arith.select %and3A_418, %sub3A_420, %div3A_399 : i32
      %mul3A_422 = arith.constant 8 : i32
      %mul3A_423 = arith.muli %select_n3A_421, %mul3A_422 : i32
      %sub3A_424 = arith.subi %add3A_312, %mul3A_423 : i32
      %mul3A_425 = arith.constant 16 : i32
      %mul3A_426 = arith.muli %sub3A_424, %mul3A_425 : i32
      %add3A_427 = arith.addi %mul3A_2, %mul3A_426 : i32
      %add3A_428 = arith.constant 11 : i32
      %add3A_429 = arith.addi %add3A_428, %select_n3A_421 : i32
      %dma_start3A_430 = arith.constant 1 : i32
      %dma_start3A_431 = arith.constant 1 : i32
      %dma_start3A_432 = arith.constant 0 : i32
      %dma_start3A_433 = arith.constant 0 : i32
      %dma_start3A_434 = tpu.memref_slice %arg6[%dma_start3A_430, %dma_start3A_432, %dma_start3A_433] : memref<4x16x512xf32, #tpu.memory_space<vmem>> -> memref<1x16x512xf32, #tpu.memory_space<vmem>>
      %dma_start3A_435 = tpu.memref_squeeze %dma_start3A_434 : memref<1x16x512xf32, #tpu.memory_space<vmem>> -> memref<16x512xf32, #tpu.memory_space<vmem>>
      %dma_start3A_436 = arith.constant 0 : i32
      %dma_start3A_437 = tpu.memref_slice %arg4[%add3A_429, %add3A_427, %dma_start3A_436] : memref<12x4096x512xf32, #tpu.memory_space<hbm>> -> memref<1x16x512xf32, #tpu.memory_space<hbm>>
      %dma_start3A_438 = tpu.memref_squeeze %dma_start3A_437 : memref<1x16x512xf32, #tpu.memory_space<hbm>> -> memref<16x512xf32, #tpu.memory_space<hbm>>
      %dma_start3A_439 = tpu.memref_slice %arg9[%dma_start3A_431] : memref<4x!tpu.dma_semaphore, #tpu.memory_space<semaphore_mem>> -> memref<1x!tpu.dma_semaphore, #tpu.memory_space<semaphore_mem>>
      %dma_start3A_440 = tpu.memref_squeeze %dma_start3A_439 : memref<1x!tpu.dma_semaphore, #tpu.memory_space<semaphore_mem>> -> memref<!tpu.dma_semaphore, #tpu.memory_space<semaphore_mem>>
      %dma_start3A_441 = arith.constant 0 : i32
      %dma_start3A_442 = tpu.memref_slice %arg4[%add3A_429, %add3A_427, %dma_start3A_441] : memref<12x4096x512xf32, #tpu.memory_space<hbm>> -> memref<1x16x512xf32, #tpu.memory_space<hbm>>
      %dma_start3A_443 = tpu.memref_squeeze %dma_start3A_442 : memref<1x16x512xf32, #tpu.memory_space<hbm>> -> memref<16x512xf32, #tpu.memory_space<hbm>>
      %dma_start3A_444 = arith.constant 0 : i32
      %dma_start3A_445 = arith.constant 0 : i32
      %dma_start3A_446 = tpu.memref_slice %arg6[%dma_start3A_430, %dma_start3A_444, %dma_start3A_445] : memref<4x16x512xf32, #tpu.memory_space<vmem>> -> memref<1x16x512xf32, #tpu.memory_space<vmem>>
      %dma_start3A_447 = tpu.memref_squeeze %dma_start3A_446 : memref<1x16x512xf32, #tpu.memory_space<vmem>> -> memref<16x512xf32, #tpu.memory_space<vmem>>
      tpu.enqueue_dma source(%dma_start3A_447 : memref<16x512xf32, #tpu.memory_space<vmem>>) target(%dma_start3A_443 : memref<16x512xf32, #tpu.memory_space<hbm>>) target_semaphore(%dma_start3A_440 : memref<!tpu.dma_semaphore, #tpu.memory_space<semaphore_mem>>)
      %add3A_448 = arith.constant 4 : i32
      %add3A_449 = arith.addi %add3A_312, %add3A_448 : i32
      %lt3A_450 = arith.constant 8 : i32
      %lt3A_451 = arith.cmpi slt, %add3A_449, %lt3A_450 : i32
      %convert_element_type3A_452 = arith.extui %lt3A_451 : i1 to i32
      %cond3A_453 = arith.constant 0 : i32
      %cond3A_454 = arith.cmpi ne, %convert_element_type3A_452, %cond3A_453 : i32
      scf.if %cond3A_454 {
        %add3A_747 = arith.constant 4 : i32
        %add3A_748 = arith.addi %add3A_312, %add3A_747 : i32
        %jit3A_749 = arith.constant 8 : i32
        %div3A_750 = arith.divsi %add3A_748, %jit3A_749 : i32
        %sign3A_751 = arith.constant 0 : i32
        %sign3A_752 = arith.cmpi sgt, %add3A_748, %sign3A_751 : i32
        %sign3A_753 = arith.extui %sign3A_752 : i1 to i32
        %sign3A_754 = arith.constant 0 : i32
        %sign3A_755 = arith.cmpi slt, %add3A_748, %sign3A_754 : i32
        %sign3A_756 = arith.extui %sign3A_755 : i1 to i32
        %sign3A_757 = arith.subi %sign3A_753, %sign3A_756 : i32
        %sign3A_758 = arith.constant 0 : i32
        %sign3A_759 = arith.cmpi sgt, %jit3A_749, %sign3A_758 : i32
        %sign3A_760 = arith.extui %sign3A_759 : i1 to i32
        %sign3A_761 = arith.constant 0 : i32
        %sign3A_762 = arith.cmpi slt, %jit3A_749, %sign3A_761 : i32
        %sign3A_763 = arith.extui %sign3A_762 : i1 to i32
        %sign3A_764 = arith.subi %sign3A_760, %sign3A_763 : i32
        %ne3A_765 = arith.cmpi ne, %sign3A_757, %sign3A_764 : i32
        %rem3A_766 = arith.remsi %add3A_748, %jit3A_749 : i32
        %ne3A_767 = arith.constant 0 : i32
        %ne3A_768 = arith.cmpi ne, %rem3A_766, %ne3A_767 : i32
        %and3A_769 = arith.andi %ne3A_765, %ne3A_768 : i1
        %sub3A_770 = arith.constant 1 : i32
        %sub3A_771 = arith.subi %div3A_750, %sub3A_770 : i32
        %select_n3A_772 = arith.select %and3A_769, %sub3A_771, %div3A_750 : i32
        %mul3A_773 = arith.constant 8 : i32
        %mul3A_774 = arith.muli %select_n3A_772, %mul3A_773 : i32
        %sub3A_775 = arith.subi %add3A_748, %mul3A_774 : i32
        %mul3A_776 = arith.constant 16 : i32
        %mul3A_777 = arith.muli %sub3A_775, %mul3A_776 : i32
        %add3A_778 = arith.addi %mul3A_2, %mul3A_777 : i32
        %add3A_779 = arith.constant 11 : i32
        %add3A_780 = arith.addi %add3A_779, %select_n3A_772 : i32
        %dma_start3A_781 = arith.constant 1 : i32
        %dma_start3A_782 = arith.constant 1 : i32
        %dma_start3A_783 = arith.constant 0 : i32
        %dma_start3A_784 = arith.constant 0 : i32
        %dma_start3A_785 = tpu.memref_slice %arg5[%dma_start3A_781, %dma_start3A_783, %dma_start3A_784] : memref<4x16x512xf32, #tpu.memory_space<vmem>> -> memref<1x16x512xf32, #tpu.memory_space<vmem>>
        %dma_start3A_786 = tpu.memref_squeeze %dma_start3A_785 : memref<1x16x512xf32, #tpu.memory_space<vmem>> -> memref<16x512xf32, #tpu.memory_space<vmem>>
        %dma_start3A_787 = arith.constant 0 : i32
        %dma_start3A_788 = tpu.memref_slice %arg2[%add3A_780, %add3A_778, %dma_start3A_787] : memref<12x4096x512xf32, #tpu.memory_space<hbm>> -> memref<1x16x512xf32, #tpu.memory_space<hbm>>
        %dma_start3A_789 = tpu.memref_squeeze %dma_start3A_788 : memref<1x16x512xf32, #tpu.memory_space<hbm>> -> memref<16x512xf32, #tpu.memory_space<hbm>>
        %dma_start3A_790 = tpu.memref_slice %arg8[%dma_start3A_782] : memref<4x!tpu.dma_semaphore, #tpu.memory_space<semaphore_mem>> -> memref<1x!tpu.dma_semaphore, #tpu.memory_space<semaphore_mem>>
        %dma_start3A_791 = tpu.memref_squeeze %dma_start3A_790 : memref<1x!tpu.dma_semaphore, #tpu.memory_space<semaphore_mem>> -> memref<!tpu.dma_semaphore, #tpu.memory_space<semaphore_mem>>
        %dma_start3A_792 = arith.constant 0 : i32
        %dma_start3A_793 = arith.constant 0 : i32
        %dma_start3A_794 = tpu.memref_slice %arg5[%dma_start3A_781, %dma_start3A_792, %dma_start3A_793] : memref<4x16x512xf32, #tpu.memory_space<vmem>> -> memref<1x16x512xf32, #tpu.memory_space<vmem>>
        %dma_start3A_795 = tpu.memref_squeeze %dma_start3A_794 : memref<1x16x512xf32, #tpu.memory_space<vmem>> -> memref<16x512xf32, #tpu.memory_space<vmem>>
        %dma_start3A_796 = arith.constant 0 : i32
        %dma_start3A_797 = tpu.memref_slice %arg2[%add3A_780, %add3A_778, %dma_start3A_796] : memref<12x4096x512xf32, #tpu.memory_space<hbm>> -> memref<1x16x512xf32, #tpu.memory_space<hbm>>
        %dma_start3A_798 = tpu.memref_squeeze %dma_start3A_797 : memref<1x16x512xf32, #tpu.memory_space<hbm>> -> memref<16x512xf32, #tpu.memory_space<hbm>>
        tpu.enqueue_dma source(%dma_start3A_798 : memref<16x512xf32, #tpu.memory_space<hbm>>) target(%dma_start3A_795 : memref<16x512xf32, #tpu.memory_space<vmem>>) target_semaphore(%dma_start3A_791 : memref<!tpu.dma_semaphore, #tpu.memory_space<semaphore_mem>>)
      } else {
      }
      %mul3A_455 = arith.constant 4 : i32
      %mul3A_456 = arith.muli %scan3A_174, %mul3A_455 : i32
      %add3A_457 = arith.constant 2 : i32
      %add3A_458 = arith.addi %mul3A_456, %add3A_457 : i32
      %jit3A_459 = arith.constant 8 : i32
      %div3A_460 = arith.divsi %add3A_458, %jit3A_459 : i32
      %sign3A_461 = arith.constant 0 : i32
      %sign3A_462 = arith.cmpi sgt, %add3A_458, %sign3A_461 : i32
      %sign3A_463 = arith.extui %sign3A_462 : i1 to i32
      %sign3A_464 = arith.constant 0 : i32
      %sign3A_465 = arith.cmpi slt, %add3A_458, %sign3A_464 : i32
      %sign3A_466 = arith.extui %sign3A_465 : i1 to i32
      %sign3A_467 = arith.subi %sign3A_463, %sign3A_466 : i32
      %sign3A_468 = arith.constant 0 : i32
      %sign3A_469 = arith.cmpi sgt, %jit3A_459, %sign3A_468 : i32
      %sign3A_470 = arith.extui %sign3A_469 : i1 to i32
      %sign3A_471 = arith.constant 0 : i32
      %sign3A_472 = arith.cmpi slt, %jit3A_459, %sign3A_471 : i32
      %sign3A_473 = arith.extui %sign3A_472 : i1 to i32
      %sign3A_474 = arith.subi %sign3A_470, %sign3A_473 : i32
      %ne3A_475 = arith.cmpi ne, %sign3A_467, %sign3A_474 : i32
      %rem3A_476 = arith.remsi %add3A_458, %jit3A_459 : i32
      %ne3A_477 = arith.constant 0 : i32
      %ne3A_478 = arith.cmpi ne, %rem3A_476, %ne3A_477 : i32
      %and3A_479 = arith.andi %ne3A_475, %ne3A_478 : i1
      %sub3A_480 = arith.constant 1 : i32
      %sub3A_481 = arith.subi %div3A_460, %sub3A_480 : i32
      %select_n3A_482 = arith.select %and3A_479, %sub3A_481, %div3A_460 : i32
      %jit3A_483 = arith.constant 8 : i32
      %div3A_484 = arith.divsi %add3A_458, %jit3A_483 : i32
      %sign3A_485 = arith.constant 0 : i32
      %sign3A_486 = arith.cmpi sgt, %add3A_458, %sign3A_485 : i32
      %sign3A_487 = arith.extui %sign3A_486 : i1 to i32
      %sign3A_488 = arith.constant 0 : i32
      %sign3A_489 = arith.cmpi slt, %add3A_458, %sign3A_488 : i32
      %sign3A_490 = arith.extui %sign3A_489 : i1 to i32
      %sign3A_491 = arith.subi %sign3A_487, %sign3A_490 : i32
      %sign3A_492 = arith.constant 0 : i32
      %sign3A_493 = arith.cmpi sgt, %jit3A_483, %sign3A_492 : i32
      %sign3A_494 = arith.extui %sign3A_493 : i1 to i32
      %sign3A_495 = arith.constant 0 : i32
      %sign3A_496 = arith.cmpi slt, %jit3A_483, %sign3A_495 : i32
      %sign3A_497 = arith.extui %sign3A_496 : i1 to i32
      %sign3A_498 = arith.subi %sign3A_494, %sign3A_497 : i32
      %ne3A_499 = arith.cmpi ne, %sign3A_491, %sign3A_498 : i32
      %rem3A_500 = arith.remsi %add3A_458, %jit3A_483 : i32
      %ne3A_501 = arith.constant 0 : i32
      %ne3A_502 = arith.cmpi ne, %rem3A_500, %ne3A_501 : i32
      %and3A_503 = arith.andi %ne3A_499, %ne3A_502 : i1
      %sub3A_504 = arith.constant 1 : i32
      %sub3A_505 = arith.subi %div3A_484, %sub3A_504 : i32
      %select_n3A_506 = arith.select %and3A_503, %sub3A_505, %div3A_484 : i32
      %mul3A_507 = arith.constant 8 : i32
      %mul3A_508 = arith.muli %select_n3A_506, %mul3A_507 : i32
      %sub3A_509 = arith.subi %add3A_458, %mul3A_508 : i32
      %mul3A_510 = arith.constant 16 : i32
      %mul3A_511 = arith.muli %sub3A_509, %mul3A_510 : i32
      %add3A_512 = arith.addi %mul3A_2, %mul3A_511 : i32
      %add3A_513 = arith.constant 11 : i32
      %add3A_514 = arith.addi %add3A_513, %select_n3A_506 : i32
      %dma_wait3A_515 = arith.constant 2 : i32
      %dma_wait3A_516 = arith.constant 2 : i32
      %dma_wait3A_517 = arith.constant 0 : i32
      %dma_wait3A_518 = arith.constant 0 : i32
      %dma_wait3A_519 = tpu.memref_slice %arg5[%dma_wait3A_515, %dma_wait3A_517, %dma_wait3A_518] : memref<4x16x512xf32, #tpu.memory_space<vmem>> -> memref<1x16x512xf32, #tpu.memory_space<vmem>>
      %dma_wait3A_520 = tpu.memref_squeeze %dma_wait3A_519 : memref<1x16x512xf32, #tpu.memory_space<vmem>> -> memref<16x512xf32, #tpu.memory_space<vmem>>
      %dma_wait3A_521 = arith.constant 0 : i32
      %dma_wait3A_522 = tpu.memref_slice %arg2[%add3A_514, %add3A_512, %dma_wait3A_521] : memref<12x4096x512xf32, #tpu.memory_space<hbm>> -> memref<1x16x512xf32, #tpu.memory_space<hbm>>
      %dma_wait3A_523 = tpu.memref_squeeze %dma_wait3A_522 : memref<1x16x512xf32, #tpu.memory_space<hbm>> -> memref<16x512xf32, #tpu.memory_space<hbm>>
      %dma_wait3A_524 = tpu.memref_slice %arg8[%dma_wait3A_516] : memref<4x!tpu.dma_semaphore, #tpu.memory_space<semaphore_mem>> -> memref<1x!tpu.dma_semaphore, #tpu.memory_space<semaphore_mem>>
      %dma_wait3A_525 = tpu.memref_squeeze %dma_wait3A_524 : memref<1x!tpu.dma_semaphore, #tpu.memory_space<semaphore_mem>> -> memref<!tpu.dma_semaphore, #tpu.memory_space<semaphore_mem>>
      %dma_wait3A_526 = arith.constant 0 : i32
      %dma_wait3A_527 = arith.constant 0 : i32
      %dma_wait3A_528 = tpu.memref_slice %arg5[%dma_wait3A_515, %dma_wait3A_526, %dma_wait3A_527] : memref<4x16x512xf32, #tpu.memory_space<vmem>> -> memref<1x16x512xf32, #tpu.memory_space<vmem>>
      %dma_wait3A_529 = tpu.memref_squeeze %dma_wait3A_528 : memref<1x16x512xf32, #tpu.memory_space<vmem>> -> memref<16x512xf32, #tpu.memory_space<vmem>>
      %dma_wait3A_530 = arith.constant 0 : i32
      %dma_wait3A_531 = tpu.memref_slice %arg2[%add3A_514, %add3A_512, %dma_wait3A_530] : memref<12x4096x512xf32, #tpu.memory_space<hbm>> -> memref<1x16x512xf32, #tpu.memory_space<hbm>>
      %dma_wait3A_532 = tpu.memref_squeeze %dma_wait3A_531 : memref<1x16x512xf32, #tpu.memory_space<hbm>> -> memref<16x512xf32, #tpu.memory_space<hbm>>
      tpu.wait_dma2 semaphore(%dma_wait3A_525 : memref<!tpu.dma_semaphore, #tpu.memory_space<semaphore_mem>>) src(%dma_wait3A_532 : memref<16x512xf32, #tpu.memory_space<hbm>>) dst(%dma_wait3A_529 : memref<16x512xf32, #tpu.memory_space<vmem>>)
      %ge3A_533 = arith.constant 4 : i32
      %ge3A_534 = arith.cmpi sge, %add3A_458, %ge3A_533 : i32
      %convert_element_type3A_535 = arith.extui %ge3A_534 : i1 to i32
      %cond3A_536 = arith.constant 0 : i32
      %cond3A_537 = arith.cmpi ne, %convert_element_type3A_535, %cond3A_536 : i32
      scf.if %cond3A_537 {
        %sub3A_747 = arith.constant 4 : i32
        %sub3A_748 = arith.subi %add3A_458, %sub3A_747 : i32
        %jit3A_749 = arith.constant 8 : i32
        %div3A_750 = arith.divsi %sub3A_748, %jit3A_749 : i32
        %sign3A_751 = arith.constant 0 : i32
        %sign3A_752 = arith.cmpi sgt, %sub3A_748, %sign3A_751 : i32
        %sign3A_753 = arith.extui %sign3A_752 : i1 to i32
        %sign3A_754 = arith.constant 0 : i32
        %sign3A_755 = arith.cmpi slt, %sub3A_748, %sign3A_754 : i32
        %sign3A_756 = arith.extui %sign3A_755 : i1 to i32
        %sign3A_757 = arith.subi %sign3A_753, %sign3A_756 : i32
        %sign3A_758 = arith.constant 0 : i32
        %sign3A_759 = arith.cmpi sgt, %jit3A_749, %sign3A_758 : i32
        %sign3A_760 = arith.extui %sign3A_759 : i1 to i32
        %sign3A_761 = arith.constant 0 : i32
        %sign3A_762 = arith.cmpi slt, %jit3A_749, %sign3A_761 : i32
        %sign3A_763 = arith.extui %sign3A_762 : i1 to i32
        %sign3A_764 = arith.subi %sign3A_760, %sign3A_763 : i32
        %ne3A_765 = arith.cmpi ne, %sign3A_757, %sign3A_764 : i32
        %rem3A_766 = arith.remsi %sub3A_748, %jit3A_749 : i32
        %ne3A_767 = arith.constant 0 : i32
        %ne3A_768 = arith.cmpi ne, %rem3A_766, %ne3A_767 : i32
        %and3A_769 = arith.andi %ne3A_765, %ne3A_768 : i1
        %sub3A_770 = arith.constant 1 : i32
        %sub3A_771 = arith.subi %div3A_750, %sub3A_770 : i32
        %select_n3A_772 = arith.select %and3A_769, %sub3A_771, %div3A_750 : i32
        %mul3A_773 = arith.constant 8 : i32
        %mul3A_774 = arith.muli %select_n3A_772, %mul3A_773 : i32
        %sub3A_775 = arith.subi %sub3A_748, %mul3A_774 : i32
        %mul3A_776 = arith.constant 16 : i32
        %mul3A_777 = arith.muli %sub3A_775, %mul3A_776 : i32
        %add3A_778 = arith.addi %mul3A_2, %mul3A_777 : i32
        %add3A_779 = arith.constant 11 : i32
        %add3A_780 = arith.addi %add3A_779, %select_n3A_772 : i32
        %dma_wait3A_781 = arith.constant 2 : i32
        %dma_wait3A_782 = arith.constant 2 : i32
        %dma_wait3A_783 = arith.constant 0 : i32
        %dma_wait3A_784 = arith.constant 0 : i32
        %dma_wait3A_785 = tpu.memref_slice %arg6[%dma_wait3A_781, %dma_wait3A_783, %dma_wait3A_784] : memref<4x16x512xf32, #tpu.memory_space<vmem>> -> memref<1x16x512xf32, #tpu.memory_space<vmem>>
        %dma_wait3A_786 = tpu.memref_squeeze %dma_wait3A_785 : memref<1x16x512xf32, #tpu.memory_space<vmem>> -> memref<16x512xf32, #tpu.memory_space<vmem>>
        %dma_wait3A_787 = arith.constant 0 : i32
        %dma_wait3A_788 = tpu.memref_slice %arg4[%add3A_780, %add3A_778, %dma_wait3A_787] : memref<12x4096x512xf32, #tpu.memory_space<hbm>> -> memref<1x16x512xf32, #tpu.memory_space<hbm>>
        %dma_wait3A_789 = tpu.memref_squeeze %dma_wait3A_788 : memref<1x16x512xf32, #tpu.memory_space<hbm>> -> memref<16x512xf32, #tpu.memory_space<hbm>>
        %dma_wait3A_790 = tpu.memref_slice %arg9[%dma_wait3A_782] : memref<4x!tpu.dma_semaphore, #tpu.memory_space<semaphore_mem>> -> memref<1x!tpu.dma_semaphore, #tpu.memory_space<semaphore_mem>>
        %dma_wait3A_791 = tpu.memref_squeeze %dma_wait3A_790 : memref<1x!tpu.dma_semaphore, #tpu.memory_space<semaphore_mem>> -> memref<!tpu.dma_semaphore, #tpu.memory_space<semaphore_mem>>
        %dma_wait3A_792 = arith.constant 0 : i32
        %dma_wait3A_793 = tpu.memref_slice %arg4[%add3A_780, %add3A_778, %dma_wait3A_792] : memref<12x4096x512xf32, #tpu.memory_space<hbm>> -> memref<1x16x512xf32, #tpu.memory_space<hbm>>
        %dma_wait3A_794 = tpu.memref_squeeze %dma_wait3A_793 : memref<1x16x512xf32, #tpu.memory_space<hbm>> -> memref<16x512xf32, #tpu.memory_space<hbm>>
        %dma_wait3A_795 = arith.constant 0 : i32
        %dma_wait3A_796 = arith.constant 0 : i32
        %dma_wait3A_797 = tpu.memref_slice %arg6[%dma_wait3A_781, %dma_wait3A_795, %dma_wait3A_796] : memref<4x16x512xf32, #tpu.memory_space<vmem>> -> memref<1x16x512xf32, #tpu.memory_space<vmem>>
        %dma_wait3A_798 = tpu.memref_squeeze %dma_wait3A_797 : memref<1x16x512xf32, #tpu.memory_space<vmem>> -> memref<16x512xf32, #tpu.memory_space<vmem>>
        tpu.wait_dma2 semaphore(%dma_wait3A_791 : memref<!tpu.dma_semaphore, #tpu.memory_space<semaphore_mem>>) src(%dma_wait3A_798 : memref<16x512xf32, #tpu.memory_space<vmem>>) dst(%dma_wait3A_794 : memref<16x512xf32, #tpu.memory_space<hbm>>)
      } else {
      }
      %scan3A_538 = arith.constant 0 : i32
      %scan3A_539 = arith.constant 0 : i32
      %scan3A_540 = arith.constant 16 : i32
      %scan3A_541 = arith.addi %scan3A_539, %scan3A_540 : i32
      %scan3A_542 = arith.constant 1 : i32
      scf.for %scan3A_747 = %scan3A_539 to %scan3A_541 step %scan3A_542  : i32 {
        %get3A = arith.constant 2 : i32
        %get3A_748 = arith.index_cast %get3A : i32 to index
        %get3A_749 = arith.index_cast %scan3A_747 : i32 to index
        %get3A_750 = arith.constant 0 : index
        %get3A_751 = tpu.vector_load %arg5[%get3A_748, %get3A_749, %get3A_750] {strides = array<i32>} : memref<4x16x512xf32, #tpu.memory_space<vmem>>, vector<1x1x16xf32>,
        %get3A_752 = vector.shape_cast %get3A_751 : vector<1x1x16xf32> to vector<16xf32>
        %add3A_753 = arith.constant 11 : i32
        %add3A_754 = arith.addi %add3A_753, %select_n3A_482 : i32
        %get3A_755 = arith.index_cast %add3A_754 : i32 to index
        %get3A_756 = arith.constant 0 : index
        %get3A_757 = tpu.vector_load %arg7[%get3A_755, %get3A_756] {strides = array<i32>} : memref<12x512xf32, #tpu.memory_space<vmem>>, vector<1x16xf32>,
        %get3A_758 = vector.shape_cast %get3A_757 : vector<1x16xf32> to vector<16xf32>
        %add3A_759 = arith.addf %get3A_752, %get3A_758 : vector<16xf32>
        %swap3A = arith.constant 2 : i32
        %swap3A_760 = arith.index_cast %swap3A : i32 to index
        %swap3A_761 = arith.index_cast %scan3A_747 : i32 to index
        %swap3A_762 = arith.constant 0 : index
        %swap3A_763 = tpu.vector_load %arg6[%swap3A_760, %swap3A_761, %swap3A_762] {strides = array<i32>} : memref<4x16x512xf32, #tpu.memory_space<vmem>>, vector<1x1x16xf32>,
        %swap3A_764 = vector.shape_cast %swap3A_763 : vector<1x1x16xf32> to vector<16xf32>
        %swap3A_765 = vector.shape_cast %add3A_759 : vector<16xf32> to vector<1x1x16xf32>
        tpu.vector_store %arg6[%swap3A_760, %swap3A_761, %swap3A_762], %swap3A_765 {strides = array<i32>} : memref<4x16x512xf32, #tpu.memory_space<vmem>>, vector<1x1x16xf32>,
        %get3A_766 = arith.constant 2 : i32
        %get3A_767 = arith.index_cast %get3A_766 : i32 to index
        %get3A_768 = arith.index_cast %scan3A_747 : i32 to index
        %get3A_769 = arith.constant 16 : index
        %get3A_770 = tpu.vector_load %arg5[%get3A_767, %get3A_768, %get3A_769] {strides = array<i32>} : memref<4x16x512xf32, #tpu.memory_space<vmem>>, vector<1x1x16xf32>,
        %get3A_771 = vector.shape_cast %get3A_770 : vector<1x1x16xf32> to vector<16xf32>
        %add3A_772 = arith.constant 11 : i32
        %add3A_773 = arith.addi %add3A_772, %select_n3A_482 : i32
        %get3A_774 = arith.index_cast %add3A_773 : i32 to index
        %get3A_775 = arith.constant 16 : index
        %get3A_776 = tpu.vector_load %arg7[%get3A_774, %get3A_775] {strides = array<i32>} : memref<12x512xf32, #tpu.memory_space<vmem>>, vector<1x16xf32>,
        %get3A_777 = vector.shape_cast %get3A_776 : vector<1x16xf32> to vector<16xf32>
        %add3A_778 = arith.addf %get3A_771, %get3A_777 : vector<16xf32>
        %swap3A_779 = arith.constant 2 : i32
        %swap3A_780 = arith.index_cast %swap3A_779 : i32 to index
        %swap3A_781 = arith.index_cast %scan3A_747 : i32 to index
        %swap3A_782 = arith.constant 16 : index
        %swap3A_783 = tpu.vector_load %arg6[%swap3A_780, %swap3A_781, %swap3A_782] {strides = array<i32>} : memref<4x16x512xf32, #tpu.memory_space<vmem>>, vector<1x1x16xf32>,
        %swap3A_784 = vector.shape_cast %swap3A_783 : vector<1x1x16xf32> to vector<16xf32>
        %swap3A_785 = vector.shape_cast %add3A_778 : vector<16xf32> to vector<1x1x16xf32>
        tpu.vector_store %arg6[%swap3A_780, %swap3A_781, %swap3A_782], %swap3A_785 {strides = array<i32>} : memref<4x16x512xf32, #tpu.memory_space<vmem>>, vector<1x1x16xf32>,
        %get3A_786 = arith.constant 2 : i32
        %get3A_787 = arith.index_cast %get3A_786 : i32 to index
        %get3A_788 = arith.index_cast %scan3A_747 : i32 to index
        %get3A_789 = arith.constant 32 : index
        %get3A_790 = tpu.vector_load %arg5[%get3A_787, %get3A_788, %get3A_789] {strides = array<i32>} : memref<4x16x512xf32, #tpu.memory_space<vmem>>, vector<1x1x16xf32>,
        %get3A_791 = vector.shape_cast %get3A_790 : vector<1x1x16xf32> to vector<16xf32>
        %add3A_792 = arith.constant 11 : i32
        %add3A_793 = arith.addi %add3A_792, %select_n3A_482 : i32
        %get3A_794 = arith.index_cast %add3A_793 : i32 to index
        %get3A_795 = arith.constant 32 : index
        %get3A_796 = tpu.vector_load %arg7[%get3A_794, %get3A_795] {strides = array<i32>} : memref<12x512xf32, #tpu.memory_space<vmem>>, vector<1x16xf32>,
        %get3A_797 = vector.shape_cast %get3A_796 : vector<1x16xf32> to vector<16xf32>
        %add3A_798 = arith.addf %get3A_791, %get3A_797 : vector<16xf32>
        %swap3A_799 = arith.constant 2 : i32
        %swap3A_800 = arith.index_cast %swap3A_799 : i32 to index
        %swap3A_801 = arith.index_cast %scan3A_747 : i32 to index
        %swap3A_802 = arith.constant 32 : index
        %swap3A_803 = tpu.vector_load %arg6[%swap3A_800, %swap3A_801, %swap3A_802] {strides = array<i32>} : memref<4x16x512xf32, #tpu.memory_space<vmem>>, vector<1x1x16xf32>,
        %swap3A_804 = vector.shape_cast %swap3A_803 : vector<1x1x16xf32> to vector<16xf32>
        %swap3A_805 = vector.shape_cast %add3A_798 : vector<16xf32> to vector<1x1x16xf32>
        tpu.vector_store %arg6[%swap3A_800, %swap3A_801, %swap3A_802], %swap3A_805 {strides = array<i32>} : memref<4x16x512xf32, #tpu.memory_space<vmem>>, vector<1x1x16xf32>,
        %get3A_806 = arith.constant 2 : i32
        %get3A_807 = arith.index_cast %get3A_806 : i32 to index
        %get3A_808 = arith.index_cast %scan3A_747 : i32 to index
        %get3A_809 = arith.constant 48 : index
        %get3A_810 = tpu.vector_load %arg5[%get3A_807, %get3A_808, %get3A_809] {strides = array<i32>} : memref<4x16x512xf32, #tpu.memory_space<vmem>>, vector<1x1x16xf32>,
        %get3A_811 = vector.shape_cast %get3A_810 : vector<1x1x16xf32> to vector<16xf32>
        %add3A_812 = arith.constant 11 : i32
        %add3A_813 = arith.addi %add3A_812, %select_n3A_482 : i32
        %get3A_814 = arith.index_cast %add3A_813 : i32 to index
        %get3A_815 = arith.constant 48 : index
        %get3A_816 = tpu.vector_load %arg7[%get3A_814, %get3A_815] {strides = array<i32>} : memref<12x512xf32, #tpu.memory_space<vmem>>, vector<1x16xf32>,
        %get3A_817 = vector.shape_cast %get3A_816 : vector<1x16xf32> to vector<16xf32>
        %add3A_818 = arith.addf %get3A_811, %get3A_817 : vector<16xf32>
        %swap3A_819 = arith.constant 2 : i32
        %swap3A_820 = arith.index_cast %swap3A_819 : i32 to index
        %swap3A_821 = arith.index_cast %scan3A_747 : i32 to index
        %swap3A_822 = arith.constant 48 : index
        %swap3A_823 = tpu.vector_load %arg6[%swap3A_820, %swap3A_821, %swap3A_822] {strides = array<i32>} : memref<4x16x512xf32, #tpu.memory_space<vmem>>, vector<1x1x16xf32>,
        %swap3A_824 = vector.shape_cast %swap3A_823 : vector<1x1x16xf32> to vector<16xf32>
        %swap3A_825 = vector.shape_cast %add3A_818 : vector<16xf32> to vector<1x1x16xf32>
        tpu.vector_store %arg6[%swap3A_820, %swap3A_821, %swap3A_822], %swap3A_825 {strides = array<i32>} : memref<4x16x512xf32, #tpu.memory_space<vmem>>, vector<1x1x16xf32>,
        %get3A_826 = arith.constant 2 : i32
        %get3A_827 = arith.index_cast %get3A_826 : i32 to index
        %get3A_828 = arith.index_cast %scan3A_747 : i32 to index
        %get3A_829 = arith.constant 64 : index
        %get3A_830 = tpu.vector_load %arg5[%get3A_827, %get3A_828, %get3A_829] {strides = array<i32>} : memref<4x16x512xf32, #tpu.memory_space<vmem>>, vector<1x1x16xf32>,
        %get3A_831 = vector.shape_cast %get3A_830 : vector<1x1x16xf32> to vector<16xf32>
        %add3A_832 = arith.constant 11 : i32
        %add3A_833 = arith.addi %add3A_832, %select_n3A_482 : i32
        %get3A_834 = arith.index_cast %add3A_833 : i32 to index
        %get3A_835 = arith.constant 64 : index
        %get3A_836 = tpu.vector_load %arg7[%get3A_834, %get3A_835] {strides = array<i32>} : memref<12x512xf32, #tpu.memory_space<vmem>>, vector<1x16xf32>,
        %get3A_837 = vector.shape_cast %get3A_836 : vector<1x16xf32> to vector<16xf32>
        %add3A_838 = arith.addf %get3A_831, %get3A_837 : vector<16xf32>
        %swap3A_839 = arith.constant 2 : i32
        %swap3A_840 = arith.index_cast %swap3A_839 : i32 to index
        %swap3A_841 = arith.index_cast %scan3A_747 : i32 to index
        %swap3A_842 = arith.constant 64 : index
        %swap3A_843 = tpu.vector_load %arg6[%swap3A_840, %swap3A_841, %swap3A_842] {strides = array<i32>} : memref<4x16x512xf32, #tpu.memory_space<vmem>>, vector<1x1x16xf32>,
        %swap3A_844 = vector.shape_cast %swap3A_843 : vector<1x1x16xf32> to vector<16xf32>
        %swap3A_845 = vector.shape_cast %add3A_838 : vector<16xf32> to vector<1x1x16xf32>
        tpu.vector_store %arg6[%swap3A_840, %swap3A_841, %swap3A_842], %swap3A_845 {strides = array<i32>} : memref<4x16x512xf32, #tpu.memory_space<vmem>>, vector<1x1x16xf32>,
        %get3A_846 = arith.constant 2 : i32
        %get3A_847 = arith.index_cast %get3A_846 : i32 to index
        %get3A_848 = arith.index_cast %scan3A_747 : i32 to index
        %get3A_849 = arith.constant 80 : index
        %get3A_850 = tpu.vector_load %arg5[%get3A_847, %get3A_848, %get3A_849] {strides = array<i32>} : memref<4x16x512xf32, #tpu.memory_space<vmem>>, vector<1x1x16xf32>,
        %get3A_851 = vector.shape_cast %get3A_850 : vector<1x1x16xf32> to vector<16xf32>
        %add3A_852 = arith.constant 11 : i32
        %add3A_853 = arith.addi %add3A_852, %select_n3A_482 : i32
        %get3A_854 = arith.index_cast %add3A_853 : i32 to index
        %get3A_855 = arith.constant 80 : index
        %get3A_856 = tpu.vector_load %arg7[%get3A_854, %get3A_855] {strides = array<i32>} : memref<12x512xf32, #tpu.memory_space<vmem>>, vector<1x16xf32>,
        %get3A_857 = vector.shape_cast %get3A_856 : vector<1x16xf32> to vector<16xf32>
        %add3A_858 = arith.addf %get3A_851, %get3A_857 : vector<16xf32>
        %swap3A_859 = arith.constant 2 : i32
        %swap3A_860 = arith.index_cast %swap3A_859 : i32 to index
        %swap3A_861 = arith.index_cast %scan3A_747 : i32 to index
        %swap3A_862 = arith.constant 80 : index
        %swap3A_863 = tpu.vector_load %arg6[%swap3A_860, %swap3A_861, %swap3A_862] {strides = array<i32>} : memref<4x16x512xf32, #tpu.memory_space<vmem>>, vector<1x1x16xf32>,
        %swap3A_864 = vector.shape_cast %swap3A_863 : vector<1x1x16xf32> to vector<16xf32>
        %swap3A_865 = vector.shape_cast %add3A_858 : vector<16xf32> to vector<1x1x16xf32>
        tpu.vector_store %arg6[%swap3A_860, %swap3A_861, %swap3A_862], %swap3A_865 {strides = array<i32>} : memref<4x16x512xf32, #tpu.memory_space<vmem>>, vector<1x1x16xf32>,
        %get3A_866 = arith.constant 2 : i32
        %get3A_867 = arith.index_cast %get3A_866 : i32 to index
        %get3A_868 = arith.index_cast %scan3A_747 : i32 to index
        %get3A_869 = arith.constant 96 : index
        %get3A_870 = tpu.vector_load %arg5[%get3A_867, %get3A_868, %get3A_869] {strides = array<i32>} : memref<4x16x512xf32, #tpu.memory_space<vmem>>, vector<1x1x16xf32>,
        %get3A_871 = vector.shape_cast %get3A_870 : vector<1x1x16xf32> to vector<16xf32>
        %add3A_872 = arith.constant 11 : i32
        %add3A_873 = arith.addi %add3A_872, %select_n3A_482 : i32
        %get3A_874 = arith.index_cast %add3A_873 : i32 to index
        %get3A_875 = arith.constant 96 : index
        %get3A_876 = tpu.vector_load %arg7[%get3A_874, %get3A_875] {strides = array<i32>} : memref<12x512xf32, #tpu.memory_space<vmem>>, vector<1x16xf32>,
        %get3A_877 = vector.shape_cast %get3A_876 : vector<1x16xf32> to vector<16xf32>
        %add3A_878 = arith.addf %get3A_871, %get3A_877 : vector<16xf32>
        %swap3A_879 = arith.constant 2 : i32
        %swap3A_880 = arith.index_cast %swap3A_879 : i32 to index
        %swap3A_881 = arith.index_cast %scan3A_747 : i32 to index
        %swap3A_882 = arith.constant 96 : index
        %swap3A_883 = tpu.vector_load %arg6[%swap3A_880, %swap3A_881, %swap3A_882] {strides = array<i32>} : memref<4x16x512xf32, #tpu.memory_space<vmem>>, vector<1x1x16xf32>,
        %swap3A_884 = vector.shape_cast %swap3A_883 : vector<1x1x16xf32> to vector<16xf32>
        %swap3A_885 = vector.shape_cast %add3A_878 : vector<16xf32> to vector<1x1x16xf32>
        tpu.vector_store %arg6[%swap3A_880, %swap3A_881, %swap3A_882], %swap3A_885 {strides = array<i32>} : memref<4x16x512xf32, #tpu.memory_space<vmem>>, vector<1x1x16xf32>,
        %get3A_886 = arith.constant 2 : i32
        %get3A_887 = arith.index_cast %get3A_886 : i32 to index
        %get3A_888 = arith.index_cast %scan3A_747 : i32 to index
        %get3A_889 = arith.constant 112 : index
        %get3A_890 = tpu.vector_load %arg5[%get3A_887, %get3A_888, %get3A_889] {strides = array<i32>} : memref<4x16x512xf32, #tpu.memory_space<vmem>>, vector<1x1x16xf32>,
        %get3A_891 = vector.shape_cast %get3A_890 : vector<1x1x16xf32> to vector<16xf32>
        %add3A_892 = arith.constant 11 : i32
        %add3A_893 = arith.addi %add3A_892, %select_n3A_482 : i32
        %get3A_894 = arith.index_cast %add3A_893 : i32 to index
        %get3A_895 = arith.constant 112 : index
        %get3A_896 = tpu.vector_load %arg7[%get3A_894, %get3A_895] {strides = array<i32>} : memref<12x512xf32, #tpu.memory_space<vmem>>, vector<1x16xf32>,
        %get3A_897 = vector.shape_cast %get3A_896 : vector<1x16xf32> to vector<16xf32>
        %add3A_898 = arith.addf %get3A_891, %get3A_897 : vector<16xf32>
        %swap3A_899 = arith.constant 2 : i32
        %swap3A_900 = arith.index_cast %swap3A_899 : i32 to index
        %swap3A_901 = arith.index_cast %scan3A_747 : i32 to index
        %swap3A_902 = arith.constant 112 : index
        %swap3A_903 = tpu.vector_load %arg6[%swap3A_900, %swap3A_901, %swap3A_902] {strides = array<i32>} : memref<4x16x512xf32, #tpu.memory_space<vmem>>, vector<1x1x16xf32>,
        %swap3A_904 = vector.shape_cast %swap3A_903 : vector<1x1x16xf32> to vector<16xf32>
        %swap3A_905 = vector.shape_cast %add3A_898 : vector<16xf32> to vector<1x1x16xf32>
        tpu.vector_store %arg6[%swap3A_900, %swap3A_901, %swap3A_902], %swap3A_905 {strides = array<i32>} : memref<4x16x512xf32, #tpu.memory_space<vmem>>, vector<1x1x16xf32>,
        %get3A_906 = arith.constant 2 : i32
        %get3A_907 = arith.index_cast %get3A_906 : i32 to index
        %get3A_908 = arith.index_cast %scan3A_747 : i32 to index
        %get3A_909 = arith.constant 128 : index
        %get3A_910 = tpu.vector_load %arg5[%get3A_907, %get3A_908, %get3A_909] {strides = array<i32>} : memref<4x16x512xf32, #tpu.memory_space<vmem>>, vector<1x1x16xf32>,
        %get3A_911 = vector.shape_cast %get3A_910 : vector<1x1x16xf32> to vector<16xf32>
        %add3A_912 = arith.constant 11 : i32
        %add3A_913 = arith.addi %add3A_912, %select_n3A_482 : i32
        %get3A_914 = arith.index_cast %add3A_913 : i32 to index
        %get3A_915 = arith.constant 128 : index
        %get3A_916 = tpu.vector_load %arg7[%get3A_914, %get3A_915] {strides = array<i32>} : memref<12x512xf32, #tpu.memory_space<vmem>>, vector<1x16xf32>,
        %get3A_917 = vector.shape_cast %get3A_916 : vector<1x16xf32> to vector<16xf32>
        %add3A_918 = arith.addf %get3A_911, %get3A_917 : vector<16xf32>
        %swap3A_919 = arith.constant 2 : i32
        %swap3A_920 = arith.index_cast %swap3A_919 : i32 to index
        %swap3A_921 = arith.index_cast %scan3A_747 : i32 to index
        %swap3A_922 = arith.constant 128 : index
        %swap3A_923 = tpu.vector_load %arg6[%swap3A_920, %swap3A_921, %swap3A_922] {strides = array<i32>} : memref<4x16x512xf32, #tpu.memory_space<vmem>>, vector<1x1x16xf32>,
        %swap3A_924 = vector.shape_cast %swap3A_923 : vector<1x1x16xf32> to vector<16xf32>
        %swap3A_925 = vector.shape_cast %add3A_918 : vector<16xf32> to vector<1x1x16xf32>
        tpu.vector_store %arg6[%swap3A_920, %swap3A_921, %swap3A_922], %swap3A_925 {strides = array<i32>} : memref<4x16x512xf32, #tpu.memory_space<vmem>>, vector<1x1x16xf32>,
        %get3A_926 = arith.constant 2 : i32
        %get3A_927 = arith.index_cast %get3A_926 : i32 to index
        %get3A_928 = arith.index_cast %scan3A_747 : i32 to index
        %get3A_929 = arith.constant 144 : index
        %get3A_930 = tpu.vector_load %arg5[%get3A_927, %get3A_928, %get3A_929] {strides = array<i32>} : memref<4x16x512xf32, #tpu.memory_space<vmem>>, vector<1x1x16xf32>,
        %get3A_931 = vector.shape_cast %get3A_930 : vector<1x1x16xf32> to vector<16xf32>
        %add3A_932 = arith.constant 11 : i32
        %add3A_933 = arith.addi %add3A_932, %select_n3A_482 : i32
        %get3A_934 = arith.index_cast %add3A_933 : i32 to index
        %get3A_935 = arith.constant 144 : index
        %get3A_936 = tpu.vector_load %arg7[%get3A_934, %get3A_935] {strides = array<i32>} : memref<12x512xf32, #tpu.memory_space<vmem>>, vector<1x16xf32>,
        %get3A_937 = vector.shape_cast %get3A_936 : vector<1x16xf32> to vector<16xf32>
        %add3A_938 = arith.addf %get3A_931, %get3A_937 : vector<16xf32>
        %swap3A_939 = arith.constant 2 : i32
        %swap3A_940 = arith.index_cast %swap3A_939 : i32 to index
        %swap3A_941 = arith.index_cast %scan3A_747 : i32 to index
        %swap3A_942 = arith.constant 144 : index
        %swap3A_943 = tpu.vector_load %arg6[%swap3A_940, %swap3A_941, %swap3A_942] {strides = array<i32>} : memref<4x16x512xf32, #tpu.memory_space<vmem>>, vector<1x1x16xf32>,
        %swap3A_944 = vector.shape_cast %swap3A_943 : vector<1x1x16xf32> to vector<16xf32>
        %swap3A_945 = vector.shape_cast %add3A_938 : vector<16xf32> to vector<1x1x16xf32>
        tpu.vector_store %arg6[%swap3A_940, %swap3A_941, %swap3A_942], %swap3A_945 {strides = array<i32>} : memref<4x16x512xf32, #tpu.memory_space<vmem>>, vector<1x1x16xf32>,
        %get3A_946 = arith.constant 2 : i32
        %get3A_947 = arith.index_cast %get3A_946 : i32 to index
        %get3A_948 = arith.index_cast %scan3A_747 : i32 to index
        %get3A_949 = arith.constant 160 : index
        %get3A_950 = tpu.vector_load %arg5[%get3A_947, %get3A_948, %get3A_949] {strides = array<i32>} : memref<4x16x512xf32, #tpu.memory_space<vmem>>, vector<1x1x16xf32>,
        %get3A_951 = vector.shape_cast %get3A_950 : vector<1x1x16xf32> to vector<16xf32>
        %add3A_952 = arith.constant 11 : i32
        %add3A_953 = arith.addi %add3A_952, %select_n3A_482 : i32
        %get3A_954 = arith.index_cast %add3A_953 : i32 to index
        %get3A_955 = arith.constant 160 : index
        %get3A_956 = tpu.vector_load %arg7[%get3A_954, %get3A_955] {strides = array<i32>} : memref<12x512xf32, #tpu.memory_space<vmem>>, vector<1x16xf32>,
        %get3A_957 = vector.shape_cast %get3A_956 : vector<1x16xf32> to vector<16xf32>
        %add3A_958 = arith.addf %get3A_951, %get3A_957 : vector<16xf32>
        %swap3A_959 = arith.constant 2 : i32
        %swap3A_960 = arith.index_cast %swap3A_959 : i32 to index
        %swap3A_961 = arith.index_cast %scan3A_747 : i32 to index
        %swap3A_962 = arith.constant 160 : index
        %swap3A_963 = tpu.vector_load %arg6[%swap3A_960, %swap3A_961, %swap3A_962] {strides = array<i32>} : memref<4x16x512xf32, #tpu.memory_space<vmem>>, vector<1x1x16xf32>,
        %swap3A_964 = vector.shape_cast %swap3A_963 : vector<1x1x16xf32> to vector<16xf32>
        %swap3A_965 = vector.shape_cast %add3A_958 : vector<16xf32> to vector<1x1x16xf32>
        tpu.vector_store %arg6[%swap3A_960, %swap3A_961, %swap3A_962], %swap3A_965 {strides = array<i32>} : memref<4x16x512xf32, #tpu.memory_space<vmem>>, vector<1x1x16xf32>,
        %get3A_966 = arith.constant 2 : i32
        %get3A_967 = arith.index_cast %get3A_966 : i32 to index
        %get3A_968 = arith.index_cast %scan3A_747 : i32 to index
        %get3A_969 = arith.constant 176 : index
        %get3A_970 = tpu.vector_load %arg5[%get3A_967, %get3A_968, %get3A_969] {strides = array<i32>} : memref<4x16x512xf32, #tpu.memory_space<vmem>>, vector<1x1x16xf32>,
        %get3A_971 = vector.shape_cast %get3A_970 : vector<1x1x16xf32> to vector<16xf32>
        %add3A_972 = arith.constant 11 : i32
        %add3A_973 = arith.addi %add3A_972, %select_n3A_482 : i32
        %get3A_974 = arith.index_cast %add3A_973 : i32 to index
        %get3A_975 = arith.constant 176 : index
        %get3A_976 = tpu.vector_load %arg7[%get3A_974, %get3A_975] {strides = array<i32>} : memref<12x512xf32, #tpu.memory_space<vmem>>, vector<1x16xf32>,
        %get3A_977 = vector.shape_cast %get3A_976 : vector<1x16xf32> to vector<16xf32>
        %add3A_978 = arith.addf %get3A_971, %get3A_977 : vector<16xf32>
        %swap3A_979 = arith.constant 2 : i32
        %swap3A_980 = arith.index_cast %swap3A_979 : i32 to index
        %swap3A_981 = arith.index_cast %scan3A_747 : i32 to index
        %swap3A_982 = arith.constant 176 : index
        %swap3A_983 = tpu.vector_load %arg6[%swap3A_980, %swap3A_981, %swap3A_982] {strides = array<i32>} : memref<4x16x512xf32, #tpu.memory_space<vmem>>, vector<1x1x16xf32>,
        %swap3A_984 = vector.shape_cast %swap3A_983 : vector<1x1x16xf32> to vector<16xf32>
        %swap3A_985 = vector.shape_cast %add3A_978 : vector<16xf32> to vector<1x1x16xf32>
        tpu.vector_store %arg6[%swap3A_980, %swap3A_981, %swap3A_982], %swap3A_985 {strides = array<i32>} : memref<4x16x512xf32, #tpu.memory_space<vmem>>, vector<1x1x16xf32>,
        %get3A_986 = arith.constant 2 : i32
        %get3A_987 = arith.index_cast %get3A_986 : i32 to index
        %get3A_988 = arith.index_cast %scan3A_747 : i32 to index
        %get3A_989 = arith.constant 192 : index
        %get3A_990 = tpu.vector_load %arg5[%get3A_987, %get3A_988, %get3A_989] {strides = array<i32>} : memref<4x16x512xf32, #tpu.memory_space<vmem>>, vector<1x1x16xf32>,
        %get3A_991 = vector.shape_cast %get3A_990 : vector<1x1x16xf32> to vector<16xf32>
        %add3A_992 = arith.constant 11 : i32
        %add3A_993 = arith.addi %add3A_992, %select_n3A_482 : i32
        %get3A_994 = arith.index_cast %add3A_993 : i32 to index
        %get3A_995 = arith.constant 192 : index
        %get3A_996 = tpu.vector_load %arg7[%get3A_994, %get3A_995] {strides = array<i32>} : memref<12x512xf32, #tpu.memory_space<vmem>>, vector<1x16xf32>,
        %get3A_997 = vector.shape_cast %get3A_996 : vector<1x16xf32> to vector<16xf32>
        %add3A_998 = arith.addf %get3A_991, %get3A_997 : vector<16xf32>
        %swap3A_999 = arith.constant 2 : i32
        %swap3A_1000 = arith.index_cast %swap3A_999 : i32 to index
        %swap3A_1001 = arith.index_cast %scan3A_747 : i32 to index
        %swap3A_1002 = arith.constant 192 : index
        %swap3A_1003 = tpu.vector_load %arg6[%swap3A_1000, %swap3A_1001, %swap3A_1002] {strides = array<i32>} : memref<4x16x512xf32, #tpu.memory_space<vmem>>, vector<1x1x16xf32>,
        %swap3A_1004 = vector.shape_cast %swap3A_1003 : vector<1x1x16xf32> to vector<16xf32>
        %swap3A_1005 = vector.shape_cast %add3A_998 : vector<16xf32> to vector<1x1x16xf32>
        tpu.vector_store %arg6[%swap3A_1000, %swap3A_1001, %swap3A_1002], %swap3A_1005 {strides = array<i32>} : memref<4x16x512xf32, #tpu.memory_space<vmem>>, vector<1x1x16xf32>,
        %get3A_1006 = arith.constant 2 : i32
        %get3A_1007 = arith.index_cast %get3A_1006 : i32 to index
        %get3A_1008 = arith.index_cast %scan3A_747 : i32 to index
        %get3A_1009 = arith.constant 208 : index
        %get3A_1010 = tpu.vector_load %arg5[%get3A_1007, %get3A_1008, %get3A_1009] {strides = array<i32>} : memref<4x16x512xf32, #tpu.memory_space<vmem>>, vector<1x1x16xf32>,
        %get3A_1011 = vector.shape_cast %get3A_1010 : vector<1x1x16xf32> to vector<16xf32>
        %add3A_1012 = arith.constant 11 : i32
        %add3A_1013 = arith.addi %add3A_1012, %select_n3A_482 : i32
        %get3A_1014 = arith.index_cast %add3A_1013 : i32 to index
        %get3A_1015 = arith.constant 208 : index
        %get3A_1016 = tpu.vector_load %arg7[%get3A_1014, %get3A_1015] {strides = array<i32>} : memref<12x512xf32, #tpu.memory_space<vmem>>, vector<1x16xf32>,
        %get3A_1017 = vector.shape_cast %get3A_1016 : vector<1x16xf32> to vector<16xf32>
        %add3A_1018 = arith.addf %get3A_1011, %get3A_1017 : vector<16xf32>
        %swap3A_1019 = arith.constant 2 : i32
        %swap3A_1020 = arith.index_cast %swap3A_1019 : i32 to index
        %swap3A_1021 = arith.index_cast %scan3A_747 : i32 to index
        %swap3A_1022 = arith.constant 208 : index
        %swap3A_1023 = tpu.vector_load %arg6[%swap3A_1020, %swap3A_1021, %swap3A_1022] {strides = array<i32>} : memref<4x16x512xf32, #tpu.memory_space<vmem>>, vector<1x1x16xf32>,
        %swap3A_1024 = vector.shape_cast %swap3A_1023 : vector<1x1x16xf32> to vector<16xf32>
        %swap3A_1025 = vector.shape_cast %add3A_1018 : vector<16xf32> to vector<1x1x16xf32>
        tpu.vector_store %arg6[%swap3A_1020, %swap3A_1021, %swap3A_1022], %swap3A_1025 {strides = array<i32>} : memref<4x16x512xf32, #tpu.memory_space<vmem>>, vector<1x1x16xf32>,
        %get3A_1026 = arith.constant 2 : i32
        %get3A_1027 = arith.index_cast %get3A_1026 : i32 to index
        %get3A_1028 = arith.index_cast %scan3A_747 : i32 to index
        %get3A_1029 = arith.constant 224 : index
        %get3A_1030 = tpu.vector_load %arg5[%get3A_1027, %get3A_1028, %get3A_1029] {strides = array<i32>} : memref<4x16x512xf32, #tpu.memory_space<vmem>>, vector<1x1x16xf32>,
        %get3A_1031 = vector.shape_cast %get3A_1030 : vector<1x1x16xf32> to vector<16xf32>
        %add3A_1032 = arith.constant 11 : i32
        %add3A_1033 = arith.addi %add3A_1032, %select_n3A_482 : i32
        %get3A_1034 = arith.index_cast %add3A_1033 : i32 to index
        %get3A_1035 = arith.constant 224 : index
        %get3A_1036 = tpu.vector_load %arg7[%get3A_1034, %get3A_1035] {strides = array<i32>} : memref<12x512xf32, #tpu.memory_space<vmem>>, vector<1x16xf32>,
        %get3A_1037 = vector.shape_cast %get3A_1036 : vector<1x16xf32> to vector<16xf32>
        %add3A_1038 = arith.addf %get3A_1031, %get3A_1037 : vector<16xf32>
        %swap3A_1039 = arith.constant 2 : i32
        %swap3A_1040 = arith.index_cast %swap3A_1039 : i32 to index
        %swap3A_1041 = arith.index_cast %scan3A_747 : i32 to index
        %swap3A_1042 = arith.constant 224 : index
        %swap3A_1043 = tpu.vector_load %arg6[%swap3A_1040, %swap3A_1041, %swap3A_1042] {strides = array<i32>} : memref<4x16x512xf32, #tpu.memory_space<vmem>>, vector<1x1x16xf32>,
        %swap3A_1044 = vector.shape_cast %swap3A_1043 : vector<1x1x16xf32> to vector<16xf32>
        %swap3A_1045 = vector.shape_cast %add3A_1038 : vector<16xf32> to vector<1x1x16xf32>
        tpu.vector_store %arg6[%swap3A_1040, %swap3A_1041, %swap3A_1042], %swap3A_1045 {strides = array<i32>} : memref<4x16x512xf32, #tpu.memory_space<vmem>>, vector<1x1x16xf32>,
        %get3A_1046 = arith.constant 2 : i32
        %get3A_1047 = arith.index_cast %get3A_1046 : i32 to index
        %get3A_1048 = arith.index_cast %scan3A_747 : i32 to index
        %get3A_1049 = arith.constant 240 : index
        %get3A_1050 = tpu.vector_load %arg5[%get3A_1047, %get3A_1048, %get3A_1049] {strides = array<i32>} : memref<4x16x512xf32, #tpu.memory_space<vmem>>, vector<1x1x16xf32>,
        %get3A_1051 = vector.shape_cast %get3A_1050 : vector<1x1x16xf32> to vector<16xf32>
        %add3A_1052 = arith.constant 11 : i32
        %add3A_1053 = arith.addi %add3A_1052, %select_n3A_482 : i32
        %get3A_1054 = arith.index_cast %add3A_1053 : i32 to index
        %get3A_1055 = arith.constant 240 : index
        %get3A_1056 = tpu.vector_load %arg7[%get3A_1054, %get3A_1055] {strides = array<i32>} : memref<12x512xf32, #tpu.memory_space<vmem>>, vector<1x16xf32>,
        %get3A_1057 = vector.shape_cast %get3A_1056 : vector<1x16xf32> to vector<16xf32>
        %add3A_1058 = arith.addf %get3A_1051, %get3A_1057 : vector<16xf32>
        %swap3A_1059 = arith.constant 2 : i32
        %swap3A_1060 = arith.index_cast %swap3A_1059 : i32 to index
        %swap3A_1061 = arith.index_cast %scan3A_747 : i32 to index
        %swap3A_1062 = arith.constant 240 : index
        %swap3A_1063 = tpu.vector_load %arg6[%swap3A_1060, %swap3A_1061, %swap3A_1062] {strides = array<i32>} : memref<4x16x512xf32, #tpu.memory_space<vmem>>, vector<1x1x16xf32>,
        %swap3A_1064 = vector.shape_cast %swap3A_1063 : vector<1x1x16xf32> to vector<16xf32>
        %swap3A_1065 = vector.shape_cast %add3A_1058 : vector<16xf32> to vector<1x1x16xf32>
        tpu.vector_store %arg6[%swap3A_1060, %swap3A_1061, %swap3A_1062], %swap3A_1065 {strides = array<i32>} : memref<4x16x512xf32, #tpu.memory_space<vmem>>, vector<1x1x16xf32>,
        %get3A_1066 = arith.constant 2 : i32
        %get3A_1067 = arith.index_cast %get3A_1066 : i32 to index
        %get3A_1068 = arith.index_cast %scan3A_747 : i32 to index
        %get3A_1069 = arith.constant 256 : index
        %get3A_1070 = tpu.vector_load %arg5[%get3A_1067, %get3A_1068, %get3A_1069] {strides = array<i32>} : memref<4x16x512xf32, #tpu.memory_space<vmem>>, vector<1x1x16xf32>,
        %get3A_1071 = vector.shape_cast %get3A_1070 : vector<1x1x16xf32> to vector<16xf32>
        %add3A_1072 = arith.constant 11 : i32
        %add3A_1073 = arith.addi %add3A_1072, %select_n3A_482 : i32
        %get3A_1074 = arith.index_cast %add3A_1073 : i32 to index
        %get3A_1075 = arith.constant 256 : index
        %get3A_1076 = tpu.vector_load %arg7[%get3A_1074, %get3A_1075] {strides = array<i32>} : memref<12x512xf32, #tpu.memory_space<vmem>>, vector<1x16xf32>,
        %get3A_1077 = vector.shape_cast %get3A_1076 : vector<1x16xf32> to vector<16xf32>
        %add3A_1078 = arith.addf %get3A_1071, %get3A_1077 : vector<16xf32>
        %swap3A_1079 = arith.constant 2 : i32
        %swap3A_1080 = arith.index_cast %swap3A_1079 : i32 to index
        %swap3A_1081 = arith.index_cast %scan3A_747 : i32 to index
        %swap3A_1082 = arith.constant 256 : index
        %swap3A_1083 = tpu.vector_load %arg6[%swap3A_1080, %swap3A_1081, %swap3A_1082] {strides = array<i32>} : memref<4x16x512xf32, #tpu.memory_space<vmem>>, vector<1x1x16xf32>,
        %swap3A_1084 = vector.shape_cast %swap3A_1083 : vector<1x1x16xf32> to vector<16xf32>
        %swap3A_1085 = vector.shape_cast %add3A_1078 : vector<16xf32> to vector<1x1x16xf32>
        tpu.vector_store %arg6[%swap3A_1080, %swap3A_1081, %swap3A_1082], %swap3A_1085 {strides = array<i32>} : memref<4x16x512xf32, #tpu.memory_space<vmem>>, vector<1x1x16xf32>,
        %get3A_1086 = arith.constant 2 : i32
        %get3A_1087 = arith.index_cast %get3A_1086 : i32 to index
        %get3A_1088 = arith.index_cast %scan3A_747 : i32 to index
        %get3A_1089 = arith.constant 272 : index
        %get3A_1090 = tpu.vector_load %arg5[%get3A_1087, %get3A_1088, %get3A_1089] {strides = array<i32>} : memref<4x16x512xf32, #tpu.memory_space<vmem>>, vector<1x1x16xf32>,
        %get3A_1091 = vector.shape_cast %get3A_1090 : vector<1x1x16xf32> to vector<16xf32>
        %add3A_1092 = arith.constant 11 : i32
        %add3A_1093 = arith.addi %add3A_1092, %select_n3A_482 : i32
        %get3A_1094 = arith.index_cast %add3A_1093 : i32 to index
        %get3A_1095 = arith.constant 272 : index
        %get3A_1096 = tpu.vector_load %arg7[%get3A_1094, %get3A_1095] {strides = array<i32>} : memref<12x512xf32, #tpu.memory_space<vmem>>, vector<1x16xf32>,
        %get3A_1097 = vector.shape_cast %get3A_1096 : vector<1x16xf32> to vector<16xf32>
        %add3A_1098 = arith.addf %get3A_1091, %get3A_1097 : vector<16xf32>
        %swap3A_1099 = arith.constant 2 : i32
        %swap3A_1100 = arith.index_cast %swap3A_1099 : i32 to index
        %swap3A_1101 = arith.index_cast %scan3A_747 : i32 to index
        %swap3A_1102 = arith.constant 272 : index
        %swap3A_1103 = tpu.vector_load %arg6[%swap3A_1100, %swap3A_1101, %swap3A_1102] {strides = array<i32>} : memref<4x16x512xf32, #tpu.memory_space<vmem>>, vector<1x1x16xf32>,
        %swap3A_1104 = vector.shape_cast %swap3A_1103 : vector<1x1x16xf32> to vector<16xf32>
        %swap3A_1105 = vector.shape_cast %add3A_1098 : vector<16xf32> to vector<1x1x16xf32>
        tpu.vector_store %arg6[%swap3A_1100, %swap3A_1101, %swap3A_1102], %swap3A_1105 {strides = array<i32>} : memref<4x16x512xf32, #tpu.memory_space<vmem>>, vector<1x1x16xf32>,
        %get3A_1106 = arith.constant 2 : i32
        %get3A_1107 = arith.index_cast %get3A_1106 : i32 to index
        %get3A_1108 = arith.index_cast %scan3A_747 : i32 to index
        %get3A_1109 = arith.constant 288 : index
        %get3A_1110 = tpu.vector_load %arg5[%get3A_1107, %get3A_1108, %get3A_1109] {strides = array<i32>} : memref<4x16x512xf32, #tpu.memory_space<vmem>>, vector<1x1x16xf32>,
        %get3A_1111 = vector.shape_cast %get3A_1110 : vector<1x1x16xf32> to vector<16xf32>
        %add3A_1112 = arith.constant 11 : i32
        %add3A_1113 = arith.addi %add3A_1112, %select_n3A_482 : i32
        %get3A_1114 = arith.index_cast %add3A_1113 : i32 to index
        %get3A_1115 = arith.constant 288 : index
        %get3A_1116 = tpu.vector_load %arg7[%get3A_1114, %get3A_1115] {strides = array<i32>} : memref<12x512xf32, #tpu.memory_space<vmem>>, vector<1x16xf32>,
        %get3A_1117 = vector.shape_cast %get3A_1116 : vector<1x16xf32> to vector<16xf32>
        %add3A_1118 = arith.addf %get3A_1111, %get3A_1117 : vector<16xf32>
        %swap3A_1119 = arith.constant 2 : i32
        %swap3A_1120 = arith.index_cast %swap3A_1119 : i32 to index
        %swap3A_1121 = arith.index_cast %scan3A_747 : i32 to index
        %swap3A_1122 = arith.constant 288 : index
        %swap3A_1123 = tpu.vector_load %arg6[%swap3A_1120, %swap3A_1121, %swap3A_1122] {strides = array<i32>} : memref<4x16x512xf32, #tpu.memory_space<vmem>>, vector<1x1x16xf32>,
        %swap3A_1124 = vector.shape_cast %swap3A_1123 : vector<1x1x16xf32> to vector<16xf32>
        %swap3A_1125 = vector.shape_cast %add3A_1118 : vector<16xf32> to vector<1x1x16xf32>
        tpu.vector_store %arg6[%swap3A_1120, %swap3A_1121, %swap3A_1122], %swap3A_1125 {strides = array<i32>} : memref<4x16x512xf32, #tpu.memory_space<vmem>>, vector<1x1x16xf32>,
        %get3A_1126 = arith.constant 2 : i32
        %get3A_1127 = arith.index_cast %get3A_1126 : i32 to index
        %get3A_1128 = arith.index_cast %scan3A_747 : i32 to index
        %get3A_1129 = arith.constant 304 : index
        %get3A_1130 = tpu.vector_load %arg5[%get3A_1127, %get3A_1128, %get3A_1129] {strides = array<i32>} : memref<4x16x512xf32, #tpu.memory_space<vmem>>, vector<1x1x16xf32>,
        %get3A_1131 = vector.shape_cast %get3A_1130 : vector<1x1x16xf32> to vector<16xf32>
        %add3A_1132 = arith.constant 11 : i32
        %add3A_1133 = arith.addi %add3A_1132, %select_n3A_482 : i32
        %get3A_1134 = arith.index_cast %add3A_1133 : i32 to index
        %get3A_1135 = arith.constant 304 : index
        %get3A_1136 = tpu.vector_load %arg7[%get3A_1134, %get3A_1135] {strides = array<i32>} : memref<12x512xf32, #tpu.memory_space<vmem>>, vector<1x16xf32>,
        %get3A_1137 = vector.shape_cast %get3A_1136 : vector<1x16xf32> to vector<16xf32>
        %add3A_1138 = arith.addf %get3A_1131, %get3A_1137 : vector<16xf32>
        %swap3A_1139 = arith.constant 2 : i32
        %swap3A_1140 = arith.index_cast %swap3A_1139 : i32 to index
        %swap3A_1141 = arith.index_cast %scan3A_747 : i32 to index
        %swap3A_1142 = arith.constant 304 : index
        %swap3A_1143 = tpu.vector_load %arg6[%swap3A_1140, %swap3A_1141, %swap3A_1142] {strides = array<i32>} : memref<4x16x512xf32, #tpu.memory_space<vmem>>, vector<1x1x16xf32>,
        %swap3A_1144 = vector.shape_cast %swap3A_1143 : vector<1x1x16xf32> to vector<16xf32>
        %swap3A_1145 = vector.shape_cast %add3A_1138 : vector<16xf32> to vector<1x1x16xf32>
        tpu.vector_store %arg6[%swap3A_1140, %swap3A_1141, %swap3A_1142], %swap3A_1145 {strides = array<i32>} : memref<4x16x512xf32, #tpu.memory_space<vmem>>, vector<1x1x16xf32>,
        %get3A_1146 = arith.constant 2 : i32
        %get3A_1147 = arith.index_cast %get3A_1146 : i32 to index
        %get3A_1148 = arith.index_cast %scan3A_747 : i32 to index
        %get3A_1149 = arith.constant 320 : index
        %get3A_1150 = tpu.vector_load %arg5[%get3A_1147, %get3A_1148, %get3A_1149] {strides = array<i32>} : memref<4x16x512xf32, #tpu.memory_space<vmem>>, vector<1x1x16xf32>,
        %get3A_1151 = vector.shape_cast %get3A_1150 : vector<1x1x16xf32> to vector<16xf32>
        %add3A_1152 = arith.constant 11 : i32
        %add3A_1153 = arith.addi %add3A_1152, %select_n3A_482 : i32
        %get3A_1154 = arith.index_cast %add3A_1153 : i32 to index
        %get3A_1155 = arith.constant 320 : index
        %get3A_1156 = tpu.vector_load %arg7[%get3A_1154, %get3A_1155] {strides = array<i32>} : memref<12x512xf32, #tpu.memory_space<vmem>>, vector<1x16xf32>,
        %get3A_1157 = vector.shape_cast %get3A_1156 : vector<1x16xf32> to vector<16xf32>
        %add3A_1158 = arith.addf %get3A_1151, %get3A_1157 : vector<16xf32>
        %swap3A_1159 = arith.constant 2 : i32
        %swap3A_1160 = arith.index_cast %swap3A_1159 : i32 to index
        %swap3A_1161 = arith.index_cast %scan3A_747 : i32 to index
        %swap3A_1162 = arith.constant 320 : index
        %swap3A_1163 = tpu.vector_load %arg6[%swap3A_1160, %swap3A_1161, %swap3A_1162] {strides = array<i32>} : memref<4x16x512xf32, #tpu.memory_space<vmem>>, vector<1x1x16xf32>,
        %swap3A_1164 = vector.shape_cast %swap3A_1163 : vector<1x1x16xf32> to vector<16xf32>
        %swap3A_1165 = vector.shape_cast %add3A_1158 : vector<16xf32> to vector<1x1x16xf32>
        tpu.vector_store %arg6[%swap3A_1160, %swap3A_1161, %swap3A_1162], %swap3A_1165 {strides = array<i32>} : memref<4x16x512xf32, #tpu.memory_space<vmem>>, vector<1x1x16xf32>,
        %get3A_1166 = arith.constant 2 : i32
        %get3A_1167 = arith.index_cast %get3A_1166 : i32 to index
        %get3A_1168 = arith.index_cast %scan3A_747 : i32 to index
        %get3A_1169 = arith.constant 336 : index
        %get3A_1170 = tpu.vector_load %arg5[%get3A_1167, %get3A_1168, %get3A_1169] {strides = array<i32>} : memref<4x16x512xf32, #tpu.memory_space<vmem>>, vector<1x1x16xf32>,
        %get3A_1171 = vector.shape_cast %get3A_1170 : vector<1x1x16xf32> to vector<16xf32>
        %add3A_1172 = arith.constant 11 : i32
        %add3A_1173 = arith.addi %add3A_1172, %select_n3A_482 : i32
        %get3A_1174 = arith.index_cast %add3A_1173 : i32 to index
        %get3A_1175 = arith.constant 336 : index
        %get3A_1176 = tpu.vector_load %arg7[%get3A_1174, %get3A_1175] {strides = array<i32>} : memref<12x512xf32, #tpu.memory_space<vmem>>, vector<1x16xf32>,
        %get3A_1177 = vector.shape_cast %get3A_1176 : vector<1x16xf32> to vector<16xf32>
        %add3A_1178 = arith.addf %get3A_1171, %get3A_1177 : vector<16xf32>
        %swap3A_1179 = arith.constant 2 : i32
        %swap3A_1180 = arith.index_cast %swap3A_1179 : i32 to index
        %swap3A_1181 = arith.index_cast %scan3A_747 : i32 to index
        %swap3A_1182 = arith.constant 336 : index
        %swap3A_1183 = tpu.vector_load %arg6[%swap3A_1180, %swap3A_1181, %swap3A_1182] {strides = array<i32>} : memref<4x16x512xf32, #tpu.memory_space<vmem>>, vector<1x1x16xf32>,
        %swap3A_1184 = vector.shape_cast %swap3A_1183 : vector<1x1x16xf32> to vector<16xf32>
        %swap3A_1185 = vector.shape_cast %add3A_1178 : vector<16xf32> to vector<1x1x16xf32>
        tpu.vector_store %arg6[%swap3A_1180, %swap3A_1181, %swap3A_1182], %swap3A_1185 {strides = array<i32>} : memref<4x16x512xf32, #tpu.memory_space<vmem>>, vector<1x1x16xf32>,
        %get3A_1186 = arith.constant 2 : i32
        %get3A_1187 = arith.index_cast %get3A_1186 : i32 to index
        %get3A_1188 = arith.index_cast %scan3A_747 : i32 to index
        %get3A_1189 = arith.constant 352 : index
        %get3A_1190 = tpu.vector_load %arg5[%get3A_1187, %get3A_1188, %get3A_1189] {strides = array<i32>} : memref<4x16x512xf32, #tpu.memory_space<vmem>>, vector<1x1x16xf32>,
        %get3A_1191 = vector.shape_cast %get3A_1190 : vector<1x1x16xf32> to vector<16xf32>
        %add3A_1192 = arith.constant 11 : i32
        %add3A_1193 = arith.addi %add3A_1192, %select_n3A_482 : i32
        %get3A_1194 = arith.index_cast %add3A_1193 : i32 to index
        %get3A_1195 = arith.constant 352 : index
        %get3A_1196 = tpu.vector_load %arg7[%get3A_1194, %get3A_1195] {strides = array<i32>} : memref<12x512xf32, #tpu.memory_space<vmem>>, vector<1x16xf32>,
        %get3A_1197 = vector.shape_cast %get3A_1196 : vector<1x16xf32> to vector<16xf32>
        %add3A_1198 = arith.addf %get3A_1191, %get3A_1197 : vector<16xf32>
        %swap3A_1199 = arith.constant 2 : i32
        %swap3A_1200 = arith.index_cast %swap3A_1199 : i32 to index
        %swap3A_1201 = arith.index_cast %scan3A_747 : i32 to index
        %swap3A_1202 = arith.constant 352 : index
        %swap3A_1203 = tpu.vector_load %arg6[%swap3A_1200, %swap3A_1201, %swap3A_1202] {strides = array<i32>} : memref<4x16x512xf32, #tpu.memory_space<vmem>>, vector<1x1x16xf32>,
        %swap3A_1204 = vector.shape_cast %swap3A_1203 : vector<1x1x16xf32> to vector<16xf32>
        %swap3A_1205 = vector.shape_cast %add3A_1198 : vector<16xf32> to vector<1x1x16xf32>
        tpu.vector_store %arg6[%swap3A_1200, %swap3A_1201, %swap3A_1202], %swap3A_1205 {strides = array<i32>} : memref<4x16x512xf32, #tpu.memory_space<vmem>>, vector<1x1x16xf32>,
        %get3A_1206 = arith.constant 2 : i32
        %get3A_1207 = arith.index_cast %get3A_1206 : i32 to index
        %get3A_1208 = arith.index_cast %scan3A_747 : i32 to index
        %get3A_1209 = arith.constant 368 : index
        %get3A_1210 = tpu.vector_load %arg5[%get3A_1207, %get3A_1208, %get3A_1209] {strides = array<i32>} : memref<4x16x512xf32, #tpu.memory_space<vmem>>, vector<1x1x16xf32>,
        %get3A_1211 = vector.shape_cast %get3A_1210 : vector<1x1x16xf32> to vector<16xf32>
        %add3A_1212 = arith.constant 11 : i32
        %add3A_1213 = arith.addi %add3A_1212, %select_n3A_482 : i32
        %get3A_1214 = arith.index_cast %add3A_1213 : i32 to index
        %get3A_1215 = arith.constant 368 : index
        %get3A_1216 = tpu.vector_load %arg7[%get3A_1214, %get3A_1215] {strides = array<i32>} : memref<12x512xf32, #tpu.memory_space<vmem>>, vector<1x16xf32>,
        %get3A_1217 = vector.shape_cast %get3A_1216 : vector<1x16xf32> to vector<16xf32>
        %add3A_1218 = arith.addf %get3A_1211, %get3A_1217 : vector<16xf32>
        %swap3A_1219 = arith.constant 2 : i32
        %swap3A_1220 = arith.index_cast %swap3A_1219 : i32 to index
        %swap3A_1221 = arith.index_cast %scan3A_747 : i32 to index
        %swap3A_1222 = arith.constant 368 : index
        %swap3A_1223 = tpu.vector_load %arg6[%swap3A_1220, %swap3A_1221, %swap3A_1222] {strides = array<i32>} : memref<4x16x512xf32, #tpu.memory_space<vmem>>, vector<1x1x16xf32>,
        %swap3A_1224 = vector.shape_cast %swap3A_1223 : vector<1x1x16xf32> to vector<16xf32>
        %swap3A_1225 = vector.shape_cast %add3A_1218 : vector<16xf32> to vector<1x1x16xf32>
        tpu.vector_store %arg6[%swap3A_1220, %swap3A_1221, %swap3A_1222], %swap3A_1225 {strides = array<i32>} : memref<4x16x512xf32, #tpu.memory_space<vmem>>, vector<1x1x16xf32>,
        %get3A_1226 = arith.constant 2 : i32
        %get3A_1227 = arith.index_cast %get3A_1226 : i32 to index
        %get3A_1228 = arith.index_cast %scan3A_747 : i32 to index
        %get3A_1229 = arith.constant 384 : index
        %get3A_1230 = tpu.vector_load %arg5[%get3A_1227, %get3A_1228, %get3A_1229] {strides = array<i32>} : memref<4x16x512xf32, #tpu.memory_space<vmem>>, vector<1x1x16xf32>,
        %get3A_1231 = vector.shape_cast %get3A_1230 : vector<1x1x16xf32> to vector<16xf32>
        %add3A_1232 = arith.constant 11 : i32
        %add3A_1233 = arith.addi %add3A_1232, %select_n3A_482 : i32
        %get3A_1234 = arith.index_cast %add3A_1233 : i32 to index
        %get3A_1235 = arith.constant 384 : index
        %get3A_1236 = tpu.vector_load %arg7[%get3A_1234, %get3A_1235] {strides = array<i32>} : memref<12x512xf32, #tpu.memory_space<vmem>>, vector<1x16xf32>,
        %get3A_1237 = vector.shape_cast %get3A_1236 : vector<1x16xf32> to vector<16xf32>
        %add3A_1238 = arith.addf %get3A_1231, %get3A_1237 : vector<16xf32>
        %swap3A_1239 = arith.constant 2 : i32
        %swap3A_1240 = arith.index_cast %swap3A_1239 : i32 to index
        %swap3A_1241 = arith.index_cast %scan3A_747 : i32 to index
        %swap3A_1242 = arith.constant 384 : index
        %swap3A_1243 = tpu.vector_load %arg6[%swap3A_1240, %swap3A_1241, %swap3A_1242] {strides = array<i32>} : memref<4x16x512xf32, #tpu.memory_space<vmem>>, vector<1x1x16xf32>,
        %swap3A_1244 = vector.shape_cast %swap3A_1243 : vector<1x1x16xf32> to vector<16xf32>
        %swap3A_1245 = vector.shape_cast %add3A_1238 : vector<16xf32> to vector<1x1x16xf32>
        tpu.vector_store %arg6[%swap3A_1240, %swap3A_1241, %swap3A_1242], %swap3A_1245 {strides = array<i32>} : memref<4x16x512xf32, #tpu.memory_space<vmem>>, vector<1x1x16xf32>,
        %get3A_1246 = arith.constant 2 : i32
        %get3A_1247 = arith.index_cast %get3A_1246 : i32 to index
        %get3A_1248 = arith.index_cast %scan3A_747 : i32 to index
        %get3A_1249 = arith.constant 400 : index
        %get3A_1250 = tpu.vector_load %arg5[%get3A_1247, %get3A_1248, %get3A_1249] {strides = array<i32>} : memref<4x16x512xf32, #tpu.memory_space<vmem>>, vector<1x1x16xf32>,
        %get3A_1251 = vector.shape_cast %get3A_1250 : vector<1x1x16xf32> to vector<16xf32>
        %add3A_1252 = arith.constant 11 : i32
        %add3A_1253 = arith.addi %add3A_1252, %select_n3A_482 : i32
        %get3A_1254 = arith.index_cast %add3A_1253 : i32 to index
        %get3A_1255 = arith.constant 400 : index
        %get3A_1256 = tpu.vector_load %arg7[%get3A_1254, %get3A_1255] {strides = array<i32>} : memref<12x512xf32, #tpu.memory_space<vmem>>, vector<1x16xf32>,
        %get3A_1257 = vector.shape_cast %get3A_1256 : vector<1x16xf32> to vector<16xf32>
        %add3A_1258 = arith.addf %get3A_1251, %get3A_1257 : vector<16xf32>
        %swap3A_1259 = arith.constant 2 : i32
        %swap3A_1260 = arith.index_cast %swap3A_1259 : i32 to index
        %swap3A_1261 = arith.index_cast %scan3A_747 : i32 to index
        %swap3A_1262 = arith.constant 400 : index
        %swap3A_1263 = tpu.vector_load %arg6[%swap3A_1260, %swap3A_1261, %swap3A_1262] {strides = array<i32>} : memref<4x16x512xf32, #tpu.memory_space<vmem>>, vector<1x1x16xf32>,
        %swap3A_1264 = vector.shape_cast %swap3A_1263 : vector<1x1x16xf32> to vector<16xf32>
        %swap3A_1265 = vector.shape_cast %add3A_1258 : vector<16xf32> to vector<1x1x16xf32>
        tpu.vector_store %arg6[%swap3A_1260, %swap3A_1261, %swap3A_1262], %swap3A_1265 {strides = array<i32>} : memref<4x16x512xf32, #tpu.memory_space<vmem>>, vector<1x1x16xf32>,
        %get3A_1266 = arith.constant 2 : i32
        %get3A_1267 = arith.index_cast %get3A_1266 : i32 to index
        %get3A_1268 = arith.index_cast %scan3A_747 : i32 to index
        %get3A_1269 = arith.constant 416 : index
        %get3A_1270 = tpu.vector_load %arg5[%get3A_1267, %get3A_1268, %get3A_1269] {strides = array<i32>} : memref<4x16x512xf32, #tpu.memory_space<vmem>>, vector<1x1x16xf32>,
        %get3A_1271 = vector.shape_cast %get3A_1270 : vector<1x1x16xf32> to vector<16xf32>
        %add3A_1272 = arith.constant 11 : i32
        %add3A_1273 = arith.addi %add3A_1272, %select_n3A_482 : i32
        %get3A_1274 = arith.index_cast %add3A_1273 : i32 to index
        %get3A_1275 = arith.constant 416 : index
        %get3A_1276 = tpu.vector_load %arg7[%get3A_1274, %get3A_1275] {strides = array<i32>} : memref<12x512xf32, #tpu.memory_space<vmem>>, vector<1x16xf32>,
        %get3A_1277 = vector.shape_cast %get3A_1276 : vector<1x16xf32> to vector<16xf32>
        %add3A_1278 = arith.addf %get3A_1271, %get3A_1277 : vector<16xf32>
        %swap3A_1279 = arith.constant 2 : i32
        %swap3A_1280 = arith.index_cast %swap3A_1279 : i32 to index
        %swap3A_1281 = arith.index_cast %scan3A_747 : i32 to index
        %swap3A_1282 = arith.constant 416 : index
        %swap3A_1283 = tpu.vector_load %arg6[%swap3A_1280, %swap3A_1281, %swap3A_1282] {strides = array<i32>} : memref<4x16x512xf32, #tpu.memory_space<vmem>>, vector<1x1x16xf32>,
        %swap3A_1284 = vector.shape_cast %swap3A_1283 : vector<1x1x16xf32> to vector<16xf32>
        %swap3A_1285 = vector.shape_cast %add3A_1278 : vector<16xf32> to vector<1x1x16xf32>
        tpu.vector_store %arg6[%swap3A_1280, %swap3A_1281, %swap3A_1282], %swap3A_1285 {strides = array<i32>} : memref<4x16x512xf32, #tpu.memory_space<vmem>>, vector<1x1x16xf32>,
        %get3A_1286 = arith.constant 2 : i32
        %get3A_1287 = arith.index_cast %get3A_1286 : i32 to index
        %get3A_1288 = arith.index_cast %scan3A_747 : i32 to index
        %get3A_1289 = arith.constant 432 : index
        %get3A_1290 = tpu.vector_load %arg5[%get3A_1287, %get3A_1288, %get3A_1289] {strides = array<i32>} : memref<4x16x512xf32, #tpu.memory_space<vmem>>, vector<1x1x16xf32>,
        %get3A_1291 = vector.shape_cast %get3A_1290 : vector<1x1x16xf32> to vector<16xf32>
        %add3A_1292 = arith.constant 11 : i32
        %add3A_1293 = arith.addi %add3A_1292, %select_n3A_482 : i32
        %get3A_1294 = arith.index_cast %add3A_1293 : i32 to index
        %get3A_1295 = arith.constant 432 : index
        %get3A_1296 = tpu.vector_load %arg7[%get3A_1294, %get3A_1295] {strides = array<i32>} : memref<12x512xf32, #tpu.memory_space<vmem>>, vector<1x16xf32>,
        %get3A_1297 = vector.shape_cast %get3A_1296 : vector<1x16xf32> to vector<16xf32>
        %add3A_1298 = arith.addf %get3A_1291, %get3A_1297 : vector<16xf32>
        %swap3A_1299 = arith.constant 2 : i32
        %swap3A_1300 = arith.index_cast %swap3A_1299 : i32 to index
        %swap3A_1301 = arith.index_cast %scan3A_747 : i32 to index
        %swap3A_1302 = arith.constant 432 : index
        %swap3A_1303 = tpu.vector_load %arg6[%swap3A_1300, %swap3A_1301, %swap3A_1302] {strides = array<i32>} : memref<4x16x512xf32, #tpu.memory_space<vmem>>, vector<1x1x16xf32>,
        %swap3A_1304 = vector.shape_cast %swap3A_1303 : vector<1x1x16xf32> to vector<16xf32>
        %swap3A_1305 = vector.shape_cast %add3A_1298 : vector<16xf32> to vector<1x1x16xf32>
        tpu.vector_store %arg6[%swap3A_1300, %swap3A_1301, %swap3A_1302], %swap3A_1305 {strides = array<i32>} : memref<4x16x512xf32, #tpu.memory_space<vmem>>, vector<1x1x16xf32>,
        %get3A_1306 = arith.constant 2 : i32
        %get3A_1307 = arith.index_cast %get3A_1306 : i32 to index
        %get3A_1308 = arith.index_cast %scan3A_747 : i32 to index
        %get3A_1309 = arith.constant 448 : index
        %get3A_1310 = tpu.vector_load %arg5[%get3A_1307, %get3A_1308, %get3A_1309] {strides = array<i32>} : memref<4x16x512xf32, #tpu.memory_space<vmem>>, vector<1x1x16xf32>,
        %get3A_1311 = vector.shape_cast %get3A_1310 : vector<1x1x16xf32> to vector<16xf32>
        %add3A_1312 = arith.constant 11 : i32
        %add3A_1313 = arith.addi %add3A_1312, %select_n3A_482 : i32
        %get3A_1314 = arith.index_cast %add3A_1313 : i32 to index
        %get3A_1315 = arith.constant 448 : index
        %get3A_1316 = tpu.vector_load %arg7[%get3A_1314, %get3A_1315] {strides = array<i32>} : memref<12x512xf32, #tpu.memory_space<vmem>>, vector<1x16xf32>,
        %get3A_1317 = vector.shape_cast %get3A_1316 : vector<1x16xf32> to vector<16xf32>
        %add3A_1318 = arith.addf %get3A_1311, %get3A_1317 : vector<16xf32>
        %swap3A_1319 = arith.constant 2 : i32
        %swap3A_1320 = arith.index_cast %swap3A_1319 : i32 to index
        %swap3A_1321 = arith.index_cast %scan3A_747 : i32 to index
        %swap3A_1322 = arith.constant 448 : index
        %swap3A_1323 = tpu.vector_load %arg6[%swap3A_1320, %swap3A_1321, %swap3A_1322] {strides = array<i32>} : memref<4x16x512xf32, #tpu.memory_space<vmem>>, vector<1x1x16xf32>,
        %swap3A_1324 = vector.shape_cast %swap3A_1323 : vector<1x1x16xf32> to vector<16xf32>
        %swap3A_1325 = vector.shape_cast %add3A_1318 : vector<16xf32> to vector<1x1x16xf32>
        tpu.vector_store %arg6[%swap3A_1320, %swap3A_1321, %swap3A_1322], %swap3A_1325 {strides = array<i32>} : memref<4x16x512xf32, #tpu.memory_space<vmem>>, vector<1x1x16xf32>,
        %get3A_1326 = arith.constant 2 : i32
        %get3A_1327 = arith.index_cast %get3A_1326 : i32 to index
        %get3A_1328 = arith.index_cast %scan3A_747 : i32 to index
        %get3A_1329 = arith.constant 464 : index
        %get3A_1330 = tpu.vector_load %arg5[%get3A_1327, %get3A_1328, %get3A_1329] {strides = array<i32>} : memref<4x16x512xf32, #tpu.memory_space<vmem>>, vector<1x1x16xf32>,
        %get3A_1331 = vector.shape_cast %get3A_1330 : vector<1x1x16xf32> to vector<16xf32>
        %add3A_1332 = arith.constant 11 : i32
        %add3A_1333 = arith.addi %add3A_1332, %select_n3A_482 : i32
        %get3A_1334 = arith.index_cast %add3A_1333 : i32 to index
        %get3A_1335 = arith.constant 464 : index
        %get3A_1336 = tpu.vector_load %arg7[%get3A_1334, %get3A_1335] {strides = array<i32>} : memref<12x512xf32, #tpu.memory_space<vmem>>, vector<1x16xf32>,
        %get3A_1337 = vector.shape_cast %get3A_1336 : vector<1x16xf32> to vector<16xf32>
        %add3A_1338 = arith.addf %get3A_1331, %get3A_1337 : vector<16xf32>
        %swap3A_1339 = arith.constant 2 : i32
        %swap3A_1340 = arith.index_cast %swap3A_1339 : i32 to index
        %swap3A_1341 = arith.index_cast %scan3A_747 : i32 to index
        %swap3A_1342 = arith.constant 464 : index
        %swap3A_1343 = tpu.vector_load %arg6[%swap3A_1340, %swap3A_1341, %swap3A_1342] {strides = array<i32>} : memref<4x16x512xf32, #tpu.memory_space<vmem>>, vector<1x1x16xf32>,
        %swap3A_1344 = vector.shape_cast %swap3A_1343 : vector<1x1x16xf32> to vector<16xf32>
        %swap3A_1345 = vector.shape_cast %add3A_1338 : vector<16xf32> to vector<1x1x16xf32>
        tpu.vector_store %arg6[%swap3A_1340, %swap3A_1341, %swap3A_1342], %swap3A_1345 {strides = array<i32>} : memref<4x16x512xf32, #tpu.memory_space<vmem>>, vector<1x1x16xf32>,
        %get3A_1346 = arith.constant 2 : i32
        %get3A_1347 = arith.index_cast %get3A_1346 : i32 to index
        %get3A_1348 = arith.index_cast %scan3A_747 : i32 to index
        %get3A_1349 = arith.constant 480 : index
        %get3A_1350 = tpu.vector_load %arg5[%get3A_1347, %get3A_1348, %get3A_1349] {strides = array<i32>} : memref<4x16x512xf32, #tpu.memory_space<vmem>>, vector<1x1x16xf32>,
        %get3A_1351 = vector.shape_cast %get3A_1350 : vector<1x1x16xf32> to vector<16xf32>
        %add3A_1352 = arith.constant 11 : i32
        %add3A_1353 = arith.addi %add3A_1352, %select_n3A_482 : i32
        %get3A_1354 = arith.index_cast %add3A_1353 : i32 to index
        %get3A_1355 = arith.constant 480 : index
        %get3A_1356 = tpu.vector_load %arg7[%get3A_1354, %get3A_1355] {strides = array<i32>} : memref<12x512xf32, #tpu.memory_space<vmem>>, vector<1x16xf32>,
        %get3A_1357 = vector.shape_cast %get3A_1356 : vector<1x16xf32> to vector<16xf32>
        %add3A_1358 = arith.addf %get3A_1351, %get3A_1357 : vector<16xf32>
        %swap3A_1359 = arith.constant 2 : i32
        %swap3A_1360 = arith.index_cast %swap3A_1359 : i32 to index
        %swap3A_1361 = arith.index_cast %scan3A_747 : i32 to index
        %swap3A_1362 = arith.constant 480 : index
        %swap3A_1363 = tpu.vector_load %arg6[%swap3A_1360, %swap3A_1361, %swap3A_1362] {strides = array<i32>} : memref<4x16x512xf32, #tpu.memory_space<vmem>>, vector<1x1x16xf32>,
        %swap3A_1364 = vector.shape_cast %swap3A_1363 : vector<1x1x16xf32> to vector<16xf32>
        %swap3A_1365 = vector.shape_cast %add3A_1358 : vector<16xf32> to vector<1x1x16xf32>
        tpu.vector_store %arg6[%swap3A_1360, %swap3A_1361, %swap3A_1362], %swap3A_1365 {strides = array<i32>} : memref<4x16x512xf32, #tpu.memory_space<vmem>>, vector<1x1x16xf32>,
        %get3A_1366 = arith.constant 2 : i32
        %get3A_1367 = arith.index_cast %get3A_1366 : i32 to index
        %get3A_1368 = arith.index_cast %scan3A_747 : i32 to index
        %get3A_1369 = arith.constant 496 : index
        %get3A_1370 = tpu.vector_load %arg5[%get3A_1367, %get3A_1368, %get3A_1369] {strides = array<i32>} : memref<4x16x512xf32, #tpu.memory_space<vmem>>, vector<1x1x16xf32>,
        %get3A_1371 = vector.shape_cast %get3A_1370 : vector<1x1x16xf32> to vector<16xf32>
        %add3A_1372 = arith.constant 11 : i32
        %add3A_1373 = arith.addi %add3A_1372, %select_n3A_482 : i32
        %get3A_1374 = arith.index_cast %add3A_1373 : i32 to index
        %get3A_1375 = arith.constant 496 : index
        %get3A_1376 = tpu.vector_load %arg7[%get3A_1374, %get3A_1375] {strides = array<i32>} : memref<12x512xf32, #tpu.memory_space<vmem>>, vector<1x16xf32>,
        %get3A_1377 = vector.shape_cast %get3A_1376 : vector<1x16xf32> to vector<16xf32>
        %add3A_1378 = arith.addf %get3A_1371, %get3A_1377 : vector<16xf32>
        %swap3A_1379 = arith.constant 2 : i32
        %swap3A_1380 = arith.index_cast %swap3A_1379 : i32 to index
        %swap3A_1381 = arith.index_cast %scan3A_747 : i32 to index
        %swap3A_1382 = arith.constant 496 : index
        %swap3A_1383 = tpu.vector_load %arg6[%swap3A_1380, %swap3A_1381, %swap3A_1382] {strides = array<i32>} : memref<4x16x512xf32, #tpu.memory_space<vmem>>, vector<1x1x16xf32>,
        %swap3A_1384 = vector.shape_cast %swap3A_1383 : vector<1x1x16xf32> to vector<16xf32>
        %swap3A_1385 = vector.shape_cast %add3A_1378 : vector<16xf32> to vector<1x1x16xf32>
        tpu.vector_store %arg6[%swap3A_1380, %swap3A_1381, %swap3A_1382], %swap3A_1385 {strides = array<i32>} : memref<4x16x512xf32, #tpu.memory_space<vmem>>, vector<1x1x16xf32>,
      }
      %scan3A_543 = arith.constant 16 : i32
      %jit3A_544 = arith.constant 8 : i32
      %div3A_545 = arith.divsi %add3A_458, %jit3A_544 : i32
      %sign3A_546 = arith.constant 0 : i32
      %sign3A_547 = arith.cmpi sgt, %add3A_458, %sign3A_546 : i32
      %sign3A_548 = arith.extui %sign3A_547 : i1 to i32
      %sign3A_549 = arith.constant 0 : i32
      %sign3A_550 = arith.cmpi slt, %add3A_458, %sign3A_549 : i32
      %sign3A_551 = arith.extui %sign3A_550 : i1 to i32
      %sign3A_552 = arith.subi %sign3A_548, %sign3A_551 : i32
      %sign3A_553 = arith.constant 0 : i32
      %sign3A_554 = arith.cmpi sgt, %jit3A_544, %sign3A_553 : i32
      %sign3A_555 = arith.extui %sign3A_554 : i1 to i32
      %sign3A_556 = arith.constant 0 : i32
      %sign3A_557 = arith.cmpi slt, %jit3A_544, %sign3A_556 : i32
      %sign3A_558 = arith.extui %sign3A_557 : i1 to i32
      %sign3A_559 = arith.subi %sign3A_555, %sign3A_558 : i32
      %ne3A_560 = arith.cmpi ne, %sign3A_552, %sign3A_559 : i32
      %rem3A_561 = arith.remsi %add3A_458, %jit3A_544 : i32
      %ne3A_562 = arith.constant 0 : i32
      %ne3A_563 = arith.cmpi ne, %rem3A_561, %ne3A_562 : i32
      %and3A_564 = arith.andi %ne3A_560, %ne3A_563 : i1
      %sub3A_565 = arith.constant 1 : i32
      %sub3A_566 = arith.subi %div3A_545, %sub3A_565 : i32
      %select_n3A_567 = arith.select %and3A_564, %sub3A_566, %div3A_545 : i32
      %mul3A_568 = arith.constant 8 : i32
      %mul3A_569 = arith.muli %select_n3A_567, %mul3A_568 : i32
      %sub3A_570 = arith.subi %add3A_458, %mul3A_569 : i32
      %mul3A_571 = arith.constant 16 : i32
      %mul3A_572 = arith.muli %sub3A_570, %mul3A_571 : i32
      %add3A_573 = arith.addi %mul3A_2, %mul3A_572 : i32
      %add3A_574 = arith.constant 11 : i32
      %add3A_575 = arith.addi %add3A_574, %select_n3A_567 : i32
      %dma_start3A_576 = arith.constant 2 : i32
      %dma_start3A_577 = arith.constant 2 : i32
      %dma_start3A_578 = arith.constant 0 : i32
      %dma_start3A_579 = arith.constant 0 : i32
      %dma_start3A_580 = tpu.memref_slice %arg6[%dma_start3A_576, %dma_start3A_578, %dma_start3A_579] : memref<4x16x512xf32, #tpu.memory_space<vmem>> -> memref<1x16x512xf32, #tpu.memory_space<vmem>>
      %dma_start3A_581 = tpu.memref_squeeze %dma_start3A_580 : memref<1x16x512xf32, #tpu.memory_space<vmem>> -> memref<16x512xf32, #tpu.memory_space<vmem>>
      %dma_start3A_582 = arith.constant 0 : i32
      %dma_start3A_583 = tpu.memref_slice %arg4[%add3A_575, %add3A_573, %dma_start3A_582] : memref<12x4096x512xf32, #tpu.memory_space<hbm>> -> memref<1x16x512xf32, #tpu.memory_space<hbm>>
      %dma_start3A_584 = tpu.memref_squeeze %dma_start3A_583 : memref<1x16x512xf32, #tpu.memory_space<hbm>> -> memref<16x512xf32, #tpu.memory_space<hbm>>
      %dma_start3A_585 = tpu.memref_slice %arg9[%dma_start3A_577] : memref<4x!tpu.dma_semaphore, #tpu.memory_space<semaphore_mem>> -> memref<1x!tpu.dma_semaphore, #tpu.memory_space<semaphore_mem>>
      %dma_start3A_586 = tpu.memref_squeeze %dma_start3A_585 : memref<1x!tpu.dma_semaphore, #tpu.memory_space<semaphore_mem>> -> memref<!tpu.dma_semaphore, #tpu.memory_space<semaphore_mem>>
      %dma_start3A_587 = arith.constant 0 : i32
      %dma_start3A_588 = tpu.memref_slice %arg4[%add3A_575, %add3A_573, %dma_start3A_587] : memref<12x4096x512xf32, #tpu.memory_space<hbm>> -> memref<1x16x512xf32, #tpu.memory_space<hbm>>
      %dma_start3A_589 = tpu.memref_squeeze %dma_start3A_588 : memref<1x16x512xf32, #tpu.memory_space<hbm>> -> memref<16x512xf32, #tpu.memory_space<hbm>>
      %dma_start3A_590 = arith.constant 0 : i32
      %dma_start3A_591 = arith.constant 0 : i32
      %dma_start3A_592 = tpu.memref_slice %arg6[%dma_start3A_576, %dma_start3A_590, %dma_start3A_591] : memref<4x16x512xf32, #tpu.memory_space<vmem>> -> memref<1x16x512xf32, #tpu.memory_space<vmem>>
      %dma_start3A_593 = tpu.memref_squeeze %dma_start3A_592 : memref<1x16x512xf32, #tpu.memory_space<vmem>> -> memref<16x512xf32, #tpu.memory_space<vmem>>
      tpu.enqueue_dma source(%dma_start3A_593 : memref<16x512xf32, #tpu.memory_space<vmem>>) target(%dma_start3A_589 : memref<16x512xf32, #tpu.memory_space<hbm>>) target_semaphore(%dma_start3A_586 : memref<!tpu.dma_semaphore, #tpu.memory_space<semaphore_mem>>)
      %add3A_594 = arith.constant 4 : i32
      %add3A_595 = arith.addi %add3A_458, %add3A_594 : i32
      %lt3A_596 = arith.constant 8 : i32
      %lt3A_597 = arith.cmpi slt, %add3A_595, %lt3A_596 : i32
      %convert_element_type3A_598 = arith.extui %lt3A_597 : i1 to i32
      %cond3A_599 = arith.constant 0 : i32
      %cond3A_600 = arith.cmpi ne, %convert_element_type3A_598, %cond3A_599 : i32
      scf.if %cond3A_600 {
        %add3A_747 = arith.constant 4 : i32
        %add3A_748 = arith.addi %add3A_458, %add3A_747 : i32
        %jit3A_749 = arith.constant 8 : i32
        %div3A_750 = arith.divsi %add3A_748, %jit3A_749 : i32
        %sign3A_751 = arith.constant 0 : i32
        %sign3A_752 = arith.cmpi sgt, %add3A_748, %sign3A_751 : i32
        %sign3A_753 = arith.extui %sign3A_752 : i1 to i32
        %sign3A_754 = arith.constant 0 : i32
        %sign3A_755 = arith.cmpi slt, %add3A_748, %sign3A_754 : i32
        %sign3A_756 = arith.extui %sign3A_755 : i1 to i32
        %sign3A_757 = arith.subi %sign3A_753, %sign3A_756 : i32
        %sign3A_758 = arith.constant 0 : i32
        %sign3A_759 = arith.cmpi sgt, %jit3A_749, %sign3A_758 : i32
        %sign3A_760 = arith.extui %sign3A_759 : i1 to i32
        %sign3A_761 = arith.constant 0 : i32
        %sign3A_762 = arith.cmpi slt, %jit3A_749, %sign3A_761 : i32
        %sign3A_763 = arith.extui %sign3A_762 : i1 to i32
        %sign3A_764 = arith.subi %sign3A_760, %sign3A_763 : i32
        %ne3A_765 = arith.cmpi ne, %sign3A_757, %sign3A_764 : i32
        %rem3A_766 = arith.remsi %add3A_748, %jit3A_749 : i32
        %ne3A_767 = arith.constant 0 : i32
        %ne3A_768 = arith.cmpi ne, %rem3A_766, %ne3A_767 : i32
        %and3A_769 = arith.andi %ne3A_765, %ne3A_768 : i1
        %sub3A_770 = arith.constant 1 : i32
        %sub3A_771 = arith.subi %div3A_750, %sub3A_770 : i32
        %select_n3A_772 = arith.select %and3A_769, %sub3A_771, %div3A_750 : i32
        %mul3A_773 = arith.constant 8 : i32
        %mul3A_774 = arith.muli %select_n3A_772, %mul3A_773 : i32
        %sub3A_775 = arith.subi %add3A_748, %mul3A_774 : i32
        %mul3A_776 = arith.constant 16 : i32
        %mul3A_777 = arith.muli %sub3A_775, %mul3A_776 : i32
        %add3A_778 = arith.addi %mul3A_2, %mul3A_777 : i32
        %add3A_779 = arith.constant 11 : i32
        %add3A_780 = arith.addi %add3A_779, %select_n3A_772 : i32
        %dma_start3A_781 = arith.constant 2 : i32
        %dma_start3A_782 = arith.constant 2 : i32
        %dma_start3A_783 = arith.constant 0 : i32
        %dma_start3A_784 = arith.constant 0 : i32
        %dma_start3A_785 = tpu.memref_slice %arg5[%dma_start3A_781, %dma_start3A_783, %dma_start3A_784] : memref<4x16x512xf32, #tpu.memory_space<vmem>> -> memref<1x16x512xf32, #tpu.memory_space<vmem>>
        %dma_start3A_786 = tpu.memref_squeeze %dma_start3A_785 : memref<1x16x512xf32, #tpu.memory_space<vmem>> -> memref<16x512xf32, #tpu.memory_space<vmem>>
        %dma_start3A_787 = arith.constant 0 : i32
        %dma_start3A_788 = tpu.memref_slice %arg2[%add3A_780, %add3A_778, %dma_start3A_787] : memref<12x4096x512xf32, #tpu.memory_space<hbm>> -> memref<1x16x512xf32, #tpu.memory_space<hbm>>
        %dma_start3A_789 = tpu.memref_squeeze %dma_start3A_788 : memref<1x16x512xf32, #tpu.memory_space<hbm>> -> memref<16x512xf32, #tpu.memory_space<hbm>>
        %dma_start3A_790 = tpu.memref_slice %arg8[%dma_start3A_782] : memref<4x!tpu.dma_semaphore, #tpu.memory_space<semaphore_mem>> -> memref<1x!tpu.dma_semaphore, #tpu.memory_space<semaphore_mem>>
        %dma_start3A_791 = tpu.memref_squeeze %dma_start3A_790 : memref<1x!tpu.dma_semaphore, #tpu.memory_space<semaphore_mem>> -> memref<!tpu.dma_semaphore, #tpu.memory_space<semaphore_mem>>
        %dma_start3A_792 = arith.constant 0 : i32
        %dma_start3A_793 = arith.constant 0 : i32
        %dma_start3A_794 = tpu.memref_slice %arg5[%dma_start3A_781, %dma_start3A_792, %dma_start3A_793] : memref<4x16x512xf32, #tpu.memory_space<vmem>> -> memref<1x16x512xf32, #tpu.memory_space<vmem>>
        %dma_start3A_795 = tpu.memref_squeeze %dma_start3A_794 : memref<1x16x512xf32, #tpu.memory_space<vmem>> -> memref<16x512xf32, #tpu.memory_space<vmem>>
        %dma_start3A_796 = arith.constant 0 : i32
        %dma_start3A_797 = tpu.memref_slice %arg2[%add3A_780, %add3A_778, %dma_start3A_796] : memref<12x4096x512xf32, #tpu.memory_space<hbm>> -> memref<1x16x512xf32, #tpu.memory_space<hbm>>
        %dma_start3A_798 = tpu.memref_squeeze %dma_start3A_797 : memref<1x16x512xf32, #tpu.memory_space<hbm>> -> memref<16x512xf32, #tpu.memory_space<hbm>>
        tpu.enqueue_dma source(%dma_start3A_798 : memref<16x512xf32, #tpu.memory_space<hbm>>) target(%dma_start3A_795 : memref<16x512xf32, #tpu.memory_space<vmem>>) target_semaphore(%dma_start3A_791 : memref<!tpu.dma_semaphore, #tpu.memory_space<semaphore_mem>>)
      } else {
      }
      %mul3A_601 = arith.constant 4 : i32
      %mul3A_602 = arith.muli %scan3A_174, %mul3A_601 : i32
      %add3A_603 = arith.constant 3 : i32
      %add3A_604 = arith.addi %mul3A_602, %add3A_603 : i32
      %jit3A_605 = arith.constant 8 : i32
      %div3A_606 = arith.divsi %add3A_604, %jit3A_605 : i32
      %sign3A_607 = arith.constant 0 : i32
      %sign3A_608 = arith.cmpi sgt, %add3A_604, %sign3A_607 : i32
      %sign3A_609 = arith.extui %sign3A_608 : i1 to i32
      %sign3A_610 = arith.constant 0 : i32
      %sign3A_611 = arith.cmpi slt, %add3A_604, %sign3A_610 : i32
      %sign3A_612 = arith.extui %sign3A_611 : i1 to i32
      %sign3A_613 = arith.subi %sign3A_609, %sign3A_612 : i32
      %sign3A_614 = arith.constant 0 : i32
      %sign3A_615 = arith.cmpi sgt, %jit3A_605, %sign3A_614 : i32
      %sign3A_616 = arith.extui %sign3A_615 : i1 to i32
      %sign3A_617 = arith.constant 0 : i32
      %sign3A_618 = arith.cmpi slt, %jit3A_605, %sign3A_617 : i32
      %sign3A_619 = arith.extui %sign3A_618 : i1 to i32
      %sign3A_620 = arith.subi %sign3A_616, %sign3A_619 : i32
      %ne3A_621 = arith.cmpi ne, %sign3A_613, %sign3A_620 : i32
      %rem3A_622 = arith.remsi %add3A_604, %jit3A_605 : i32
      %ne3A_623 = arith.constant 0 : i32
      %ne3A_624 = arith.cmpi ne, %rem3A_622, %ne3A_623 : i32
      %and3A_625 = arith.andi %ne3A_621, %ne3A_624 : i1
      %sub3A_626 = arith.constant 1 : i32
      %sub3A_627 = arith.subi %div3A_606, %sub3A_626 : i32
      %select_n3A_628 = arith.select %and3A_625, %sub3A_627, %div3A_606 : i32
      %jit3A_629 = arith.constant 8 : i32
      %div3A_630 = arith.divsi %add3A_604, %jit3A_629 : i32
      %sign3A_631 = arith.constant 0 : i32
      %sign3A_632 = arith.cmpi sgt, %add3A_604, %sign3A_631 : i32
      %sign3A_633 = arith.extui %sign3A_632 : i1 to i32
      %sign3A_634 = arith.constant 0 : i32
      %sign3A_635 = arith.cmpi slt, %add3A_604, %sign3A_634 : i32
      %sign3A_636 = arith.extui %sign3A_635 : i1 to i32
      %sign3A_637 = arith.subi %sign3A_633, %sign3A_636 : i32
      %sign3A_638 = arith.constant 0 : i32
      %sign3A_639 = arith.cmpi sgt, %jit3A_629, %sign3A_638 : i32
      %sign3A_640 = arith.extui %sign3A_639 : i1 to i32
      %sign3A_641 = arith.constant 0 : i32
      %sign3A_642 = arith.cmpi slt, %jit3A_629, %sign3A_641 : i32
      %sign3A_643 = arith.extui %sign3A_642 : i1 to i32
      %sign3A_644 = arith.subi %sign3A_640, %sign3A_643 : i32
      %ne3A_645 = arith.cmpi ne, %sign3A_637, %sign3A_644 : i32
      %rem3A_646 = arith.remsi %add3A_604, %jit3A_629 : i32
      %ne3A_647 = arith.constant 0 : i32
      %ne3A_648 = arith.cmpi ne, %rem3A_646, %ne3A_647 : i32
      %and3A_649 = arith.andi %ne3A_645, %ne3A_648 : i1
      %sub3A_650 = arith.constant 1 : i32
      %sub3A_651 = arith.subi %div3A_630, %sub3A_650 : i32
      %select_n3A_652 = arith.select %and3A_649, %sub3A_651, %div3A_630 : i32
      %mul3A_653 = arith.constant 8 : i32
      %mul3A_654 = arith.muli %select_n3A_652, %mul3A_653 : i32
      %sub3A_655 = arith.subi %add3A_604, %mul3A_654 : i32
      %mul3A_656 = arith.constant 16 : i32
      %mul3A_657 = arith.muli %sub3A_655, %mul3A_656 : i32
      %add3A_658 = arith.addi %mul3A_2, %mul3A_657 : i32
      %add3A_659 = arith.constant 11 : i32
      %add3A_660 = arith.addi %add3A_659, %select_n3A_652 : i32
      %dma_wait3A_661 = arith.constant 3 : i32
      %dma_wait3A_662 = arith.constant 3 : i32
      %dma_wait3A_663 = arith.constant 0 : i32
      %dma_wait3A_664 = arith.constant 0 : i32
      %dma_wait3A_665 = tpu.memref_slice %arg5[%dma_wait3A_661, %dma_wait3A_663, %dma_wait3A_664] : memref<4x16x512xf32, #tpu.memory_space<vmem>> -> memref<1x16x512xf32, #tpu.memory_space<vmem>>
      %dma_wait3A_666 = tpu.memref_squeeze %dma_wait3A_665 : memref<1x16x512xf32, #tpu.memory_space<vmem>> -> memref<16x512xf32, #tpu.memory_space<vmem>>
      %dma_wait3A_667 = arith.constant 0 : i32
      %dma_wait3A_668 = tpu.memref_slice %arg2[%add3A_660, %add3A_658, %dma_wait3A_667] : memref<12x4096x512xf32, #tpu.memory_space<hbm>> -> memref<1x16x512xf32, #tpu.memory_space<hbm>>
      %dma_wait3A_669 = tpu.memref_squeeze %dma_wait3A_668 : memref<1x16x512xf32, #tpu.memory_space<hbm>> -> memref<16x512xf32, #tpu.memory_space<hbm>>
      %dma_wait3A_670 = tpu.memref_slice %arg8[%dma_wait3A_662] : memref<4x!tpu.dma_semaphore, #tpu.memory_space<semaphore_mem>> -> memref<1x!tpu.dma_semaphore, #tpu.memory_space<semaphore_mem>>
      %dma_wait3A_671 = tpu.memref_squeeze %dma_wait3A_670 : memref<1x!tpu.dma_semaphore, #tpu.memory_space<semaphore_mem>> -> memref<!tpu.dma_semaphore, #tpu.memory_space<semaphore_mem>>
      %dma_wait3A_672 = arith.constant 0 : i32
      %dma_wait3A_673 = arith.constant 0 : i32
      %dma_wait3A_674 = tpu.memref_slice %arg5[%dma_wait3A_661, %dma_wait3A_672, %dma_wait3A_673] : memref<4x16x512xf32, #tpu.memory_space<vmem>> -> memref<1x16x512xf32, #tpu.memory_space<vmem>>
      %dma_wait3A_675 = tpu.memref_squeeze %dma_wait3A_674 : memref<1x16x512xf32, #tpu.memory_space<vmem>> -> memref<16x512xf32, #tpu.memory_space<vmem>>
      %dma_wait3A_676 = arith.constant 0 : i32
      %dma_wait3A_677 = tpu.memref_slice %arg2[%add3A_660, %add3A_658, %dma_wait3A_676] : memref<12x4096x512xf32, #tpu.memory_space<hbm>> -> memref<1x16x512xf32, #tpu.memory_space<hbm>>
      %dma_wait3A_678 = tpu.memref_squeeze %dma_wait3A_677 : memref<1x16x512xf32, #tpu.memory_space<hbm>> -> memref<16x512xf32, #tpu.memory_space<hbm>>
      tpu.wait_dma2 semaphore(%dma_wait3A_671 : memref<!tpu.dma_semaphore, #tpu.memory_space<semaphore_mem>>) src(%dma_wait3A_678 : memref<16x512xf32, #tpu.memory_space<hbm>>) dst(%dma_wait3A_675 : memref<16x512xf32, #tpu.memory_space<vmem>>)
      %ge3A_679 = arith.constant 4 : i32
      %ge3A_680 = arith.cmpi sge, %add3A_604, %ge3A_679 : i32
      %convert_element_type3A_681 = arith.extui %ge3A_680 : i1 to i32
      %cond3A_682 = arith.constant 0 : i32
      %cond3A_683 = arith.cmpi ne, %convert_element_type3A_681, %cond3A_682 : i32
      scf.if %cond3A_683 {
        %sub3A_747 = arith.constant 4 : i32
        %sub3A_748 = arith.subi %add3A_604, %sub3A_747 : i32
        %jit3A_749 = arith.constant 8 : i32
        %div3A_750 = arith.divsi %sub3A_748, %jit3A_749 : i32
        %sign3A_751 = arith.constant 0 : i32
        %sign3A_752 = arith.cmpi sgt, %sub3A_748, %sign3A_751 : i32
        %sign3A_753 = arith.extui %sign3A_752 : i1 to i32
        %sign3A_754 = arith.constant 0 : i32
        %sign3A_755 = arith.cmpi slt, %sub3A_748, %sign3A_754 : i32
        %sign3A_756 = arith.extui %sign3A_755 : i1 to i32
        %sign3A_757 = arith.subi %sign3A_753, %sign3A_756 : i32
        %sign3A_758 = arith.constant 0 : i32
        %sign3A_759 = arith.cmpi sgt, %jit3A_749, %sign3A_758 : i32
        %sign3A_760 = arith.extui %sign3A_759 : i1 to i32
        %sign3A_761 = arith.constant 0 : i32
        %sign3A_762 = arith.cmpi slt, %jit3A_749, %sign3A_761 : i32
        %sign3A_763 = arith.extui %sign3A_762 : i1 to i32
        %sign3A_764 = arith.subi %sign3A_760, %sign3A_763 : i32
        %ne3A_765 = arith.cmpi ne, %sign3A_757, %sign3A_764 : i32
        %rem3A_766 = arith.remsi %sub3A_748, %jit3A_749 : i32
        %ne3A_767 = arith.constant 0 : i32
        %ne3A_768 = arith.cmpi ne, %rem3A_766, %ne3A_767 : i32
        %and3A_769 = arith.andi %ne3A_765, %ne3A_768 : i1
        %sub3A_770 = arith.constant 1 : i32
        %sub3A_771 = arith.subi %div3A_750, %sub3A_770 : i32
        %select_n3A_772 = arith.select %and3A_769, %sub3A_771, %div3A_750 : i32
        %mul3A_773 = arith.constant 8 : i32
        %mul3A_774 = arith.muli %select_n3A_772, %mul3A_773 : i32
        %sub3A_775 = arith.subi %sub3A_748, %mul3A_774 : i32
        %mul3A_776 = arith.constant 16 : i32
        %mul3A_777 = arith.muli %sub3A_775, %mul3A_776 : i32
        %add3A_778 = arith.addi %mul3A_2, %mul3A_777 : i32
        %add3A_779 = arith.constant 11 : i32
        %add3A_780 = arith.addi %add3A_779, %select_n3A_772 : i32
        %dma_wait3A_781 = arith.constant 3 : i32
        %dma_wait3A_782 = arith.constant 3 : i32
        %dma_wait3A_783 = arith.constant 0 : i32
        %dma_wait3A_784 = arith.constant 0 : i32
        %dma_wait3A_785 = tpu.memref_slice %arg6[%dma_wait3A_781, %dma_wait3A_783, %dma_wait3A_784] : memref<4x16x512xf32, #tpu.memory_space<vmem>> -> memref<1x16x512xf32, #tpu.memory_space<vmem>>
        %dma_wait3A_786 = tpu.memref_squeeze %dma_wait3A_785 : memref<1x16x512xf32, #tpu.memory_space<vmem>> -> memref<16x512xf32, #tpu.memory_space<vmem>>
        %dma_wait3A_787 = arith.constant 0 : i32
        %dma_wait3A_788 = tpu.memref_slice %arg4[%add3A_780, %add3A_778, %dma_wait3A_787] : memref<12x4096x512xf32, #tpu.memory_space<hbm>> -> memref<1x16x512xf32, #tpu.memory_space<hbm>>
        %dma_wait3A_789 = tpu.memref_squeeze %dma_wait3A_788 : memref<1x16x512xf32, #tpu.memory_space<hbm>> -> memref<16x512xf32, #tpu.memory_space<hbm>>
        %dma_wait3A_790 = tpu.memref_slice %arg9[%dma_wait3A_782] : memref<4x!tpu.dma_semaphore, #tpu.memory_space<semaphore_mem>> -> memref<1x!tpu.dma_semaphore, #tpu.memory_space<semaphore_mem>>
        %dma_wait3A_791 = tpu.memref_squeeze %dma_wait3A_790 : memref<1x!tpu.dma_semaphore, #tpu.memory_space<semaphore_mem>> -> memref<!tpu.dma_semaphore, #tpu.memory_space<semaphore_mem>>
        %dma_wait3A_792 = arith.constant 0 : i32
        %dma_wait3A_793 = tpu.memref_slice %arg4[%add3A_780, %add3A_778, %dma_wait3A_792] : memref<12x4096x512xf32, #tpu.memory_space<hbm>> -> memref<1x16x512xf32, #tpu.memory_space<hbm>>
        %dma_wait3A_794 = tpu.memref_squeeze %dma_wait3A_793 : memref<1x16x512xf32, #tpu.memory_space<hbm>> -> memref<16x512xf32, #tpu.memory_space<hbm>>
        %dma_wait3A_795 = arith.constant 0 : i32
        %dma_wait3A_796 = arith.constant 0 : i32
        %dma_wait3A_797 = tpu.memref_slice %arg6[%dma_wait3A_781, %dma_wait3A_795, %dma_wait3A_796] : memref<4x16x512xf32, #tpu.memory_space<vmem>> -> memref<1x16x512xf32, #tpu.memory_space<vmem>>
        %dma_wait3A_798 = tpu.memref_squeeze %dma_wait3A_797 : memref<1x16x512xf32, #tpu.memory_space<vmem>> -> memref<16x512xf32, #tpu.memory_space<vmem>>
        tpu.wait_dma2 semaphore(%dma_wait3A_791 : memref<!tpu.dma_semaphore, #tpu.memory_space<semaphore_mem>>) src(%dma_wait3A_798 : memref<16x512xf32, #tpu.memory_space<vmem>>) dst(%dma_wait3A_794 : memref<16x512xf32, #tpu.memory_space<hbm>>)
      } else {
      }
      %scan3A_684 = arith.constant 0 : i32
      %scan3A_685 = arith.constant 0 : i32
      %scan3A_686 = arith.constant 16 : i32
      %scan3A_687 = arith.addi %scan3A_685, %scan3A_686 : i32
      %scan3A_688 = arith.constant 1 : i32
      scf.for %scan3A_747 = %scan3A_685 to %scan3A_687 step %scan3A_688  : i32 {
        %get3A = arith.constant 3 : i32
        %get3A_748 = arith.index_cast %get3A : i32 to index
        %get3A_749 = arith.index_cast %scan3A_747 : i32 to index
        %get3A_750 = arith.constant 0 : index
        %get3A_751 = tpu.vector_load %arg5[%get3A_748, %get3A_749, %get3A_750] {strides = array<i32>} : memref<4x16x512xf32, #tpu.memory_space<vmem>>, vector<1x1x16xf32>,
        %get3A_752 = vector.shape_cast %get3A_751 : vector<1x1x16xf32> to vector<16xf32>
        %add3A_753 = arith.constant 11 : i32
        %add3A_754 = arith.addi %add3A_753, %select_n3A_628 : i32
        %get3A_755 = arith.index_cast %add3A_754 : i32 to index
        %get3A_756 = arith.constant 0 : index
        %get3A_757 = tpu.vector_load %arg7[%get3A_755, %get3A_756] {strides = array<i32>} : memref<12x512xf32, #tpu.memory_space<vmem>>, vector<1x16xf32>,
        %get3A_758 = vector.shape_cast %get3A_757 : vector<1x16xf32> to vector<16xf32>
        %add3A_759 = arith.addf %get3A_752, %get3A_758 : vector<16xf32>
        %swap3A = arith.constant 3 : i32
        %swap3A_760 = arith.index_cast %swap3A : i32 to index
        %swap3A_761 = arith.index_cast %scan3A_747 : i32 to index
        %swap3A_762 = arith.constant 0 : index
        %swap3A_763 = tpu.vector_load %arg6[%swap3A_760, %swap3A_761, %swap3A_762] {strides = array<i32>} : memref<4x16x512xf32, #tpu.memory_space<vmem>>, vector<1x1x16xf32>,
        %swap3A_764 = vector.shape_cast %swap3A_763 : vector<1x1x16xf32> to vector<16xf32>
        %swap3A_765 = vector.shape_cast %add3A_759 : vector<16xf32> to vector<1x1x16xf32>
        tpu.vector_store %arg6[%swap3A_760, %swap3A_761, %swap3A_762], %swap3A_765 {strides = array<i32>} : memref<4x16x512xf32, #tpu.memory_space<vmem>>, vector<1x1x16xf32>,
        %get3A_766 = arith.constant 3 : i32
        %get3A_767 = arith.index_cast %get3A_766 : i32 to index
        %get3A_768 = arith.index_cast %scan3A_747 : i32 to index
        %get3A_769 = arith.constant 16 : index
        %get3A_770 = tpu.vector_load %arg5[%get3A_767, %get3A_768, %get3A_769] {strides = array<i32>} : memref<4x16x512xf32, #tpu.memory_space<vmem>>, vector<1x1x16xf32>,
        %get3A_771 = vector.shape_cast %get3A_770 : vector<1x1x16xf32> to vector<16xf32>
        %add3A_772 = arith.constant 11 : i32
        %add3A_773 = arith.addi %add3A_772, %select_n3A_628 : i32
        %get3A_774 = arith.index_cast %add3A_773 : i32 to index
        %get3A_775 = arith.constant 16 : index
        %get3A_776 = tpu.vector_load %arg7[%get3A_774, %get3A_775] {strides = array<i32>} : memref<12x512xf32, #tpu.memory_space<vmem>>, vector<1x16xf32>,
        %get3A_777 = vector.shape_cast %get3A_776 : vector<1x16xf32> to vector<16xf32>
        %add3A_778 = arith.addf %get3A_771, %get3A_777 : vector<16xf32>
        %swap3A_779 = arith.constant 3 : i32
        %swap3A_780 = arith.index_cast %swap3A_779 : i32 to index
        %swap3A_781 = arith.index_cast %scan3A_747 : i32 to index
        %swap3A_782 = arith.constant 16 : index
        %swap3A_783 = tpu.vector_load %arg6[%swap3A_780, %swap3A_781, %swap3A_782] {strides = array<i32>} : memref<4x16x512xf32, #tpu.memory_space<vmem>>, vector<1x1x16xf32>,
        %swap3A_784 = vector.shape_cast %swap3A_783 : vector<1x1x16xf32> to vector<16xf32>
        %swap3A_785 = vector.shape_cast %add3A_778 : vector<16xf32> to vector<1x1x16xf32>
        tpu.vector_store %arg6[%swap3A_780, %swap3A_781, %swap3A_782], %swap3A_785 {strides = array<i32>} : memref<4x16x512xf32, #tpu.memory_space<vmem>>, vector<1x1x16xf32>,
        %get3A_786 = arith.constant 3 : i32
        %get3A_787 = arith.index_cast %get3A_786 : i32 to index
        %get3A_788 = arith.index_cast %scan3A_747 : i32 to index
        %get3A_789 = arith.constant 32 : index
        %get3A_790 = tpu.vector_load %arg5[%get3A_787, %get3A_788, %get3A_789] {strides = array<i32>} : memref<4x16x512xf32, #tpu.memory_space<vmem>>, vector<1x1x16xf32>,
        %get3A_791 = vector.shape_cast %get3A_790 : vector<1x1x16xf32> to vector<16xf32>
        %add3A_792 = arith.constant 11 : i32
        %add3A_793 = arith.addi %add3A_792, %select_n3A_628 : i32
        %get3A_794 = arith.index_cast %add3A_793 : i32 to index
        %get3A_795 = arith.constant 32 : index
        %get3A_796 = tpu.vector_load %arg7[%get3A_794, %get3A_795] {strides = array<i32>} : memref<12x512xf32, #tpu.memory_space<vmem>>, vector<1x16xf32>,
        %get3A_797 = vector.shape_cast %get3A_796 : vector<1x16xf32> to vector<16xf32>
        %add3A_798 = arith.addf %get3A_791, %get3A_797 : vector<16xf32>
        %swap3A_799 = arith.constant 3 : i32
        %swap3A_800 = arith.index_cast %swap3A_799 : i32 to index
        %swap3A_801 = arith.index_cast %scan3A_747 : i32 to index
        %swap3A_802 = arith.constant 32 : index
        %swap3A_803 = tpu.vector_load %arg6[%swap3A_800, %swap3A_801, %swap3A_802] {strides = array<i32>} : memref<4x16x512xf32, #tpu.memory_space<vmem>>, vector<1x1x16xf32>,
        %swap3A_804 = vector.shape_cast %swap3A_803 : vector<1x1x16xf32> to vector<16xf32>
        %swap3A_805 = vector.shape_cast %add3A_798 : vector<16xf32> to vector<1x1x16xf32>
        tpu.vector_store %arg6[%swap3A_800, %swap3A_801, %swap3A_802], %swap3A_805 {strides = array<i32>} : memref<4x16x512xf32, #tpu.memory_space<vmem>>, vector<1x1x16xf32>,
        %get3A_806 = arith.constant 3 : i32
        %get3A_807 = arith.index_cast %get3A_806 : i32 to index
        %get3A_808 = arith.index_cast %scan3A_747 : i32 to index
        %get3A_809 = arith.constant 48 : index
        %get3A_810 = tpu.vector_load %arg5[%get3A_807, %get3A_808, %get3A_809] {strides = array<i32>} : memref<4x16x512xf32, #tpu.memory_space<vmem>>, vector<1x1x16xf32>,
        %get3A_811 = vector.shape_cast %get3A_810 : vector<1x1x16xf32> to vector<16xf32>
        %add3A_812 = arith.constant 11 : i32
        %add3A_813 = arith.addi %add3A_812, %select_n3A_628 : i32
        %get3A_814 = arith.index_cast %add3A_813 : i32 to index
        %get3A_815 = arith.constant 48 : index
        %get3A_816 = tpu.vector_load %arg7[%get3A_814, %get3A_815] {strides = array<i32>} : memref<12x512xf32, #tpu.memory_space<vmem>>, vector<1x16xf32>,
        %get3A_817 = vector.shape_cast %get3A_816 : vector<1x16xf32> to vector<16xf32>
        %add3A_818 = arith.addf %get3A_811, %get3A_817 : vector<16xf32>
        %swap3A_819 = arith.constant 3 : i32
        %swap3A_820 = arith.index_cast %swap3A_819 : i32 to index
        %swap3A_821 = arith.index_cast %scan3A_747 : i32 to index
        %swap3A_822 = arith.constant 48 : index
        %swap3A_823 = tpu.vector_load %arg6[%swap3A_820, %swap3A_821, %swap3A_822] {strides = array<i32>} : memref<4x16x512xf32, #tpu.memory_space<vmem>>, vector<1x1x16xf32>,
        %swap3A_824 = vector.shape_cast %swap3A_823 : vector<1x1x16xf32> to vector<16xf32>
        %swap3A_825 = vector.shape_cast %add3A_818 : vector<16xf32> to vector<1x1x16xf32>
        tpu.vector_store %arg6[%swap3A_820, %swap3A_821, %swap3A_822], %swap3A_825 {strides = array<i32>} : memref<4x16x512xf32, #tpu.memory_space<vmem>>, vector<1x1x16xf32>,
        %get3A_826 = arith.constant 3 : i32
        %get3A_827 = arith.index_cast %get3A_826 : i32 to index
        %get3A_828 = arith.index_cast %scan3A_747 : i32 to index
        %get3A_829 = arith.constant 64 : index
        %get3A_830 = tpu.vector_load %arg5[%get3A_827, %get3A_828, %get3A_829] {strides = array<i32>} : memref<4x16x512xf32, #tpu.memory_space<vmem>>, vector<1x1x16xf32>,
        %get3A_831 = vector.shape_cast %get3A_830 : vector<1x1x16xf32> to vector<16xf32>
        %add3A_832 = arith.constant 11 : i32
        %add3A_833 = arith.addi %add3A_832, %select_n3A_628 : i32
        %get3A_834 = arith.index_cast %add3A_833 : i32 to index
        %get3A_835 = arith.constant 64 : index
        %get3A_836 = tpu.vector_load %arg7[%get3A_834, %get3A_835] {strides = array<i32>} : memref<12x512xf32, #tpu.memory_space<vmem>>, vector<1x16xf32>,
        %get3A_837 = vector.shape_cast %get3A_836 : vector<1x16xf32> to vector<16xf32>
        %add3A_838 = arith.addf %get3A_831, %get3A_837 : vector<16xf32>
        %swap3A_839 = arith.constant 3 : i32
        %swap3A_840 = arith.index_cast %swap3A_839 : i32 to index
        %swap3A_841 = arith.index_cast %scan3A_747 : i32 to index
        %swap3A_842 = arith.constant 64 : index
        %swap3A_843 = tpu.vector_load %arg6[%swap3A_840, %swap3A_841, %swap3A_842] {strides = array<i32>} : memref<4x16x512xf32, #tpu.memory_space<vmem>>, vector<1x1x16xf32>,
        %swap3A_844 = vector.shape_cast %swap3A_843 : vector<1x1x16xf32> to vector<16xf32>
        %swap3A_845 = vector.shape_cast %add3A_838 : vector<16xf32> to vector<1x1x16xf32>
        tpu.vector_store %arg6[%swap3A_840, %swap3A_841, %swap3A_842], %swap3A_845 {strides = array<i32>} : memref<4x16x512xf32, #tpu.memory_space<vmem>>, vector<1x1x16xf32>,
        %get3A_846 = arith.constant 3 : i32
        %get3A_847 = arith.index_cast %get3A_846 : i32 to index
        %get3A_848 = arith.index_cast %scan3A_747 : i32 to index
        %get3A_849 = arith.constant 80 : index
        %get3A_850 = tpu.vector_load %arg5[%get3A_847, %get3A_848, %get3A_849] {strides = array<i32>} : memref<4x16x512xf32, #tpu.memory_space<vmem>>, vector<1x1x16xf32>,
        %get3A_851 = vector.shape_cast %get3A_850 : vector<1x1x16xf32> to vector<16xf32>
        %add3A_852 = arith.constant 11 : i32
        %add3A_853 = arith.addi %add3A_852, %select_n3A_628 : i32
        %get3A_854 = arith.index_cast %add3A_853 : i32 to index
        %get3A_855 = arith.constant 80 : index
        %get3A_856 = tpu.vector_load %arg7[%get3A_854, %get3A_855] {strides = array<i32>} : memref<12x512xf32, #tpu.memory_space<vmem>>, vector<1x16xf32>,
        %get3A_857 = vector.shape_cast %get3A_856 : vector<1x16xf32> to vector<16xf32>
        %add3A_858 = arith.addf %get3A_851, %get3A_857 : vector<16xf32>
        %swap3A_859 = arith.constant 3 : i32
        %swap3A_860 = arith.index_cast %swap3A_859 : i32 to index
        %swap3A_861 = arith.index_cast %scan3A_747 : i32 to index
        %swap3A_862 = arith.constant 80 : index
        %swap3A_863 = tpu.vector_load %arg6[%swap3A_860, %swap3A_861, %swap3A_862] {strides = array<i32>} : memref<4x16x512xf32, #tpu.memory_space<vmem>>, vector<1x1x16xf32>,
        %swap3A_864 = vector.shape_cast %swap3A_863 : vector<1x1x16xf32> to vector<16xf32>
        %swap3A_865 = vector.shape_cast %add3A_858 : vector<16xf32> to vector<1x1x16xf32>
        tpu.vector_store %arg6[%swap3A_860, %swap3A_861, %swap3A_862], %swap3A_865 {strides = array<i32>} : memref<4x16x512xf32, #tpu.memory_space<vmem>>, vector<1x1x16xf32>,
        %get3A_866 = arith.constant 3 : i32
        %get3A_867 = arith.index_cast %get3A_866 : i32 to index
        %get3A_868 = arith.index_cast %scan3A_747 : i32 to index
        %get3A_869 = arith.constant 96 : index
        %get3A_870 = tpu.vector_load %arg5[%get3A_867, %get3A_868, %get3A_869] {strides = array<i32>} : memref<4x16x512xf32, #tpu.memory_space<vmem>>, vector<1x1x16xf32>,
        %get3A_871 = vector.shape_cast %get3A_870 : vector<1x1x16xf32> to vector<16xf32>
        %add3A_872 = arith.constant 11 : i32
        %add3A_873 = arith.addi %add3A_872, %select_n3A_628 : i32
        %get3A_874 = arith.index_cast %add3A_873 : i32 to index
        %get3A_875 = arith.constant 96 : index
        %get3A_876 = tpu.vector_load %arg7[%get3A_874, %get3A_875] {strides = array<i32>} : memref<12x512xf32, #tpu.memory_space<vmem>>, vector<1x16xf32>,
        %get3A_877 = vector.shape_cast %get3A_876 : vector<1x16xf32> to vector<16xf32>
        %add3A_878 = arith.addf %get3A_871, %get3A_877 : vector<16xf32>
        %swap3A_879 = arith.constant 3 : i32
        %swap3A_880 = arith.index_cast %swap3A_879 : i32 to index
        %swap3A_881 = arith.index_cast %scan3A_747 : i32 to index
        %swap3A_882 = arith.constant 96 : index
        %swap3A_883 = tpu.vector_load %arg6[%swap3A_880, %swap3A_881, %swap3A_882] {strides = array<i32>} : memref<4x16x512xf32, #tpu.memory_space<vmem>>, vector<1x1x16xf32>,
        %swap3A_884 = vector.shape_cast %swap3A_883 : vector<1x1x16xf32> to vector<16xf32>
        %swap3A_885 = vector.shape_cast %add3A_878 : vector<16xf32> to vector<1x1x16xf32>
        tpu.vector_store %arg6[%swap3A_880, %swap3A_881, %swap3A_882], %swap3A_885 {strides = array<i32>} : memref<4x16x512xf32, #tpu.memory_space<vmem>>, vector<1x1x16xf32>,
        %get3A_886 = arith.constant 3 : i32
        %get3A_887 = arith.index_cast %get3A_886 : i32 to index
        %get3A_888 = arith.index_cast %scan3A_747 : i32 to index
        %get3A_889 = arith.constant 112 : index
        %get3A_890 = tpu.vector_load %arg5[%get3A_887, %get3A_888, %get3A_889] {strides = array<i32>} : memref<4x16x512xf32, #tpu.memory_space<vmem>>, vector<1x1x16xf32>,
        %get3A_891 = vector.shape_cast %get3A_890 : vector<1x1x16xf32> to vector<16xf32>
        %add3A_892 = arith.constant 11 : i32
        %add3A_893 = arith.addi %add3A_892, %select_n3A_628 : i32
        %get3A_894 = arith.index_cast %add3A_893 : i32 to index
        %get3A_895 = arith.constant 112 : index
        %get3A_896 = tpu.vector_load %arg7[%get3A_894, %get3A_895] {strides = array<i32>} : memref<12x512xf32, #tpu.memory_space<vmem>>, vector<1x16xf32>,
        %get3A_897 = vector.shape_cast %get3A_896 : vector<1x16xf32> to vector<16xf32>
        %add3A_898 = arith.addf %get3A_891, %get3A_897 : vector<16xf32>
        %swap3A_899 = arith.constant 3 : i32
        %swap3A_900 = arith.index_cast %swap3A_899 : i32 to index
        %swap3A_901 = arith.index_cast %scan3A_747 : i32 to index
        %swap3A_902 = arith.constant 112 : index
        %swap3A_903 = tpu.vector_load %arg6[%swap3A_900, %swap3A_901, %swap3A_902] {strides = array<i32>} : memref<4x16x512xf32, #tpu.memory_space<vmem>>, vector<1x1x16xf32>,
        %swap3A_904 = vector.shape_cast %swap3A_903 : vector<1x1x16xf32> to vector<16xf32>
        %swap3A_905 = vector.shape_cast %add3A_898 : vector<16xf32> to vector<1x1x16xf32>
        tpu.vector_store %arg6[%swap3A_900, %swap3A_901, %swap3A_902], %swap3A_905 {strides = array<i32>} : memref<4x16x512xf32, #tpu.memory_space<vmem>>, vector<1x1x16xf32>,
        %get3A_906 = arith.constant 3 : i32
        %get3A_907 = arith.index_cast %get3A_906 : i32 to index
        %get3A_908 = arith.index_cast %scan3A_747 : i32 to index
        %get3A_909 = arith.constant 128 : index
        %get3A_910 = tpu.vector_load %arg5[%get3A_907, %get3A_908, %get3A_909] {strides = array<i32>} : memref<4x16x512xf32, #tpu.memory_space<vmem>>, vector<1x1x16xf32>,
        %get3A_911 = vector.shape_cast %get3A_910 : vector<1x1x16xf32> to vector<16xf32>
        %add3A_912 = arith.constant 11 : i32
        %add3A_913 = arith.addi %add3A_912, %select_n3A_628 : i32
        %get3A_914 = arith.index_cast %add3A_913 : i32 to index
        %get3A_915 = arith.constant 128 : index
        %get3A_916 = tpu.vector_load %arg7[%get3A_914, %get3A_915] {strides = array<i32>} : memref<12x512xf32, #tpu.memory_space<vmem>>, vector<1x16xf32>,
        %get3A_917 = vector.shape_cast %get3A_916 : vector<1x16xf32> to vector<16xf32>
        %add3A_918 = arith.addf %get3A_911, %get3A_917 : vector<16xf32>
        %swap3A_919 = arith.constant 3 : i32
        %swap3A_920 = arith.index_cast %swap3A_919 : i32 to index
        %swap3A_921 = arith.index_cast %scan3A_747 : i32 to index
        %swap3A_922 = arith.constant 128 : index
        %swap3A_923 = tpu.vector_load %arg6[%swap3A_920, %swap3A_921, %swap3A_922] {strides = array<i32>} : memref<4x16x512xf32, #tpu.memory_space<vmem>>, vector<1x1x16xf32>,
        %swap3A_924 = vector.shape_cast %swap3A_923 : vector<1x1x16xf32> to vector<16xf32>
        %swap3A_925 = vector.shape_cast %add3A_918 : vector<16xf32> to vector<1x1x16xf32>
        tpu.vector_store %arg6[%swap3A_920, %swap3A_921, %swap3A_922], %swap3A_925 {strides = array<i32>} : memref<4x16x512xf32, #tpu.memory_space<vmem>>, vector<1x1x16xf32>,
        %get3A_926 = arith.constant 3 : i32
        %get3A_927 = arith.index_cast %get3A_926 : i32 to index
        %get3A_928 = arith.index_cast %scan3A_747 : i32 to index
        %get3A_929 = arith.constant 144 : index
        %get3A_930 = tpu.vector_load %arg5[%get3A_927, %get3A_928, %get3A_929] {strides = array<i32>} : memref<4x16x512xf32, #tpu.memory_space<vmem>>, vector<1x1x16xf32>,
        %get3A_931 = vector.shape_cast %get3A_930 : vector<1x1x16xf32> to vector<16xf32>
        %add3A_932 = arith.constant 11 : i32
        %add3A_933 = arith.addi %add3A_932, %select_n3A_628 : i32
        %get3A_934 = arith.index_cast %add3A_933 : i32 to index
        %get3A_935 = arith.constant 144 : index
        %get3A_936 = tpu.vector_load %arg7[%get3A_934, %get3A_935] {strides = array<i32>} : memref<12x512xf32, #tpu.memory_space<vmem>>, vector<1x16xf32>,
        %get3A_937 = vector.shape_cast %get3A_936 : vector<1x16xf32> to vector<16xf32>
        %add3A_938 = arith.addf %get3A_931, %get3A_937 : vector<16xf32>
        %swap3A_939 = arith.constant 3 : i32
        %swap3A_940 = arith.index_cast %swap3A_939 : i32 to index
        %swap3A_941 = arith.index_cast %scan3A_747 : i32 to index
        %swap3A_942 = arith.constant 144 : index
        %swap3A_943 = tpu.vector_load %arg6[%swap3A_940, %swap3A_941, %swap3A_942] {strides = array<i32>} : memref<4x16x512xf32, #tpu.memory_space<vmem>>, vector<1x1x16xf32>,
        %swap3A_944 = vector.shape_cast %swap3A_943 : vector<1x1x16xf32> to vector<16xf32>
        %swap3A_945 = vector.shape_cast %add3A_938 : vector<16xf32> to vector<1x1x16xf32>
        tpu.vector_store %arg6[%swap3A_940, %swap3A_941, %swap3A_942], %swap3A_945 {strides = array<i32>} : memref<4x16x512xf32, #tpu.memory_space<vmem>>, vector<1x1x16xf32>,
        %get3A_946 = arith.constant 3 : i32
        %get3A_947 = arith.index_cast %get3A_946 : i32 to index
        %get3A_948 = arith.index_cast %scan3A_747 : i32 to index
        %get3A_949 = arith.constant 160 : index
        %get3A_950 = tpu.vector_load %arg5[%get3A_947, %get3A_948, %get3A_949] {strides = array<i32>} : memref<4x16x512xf32, #tpu.memory_space<vmem>>, vector<1x1x16xf32>,
        %get3A_951 = vector.shape_cast %get3A_950 : vector<1x1x16xf32> to vector<16xf32>
        %add3A_952 = arith.constant 11 : i32
        %add3A_953 = arith.addi %add3A_952, %select_n3A_628 : i32
        %get3A_954 = arith.index_cast %add3A_953 : i32 to index
        %get3A_955 = arith.constant 160 : index
        %get3A_956 = tpu.vector_load %arg7[%get3A_954, %get3A_955] {strides = array<i32>} : memref<12x512xf32, #tpu.memory_space<vmem>>, vector<1x16xf32>,
        %get3A_957 = vector.shape_cast %get3A_956 : vector<1x16xf32> to vector<16xf32>
        %add3A_958 = arith.addf %get3A_951, %get3A_957 : vector<16xf32>
        %swap3A_959 = arith.constant 3 : i32
        %swap3A_960 = arith.index_cast %swap3A_959 : i32 to index
        %swap3A_961 = arith.index_cast %scan3A_747 : i32 to index
        %swap3A_962 = arith.constant 160 : index
        %swap3A_963 = tpu.vector_load %arg6[%swap3A_960, %swap3A_961, %swap3A_962] {strides = array<i32>} : memref<4x16x512xf32, #tpu.memory_space<vmem>>, vector<1x1x16xf32>,
        %swap3A_964 = vector.shape_cast %swap3A_963 : vector<1x1x16xf32> to vector<16xf32>
        %swap3A_965 = vector.shape_cast %add3A_958 : vector<16xf32> to vector<1x1x16xf32>
        tpu.vector_store %arg6[%swap3A_960, %swap3A_961, %swap3A_962], %swap3A_965 {strides = array<i32>} : memref<4x16x512xf32, #tpu.memory_space<vmem>>, vector<1x1x16xf32>,
        %get3A_966 = arith.constant 3 : i32
        %get3A_967 = arith.index_cast %get3A_966 : i32 to index
        %get3A_968 = arith.index_cast %scan3A_747 : i32 to index
        %get3A_969 = arith.constant 176 : index
        %get3A_970 = tpu.vector_load %arg5[%get3A_967, %get3A_968, %get3A_969] {strides = array<i32>} : memref<4x16x512xf32, #tpu.memory_space<vmem>>, vector<1x1x16xf32>,
        %get3A_971 = vector.shape_cast %get3A_970 : vector<1x1x16xf32> to vector<16xf32>
        %add3A_972 = arith.constant 11 : i32
        %add3A_973 = arith.addi %add3A_972, %select_n3A_628 : i32
        %get3A_974 = arith.index_cast %add3A_973 : i32 to index
        %get3A_975 = arith.constant 176 : index
        %get3A_976 = tpu.vector_load %arg7[%get3A_974, %get3A_975] {strides = array<i32>} : memref<12x512xf32, #tpu.memory_space<vmem>>, vector<1x16xf32>,
        %get3A_977 = vector.shape_cast %get3A_976 : vector<1x16xf32> to vector<16xf32>
        %add3A_978 = arith.addf %get3A_971, %get3A_977 : vector<16xf32>
        %swap3A_979 = arith.constant 3 : i32
        %swap3A_980 = arith.index_cast %swap3A_979 : i32 to index
        %swap3A_981 = arith.index_cast %scan3A_747 : i32 to index
        %swap3A_982 = arith.constant 176 : index
        %swap3A_983 = tpu.vector_load %arg6[%swap3A_980, %swap3A_981, %swap3A_982] {strides = array<i32>} : memref<4x16x512xf32, #tpu.memory_space<vmem>>, vector<1x1x16xf32>,
        %swap3A_984 = vector.shape_cast %swap3A_983 : vector<1x1x16xf32> to vector<16xf32>
        %swap3A_985 = vector.shape_cast %add3A_978 : vector<16xf32> to vector<1x1x16xf32>
        tpu.vector_store %arg6[%swap3A_980, %swap3A_981, %swap3A_982], %swap3A_985 {strides = array<i32>} : memref<4x16x512xf32, #tpu.memory_space<vmem>>, vector<1x1x16xf32>,
        %get3A_986 = arith.constant 3 : i32
        %get3A_987 = arith.index_cast %get3A_986 : i32 to index
        %get3A_988 = arith.index_cast %scan3A_747 : i32 to index
        %get3A_989 = arith.constant 192 : index
        %get3A_990 = tpu.vector_load %arg5[%get3A_987, %get3A_988, %get3A_989] {strides = array<i32>} : memref<4x16x512xf32, #tpu.memory_space<vmem>>, vector<1x1x16xf32>,
        %get3A_991 = vector.shape_cast %get3A_990 : vector<1x1x16xf32> to vector<16xf32>
        %add3A_992 = arith.constant 11 : i32
        %add3A_993 = arith.addi %add3A_992, %select_n3A_628 : i32
        %get3A_994 = arith.index_cast %add3A_993 : i32 to index
        %get3A_995 = arith.constant 192 : index
        %get3A_996 = tpu.vector_load %arg7[%get3A_994, %get3A_995] {strides = array<i32>} : memref<12x512xf32, #tpu.memory_space<vmem>>, vector<1x16xf32>,
        %get3A_997 = vector.shape_cast %get3A_996 : vector<1x16xf32> to vector<16xf32>
        %add3A_998 = arith.addf %get3A_991, %get3A_997 : vector<16xf32>
        %swap3A_999 = arith.constant 3 : i32
        %swap3A_1000 = arith.index_cast %swap3A_999 : i32 to index
        %swap3A_1001 = arith.index_cast %scan3A_747 : i32 to index
        %swap3A_1002 = arith.constant 192 : index
        %swap3A_1003 = tpu.vector_load %arg6[%swap3A_1000, %swap3A_1001, %swap3A_1002] {strides = array<i32>} : memref<4x16x512xf32, #tpu.memory_space<vmem>>, vector<1x1x16xf32>,
        %swap3A_1004 = vector.shape_cast %swap3A_1003 : vector<1x1x16xf32> to vector<16xf32>
        %swap3A_1005 = vector.shape_cast %add3A_998 : vector<16xf32> to vector<1x1x16xf32>
        tpu.vector_store %arg6[%swap3A_1000, %swap3A_1001, %swap3A_1002], %swap3A_1005 {strides = array<i32>} : memref<4x16x512xf32, #tpu.memory_space<vmem>>, vector<1x1x16xf32>,
        %get3A_1006 = arith.constant 3 : i32
        %get3A_1007 = arith.index_cast %get3A_1006 : i32 to index
        %get3A_1008 = arith.index_cast %scan3A_747 : i32 to index
        %get3A_1009 = arith.constant 208 : index
        %get3A_1010 = tpu.vector_load %arg5[%get3A_1007, %get3A_1008, %get3A_1009] {strides = array<i32>} : memref<4x16x512xf32, #tpu.memory_space<vmem>>, vector<1x1x16xf32>,
        %get3A_1011 = vector.shape_cast %get3A_1010 : vector<1x1x16xf32> to vector<16xf32>
        %add3A_1012 = arith.constant 11 : i32
        %add3A_1013 = arith.addi %add3A_1012, %select_n3A_628 : i32
        %get3A_1014 = arith.index_cast %add3A_1013 : i32 to index
        %get3A_1015 = arith.constant 208 : index
        %get3A_1016 = tpu.vector_load %arg7[%get3A_1014, %get3A_1015] {strides = array<i32>} : memref<12x512xf32, #tpu.memory_space<vmem>>, vector<1x16xf32>,
        %get3A_1017 = vector.shape_cast %get3A_1016 : vector<1x16xf32> to vector<16xf32>
        %add3A_1018 = arith.addf %get3A_1011, %get3A_1017 : vector<16xf32>
        %swap3A_1019 = arith.constant 3 : i32
        %swap3A_1020 = arith.index_cast %swap3A_1019 : i32 to index
        %swap3A_1021 = arith.index_cast %scan3A_747 : i32 to index
        %swap3A_1022 = arith.constant 208 : index
        %swap3A_1023 = tpu.vector_load %arg6[%swap3A_1020, %swap3A_1021, %swap3A_1022] {strides = array<i32>} : memref<4x16x512xf32, #tpu.memory_space<vmem>>, vector<1x1x16xf32>,
        %swap3A_1024 = vector.shape_cast %swap3A_1023 : vector<1x1x16xf32> to vector<16xf32>
        %swap3A_1025 = vector.shape_cast %add3A_1018 : vector<16xf32> to vector<1x1x16xf32>
        tpu.vector_store %arg6[%swap3A_1020, %swap3A_1021, %swap3A_1022], %swap3A_1025 {strides = array<i32>} : memref<4x16x512xf32, #tpu.memory_space<vmem>>, vector<1x1x16xf32>,
        %get3A_1026 = arith.constant 3 : i32
        %get3A_1027 = arith.index_cast %get3A_1026 : i32 to index
        %get3A_1028 = arith.index_cast %scan3A_747 : i32 to index
        %get3A_1029 = arith.constant 224 : index
        %get3A_1030 = tpu.vector_load %arg5[%get3A_1027, %get3A_1028, %get3A_1029] {strides = array<i32>} : memref<4x16x512xf32, #tpu.memory_space<vmem>>, vector<1x1x16xf32>,
        %get3A_1031 = vector.shape_cast %get3A_1030 : vector<1x1x16xf32> to vector<16xf32>
        %add3A_1032 = arith.constant 11 : i32
        %add3A_1033 = arith.addi %add3A_1032, %select_n3A_628 : i32
        %get3A_1034 = arith.index_cast %add3A_1033 : i32 to index
        %get3A_1035 = arith.constant 224 : index
        %get3A_1036 = tpu.vector_load %arg7[%get3A_1034, %get3A_1035] {strides = array<i32>} : memref<12x512xf32, #tpu.memory_space<vmem>>, vector<1x16xf32>,
        %get3A_1037 = vector.shape_cast %get3A_1036 : vector<1x16xf32> to vector<16xf32>
        %add3A_1038 = arith.addf %get3A_1031, %get3A_1037 : vector<16xf32>
        %swap3A_1039 = arith.constant 3 : i32
        %swap3A_1040 = arith.index_cast %swap3A_1039 : i32 to index
        %swap3A_1041 = arith.index_cast %scan3A_747 : i32 to index
        %swap3A_1042 = arith.constant 224 : index
        %swap3A_1043 = tpu.vector_load %arg6[%swap3A_1040, %swap3A_1041, %swap3A_1042] {strides = array<i32>} : memref<4x16x512xf32, #tpu.memory_space<vmem>>, vector<1x1x16xf32>,
        %swap3A_1044 = vector.shape_cast %swap3A_1043 : vector<1x1x16xf32> to vector<16xf32>
        %swap3A_1045 = vector.shape_cast %add3A_1038 : vector<16xf32> to vector<1x1x16xf32>
        tpu.vector_store %arg6[%swap3A_1040, %swap3A_1041, %swap3A_1042], %swap3A_1045 {strides = array<i32>} : memref<4x16x512xf32, #tpu.memory_space<vmem>>, vector<1x1x16xf32>,
        %get3A_1046 = arith.constant 3 : i32
        %get3A_1047 = arith.index_cast %get3A_1046 : i32 to index
        %get3A_1048 = arith.index_cast %scan3A_747 : i32 to index
        %get3A_1049 = arith.constant 240 : index
        %get3A_1050 = tpu.vector_load %arg5[%get3A_1047, %get3A_1048, %get3A_1049] {strides = array<i32>} : memref<4x16x512xf32, #tpu.memory_space<vmem>>, vector<1x1x16xf32>,
        %get3A_1051 = vector.shape_cast %get3A_1050 : vector<1x1x16xf32> to vector<16xf32>
        %add3A_1052 = arith.constant 11 : i32
        %add3A_1053 = arith.addi %add3A_1052, %select_n3A_628 : i32
        %get3A_1054 = arith.index_cast %add3A_1053 : i32 to index
        %get3A_1055 = arith.constant 240 : index
        %get3A_1056 = tpu.vector_load %arg7[%get3A_1054, %get3A_1055] {strides = array<i32>} : memref<12x512xf32, #tpu.memory_space<vmem>>, vector<1x16xf32>,
        %get3A_1057 = vector.shape_cast %get3A_1056 : vector<1x16xf32> to vector<16xf32>
        %add3A_1058 = arith.addf %get3A_1051, %get3A_1057 : vector<16xf32>
        %swap3A_1059 = arith.constant 3 : i32
        %swap3A_1060 = arith.index_cast %swap3A_1059 : i32 to index
        %swap3A_1061 = arith.index_cast %scan3A_747 : i32 to index
        %swap3A_1062 = arith.constant 240 : index
        %swap3A_1063 = tpu.vector_load %arg6[%swap3A_1060, %swap3A_1061, %swap3A_1062] {strides = array<i32>} : memref<4x16x512xf32, #tpu.memory_space<vmem>>, vector<1x1x16xf32>,
        %swap3A_1064 = vector.shape_cast %swap3A_1063 : vector<1x1x16xf32> to vector<16xf32>
        %swap3A_1065 = vector.shape_cast %add3A_1058 : vector<16xf32> to vector<1x1x16xf32>
        tpu.vector_store %arg6[%swap3A_1060, %swap3A_1061, %swap3A_1062], %swap3A_1065 {strides = array<i32>} : memref<4x16x512xf32, #tpu.memory_space<vmem>>, vector<1x1x16xf32>,
        %get3A_1066 = arith.constant 3 : i32
        %get3A_1067 = arith.index_cast %get3A_1066 : i32 to index
        %get3A_1068 = arith.index_cast %scan3A_747 : i32 to index
        %get3A_1069 = arith.constant 256 : index
        %get3A_1070 = tpu.vector_load %arg5[%get3A_1067, %get3A_1068, %get3A_1069] {strides = array<i32>} : memref<4x16x512xf32, #tpu.memory_space<vmem>>, vector<1x1x16xf32>,
        %get3A_1071 = vector.shape_cast %get3A_1070 : vector<1x1x16xf32> to vector<16xf32>
        %add3A_1072 = arith.constant 11 : i32
        %add3A_1073 = arith.addi %add3A_1072, %select_n3A_628 : i32
        %get3A_1074 = arith.index_cast %add3A_1073 : i32 to index
        %get3A_1075 = arith.constant 256 : index
        %get3A_1076 = tpu.vector_load %arg7[%get3A_1074, %get3A_1075] {strides = array<i32>} : memref<12x512xf32, #tpu.memory_space<vmem>>, vector<1x16xf32>,
        %get3A_1077 = vector.shape_cast %get3A_1076 : vector<1x16xf32> to vector<16xf32>
        %add3A_1078 = arith.addf %get3A_1071, %get3A_1077 : vector<16xf32>
        %swap3A_1079 = arith.constant 3 : i32
        %swap3A_1080 = arith.index_cast %swap3A_1079 : i32 to index
        %swap3A_1081 = arith.index_cast %scan3A_747 : i32 to index
        %swap3A_1082 = arith.constant 256 : index
        %swap3A_1083 = tpu.vector_load %arg6[%swap3A_1080, %swap3A_1081, %swap3A_1082] {strides = array<i32>} : memref<4x16x512xf32, #tpu.memory_space<vmem>>, vector<1x1x16xf32>,
        %swap3A_1084 = vector.shape_cast %swap3A_1083 : vector<1x1x16xf32> to vector<16xf32>
        %swap3A_1085 = vector.shape_cast %add3A_1078 : vector<16xf32> to vector<1x1x16xf32>
        tpu.vector_store %arg6[%swap3A_1080, %swap3A_1081, %swap3A_1082], %swap3A_1085 {strides = array<i32>} : memref<4x16x512xf32, #tpu.memory_space<vmem>>, vector<1x1x16xf32>,
        %get3A_1086 = arith.constant 3 : i32
        %get3A_1087 = arith.index_cast %get3A_1086 : i32 to index
        %get3A_1088 = arith.index_cast %scan3A_747 : i32 to index
        %get3A_1089 = arith.constant 272 : index
        %get3A_1090 = tpu.vector_load %arg5[%get3A_1087, %get3A_1088, %get3A_1089] {strides = array<i32>} : memref<4x16x512xf32, #tpu.memory_space<vmem>>, vector<1x1x16xf32>,
        %get3A_1091 = vector.shape_cast %get3A_1090 : vector<1x1x16xf32> to vector<16xf32>
        %add3A_1092 = arith.constant 11 : i32
        %add3A_1093 = arith.addi %add3A_1092, %select_n3A_628 : i32
        %get3A_1094 = arith.index_cast %add3A_1093 : i32 to index
        %get3A_1095 = arith.constant 272 : index
        %get3A_1096 = tpu.vector_load %arg7[%get3A_1094, %get3A_1095] {strides = array<i32>} : memref<12x512xf32, #tpu.memory_space<vmem>>, vector<1x16xf32>,
        %get3A_1097 = vector.shape_cast %get3A_1096 : vector<1x16xf32> to vector<16xf32>
        %add3A_1098 = arith.addf %get3A_1091, %get3A_1097 : vector<16xf32>
        %swap3A_1099 = arith.constant 3 : i32
        %swap3A_1100 = arith.index_cast %swap3A_1099 : i32 to index
        %swap3A_1101 = arith.index_cast %scan3A_747 : i32 to index
        %swap3A_1102 = arith.constant 272 : index
        %swap3A_1103 = tpu.vector_load %arg6[%swap3A_1100, %swap3A_1101, %swap3A_1102] {strides = array<i32>} : memref<4x16x512xf32, #tpu.memory_space<vmem>>, vector<1x1x16xf32>,
        %swap3A_1104 = vector.shape_cast %swap3A_1103 : vector<1x1x16xf32> to vector<16xf32>
        %swap3A_1105 = vector.shape_cast %add3A_1098 : vector<16xf32> to vector<1x1x16xf32>
        tpu.vector_store %arg6[%swap3A_1100, %swap3A_1101, %swap3A_1102], %swap3A_1105 {strides = array<i32>} : memref<4x16x512xf32, #tpu.memory_space<vmem>>, vector<1x1x16xf32>,
        %get3A_1106 = arith.constant 3 : i32
        %get3A_1107 = arith.index_cast %get3A_1106 : i32 to index
        %get3A_1108 = arith.index_cast %scan3A_747 : i32 to index
        %get3A_1109 = arith.constant 288 : index
        %get3A_1110 = tpu.vector_load %arg5[%get3A_1107, %get3A_1108, %get3A_1109] {strides = array<i32>} : memref<4x16x512xf32, #tpu.memory_space<vmem>>, vector<1x1x16xf32>,
        %get3A_1111 = vector.shape_cast %get3A_1110 : vector<1x1x16xf32> to vector<16xf32>
        %add3A_1112 = arith.constant 11 : i32
        %add3A_1113 = arith.addi %add3A_1112, %select_n3A_628 : i32
        %get3A_1114 = arith.index_cast %add3A_1113 : i32 to index
        %get3A_1115 = arith.constant 288 : index
        %get3A_1116 = tpu.vector_load %arg7[%get3A_1114, %get3A_1115] {strides = array<i32>} : memref<12x512xf32, #tpu.memory_space<vmem>>, vector<1x16xf32>,
        %get3A_1117 = vector.shape_cast %get3A_1116 : vector<1x16xf32> to vector<16xf32>
        %add3A_1118 = arith.addf %get3A_1111, %get3A_1117 : vector<16xf32>
        %swap3A_1119 = arith.constant 3 : i32
        %swap3A_1120 = arith.index_cast %swap3A_1119 : i32 to index
        %swap3A_1121 = arith.index_cast %scan3A_747 : i32 to index
        %swap3A_1122 = arith.constant 288 : index
        %swap3A_1123 = tpu.vector_load %arg6[%swap3A_1120, %swap3A_1121, %swap3A_1122] {strides = array<i32>} : memref<4x16x512xf32, #tpu.memory_space<vmem>>, vector<1x1x16xf32>,
        %swap3A_1124 = vector.shape_cast %swap3A_1123 : vector<1x1x16xf32> to vector<16xf32>
        %swap3A_1125 = vector.shape_cast %add3A_1118 : vector<16xf32> to vector<1x1x16xf32>
        tpu.vector_store %arg6[%swap3A_1120, %swap3A_1121, %swap3A_1122], %swap3A_1125 {strides = array<i32>} : memref<4x16x512xf32, #tpu.memory_space<vmem>>, vector<1x1x16xf32>,
        %get3A_1126 = arith.constant 3 : i32
        %get3A_1127 = arith.index_cast %get3A_1126 : i32 to index
        %get3A_1128 = arith.index_cast %scan3A_747 : i32 to index
        %get3A_1129 = arith.constant 304 : index
        %get3A_1130 = tpu.vector_load %arg5[%get3A_1127, %get3A_1128, %get3A_1129] {strides = array<i32>} : memref<4x16x512xf32, #tpu.memory_space<vmem>>, vector<1x1x16xf32>,
        %get3A_1131 = vector.shape_cast %get3A_1130 : vector<1x1x16xf32> to vector<16xf32>
        %add3A_1132 = arith.constant 11 : i32
        %add3A_1133 = arith.addi %add3A_1132, %select_n3A_628 : i32
        %get3A_1134 = arith.index_cast %add3A_1133 : i32 to index
        %get3A_1135 = arith.constant 304 : index
        %get3A_1136 = tpu.vector_load %arg7[%get3A_1134, %get3A_1135] {strides = array<i32>} : memref<12x512xf32, #tpu.memory_space<vmem>>, vector<1x16xf32>,
        %get3A_1137 = vector.shape_cast %get3A_1136 : vector<1x16xf32> to vector<16xf32>
        %add3A_1138 = arith.addf %get3A_1131, %get3A_1137 : vector<16xf32>
        %swap3A_1139 = arith.constant 3 : i32
        %swap3A_1140 = arith.index_cast %swap3A_1139 : i32 to index
        %swap3A_1141 = arith.index_cast %scan3A_747 : i32 to index
        %swap3A_1142 = arith.constant 304 : index
        %swap3A_1143 = tpu.vector_load %arg6[%swap3A_1140, %swap3A_1141, %swap3A_1142] {strides = array<i32>} : memref<4x16x512xf32, #tpu.memory_space<vmem>>, vector<1x1x16xf32>,
        %swap3A_1144 = vector.shape_cast %swap3A_1143 : vector<1x1x16xf32> to vector<16xf32>
        %swap3A_1145 = vector.shape_cast %add3A_1138 : vector<16xf32> to vector<1x1x16xf32>
        tpu.vector_store %arg6[%swap3A_1140, %swap3A_1141, %swap3A_1142], %swap3A_1145 {strides = array<i32>} : memref<4x16x512xf32, #tpu.memory_space<vmem>>, vector<1x1x16xf32>,
        %get3A_1146 = arith.constant 3 : i32
        %get3A_1147 = arith.index_cast %get3A_1146 : i32 to index
        %get3A_1148 = arith.index_cast %scan3A_747 : i32 to index
        %get3A_1149 = arith.constant 320 : index
        %get3A_1150 = tpu.vector_load %arg5[%get3A_1147, %get3A_1148, %get3A_1149] {strides = array<i32>} : memref<4x16x512xf32, #tpu.memory_space<vmem>>, vector<1x1x16xf32>,
        %get3A_1151 = vector.shape_cast %get3A_1150 : vector<1x1x16xf32> to vector<16xf32>
        %add3A_1152 = arith.constant 11 : i32
        %add3A_1153 = arith.addi %add3A_1152, %select_n3A_628 : i32
        %get3A_1154 = arith.index_cast %add3A_1153 : i32 to index
        %get3A_1155 = arith.constant 320 : index
        %get3A_1156 = tpu.vector_load %arg7[%get3A_1154, %get3A_1155] {strides = array<i32>} : memref<12x512xf32, #tpu.memory_space<vmem>>, vector<1x16xf32>,
        %get3A_1157 = vector.shape_cast %get3A_1156 : vector<1x16xf32> to vector<16xf32>
        %add3A_1158 = arith.addf %get3A_1151, %get3A_1157 : vector<16xf32>
        %swap3A_1159 = arith.constant 3 : i32
        %swap3A_1160 = arith.index_cast %swap3A_1159 : i32 to index
        %swap3A_1161 = arith.index_cast %scan3A_747 : i32 to index
        %swap3A_1162 = arith.constant 320 : index
        %swap3A_1163 = tpu.vector_load %arg6[%swap3A_1160, %swap3A_1161, %swap3A_1162] {strides = array<i32>} : memref<4x16x512xf32, #tpu.memory_space<vmem>>, vector<1x1x16xf32>,
        %swap3A_1164 = vector.shape_cast %swap3A_1163 : vector<1x1x16xf32> to vector<16xf32>
        %swap3A_1165 = vector.shape_cast %add3A_1158 : vector<16xf32> to vector<1x1x16xf32>
        tpu.vector_store %arg6[%swap3A_1160, %swap3A_1161, %swap3A_1162], %swap3A_1165 {strides = array<i32>} : memref<4x16x512xf32, #tpu.memory_space<vmem>>, vector<1x1x16xf32>,
        %get3A_1166 = arith.constant 3 : i32
        %get3A_1167 = arith.index_cast %get3A_1166 : i32 to index
        %get3A_1168 = arith.index_cast %scan3A_747 : i32 to index
        %get3A_1169 = arith.constant 336 : index
        %get3A_1170 = tpu.vector_load %arg5[%get3A_1167, %get3A_1168, %get3A_1169] {strides = array<i32>} : memref<4x16x512xf32, #tpu.memory_space<vmem>>, vector<1x1x16xf32>,
        %get3A_1171 = vector.shape_cast %get3A_1170 : vector<1x1x16xf32> to vector<16xf32>
        %add3A_1172 = arith.constant 11 : i32
        %add3A_1173 = arith.addi %add3A_1172, %select_n3A_628 : i32
        %get3A_1174 = arith.index_cast %add3A_1173 : i32 to index
        %get3A_1175 = arith.constant 336 : index
        %get3A_1176 = tpu.vector_load %arg7[%get3A_1174, %get3A_1175] {strides = array<i32>} : memref<12x512xf32, #tpu.memory_space<vmem>>, vector<1x16xf32>,
        %get3A_1177 = vector.shape_cast %get3A_1176 : vector<1x16xf32> to vector<16xf32>
        %add3A_1178 = arith.addf %get3A_1171, %get3A_1177 : vector<16xf32>
        %swap3A_1179 = arith.constant 3 : i32
        %swap3A_1180 = arith.index_cast %swap3A_1179 : i32 to index
        %swap3A_1181 = arith.index_cast %scan3A_747 : i32 to index
        %swap3A_1182 = arith.constant 336 : index
        %swap3A_1183 = tpu.vector_load %arg6[%swap3A_1180, %swap3A_1181, %swap3A_1182] {strides = array<i32>} : memref<4x16x512xf32, #tpu.memory_space<vmem>>, vector<1x1x16xf32>,
        %swap3A_1184 = vector.shape_cast %swap3A_1183 : vector<1x1x16xf32> to vector<16xf32>
        %swap3A_1185 = vector.shape_cast %add3A_1178 : vector<16xf32> to vector<1x1x16xf32>
        tpu.vector_store %arg6[%swap3A_1180, %swap3A_1181, %swap3A_1182], %swap3A_1185 {strides = array<i32>} : memref<4x16x512xf32, #tpu.memory_space<vmem>>, vector<1x1x16xf32>,
        %get3A_1186 = arith.constant 3 : i32
        %get3A_1187 = arith.index_cast %get3A_1186 : i32 to index
        %get3A_1188 = arith.index_cast %scan3A_747 : i32 to index
        %get3A_1189 = arith.constant 352 : index
        %get3A_1190 = tpu.vector_load %arg5[%get3A_1187, %get3A_1188, %get3A_1189] {strides = array<i32>} : memref<4x16x512xf32, #tpu.memory_space<vmem>>, vector<1x1x16xf32>,
        %get3A_1191 = vector.shape_cast %get3A_1190 : vector<1x1x16xf32> to vector<16xf32>
        %add3A_1192 = arith.constant 11 : i32
        %add3A_1193 = arith.addi %add3A_1192, %select_n3A_628 : i32
        %get3A_1194 = arith.index_cast %add3A_1193 : i32 to index
        %get3A_1195 = arith.constant 352 : index
        %get3A_1196 = tpu.vector_load %arg7[%get3A_1194, %get3A_1195] {strides = array<i32>} : memref<12x512xf32, #tpu.memory_space<vmem>>, vector<1x16xf32>,
        %get3A_1197 = vector.shape_cast %get3A_1196 : vector<1x16xf32> to vector<16xf32>
        %add3A_1198 = arith.addf %get3A_1191, %get3A_1197 : vector<16xf32>
        %swap3A_1199 = arith.constant 3 : i32
        %swap3A_1200 = arith.index_cast %swap3A_1199 : i32 to index
        %swap3A_1201 = arith.index_cast %scan3A_747 : i32 to index
        %swap3A_1202 = arith.constant 352 : index
        %swap3A_1203 = tpu.vector_load %arg6[%swap3A_1200, %swap3A_1201, %swap3A_1202] {strides = array<i32>} : memref<4x16x512xf32, #tpu.memory_space<vmem>>, vector<1x1x16xf32>,
        %swap3A_1204 = vector.shape_cast %swap3A_1203 : vector<1x1x16xf32> to vector<16xf32>
        %swap3A_1205 = vector.shape_cast %add3A_1198 : vector<16xf32> to vector<1x1x16xf32>
        tpu.vector_store %arg6[%swap3A_1200, %swap3A_1201, %swap3A_1202], %swap3A_1205 {strides = array<i32>} : memref<4x16x512xf32, #tpu.memory_space<vmem>>, vector<1x1x16xf32>,
        %get3A_1206 = arith.constant 3 : i32
        %get3A_1207 = arith.index_cast %get3A_1206 : i32 to index
        %get3A_1208 = arith.index_cast %scan3A_747 : i32 to index
        %get3A_1209 = arith.constant 368 : index
        %get3A_1210 = tpu.vector_load %arg5[%get3A_1207, %get3A_1208, %get3A_1209] {strides = array<i32>} : memref<4x16x512xf32, #tpu.memory_space<vmem>>, vector<1x1x16xf32>,
        %get3A_1211 = vector.shape_cast %get3A_1210 : vector<1x1x16xf32> to vector<16xf32>
        %add3A_1212 = arith.constant 11 : i32
        %add3A_1213 = arith.addi %add3A_1212, %select_n3A_628 : i32
        %get3A_1214 = arith.index_cast %add3A_1213 : i32 to index
        %get3A_1215 = arith.constant 368 : index
        %get3A_1216 = tpu.vector_load %arg7[%get3A_1214, %get3A_1215] {strides = array<i32>} : memref<12x512xf32, #tpu.memory_space<vmem>>, vector<1x16xf32>,
        %get3A_1217 = vector.shape_cast %get3A_1216 : vector<1x16xf32> to vector<16xf32>
        %add3A_1218 = arith.addf %get3A_1211, %get3A_1217 : vector<16xf32>
        %swap3A_1219 = arith.constant 3 : i32
        %swap3A_1220 = arith.index_cast %swap3A_1219 : i32 to index
        %swap3A_1221 = arith.index_cast %scan3A_747 : i32 to index
        %swap3A_1222 = arith.constant 368 : index
        %swap3A_1223 = tpu.vector_load %arg6[%swap3A_1220, %swap3A_1221, %swap3A_1222] {strides = array<i32>} : memref<4x16x512xf32, #tpu.memory_space<vmem>>, vector<1x1x16xf32>,
        %swap3A_1224 = vector.shape_cast %swap3A_1223 : vector<1x1x16xf32> to vector<16xf32>
        %swap3A_1225 = vector.shape_cast %add3A_1218 : vector<16xf32> to vector<1x1x16xf32>
        tpu.vector_store %arg6[%swap3A_1220, %swap3A_1221, %swap3A_1222], %swap3A_1225 {strides = array<i32>} : memref<4x16x512xf32, #tpu.memory_space<vmem>>, vector<1x1x16xf32>,
        %get3A_1226 = arith.constant 3 : i32
        %get3A_1227 = arith.index_cast %get3A_1226 : i32 to index
        %get3A_1228 = arith.index_cast %scan3A_747 : i32 to index
        %get3A_1229 = arith.constant 384 : index
        %get3A_1230 = tpu.vector_load %arg5[%get3A_1227, %get3A_1228, %get3A_1229] {strides = array<i32>} : memref<4x16x512xf32, #tpu.memory_space<vmem>>, vector<1x1x16xf32>,
        %get3A_1231 = vector.shape_cast %get3A_1230 : vector<1x1x16xf32> to vector<16xf32>
        %add3A_1232 = arith.constant 11 : i32
        %add3A_1233 = arith.addi %add3A_1232, %select_n3A_628 : i32
        %get3A_1234 = arith.index_cast %add3A_1233 : i32 to index
        %get3A_1235 = arith.constant 384 : index
        %get3A_1236 = tpu.vector_load %arg7[%get3A_1234, %get3A_1235] {strides = array<i32>} : memref<12x512xf32, #tpu.memory_space<vmem>>, vector<1x16xf32>,
        %get3A_1237 = vector.shape_cast %get3A_1236 : vector<1x16xf32> to vector<16xf32>
        %add3A_1238 = arith.addf %get3A_1231, %get3A_1237 : vector<16xf32>
        %swap3A_1239 = arith.constant 3 : i32
        %swap3A_1240 = arith.index_cast %swap3A_1239 : i32 to index
        %swap3A_1241 = arith.index_cast %scan3A_747 : i32 to index
        %swap3A_1242 = arith.constant 384 : index
        %swap3A_1243 = tpu.vector_load %arg6[%swap3A_1240, %swap3A_1241, %swap3A_1242] {strides = array<i32>} : memref<4x16x512xf32, #tpu.memory_space<vmem>>, vector<1x1x16xf32>,
        %swap3A_1244 = vector.shape_cast %swap3A_1243 : vector<1x1x16xf32> to vector<16xf32>
        %swap3A_1245 = vector.shape_cast %add3A_1238 : vector<16xf32> to vector<1x1x16xf32>
        tpu.vector_store %arg6[%swap3A_1240, %swap3A_1241, %swap3A_1242], %swap3A_1245 {strides = array<i32>} : memref<4x16x512xf32, #tpu.memory_space<vmem>>, vector<1x1x16xf32>,
        %get3A_1246 = arith.constant 3 : i32
        %get3A_1247 = arith.index_cast %get3A_1246 : i32 to index
        %get3A_1248 = arith.index_cast %scan3A_747 : i32 to index
        %get3A_1249 = arith.constant 400 : index
        %get3A_1250 = tpu.vector_load %arg5[%get3A_1247, %get3A_1248, %get3A_1249] {strides = array<i32>} : memref<4x16x512xf32, #tpu.memory_space<vmem>>, vector<1x1x16xf32>,
        %get3A_1251 = vector.shape_cast %get3A_1250 : vector<1x1x16xf32> to vector<16xf32>
        %add3A_1252 = arith.constant 11 : i32
        %add3A_1253 = arith.addi %add3A_1252, %select_n3A_628 : i32
        %get3A_1254 = arith.index_cast %add3A_1253 : i32 to index
        %get3A_1255 = arith.constant 400 : index
        %get3A_1256 = tpu.vector_load %arg7[%get3A_1254, %get3A_1255] {strides = array<i32>} : memref<12x512xf32, #tpu.memory_space<vmem>>, vector<1x16xf32>,
        %get3A_1257 = vector.shape_cast %get3A_1256 : vector<1x16xf32> to vector<16xf32>
        %add3A_1258 = arith.addf %get3A_1251, %get3A_1257 : vector<16xf32>
        %swap3A_1259 = arith.constant 3 : i32
        %swap3A_1260 = arith.index_cast %swap3A_1259 : i32 to index
        %swap3A_1261 = arith.index_cast %scan3A_747 : i32 to index
        %swap3A_1262 = arith.constant 400 : index
        %swap3A_1263 = tpu.vector_load %arg6[%swap3A_1260, %swap3A_1261, %swap3A_1262] {strides = array<i32>} : memref<4x16x512xf32, #tpu.memory_space<vmem>>, vector<1x1x16xf32>,
        %swap3A_1264 = vector.shape_cast %swap3A_1263 : vector<1x1x16xf32> to vector<16xf32>
        %swap3A_1265 = vector.shape_cast %add3A_1258 : vector<16xf32> to vector<1x1x16xf32>
        tpu.vector_store %arg6[%swap3A_1260, %swap3A_1261, %swap3A_1262], %swap3A_1265 {strides = array<i32>} : memref<4x16x512xf32, #tpu.memory_space<vmem>>, vector<1x1x16xf32>,
        %get3A_1266 = arith.constant 3 : i32
        %get3A_1267 = arith.index_cast %get3A_1266 : i32 to index
        %get3A_1268 = arith.index_cast %scan3A_747 : i32 to index
        %get3A_1269 = arith.constant 416 : index
        %get3A_1270 = tpu.vector_load %arg5[%get3A_1267, %get3A_1268, %get3A_1269] {strides = array<i32>} : memref<4x16x512xf32, #tpu.memory_space<vmem>>, vector<1x1x16xf32>,
        %get3A_1271 = vector.shape_cast %get3A_1270 : vector<1x1x16xf32> to vector<16xf32>
        %add3A_1272 = arith.constant 11 : i32
        %add3A_1273 = arith.addi %add3A_1272, %select_n3A_628 : i32
        %get3A_1274 = arith.index_cast %add3A_1273 : i32 to index
        %get3A_1275 = arith.constant 416 : index
        %get3A_1276 = tpu.vector_load %arg7[%get3A_1274, %get3A_1275] {strides = array<i32>} : memref<12x512xf32, #tpu.memory_space<vmem>>, vector<1x16xf32>,
        %get3A_1277 = vector.shape_cast %get3A_1276 : vector<1x16xf32> to vector<16xf32>
        %add3A_1278 = arith.addf %get3A_1271, %get3A_1277 : vector<16xf32>
        %swap3A_1279 = arith.constant 3 : i32
        %swap3A_1280 = arith.index_cast %swap3A_1279 : i32 to index
        %swap3A_1281 = arith.index_cast %scan3A_747 : i32 to index
        %swap3A_1282 = arith.constant 416 : index
        %swap3A_1283 = tpu.vector_load %arg6[%swap3A_1280, %swap3A_1281, %swap3A_1282] {strides = array<i32>} : memref<4x16x512xf32, #tpu.memory_space<vmem>>, vector<1x1x16xf32>,
        %swap3A_1284 = vector.shape_cast %swap3A_1283 : vector<1x1x16xf32> to vector<16xf32>
        %swap3A_1285 = vector.shape_cast %add3A_1278 : vector<16xf32> to vector<1x1x16xf32>
        tpu.vector_store %arg6[%swap3A_1280, %swap3A_1281, %swap3A_1282], %swap3A_1285 {strides = array<i32>} : memref<4x16x512xf32, #tpu.memory_space<vmem>>, vector<1x1x16xf32>,
        %get3A_1286 = arith.constant 3 : i32
        %get3A_1287 = arith.index_cast %get3A_1286 : i32 to index
        %get3A_1288 = arith.index_cast %scan3A_747 : i32 to index
        %get3A_1289 = arith.constant 432 : index
        %get3A_1290 = tpu.vector_load %arg5[%get3A_1287, %get3A_1288, %get3A_1289] {strides = array<i32>} : memref<4x16x512xf32, #tpu.memory_space<vmem>>, vector<1x1x16xf32>,
        %get3A_1291 = vector.shape_cast %get3A_1290 : vector<1x1x16xf32> to vector<16xf32>
        %add3A_1292 = arith.constant 11 : i32
        %add3A_1293 = arith.addi %add3A_1292, %select_n3A_628 : i32
        %get3A_1294 = arith.index_cast %add3A_1293 : i32 to index
        %get3A_1295 = arith.constant 432 : index
        %get3A_1296 = tpu.vector_load %arg7[%get3A_1294, %get3A_1295] {strides = array<i32>} : memref<12x512xf32, #tpu.memory_space<vmem>>, vector<1x16xf32>,
        %get3A_1297 = vector.shape_cast %get3A_1296 : vector<1x16xf32> to vector<16xf32>
        %add3A_1298 = arith.addf %get3A_1291, %get3A_1297 : vector<16xf32>
        %swap3A_1299 = arith.constant 3 : i32
        %swap3A_1300 = arith.index_cast %swap3A_1299 : i32 to index
        %swap3A_1301 = arith.index_cast %scan3A_747 : i32 to index
        %swap3A_1302 = arith.constant 432 : index
        %swap3A_1303 = tpu.vector_load %arg6[%swap3A_1300, %swap3A_1301, %swap3A_1302] {strides = array<i32>} : memref<4x16x512xf32, #tpu.memory_space<vmem>>, vector<1x1x16xf32>,
        %swap3A_1304 = vector.shape_cast %swap3A_1303 : vector<1x1x16xf32> to vector<16xf32>
        %swap3A_1305 = vector.shape_cast %add3A_1298 : vector<16xf32> to vector<1x1x16xf32>
        tpu.vector_store %arg6[%swap3A_1300, %swap3A_1301, %swap3A_1302], %swap3A_1305 {strides = array<i32>} : memref<4x16x512xf32, #tpu.memory_space<vmem>>, vector<1x1x16xf32>,
        %get3A_1306 = arith.constant 3 : i32
        %get3A_1307 = arith.index_cast %get3A_1306 : i32 to index
        %get3A_1308 = arith.index_cast %scan3A_747 : i32 to index
        %get3A_1309 = arith.constant 448 : index
        %get3A_1310 = tpu.vector_load %arg5[%get3A_1307, %get3A_1308, %get3A_1309] {strides = array<i32>} : memref<4x16x512xf32, #tpu.memory_space<vmem>>, vector<1x1x16xf32>,
        %get3A_1311 = vector.shape_cast %get3A_1310 : vector<1x1x16xf32> to vector<16xf32>
        %add3A_1312 = arith.constant 11 : i32
        %add3A_1313 = arith.addi %add3A_1312, %select_n3A_628 : i32
        %get3A_1314 = arith.index_cast %add3A_1313 : i32 to index
        %get3A_1315 = arith.constant 448 : index
        %get3A_1316 = tpu.vector_load %arg7[%get3A_1314, %get3A_1315] {strides = array<i32>} : memref<12x512xf32, #tpu.memory_space<vmem>>, vector<1x16xf32>,
        %get3A_1317 = vector.shape_cast %get3A_1316 : vector<1x16xf32> to vector<16xf32>
        %add3A_1318 = arith.addf %get3A_1311, %get3A_1317 : vector<16xf32>
        %swap3A_1319 = arith.constant 3 : i32
        %swap3A_1320 = arith.index_cast %swap3A_1319 : i32 to index
        %swap3A_1321 = arith.index_cast %scan3A_747 : i32 to index
        %swap3A_1322 = arith.constant 448 : index
        %swap3A_1323 = tpu.vector_load %arg6[%swap3A_1320, %swap3A_1321, %swap3A_1322] {strides = array<i32>} : memref<4x16x512xf32, #tpu.memory_space<vmem>>, vector<1x1x16xf32>,
        %swap3A_1324 = vector.shape_cast %swap3A_1323 : vector<1x1x16xf32> to vector<16xf32>
        %swap3A_1325 = vector.shape_cast %add3A_1318 : vector<16xf32> to vector<1x1x16xf32>
        tpu.vector_store %arg6[%swap3A_1320, %swap3A_1321, %swap3A_1322], %swap3A_1325 {strides = array<i32>} : memref<4x16x512xf32, #tpu.memory_space<vmem>>, vector<1x1x16xf32>,
        %get3A_1326 = arith.constant 3 : i32
        %get3A_1327 = arith.index_cast %get3A_1326 : i32 to index
        %get3A_1328 = arith.index_cast %scan3A_747 : i32 to index
        %get3A_1329 = arith.constant 464 : index
        %get3A_1330 = tpu.vector_load %arg5[%get3A_1327, %get3A_1328, %get3A_1329] {strides = array<i32>} : memref<4x16x512xf32, #tpu.memory_space<vmem>>, vector<1x1x16xf32>,
        %get3A_1331 = vector.shape_cast %get3A_1330 : vector<1x1x16xf32> to vector<16xf32>
        %add3A_1332 = arith.constant 11 : i32
        %add3A_1333 = arith.addi %add3A_1332, %select_n3A_628 : i32
        %get3A_1334 = arith.index_cast %add3A_1333 : i32 to index
        %get3A_1335 = arith.constant 464 : index
        %get3A_1336 = tpu.vector_load %arg7[%get3A_1334, %get3A_1335] {strides = array<i32>} : memref<12x512xf32, #tpu.memory_space<vmem>>, vector<1x16xf32>,
        %get3A_1337 = vector.shape_cast %get3A_1336 : vector<1x16xf32> to vector<16xf32>
        %add3A_1338 = arith.addf %get3A_1331, %get3A_1337 : vector<16xf32>
        %swap3A_1339 = arith.constant 3 : i32
        %swap3A_1340 = arith.index_cast %swap3A_1339 : i32 to index
        %swap3A_1341 = arith.index_cast %scan3A_747 : i32 to index
        %swap3A_1342 = arith.constant 464 : index
        %swap3A_1343 = tpu.vector_load %arg6[%swap3A_1340, %swap3A_1341, %swap3A_1342] {strides = array<i32>} : memref<4x16x512xf32, #tpu.memory_space<vmem>>, vector<1x1x16xf32>,
        %swap3A_1344 = vector.shape_cast %swap3A_1343 : vector<1x1x16xf32> to vector<16xf32>
        %swap3A_1345 = vector.shape_cast %add3A_1338 : vector<16xf32> to vector<1x1x16xf32>
        tpu.vector_store %arg6[%swap3A_1340, %swap3A_1341, %swap3A_1342], %swap3A_1345 {strides = array<i32>} : memref<4x16x512xf32, #tpu.memory_space<vmem>>, vector<1x1x16xf32>,
        %get3A_1346 = arith.constant 3 : i32
        %get3A_1347 = arith.index_cast %get3A_1346 : i32 to index
        %get3A_1348 = arith.index_cast %scan3A_747 : i32 to index
        %get3A_1349 = arith.constant 480 : index
        %get3A_1350 = tpu.vector_load %arg5[%get3A_1347, %get3A_1348, %get3A_1349] {strides = array<i32>} : memref<4x16x512xf32, #tpu.memory_space<vmem>>, vector<1x1x16xf32>,
        %get3A_1351 = vector.shape_cast %get3A_1350 : vector<1x1x16xf32> to vector<16xf32>
        %add3A_1352 = arith.constant 11 : i32
        %add3A_1353 = arith.addi %add3A_1352, %select_n3A_628 : i32
        %get3A_1354 = arith.index_cast %add3A_1353 : i32 to index
        %get3A_1355 = arith.constant 480 : index
        %get3A_1356 = tpu.vector_load %arg7[%get3A_1354, %get3A_1355] {strides = array<i32>} : memref<12x512xf32, #tpu.memory_space<vmem>>, vector<1x16xf32>,
        %get3A_1357 = vector.shape_cast %get3A_1356 : vector<1x16xf32> to vector<16xf32>
        %add3A_1358 = arith.addf %get3A_1351, %get3A_1357 : vector<16xf32>
        %swap3A_1359 = arith.constant 3 : i32
        %swap3A_1360 = arith.index_cast %swap3A_1359 : i32 to index
        %swap3A_1361 = arith.index_cast %scan3A_747 : i32 to index
        %swap3A_1362 = arith.constant 480 : index
        %swap3A_1363 = tpu.vector_load %arg6[%swap3A_1360, %swap3A_1361, %swap3A_1362] {strides = array<i32>} : memref<4x16x512xf32, #tpu.memory_space<vmem>>, vector<1x1x16xf32>,
        %swap3A_1364 = vector.shape_cast %swap3A_1363 : vector<1x1x16xf32> to vector<16xf32>
        %swap3A_1365 = vector.shape_cast %add3A_1358 : vector<16xf32> to vector<1x1x16xf32>
        tpu.vector_store %arg6[%swap3A_1360, %swap3A_1361, %swap3A_1362], %swap3A_1365 {strides = array<i32>} : memref<4x16x512xf32, #tpu.memory_space<vmem>>, vector<1x1x16xf32>,
        %get3A_1366 = arith.constant 3 : i32
        %get3A_1367 = arith.index_cast %get3A_1366 : i32 to index
        %get3A_1368 = arith.index_cast %scan3A_747 : i32 to index
        %get3A_1369 = arith.constant 496 : index
        %get3A_1370 = tpu.vector_load %arg5[%get3A_1367, %get3A_1368, %get3A_1369] {strides = array<i32>} : memref<4x16x512xf32, #tpu.memory_space<vmem>>, vector<1x1x16xf32>,
        %get3A_1371 = vector.shape_cast %get3A_1370 : vector<1x1x16xf32> to vector<16xf32>
        %add3A_1372 = arith.constant 11 : i32
        %add3A_1373 = arith.addi %add3A_1372, %select_n3A_628 : i32
        %get3A_1374 = arith.index_cast %add3A_1373 : i32 to index
        %get3A_1375 = arith.constant 496 : index
        %get3A_1376 = tpu.vector_load %arg7[%get3A_1374, %get3A_1375] {strides = array<i32>} : memref<12x512xf32, #tpu.memory_space<vmem>>, vector<1x16xf32>,
        %get3A_1377 = vector.shape_cast %get3A_1376 : vector<1x16xf32> to vector<16xf32>
        %add3A_1378 = arith.addf %get3A_1371, %get3A_1377 : vector<16xf32>
        %swap3A_1379 = arith.constant 3 : i32
        %swap3A_1380 = arith.index_cast %swap3A_1379 : i32 to index
        %swap3A_1381 = arith.index_cast %scan3A_747 : i32 to index
        %swap3A_1382 = arith.constant 496 : index
        %swap3A_1383 = tpu.vector_load %arg6[%swap3A_1380, %swap3A_1381, %swap3A_1382] {strides = array<i32>} : memref<4x16x512xf32, #tpu.memory_space<vmem>>, vector<1x1x16xf32>,
        %swap3A_1384 = vector.shape_cast %swap3A_1383 : vector<1x1x16xf32> to vector<16xf32>
        %swap3A_1385 = vector.shape_cast %add3A_1378 : vector<16xf32> to vector<1x1x16xf32>
        tpu.vector_store %arg6[%swap3A_1380, %swap3A_1381, %swap3A_1382], %swap3A_1385 {strides = array<i32>} : memref<4x16x512xf32, #tpu.memory_space<vmem>>, vector<1x1x16xf32>,
      }
      %scan3A_689 = arith.constant 16 : i32
      %jit3A_690 = arith.constant 8 : i32
      %div3A_691 = arith.divsi %add3A_604, %jit3A_690 : i32
      %sign3A_692 = arith.constant 0 : i32
      %sign3A_693 = arith.cmpi sgt, %add3A_604, %sign3A_692 : i32
      %sign3A_694 = arith.extui %sign3A_693 : i1 to i32
      %sign3A_695 = arith.constant 0 : i32
      %sign3A_696 = arith.cmpi slt, %add3A_604, %sign3A_695 : i32
      %sign3A_697 = arith.extui %sign3A_696 : i1 to i32
      %sign3A_698 = arith.subi %sign3A_694, %sign3A_697 : i32
      %sign3A_699 = arith.constant 0 : i32
      %sign3A_700 = arith.cmpi sgt, %jit3A_690, %sign3A_699 : i32
      %sign3A_701 = arith.extui %sign3A_700 : i1 to i32
      %sign3A_702 = arith.constant 0 : i32
      %sign3A_703 = arith.cmpi slt, %jit3A_690, %sign3A_702 : i32
      %sign3A_704 = arith.extui %sign3A_703 : i1 to i32
      %sign3A_705 = arith.subi %sign3A_701, %sign3A_704 : i32
      %ne3A_706 = arith.cmpi ne, %sign3A_698, %sign3A_705 : i32
      %rem3A_707 = arith.remsi %add3A_604, %jit3A_690 : i32
      %ne3A_708 = arith.constant 0 : i32
      %ne3A_709 = arith.cmpi ne, %rem3A_707, %ne3A_708 : i32
      %and3A_710 = arith.andi %ne3A_706, %ne3A_709 : i1
      %sub3A_711 = arith.constant 1 : i32
      %sub3A_712 = arith.subi %div3A_691, %sub3A_711 : i32
      %select_n3A_713 = arith.select %and3A_710, %sub3A_712, %div3A_691 : i32
      %mul3A_714 = arith.constant 8 : i32
      %mul3A_715 = arith.muli %select_n3A_713, %mul3A_714 : i32
      %sub3A_716 = arith.subi %add3A_604, %mul3A_715 : i32
      %mul3A_717 = arith.constant 16 : i32
      %mul3A_718 = arith.muli %sub3A_716, %mul3A_717 : i32
      %add3A_719 = arith.addi %mul3A_2, %mul3A_718 : i32
      %add3A_720 = arith.constant 11 : i32
      %add3A_721 = arith.addi %add3A_720, %select_n3A_713 : i32
      %dma_start3A_722 = arith.constant 3 : i32
      %dma_start3A_723 = arith.constant 3 : i32
      %dma_start3A_724 = arith.constant 0 : i32
      %dma_start3A_725 = arith.constant 0 : i32
      %dma_start3A_726 = tpu.memref_slice %arg6[%dma_start3A_722, %dma_start3A_724, %dma_start3A_725] : memref<4x16x512xf32, #tpu.memory_space<vmem>> -> memref<1x16x512xf32, #tpu.memory_space<vmem>>
      %dma_start3A_727 = tpu.memref_squeeze %dma_start3A_726 : memref<1x16x512xf32, #tpu.memory_space<vmem>> -> memref<16x512xf32, #tpu.memory_space<vmem>>
      %dma_start3A_728 = arith.constant 0 : i32
      %dma_start3A_729 = tpu.memref_slice %arg4[%add3A_721, %add3A_719, %dma_start3A_728] : memref<12x4096x512xf32, #tpu.memory_space<hbm>> -> memref<1x16x512xf32, #tpu.memory_space<hbm>>
      %dma_start3A_730 = tpu.memref_squeeze %dma_start3A_729 : memref<1x16x512xf32, #tpu.memory_space<hbm>> -> memref<16x512xf32, #tpu.memory_space<hbm>>
      %dma_start3A_731 = tpu.memref_slice %arg9[%dma_start3A_723] : memref<4x!tpu.dma_semaphore, #tpu.memory_space<semaphore_mem>> -> memref<1x!tpu.dma_semaphore, #tpu.memory_space<semaphore_mem>>
      %dma_start3A_732 = tpu.memref_squeeze %dma_start3A_731 : memref<1x!tpu.dma_semaphore, #tpu.memory_space<semaphore_mem>> -> memref<!tpu.dma_semaphore, #tpu.memory_space<semaphore_mem>>
      %dma_start3A_733 = arith.constant 0 : i32
      %dma_start3A_734 = tpu.memref_slice %arg4[%add3A_721, %add3A_719, %dma_start3A_733] : memref<12x4096x512xf32, #tpu.memory_space<hbm>> -> memref<1x16x512xf32, #tpu.memory_space<hbm>>
      %dma_start3A_735 = tpu.memref_squeeze %dma_start3A_734 : memref<1x16x512xf32, #tpu.memory_space<hbm>> -> memref<16x512xf32, #tpu.memory_space<hbm>>
      %dma_start3A_736 = arith.constant 0 : i32
      %dma_start3A_737 = arith.constant 0 : i32
      %dma_start3A_738 = tpu.memref_slice %arg6[%dma_start3A_722, %dma_start3A_736, %dma_start3A_737] : memref<4x16x512xf32, #tpu.memory_space<vmem>> -> memref<1x16x512xf32, #tpu.memory_space<vmem>>
      %dma_start3A_739 = tpu.memref_squeeze %dma_start3A_738 : memref<1x16x512xf32, #tpu.memory_space<vmem>> -> memref<16x512xf32, #tpu.memory_space<vmem>>
      tpu.enqueue_dma source(%dma_start3A_739 : memref<16x512xf32, #tpu.memory_space<vmem>>) target(%dma_start3A_735 : memref<16x512xf32, #tpu.memory_space<hbm>>) target_semaphore(%dma_start3A_732 : memref<!tpu.dma_semaphore, #tpu.memory_space<semaphore_mem>>)
      %add3A_740 = arith.constant 4 : i32
      %add3A_741 = arith.addi %add3A_604, %add3A_740 : i32
      %lt3A_742 = arith.constant 8 : i32
      %lt3A_743 = arith.cmpi slt, %add3A_741, %lt3A_742 : i32
      %convert_element_type3A_744 = arith.extui %lt3A_743 : i1 to i32
      %cond3A_745 = arith.constant 0 : i32
      %cond3A_746 = arith.cmpi ne, %convert_element_type3A_744, %cond3A_745 : i32
      scf.if %cond3A_746 {
        %add3A_747 = arith.constant 4 : i32
        %add3A_748 = arith.addi %add3A_604, %add3A_747 : i32
        %jit3A_749 = arith.constant 8 : i32
        %div3A_750 = arith.divsi %add3A_748, %jit3A_749 : i32
        %sign3A_751 = arith.constant 0 : i32
        %sign3A_752 = arith.cmpi sgt, %add3A_748, %sign3A_751 : i32
        %sign3A_753 = arith.extui %sign3A_752 : i1 to i32
        %sign3A_754 = arith.constant 0 : i32
        %sign3A_755 = arith.cmpi slt, %add3A_748, %sign3A_754 : i32
        %sign3A_756 = arith.extui %sign3A_755 : i1 to i32
        %sign3A_757 = arith.subi %sign3A_753, %sign3A_756 : i32
        %sign3A_758 = arith.constant 0 : i32
        %sign3A_759 = arith.cmpi sgt, %jit3A_749, %sign3A_758 : i32
        %sign3A_760 = arith.extui %sign3A_759 : i1 to i32
        %sign3A_761 = arith.constant 0 : i32
        %sign3A_762 = arith.cmpi slt, %jit3A_749, %sign3A_761 : i32
        %sign3A_763 = arith.extui %sign3A_762 : i1 to i32
        %sign3A_764 = arith.subi %sign3A_760, %sign3A_763 : i32
        %ne3A_765 = arith.cmpi ne, %sign3A_757, %sign3A_764 : i32
        %rem3A_766 = arith.remsi %add3A_748, %jit3A_749 : i32
        %ne3A_767 = arith.constant 0 : i32
        %ne3A_768 = arith.cmpi ne, %rem3A_766, %ne3A_767 : i32
        %and3A_769 = arith.andi %ne3A_765, %ne3A_768 : i1
        %sub3A_770 = arith.constant 1 : i32
        %sub3A_771 = arith.subi %div3A_750, %sub3A_770 : i32
        %select_n3A_772 = arith.select %and3A_769, %sub3A_771, %div3A_750 : i32
        %mul3A_773 = arith.constant 8 : i32
        %mul3A_774 = arith.muli %select_n3A_772, %mul3A_773 : i32
        %sub3A_775 = arith.subi %add3A_748, %mul3A_774 : i32
        %mul3A_776 = arith.constant 16 : i32
        %mul3A_777 = arith.muli %sub3A_775, %mul3A_776 : i32
        %add3A_778 = arith.addi %mul3A_2, %mul3A_777 : i32
        %add3A_779 = arith.constant 11 : i32
        %add3A_780 = arith.addi %add3A_779, %select_n3A_772 : i32
        %dma_start3A_781 = arith.constant 3 : i32
        %dma_start3A_782 = arith.constant 3 : i32
        %dma_start3A_783 = arith.constant 0 : i32
        %dma_start3A_784 = arith.constant 0 : i32
        %dma_start3A_785 = tpu.memref_slice %arg5[%dma_start3A_781, %dma_start3A_783, %dma_start3A_784] : memref<4x16x512xf32, #tpu.memory_space<vmem>> -> memref<1x16x512xf32, #tpu.memory_space<vmem>>
        %dma_start3A_786 = tpu.memref_squeeze %dma_start3A_785 : memref<1x16x512xf32, #tpu.memory_space<vmem>> -> memref<16x512xf32, #tpu.memory_space<vmem>>
        %dma_start3A_787 = arith.constant 0 : i32
        %dma_start3A_788 = tpu.memref_slice %arg2[%add3A_780, %add3A_778, %dma_start3A_787] : memref<12x4096x512xf32, #tpu.memory_space<hbm>> -> memref<1x16x512xf32, #tpu.memory_space<hbm>>
        %dma_start3A_789 = tpu.memref_squeeze %dma_start3A_788 : memref<1x16x512xf32, #tpu.memory_space<hbm>> -> memref<16x512xf32, #tpu.memory_space<hbm>>
        %dma_start3A_790 = tpu.memref_slice %arg8[%dma_start3A_782] : memref<4x!tpu.dma_semaphore, #tpu.memory_space<semaphore_mem>> -> memref<1x!tpu.dma_semaphore, #tpu.memory_space<semaphore_mem>>
        %dma_start3A_791 = tpu.memref_squeeze %dma_start3A_790 : memref<1x!tpu.dma_semaphore, #tpu.memory_space<semaphore_mem>> -> memref<!tpu.dma_semaphore, #tpu.memory_space<semaphore_mem>>
        %dma_start3A_792 = arith.constant 0 : i32
        %dma_start3A_793 = arith.constant 0 : i32
        %dma_start3A_794 = tpu.memref_slice %arg5[%dma_start3A_781, %dma_start3A_792, %dma_start3A_793] : memref<4x16x512xf32, #tpu.memory_space<vmem>> -> memref<1x16x512xf32, #tpu.memory_space<vmem>>
        %dma_start3A_795 = tpu.memref_squeeze %dma_start3A_794 : memref<1x16x512xf32, #tpu.memory_space<vmem>> -> memref<16x512xf32, #tpu.memory_space<vmem>>
        %dma_start3A_796 = arith.constant 0 : i32
        %dma_start3A_797 = tpu.memref_slice %arg2[%add3A_780, %add3A_778, %dma_start3A_796] : memref<12x4096x512xf32, #tpu.memory_space<hbm>> -> memref<1x16x512xf32, #tpu.memory_space<hbm>>
        %dma_start3A_798 = tpu.memref_squeeze %dma_start3A_797 : memref<1x16x512xf32, #tpu.memory_space<hbm>> -> memref<16x512xf32, #tpu.memory_space<hbm>>
        tpu.enqueue_dma source(%dma_start3A_798 : memref<16x512xf32, #tpu.memory_space<hbm>>) target(%dma_start3A_795 : memref<16x512xf32, #tpu.memory_space<vmem>>) target_semaphore(%dma_start3A_791 : memref<!tpu.dma_semaphore, #tpu.memory_space<semaphore_mem>>)
      } else {
      }
    }
    %scan3A_90 = arith.constant 2 : i32
    %add3A_91 = arith.constant 64 : i32
    %add3A_92 = arith.addi %mul3A_2, %add3A_91 : i32
    %dma_wait3A = arith.constant 0 : i32
    %dma_wait3A_93 = arith.constant 11 : i32
    %dma_wait3A_94 = arith.constant 0 : i32
    %dma_wait3A_95 = arith.constant 0 : i32
    %dma_wait3A_96 = arith.constant 0 : i32
    %dma_wait3A_97 = tpu.memref_slice %arg6[%dma_wait3A, %dma_wait3A_95, %dma_wait3A_96] : memref<4x16x512xf32, #tpu.memory_space<vmem>> -> memref<1x16x512xf32, #tpu.memory_space<vmem>>
    %dma_wait3A_98 = tpu.memref_squeeze %dma_wait3A_97 : memref<1x16x512xf32, #tpu.memory_space<vmem>> -> memref<16x512xf32, #tpu.memory_space<vmem>>
    %dma_wait3A_99 = arith.constant 0 : i32
    %dma_wait3A_100 = tpu.memref_slice %arg4[%dma_wait3A_93, %add3A_92, %dma_wait3A_99] : memref<12x4096x512xf32, #tpu.memory_space<hbm>> -> memref<1x16x512xf32, #tpu.memory_space<hbm>>
    %dma_wait3A_101 = tpu.memref_squeeze %dma_wait3A_100 : memref<1x16x512xf32, #tpu.memory_space<hbm>> -> memref<16x512xf32, #tpu.memory_space<hbm>>
    %dma_wait3A_102 = tpu.memref_slice %arg9[%dma_wait3A_94] : memref<4x!tpu.dma_semaphore, #tpu.memory_space<semaphore_mem>> -> memref<1x!tpu.dma_semaphore, #tpu.memory_space<semaphore_mem>>
    %dma_wait3A_103 = tpu.memref_squeeze %dma_wait3A_102 : memref<1x!tpu.dma_semaphore, #tpu.memory_space<semaphore_mem>> -> memref<!tpu.dma_semaphore, #tpu.memory_space<semaphore_mem>>
    %dma_wait3A_104 = arith.constant 0 : i32
    %dma_wait3A_105 = tpu.memref_slice %arg4[%dma_wait3A_93, %add3A_92, %dma_wait3A_104] : memref<12x4096x512xf32, #tpu.memory_space<hbm>> -> memref<1x16x512xf32, #tpu.memory_space<hbm>>
    %dma_wait3A_106 = tpu.memref_squeeze %dma_wait3A_105 : memref<1x16x512xf32, #tpu.memory_space<hbm>> -> memref<16x512xf32, #tpu.memory_space<hbm>>
    %dma_wait3A_107 = arith.constant 0 : i32
    %dma_wait3A_108 = arith.constant 0 : i32
    %dma_wait3A_109 = tpu.memref_slice %arg6[%dma_wait3A, %dma_wait3A_107, %dma_wait3A_108] : memref<4x16x512xf32, #tpu.memory_space<vmem>> -> memref<1x16x512xf32, #tpu.memory_space<vmem>>
    %dma_wait3A_110 = tpu.memref_squeeze %dma_wait3A_109 : memref<1x16x512xf32, #tpu.memory_space<vmem>> -> memref<16x512xf32, #tpu.memory_space<vmem>>
    tpu.wait_dma2 semaphore(%dma_wait3A_103 : memref<!tpu.dma_semaphore, #tpu.memory_space<semaphore_mem>>) src(%dma_wait3A_110 : memref<16x512xf32, #tpu.memory_space<vmem>>) dst(%dma_wait3A_106 : memref<16x512xf32, #tpu.memory_space<hbm>>)
    %add3A_111 = arith.constant 80 : i32
    %add3A_112 = arith.addi %mul3A_2, %add3A_111 : i32
    %dma_wait3A_113 = arith.constant 1 : i32
    %dma_wait3A_114 = arith.constant 11 : i32
    %dma_wait3A_115 = arith.constant 1 : i32
    %dma_wait3A_116 = arith.constant 0 : i32
    %dma_wait3A_117 = arith.constant 0 : i32
    %dma_wait3A_118 = tpu.memref_slice %arg6[%dma_wait3A_113, %dma_wait3A_116, %dma_wait3A_117] : memref<4x16x512xf32, #tpu.memory_space<vmem>> -> memref<1x16x512xf32, #tpu.memory_space<vmem>>
    %dma_wait3A_119 = tpu.memref_squeeze %dma_wait3A_118 : memref<1x16x512xf32, #tpu.memory_space<vmem>> -> memref<16x512xf32, #tpu.memory_space<vmem>>
    %dma_wait3A_120 = arith.constant 0 : i32
    %dma_wait3A_121 = tpu.memref_slice %arg4[%dma_wait3A_114, %add3A_112, %dma_wait3A_120] : memref<12x4096x512xf32, #tpu.memory_space<hbm>> -> memref<1x16x512xf32, #tpu.memory_space<hbm>>
    %dma_wait3A_122 = tpu.memref_squeeze %dma_wait3A_121 : memref<1x16x512xf32, #tpu.memory_space<hbm>> -> memref<16x512xf32, #tpu.memory_space<hbm>>
    %dma_wait3A_123 = tpu.memref_slice %arg9[%dma_wait3A_115] : memref<4x!tpu.dma_semaphore, #tpu.memory_space<semaphore_mem>> -> memref<1x!tpu.dma_semaphore, #tpu.memory_space<semaphore_mem>>
    %dma_wait3A_124 = tpu.memref_squeeze %dma_wait3A_123 : memref<1x!tpu.dma_semaphore, #tpu.memory_space<semaphore_mem>> -> memref<!tpu.dma_semaphore, #tpu.memory_space<semaphore_mem>>
    %dma_wait3A_125 = arith.constant 0 : i32
    %dma_wait3A_126 = tpu.memref_slice %arg4[%dma_wait3A_114, %add3A_112, %dma_wait3A_125] : memref<12x4096x512xf32, #tpu.memory_space<hbm>> -> memref<1x16x512xf32, #tpu.memory_space<hbm>>
    %dma_wait3A_127 = tpu.memref_squeeze %dma_wait3A_126 : memref<1x16x512xf32, #tpu.memory_space<hbm>> -> memref<16x512xf32, #tpu.memory_space<hbm>>
    %dma_wait3A_128 = arith.constant 0 : i32
    %dma_wait3A_129 = arith.constant 0 : i32
    %dma_wait3A_130 = tpu.memref_slice %arg6[%dma_wait3A_113, %dma_wait3A_128, %dma_wait3A_129] : memref<4x16x512xf32, #tpu.memory_space<vmem>> -> memref<1x16x512xf32, #tpu.memory_space<vmem>>
    %dma_wait3A_131 = tpu.memref_squeeze %dma_wait3A_130 : memref<1x16x512xf32, #tpu.memory_space<vmem>> -> memref<16x512xf32, #tpu.memory_space<vmem>>
    tpu.wait_dma2 semaphore(%dma_wait3A_124 : memref<!tpu.dma_semaphore, #tpu.memory_space<semaphore_mem>>) src(%dma_wait3A_131 : memref<16x512xf32, #tpu.memory_space<vmem>>) dst(%dma_wait3A_127 : memref<16x512xf32, #tpu.memory_space<hbm>>)
    %add3A_132 = arith.constant 96 : i32
    %add3A_133 = arith.addi %mul3A_2, %add3A_132 : i32
    %dma_wait3A_134 = arith.constant 2 : i32
    %dma_wait3A_135 = arith.constant 11 : i32
    %dma_wait3A_136 = arith.constant 2 : i32
    %dma_wait3A_137 = arith.constant 0 : i32
    %dma_wait3A_138 = arith.constant 0 : i32
    %dma_wait3A_139 = tpu.memref_slice %arg6[%dma_wait3A_134, %dma_wait3A_137, %dma_wait3A_138] : memref<4x16x512xf32, #tpu.memory_space<vmem>> -> memref<1x16x512xf32, #tpu.memory_space<vmem>>
    %dma_wait3A_140 = tpu.memref_squeeze %dma_wait3A_139 : memref<1x16x512xf32, #tpu.memory_space<vmem>> -> memref<16x512xf32, #tpu.memory_space<vmem>>
    %dma_wait3A_141 = arith.constant 0 : i32
    %dma_wait3A_142 = tpu.memref_slice %arg4[%dma_wait3A_135, %add3A_133, %dma_wait3A_141] : memref<12x4096x512xf32, #tpu.memory_space<hbm>> -> memref<1x16x512xf32, #tpu.memory_space<hbm>>
    %dma_wait3A_143 = tpu.memref_squeeze %dma_wait3A_142 : memref<1x16x512xf32, #tpu.memory_space<hbm>> -> memref<16x512xf32, #tpu.memory_space<hbm>>
    %dma_wait3A_144 = tpu.memref_slice %arg9[%dma_wait3A_136] : memref<4x!tpu.dma_semaphore, #tpu.memory_space<semaphore_mem>> -> memref<1x!tpu.dma_semaphore, #tpu.memory_space<semaphore_mem>>
    %dma_wait3A_145 = tpu.memref_squeeze %dma_wait3A_144 : memref<1x!tpu.dma_semaphore, #tpu.memory_space<semaphore_mem>> -> memref<!tpu.dma_semaphore, #tpu.memory_space<semaphore_mem>>
    %dma_wait3A_146 = arith.constant 0 : i32
    %dma_wait3A_147 = tpu.memref_slice %arg4[%dma_wait3A_135, %add3A_133, %dma_wait3A_146] : memref<12x4096x512xf32, #tpu.memory_space<hbm>> -> memref<1x16x512xf32, #tpu.memory_space<hbm>>
    %dma_wait3A_148 = tpu.memref_squeeze %dma_wait3A_147 : memref<1x16x512xf32, #tpu.memory_space<hbm>> -> memref<16x512xf32, #tpu.memory_space<hbm>>
    %dma_wait3A_149 = arith.constant 0 : i32
    %dma_wait3A_150 = arith.constant 0 : i32
    %dma_wait3A_151 = tpu.memref_slice %arg6[%dma_wait3A_134, %dma_wait3A_149, %dma_wait3A_150] : memref<4x16x512xf32, #tpu.memory_space<vmem>> -> memref<1x16x512xf32, #tpu.memory_space<vmem>>
    %dma_wait3A_152 = tpu.memref_squeeze %dma_wait3A_151 : memref<1x16x512xf32, #tpu.memory_space<vmem>> -> memref<16x512xf32, #tpu.memory_space<vmem>>
    tpu.wait_dma2 semaphore(%dma_wait3A_145 : memref<!tpu.dma_semaphore, #tpu.memory_space<semaphore_mem>>) src(%dma_wait3A_152 : memref<16x512xf32, #tpu.memory_space<vmem>>) dst(%dma_wait3A_148 : memref<16x512xf32, #tpu.memory_space<hbm>>)
    %add3A_153 = arith.constant 112 : i32
    %add3A_154 = arith.addi %mul3A_2, %add3A_153 : i32
    %dma_wait3A_155 = arith.constant 3 : i32
    %dma_wait3A_156 = arith.constant 11 : i32
    %dma_wait3A_157 = arith.constant 3 : i32
    %dma_wait3A_158 = arith.constant 0 : i32
    %dma_wait3A_159 = arith.constant 0 : i32
    %dma_wait3A_160 = tpu.memref_slice %arg6[%dma_wait3A_155, %dma_wait3A_158, %dma_wait3A_159] : memref<4x16x512xf32, #tpu.memory_space<vmem>> -> memref<1x16x512xf32, #tpu.memory_space<vmem>>
    %dma_wait3A_161 = tpu.memref_squeeze %dma_wait3A_160 : memref<1x16x512xf32, #tpu.memory_space<vmem>> -> memref<16x512xf32, #tpu.memory_space<vmem>>
    %dma_wait3A_162 = arith.constant 0 : i32
    %dma_wait3A_163 = tpu.memref_slice %arg4[%dma_wait3A_156, %add3A_154, %dma_wait3A_162] : memref<12x4096x512xf32, #tpu.memory_space<hbm>> -> memref<1x16x512xf32, #tpu.memory_space<hbm>>
    %dma_wait3A_164 = tpu.memref_squeeze %dma_wait3A_163 : memref<1x16x512xf32, #tpu.memory_space<hbm>> -> memref<16x512xf32, #tpu.memory_space<hbm>>
    %dma_wait3A_165 = tpu.memref_slice %arg9[%dma_wait3A_157] : memref<4x!tpu.dma_semaphore, #tpu.memory_space<semaphore_mem>> -> memref<1x!tpu.dma_semaphore, #tpu.memory_space<semaphore_mem>>
    %dma_wait3A_166 = tpu.memref_squeeze %dma_wait3A_165 : memref<1x!tpu.dma_semaphore, #tpu.memory_space<semaphore_mem>> -> memref<!tpu.dma_semaphore, #tpu.memory_space<semaphore_mem>>
    %dma_wait3A_167 = arith.constant 0 : i32
    %dma_wait3A_168 = tpu.memref_slice %arg4[%dma_wait3A_156, %add3A_154, %dma_wait3A_167] : memref<12x4096x512xf32, #tpu.memory_space<hbm>> -> memref<1x16x512xf32, #tpu.memory_space<hbm>>
    %dma_wait3A_169 = tpu.memref_squeeze %dma_wait3A_168 : memref<1x16x512xf32, #tpu.memory_space<hbm>> -> memref<16x512xf32, #tpu.memory_space<hbm>>
    %dma_wait3A_170 = arith.constant 0 : i32
    %dma_wait3A_171 = arith.constant 0 : i32
    %dma_wait3A_172 = tpu.memref_slice %arg6[%dma_wait3A_155, %dma_wait3A_170, %dma_wait3A_171] : memref<4x16x512xf32, #tpu.memory_space<vmem>> -> memref<1x16x512xf32, #tpu.memory_space<vmem>>
    %dma_wait3A_173 = tpu.memref_squeeze %dma_wait3A_172 : memref<1x16x512xf32, #tpu.memory_space<vmem>> -> memref<16x512xf32, #tpu.memory_space<vmem>>
    tpu.wait_dma2 semaphore(%dma_wait3A_166 : memref<!tpu.dma_semaphore, #tpu.memory_space<semaphore_mem>>) src(%dma_wait3A_173 : memref<16x512xf32, #tpu.memory_space<vmem>>) dst(%dma_wait3A_169 : memref<16x512xf32, #tpu.memory_space<hbm>>)
    return
  }
}

module attributes {stable_mosaic.version = 14 : i64} {
  func.func @_tc_body(%arg0: i32, %arg1: memref<1x4096x512xf32, #tpu.memory_space<vmem>>, %arg2: memref<1x1x512xf32, #tpu.memory_space<vmem>>, %arg3: memref<12x4096x512xf32, #tpu.memory_space<any>>, %arg4: memref<1x4096x512xf32, #tpu.memory_space<vmem>>) attributes {dimension_semantics = [#tpu.dimension_semantics<arbitrary>], iteration_bounds = array<i64: 11>, scalar_prefetch = 0 : i64, scratch_operands = 0 : i64, tpu.core_type = #tpu.core_type<tc>, window_params = [{transform_indices = @transform_0, window_bounds = array<i64: 1, 4096, 512>}, {transform_indices = @transform_1, window_bounds = array<i64: 1, 1, 512>}, {}, {transform_indices = @transform_3, window_bounds = array<i64: 1, 4096, 512>}]} {
    %get3A = arith.constant 0 : index
    %get3A_0 = arith.constant 0 : index
    %get3A_1 = arith.constant 0 : index
    %get3A_2 = vector.load %arg1[%get3A, %get3A_0, %get3A_1] : memref<1x4096x512xf32, #tpu.memory_space<vmem>>, vector<1x4096x512xf32>
    %get3A_3 = arith.constant 0 : index
    %get3A_4 = arith.constant 0 : index
    %get3A_5 = arith.constant 0 : index
    %get3A_6 = vector.load %arg2[%get3A_3, %get3A_4, %get3A_5] : memref<1x1x512xf32, #tpu.memory_space<vmem>>, vector<1x1x512xf32>
    %add3A = vector.broadcast %get3A_6 : vector<1x1x512xf32> to vector<1x4096x512xf32>
    %add3A_7 = arith.addf %get3A_2, %add3A : vector<1x4096x512xf32>
    %swap3A = arith.constant 0 : index
    %swap3A_8 = arith.constant 0 : index
    %swap3A_9 = arith.constant 0 : index
    %swap3A_10 = vector.load %arg4[%swap3A, %swap3A_8, %swap3A_9] : memref<1x4096x512xf32, #tpu.memory_space<vmem>>, vector<1x4096x512xf32>
    tpu.vector_store %arg4[%swap3A, %swap3A_8, %swap3A_9], %add3A_7 {strides = array<i32>} : memref<1x4096x512xf32, #tpu.memory_space<vmem>>, vector<1x4096x512xf32>,
    return
  }
  func.func @transform_0(%arg0: i32) -> (i32, i32, i32) {
    %c0_i32 = arith.constant 0 : i32
    %c0_i32_0 = arith.constant 0 : i32
    %c0_i32_1 = arith.constant 0 : i32
    return %arg0, %c0_i32, %c0_i32_0 : i32, i32, i32
  }
  func.func @transform_1(%arg0: i32) -> (i32, i32, i32) {
    %c0_i32 = arith.constant 0 : i32
    %c0_i32_0 = arith.constant 0 : i32
    %c0_i32_1 = arith.constant 0 : i32
    return %arg0, %c0_i32, %c0_i32_0 : i32, i32, i32
  }
  func.func @transform_3(%arg0: i32) -> (i32, i32, i32) {
    %c0_i32 = arith.constant 0 : i32
    %c0_i32_0 = arith.constant 0 : i32
    %c0_i32_1 = arith.constant 0 : i32
    return %arg0, %c0_i32, %c0_i32_0 : i32, i32, i32
  }
}

</mosaic_0001>

<sc_bundles>
// kernel: kernel.4.cloned.1.call-start
scs
__scs_entry_jumppad:
0x0: {  	(pc) =	sbr.rel $0x88, $3  }
0x1: {  	(tag) =	ssettag $0x0;
	lr =	simm.s32 $0x1  }
0x2: {  	[smem:$0x3F9F] =	sst lr;
	_ =	strace $0xD0000000  }
0x3: {  	_ = 	snop  }
0x4: {  	_ = 	snop  }
0x5: {  	_ = 	snop  }
0x6: {  	_ = 	snop  }
0x7: {  	_ = 	snop  }
__scs_overlays_trampoline_lowered:
0x8: {  	[smem:$0x3FAE] =	sst s0  }
0x9: {  	[smem:$0x3FAF] =	sst s1  }
0xa: {  	[smem:$0x3FB0] =	sst s2  }
0xb: {  	[smem:$0x3FB1] =	sst s3  }
0xc: {  	[smem:$0x3FB2] =	sst s4  }
0xd: {  	[smem:$0x3FB3] =	sst s5  }
0xe: {  	[smem:$0x3FB4] =	sst s6  }
0xf: {  	[smem:$0x3FB5] =	sst s7  }
0x10: {  	[smem:$0x3FB6] =	sst s8  }
0x11: {  	[smem:$0x3FB7] =	sst s9;
	s0 =	simm.s32 @!p0 $0x0  }
0x12: {  	s1 =	sld [smem:$0x3F9D];
	s0 =	simm.s32 @p0 $0x1  }
0x13: {  	[smem:$0x3FB8] =	sst s0;
	s0 =	simm.s32 @!p1 $0x0  }
0x14: {  	s2 =	sld [smem:$0x3F9C];
	s0 =	simm.s32 @p1 $0x1  }
0x15: {  	[smem:$0x3FB9] =	sst s0;
	s0 =	simm.s32 @!p2 $0x0  }
0x16: {  	s3 =	sld [smem:$0x3FDB];
	s0 =	simm.s32 @p2 $0x1  }
0x17: {  	s4 =	simm.s32 $0x1BF5;
	[smem:$0x3FBB] =	sst s0  }
0x18: {  	s0 =	sld [smem:$0x3F9E];
	_ =	swait.ge [sflag:s4], $0x0  }
0x19: {  	s7 =	sld [smem:$0x3F9F]  }
0x1a: {  	s8 =	sadd.s32 $0xFFFFE003, lr  }
0x1b: {  	s9 =	sadd.s32 $0xFFFFFEF7, lr;
	s5 =	simm.s32 $0xFFFFFFFF;
	p2 =	slt.u32 s8, $0xFFFFF086  }
0x1c: {  	p1 =	slt.u32 s9, $0xF7A;
	s5 =	simm.s32 @!p2 $0x0  }
0x1d: {  	s5 =	simm.s32 @p1 $0x1;
	p0 =	seq.s32 s7, s2  }
0x1e: {  	s7 =	smul.u32 @!p0 $0xF7A, s2;
	p2 =	seq.s32 @!p0 s5, $0x0  }
0x1f: {  	s9 =	smul.u32 $0xF7A, s1;
	s8 =	simm.s32 @!p0 $0x1BF5;
	p2 =	por !p2, p0  }
0x20: {  	[sflag:s8] =	ssyncset.s32 @!p0 $0xFFFFF086;
	s6 =	sadd.s32 @!p0 s3, s7;
	s7 =	simm.s32 @!p0 $0x108  }
0x21: {  	s3 =	sadd.s32 s3, s9;
	s6 =	sadd.s32 @!p0 $0x88, s6;
	s7 =	simm.s32 @p2 $0x1082  }
0x22: {  	[simem:s7], [sflag:s8] =	dma.local @!p0 [hbm:s6], $0xF7A  }
0x23: {  	s9 =	sor.u32 $0xD0000000, s2;
	s6 =	simm.s32 $0x108;
	_ =	swait.ge @!p0 [sflag:s8], $0x0  }
0x24: {  	s3 =	sadd.s32 $0x88, s3;
	s6 =	simm.s32 @!p1 $0x1082;
	[sflag:s4] =	ssyncset.s32 $0xFFFFF086  }
0x25: {  	[simem:s6], [sflag:s4] =	dma.local [hbm:s3], $0xF7A  }
0x26: {  	[smem:$0x3F9F] =	sst s1;
	(tag) =	ssettag s2;
	_ =	strace s9  }
0x27: {  	s1 =	sld [smem:$0x3FAF]  }
0x28: {  	s2 =	sld [smem:$0x3FB0]  }
0x29: {  	s4 =	sld [smem:$0x3FB2]  }
0x2a: {  	p0 =	seq.s32 s5, $0x0;
	s5 =	sld [smem:$0x3FB3]  }
0x2b: {  	s6 =	sld [smem:$0x3FB4]  }
0x2c: {  	s7 =	sld [smem:$0x3FB5]  }
0x2d: {  	s3 =	simm.s32 $0x108;
	s8 =	sld [smem:$0x3FB6]  }
0x2e: {  	s3 =	simm.s32 @!p0 $0x1082;
	s9 =	sld [smem:$0x3FB7]  }
0x2f: {  	lr =	sadd.s32 s0, s3;
	s0 =	sld [smem:$0x3FAE]  }
0x30: {  	s3 =	sld [smem:$0x3FB1]  }
0x31: {  	[smem:$0x3FBA] =	sst s10  }
0x32: {  	s10 =	sld [smem:$0x3FB8];
	_ =	sdelay $0x3  }
0x33: {  	p0 =	seq.s32 s10, $0x1;
	s10 =	sld [smem:$0x3FBA];
	_ =	sdelay $0x3  }
0x34: {  	[smem:$0x3FBA] =	sst s10  }
0x35: {  	s10 =	sld [smem:$0x3FB9];
	_ =	sdelay $0x3  }
0x36: {  	p1 =	seq.s32 s10, $0x1;
	s10 =	sld [smem:$0x3FBA];
	_ =	sdelay $0x3  }
0x37: {  	[smem:$0x3FBA] =	sst s10  }
0x38: {  	s10 =	sld [smem:$0x3FBB]  }
0x39: {  	_ = 	snop;
	(pc) =	sbr.ind lr, $3  }
0x3a: {  	_ = 	snop  }
0x3b: {  	_ = 	snop  }
0x3c: {  	p2 =	seq.s32 s10, $0x1;
	s10 =	sld [smem:$0x3FBA]  }
0x3d: {  	_ =	shalt  }
0x3e: {  	_ =	shalt  }
0x3f: {  	_ =	shalt  }
0x40: {  	_ =	shalt  }
0x41: {  	_ =	shalt  }
0x42: {  	_ =	shalt  }
0x43: {  	_ =	shalt  }
0x44: {  	_ =	shalt  }
0x45: {  	_ =	shalt  }
0x46: {  	_ =	shalt  }
0x47: {  	_ =	shalt  }
0x48: {  	_ =	shalt  }
0x49: {  	_ =	shalt  }
0x4a: {  	_ =	shalt  }
0x4b: {  	_ =	shalt  }
0x4c: {  	_ =	shalt  }
0x4d: {  	_ =	shalt  }
0x4e: {  	_ =	shalt  }
0x4f: {  	_ =	shalt  }
0x50: {  	_ =	shalt  }
0x51: {  	_ =	shalt  }
0x52: {  	_ =	shalt  }
0x53: {  	_ =	shalt  }
0x54: {  	_ =	shalt  }
0x55: {  	_ =	shalt  }
0x56: {  	_ =	shalt  }
0x57: {  	_ =	shalt  }
0x58: {  	_ =	shalt  }
0x59: {  	_ =	shalt  }
0x5a: {  	_ =	shalt  }
0x5b: {  	_ =	shalt  }
0x5c: {  	_ =	shalt  }
0x5d: {  	_ =	shalt  }
0x5e: {  	_ =	shalt  }
0x5f: {  	_ =	shalt  }
0x60: {  	_ =	shalt  }
0x61: {  	_ =	shalt  }
0x62: {  	_ =	shalt  }
0x63: {  	_ =	shalt  }
0x64: {  	_ =	shalt  }
0x65: {  	_ =	shalt  }
0x66: {  	_ =	shalt  }
0x67: {  	_ =	shalt  }
0x68: {  	_ =	shalt  }
0x69: {  	_ =	shalt  }
0x6a: {  	_ =	shalt  }
0x6b: {  	_ =	shalt  }
0x6c: {  	_ =	shalt  }
0x6d: {  	_ =	shalt  }
0x6e: {  	_ =	shalt  }
0x6f: {  	_ =	shalt  }
0x70: {  	_ =	shalt  }
0x71: {  	_ =	shalt  }
0x72: {  	_ =	shalt  }
0x73: {  	_ =	shalt  }
0x74: {  	_ =	shalt  }
0x75: {  	_ =	shalt  }
0x76: {  	_ =	shalt  }
0x77: {  	_ =	shalt  }
0x78: {  	_ =	shalt  }
0x79: {  	_ =	shalt  }
0x7a: {  	_ =	shalt  }
0x7b: {  	_ =	shalt  }
0x7c: {  	_ =	shalt  }
0x7d: {  	_ =	shalt  }
0x7e: {  	_ =	shalt  }
0x7f: {  	_ =	shalt  }
0x80: {  	_ =	shalt  }
0x81: {  	_ =	shalt  }
0x82: {  	_ =	shalt  }
0x83: {  	_ =	shalt  }
0x84: {  	_ =	shalt  }
0x85: {  	_ =	shalt  }
0x86: {  	_ =	shalt  }
0x87: {  	_ =	shalt  }
.Lfunc_end0:
.L_simem_size_0:
called_computation_lowered:
.L_overlay_start_0:
0x88: {  	s2 =	sld [smem:$0x3FD9]  }
0x89: {  	s3 =	sld [smem:$0x3FFE];
	_ =	sdelay $0x1  }
0x8a: {  	s1 =	srdreg.scid  }
0x8b: {  	s0 =	sand.u32 $0x1, s1  }
0x8c: {  	s18 =	sshll.u32 s0, $0xA;
	s2 =	sadd.s32 s3, s2  }
0x8d: {  	s2 =	sadd.s32 s2, s18  }
0x8e: {  	[smem:$0x3FC6] =	sst s2  }
0x8f: {  	_ = 	snop  }
0x90: {  	s2 =	sld [smem:$0x3FC9]  }
0x91: {  	s19 =	sld [smem:$0x3FC8]  }
0x92: {  	s4 =	sld [smem:$0x3FD0];
	(tm) =	ssettm $0x1  }
0x93: {  	s5 =	sld [smem:$0x3FFB];
	_ =	sdelay $0x3  }
0x94: {  	_ =	strace s5  }
0x95: {  	s5 =	sld [smem:$0x3FFC];
	_ =	sdelay $0x3  }
0x96: {  	_ =	strace s5  }
0x97: {  	s5 =	sld [smem:$0x3FFD];
	_ =	sdelay $0x3  }
0x98: {  	_ =	strace s5  }
0x99: {  	_ =	strace $0x8FFFFFFF  }
0x9a: {  	s20 =	sld [smem:$0x3FDB];
	_ =	sdelay $0x1  }
0x9b: {  	s6 =	simm.s32 $_scs_section_size  }
0x9c: {  	s7 =	simm.s32 $_size__tile_overlayer_lowered;
	s8 =	simm.s32 $_tile_overlayer_lowered  }
0x9d: {  	s23 =	simm.s32 $0x1BFF;
	s22 =	sshll.u32 s8, $0x1;
	s5 =	sadd.s32 s6, s20  }
0x9e: {  	s9 =	simm.s32 $0x0;
	s21 =	sshll.u32 s7, $0x1;
	s7 =	sadd.s32 s22, s5  }
0x9f: {  	[timem:s9], [sflag:s23] =	dma.local [hbm:s7], s21  }
0xa0: {  	_ =	swait.ge [sflag:s23], s21  }
0xa1: {  	s6 =	ssub.s32 $0x0, s21;
	[sflag:s23] =	ssyncset.done $0x0  }
0xa2: {  	[sflag:s23] =	ssyncadd.s32 s6;
	_ =	sdelay $0x1  }
0xa3: {  	s24 =	simm.s32 $0x1B8B  }
0xa4: {  	_ =	swait.ge [sflag:s24], $0x1  }
0xa5: {  	[sflag:s24] =	ssyncset.done $0x0  }
0xa6: {  	s25 =	simm.s32 $0x1B8E;
	[sflag:s24] =	ssyncadd.s32 $0xFFFFFFFF  }
0xa7: {  	s26 =	simm.s32 $execute0_lowered;
	[smem:$0x3FD2] =	sst s25  }
0xa8: {  	s6 =	sshll.u32 s26, $0x1;
	_ =	strace $0x80000046;
	[dreg:$0x1] =	wrdreg $0xFFFFFFFF  }
0xa9: {  	s28 =	simm.s32 $_size_execute0_lowered;
	s5 =	sadd.s32 s5, s6;
	[dreg:$0x0] =	wrdreg $0x0  }
0xaa: {  	s6 =	sshll.u32 s28, $0x1;
	[dreg:$0x2] =	wrdreg s5  }
0xab: {  	[dreg:$0x3] =	wrdreg s6  }
0xac: {  	[dreg:$0x4] =	wrdreg $0xC0  }
0xad: {  	_ =	task [dreg:s9], $0x5FFFF  }
0xae: {  	[dreg:$0x1] =	wrdreg $0xFFFFFFFF  }
0xaf: {  	[dreg:$0x0] =	wrdreg $0x60  }
0xb0: {  	[dreg:$0x2] =	wrdreg s2  }
0xb1: {  	[dreg:$0x3] =	wrdreg s19  }
0xb2: {  	[dreg:$0x4] =	wrdreg s4  }
0xb3: {  	[dreg:$0x5] =	wrdreg $0x9  }
0xb4: {  	_ =	task.clear_ibuf [dreg:s9], $0x6FFFF;
	_ =	strace $0x90000046  }
0xb5: {  	s29 =	simm.s32 $0x9;
	_ =	strace $0x80000048  }
0xb6: {  	_ =	swait.ge [sflag:s29], $0x1  }
0xb7: {  	[sflag:s29] =	ssyncadd.s32 $0xFFFFFFFF  }
0xb8: {  	_ =	strace $0x90000048  }
0xb9: {  	_ =	sfence  }
0xba: {  	s30 =	sld [smem:$0x0];
	_ =	sdelay $0x2  }
0xbb: {  	s31 =	sshll.u32 s1, $0xD;
	s1 =	sshrl.u32 s1, $0x2  }
0xbc: {  	s3 =	sand.u32 $0x4000, s31;
	s1 =	sadd.s32 s1, s30  }
0xbd: {  	s0 =	sor.u32 s3, s0;
	s1 =	sshll.u32 s1, $0x11  }
0xbe: {  	s0 =	sor.u32 s1, s0  }
0xbf: {  	s0 =	sadd.s32 $0x8F2B, s0  }
0xc0: {  	[sflag:s0] =	ssyncadd.remote.s32 $0x1  }
0xc1: {  	_ =	sfence.sel $0xFFFF  }
0xc2: {  	[dreg:$0x0] =	wrdreg $0xFFFFFFFF;
	(pc) =	sbr.abs _section_cstart, $3  }
0xc3: {  	[dreg:$0x1] =	wrdreg $0xFFFFFFFF  }
0xc4: {  	_ =	task.clear_ibuf [dreg:s9], $0x2FFFF;
	_ =	strace $0x9FFFFFFF  }
0xc5: {  	(tm) =	ssettm $0x7FFFFFFF  }
tec
execute0_lowered:
.L_overlay_start_1:
0x0: {  	(tag) =	ssettag $0x1  }
0x1: {  	s0 =	rddreg [dreg:$0x0];
	s1 =	srdreg.scid  }
0x2: {  	s3 =	stileid.u32;
	s2 =	rddreg [dreg:$0x2]  }
0x3: {  	s17 =	simm.s32 $0x9;
	s20 =	simm.s32 $0x6000;
	s21 =	simm.s32 $0x1  }
0x4: {  	s22 =	simm.s32 $0x8000;
	s23 =	simm.s32 $0xA000;
	s24 =	simm.s32 $0xC000  }
0x5: {  	s28 =	simm.s32 $0x6;
	s29 =	simm.s32 $0x7;
	s30 =	simm.s32 $0x8  }
0x6: {  	s31 =	simm.s32 $0x0;
	s1 =	sand.u32 $0x1, s1;
	s4 =	sshll.u32 s3, $0x8  }
0x7: {  	s3 =	simm.s32 $0x0;
	s8 =	sadd.s32 $0x2C0C00, s0;
	s9 =	sadd.s32 $0x2C0000, s2  }
0x8: {  	s14 =	sadd.s32 $0x2C1C00, s0;
	s5 =	sshll.u32 s1, $0x7;
	s1 =	ssub.s32 $0x2, s1  }
0x9: {  	[smem:$0x7FF] =	sst s3;
	s4 =	sor.u32 s5, s4;
	s25 =	sshrl.u32 s1, $0x1  }
0xa: {  	_ =	strace $0x80000047;
	s4 =	sshll.u32 s4, $0x6;
	s1 =	ssub.s32 s1, s25  }
0xb: {  	s25 =	simm.s32 $0xE000;
	s13 =	sadd.s32 s4, s0;
	s10 =	sadd.s32 s4, s9  }
0xc: {  	s15 =	smax.u32 s1, $0x1;
	s26 =	sadd.s32 $0x2C0400, s13;
	s6 =	sadd.s32 $0x2C0800, s13  }
0xd: {  	s7 =	sadd.s32 $0x2C0000, s13;
	s11 =	sadd.s32 $0x2C1000, s13;
	s12 =	sadd.s32 $0x2C1400, s13  }
0xe: {  	s13 =	sadd.s32 $0x2C1800, s13;
	[dreg:$0x4] =	wrdreg s26;
	s26 =	simm.s32 $0x5  }
.LBB2_1:
0xf: {  	s0 =	rddreg [dreg:$0x1];
	s1 =	simm.s32 $0x10000  }
0x10: {  	[tilespmem:s1], [sflag:$0x9] =	stream.linear.gather [hbm4b:s0+s3], $0x2000, $0x38;
	[tilespmem:$0x12000] =	vst v63  }
0x11: {  	_ =	swait.ge [sflag:s17], $0x2000  }
0x12: {  	[sflag:s17] =	ssyncset.done $0x0  }
0x13: {  	[sflag:s17] =	ssyncadd.s32 $0xFFFFE000  }
0x14: {  	[tilespmem:s3], [sflag:$0x1] =	stream.linear.gather [hbm4b:s7+s3], $0x2000, $0x38;
	[tilespmem:$0x12000] =	vst v63  }
0x15: {  	s18 =	simm.s32 $0x2000;
	s19 =	simm.s32 $0x4000;
	s16 =	rddreg [dreg:$0x4]  }
0x16: {  	[tilespmem:s18], [sflag:$0x2] =	stream.linear.gather [hbm4b:s16+s3], $0x2000, $0x38;
	[tilespmem:$0x12000] =	vst v63  }
0x17: {  	p1 =	por $0x1, $0x1;
	s0 =	smov.u32 s8;
	s1 =	simm.s32 $0x0  }
0x18: {  	[tilespmem:s19], [sflag:$0x3] =	stream.linear.gather [hbm4b:s6+s3], $0x2000, $0x38;
	[tilespmem:$0x12000] =	vst v63  }
.LBB2_2:
0x19: {  	s0 =	sadd.s32 s4, s0  }
0x1a: {  	[tilespmem:s20], [sflag:$0x4] =	stream.linear.gather [hbm4b:s0+s3], $0x2000, $0x38;
	[tilespmem:$0x12000] =	vst v63  }
0x1b: {  	_ =	swait.ge [sflag:s21], $0x2000  }
0x1c: {  	[sflag:s21] =	ssyncset.done $0x0  }
0x1d: {  	s0 =	simm.s32 @!p1 $0x5;
	[sflag:s21] =	ssyncadd.s32 $0xFFFFE000  }
0x1e: {  	s2 =	simm.s32 $0x0;
	_ =	swait.ge @!p1 [sflag:s0], $0x2000  }
0x1f: {  	s16 =	sand.u32 $0x1000, s2;
	s2 =	sand.u32 $0x380, s2;
	[sflag:s0] =	ssyncset.done @!p1 $0x0  }
0x20: {  	[sflag:s0] =	ssyncadd.s32 @!p1 $0xFFFFE000;
	s0 =	sor.u32 s2, s16  }
0x21: {  	v0 =	vld [tilespmem:s0+$0x0]  }
0x22: {  	v1 =	vld [tilespmem:$0x11180];
	_ =	sdelay $0x4  }
0x23: {  	v0 =	vadd.f32 v1, v0;
	_ =	sdelay $0x1  }
0x24: {  	[tilespmem:s0+$0x8000] =	vst v0;
	v0 =	vld [tilespmem:s0+$0x10]  }
0x25: {  	v1 =	vld [tilespmem:$0x11190];
	_ =	sdelay $0x4  }
0x26: {  	v0 =	vadd.f32 v1, v0;
	_ =	sdelay $0x1  }
0x27: {  	[tilespmem:s0+$0x8010] =	vst v0;
	v0 =	vld [tilespmem:s0+$0x20]  }
0x28: {  	v1 =	vld [tilespmem:$0x111A0];
	_ =	sdelay $0x4  }
0x29: {  	v0 =	vadd.f32 v1, v0;
	_ =	sdelay $0x1  }
0x2a: {  	[tilespmem:s0+$0x8020] =	vst v0;
	v0 =	vld [tilespmem:s0+$0x30]  }
0x2b: {  	v1 =	vld [tilespmem:$0x111B0];
	_ =	sdelay $0x4  }
0x2c: {  	v0 =	vadd.f32 v1, v0;
	_ =	sdelay $0x1  }
0x2d: {  	[tilespmem:s0+$0x8030] =	vst v0;
	v0 =	vld [tilespmem:s0+$0x40]  }
0x2e: {  	v1 =	vld [tilespmem:$0x111C0];
	_ =	sdelay $0x4  }
0x2f: {  	v0 =	vadd.f32 v1, v0;
	_ =	sdelay $0x1  }
0x30: {  	[tilespmem:s0+$0x8040] =	vst v0;
	v0 =	vld [tilespmem:s0+$0x50]  }
0x31: {  	v1 =	vld [tilespmem:$0x111D0];
	_ =	sdelay $0x4  }
0x32: {  	v0 =	vadd.f32 v1, v0;
	_ =	sdelay $0x1  }
0x33: {  	[tilespmem:s0+$0x8050] =	vst v0;
	v0 =	vld [tilespmem:s0+$0x60]  }
0x34: {  	v1 =	vld [tilespmem:$0x111E0];
	_ =	sdelay $0x4  }
0x35: {  	v0 =	vadd.f32 v1, v0;
	_ =	sdelay $0x1  }
0x36: {  	[tilespmem:s0+$0x8060] =	vst v0;
	v0 =	vld [tilespmem:s0+$0x70]  }
0x37: {  	v1 =	vld [tilespmem:$0x111F0];
	_ =	sdelay $0x4  }
0x38: {  	v0 =	vadd.f32 v1, v0;
	_ =	sdelay $0x1  }
0x39: {  	[tilespmem:s0+$0x8070] =	vst v0;
	v0 =	vld [tilespmem:s0+$0x400]  }
0x3a: {  	v1 =	vld [tilespmem:$0x11580];
	_ =	sdelay $0x4  }
0x3b: {  	v0 =	vadd.f32 v1, v0;
	_ =	sdelay $0x1  }
0x3c: {  	[tilespmem:s0+$0x8400] =	vst v0;
	v0 =	vld [tilespmem:s0+$0x410]  }
0x3d: {  	v1 =	vld [tilespmem:$0x11590];
	_ =	sdelay $0x4  }
0x3e: {  	v0 =	vadd.f32 v1, v0;
	_ =	sdelay $0x1  }
0x3f: {  	[tilespmem:s0+$0x8410] =	vst v0;
	v0 =	vld [tilespmem:s0+$0x420]  }
0x40: {  	v1 =	vld [tilespmem:$0x115A0];
	_ =	sdelay $0x4  }
0x41: {  	v0 =	vadd.f32 v1, v0;
	_ =	sdelay $0x1  }
0x42: {  	[tilespmem:s0+$0x8420] =	vst v0;
	v0 =	vld [tilespmem:s0+$0x430]  }
0x43: {  	v1 =	vld [tilespmem:$0x115B0];
	_ =	sdelay $0x4  }
0x44: {  	v0 =	vadd.f32 v1, v0;
	_ =	sdelay $0x1  }
0x45: {  	[tilespmem:s0+$0x8430] =	vst v0;
	v0 =	vld [tilespmem:s0+$0x440]  }
0x46: {  	v1 =	vld [tilespmem:$0x115C0];
	_ =	sdelay $0x4  }
0x47: {  	v0 =	vadd.f32 v1, v0;
	_ =	sdelay $0x1  }
0x48: {  	[tilespmem:s0+$0x8440] =	vst v0;
	v0 =	vld [tilespmem:s0+$0x450]  }
0x49: {  	v1 =	vld [tilespmem:$0x115D0];
	_ =	sdelay $0x4  }
0x4a: {  	v0 =	vadd.f32 v1, v0;
	_ =	sdelay $0x1  }
0x4b: {  	[tilespmem:s0+$0x8450] =	vst v0;
	v0 =	vld [tilespmem:s0+$0x460]  }
0x4c: {  	v1 =	vld [tilespmem:$0x115E0];
	_ =	sdelay $0x4  }
0x4d: {  	v0 =	vadd.f32 v1, v0;
	_ =	sdelay $0x1  }
0x4e: {  	[tilespmem:s0+$0x8460] =	vst v0;
	v0 =	vld [tilespmem:s0+$0x470]  }
0x4f: {  	v1 =	vld [tilespmem:$0x115F0];
	_ =	sdelay $0x4  }
0x50: {  	v0 =	vadd.f32 v1, v0;
	_ =	sdelay $0x1  }
0x51: {  	[tilespmem:s0+$0x8470] =	vst v0;
	v0 =	vld [tilespmem:s0+$0x800]  }
0x52: {  	v1 =	vld [tilespmem:$0x11980];
	_ =	sdelay $0x4  }
0x53: {  	v0 =	vadd.f32 v1, v0;
	_ =	sdelay $0x1  }
0x54: {  	[tilespmem:s0+$0x8800] =	vst v0;
	v0 =	vld [tilespmem:s0+$0x810]  }
0x55: {  	v1 =	vld [tilespmem:$0x11990];
	_ =	sdelay $0x4  }
0x56: {  	v0 =	vadd.f32 v1, v0;
	_ =	sdelay $0x1  }
0x57: {  	[tilespmem:s0+$0x8810] =	vst v0;
	v0 =	vld [tilespmem:s0+$0x820]  }
0x58: {  	v1 =	vld [tilespmem:$0x119A0];
	_ =	sdelay $0x4  }
0x59: {  	v0 =	vadd.f32 v1, v0;
	_ =	sdelay $0x1  }
0x5a: {  	[tilespmem:s0+$0x8820] =	vst v0;
	v0 =	vld [tilespmem:s0+$0x830]  }
0x5b: {  	v1 =	vld [tilespmem:$0x119B0];
	_ =	sdelay $0x4  }
0x5c: {  	v0 =	vadd.f32 v1, v0;
	_ =	sdelay $0x1  }
0x5d: {  	[tilespmem:s0+$0x8830] =	vst v0;
	v0 =	vld [tilespmem:s0+$0x840]  }
0x5e: {  	v1 =	vld [tilespmem:$0x119C0];
	_ =	sdelay $0x4  }
0x5f: {  	v0 =	vadd.f32 v1, v0;
	_ =	sdelay $0x1  }
0x60: {  	[tilespmem:s0+$0x8840] =	vst v0;
	v0 =	vld [tilespmem:s0+$0x850]  }
0x61: {  	v1 =	vld [tilespmem:$0x119D0];
	_ =	sdelay $0x4  }
0x62: {  	v0 =	vadd.f32 v1, v0;
	_ =	sdelay $0x1  }
0x63: {  	[tilespmem:s0+$0x8850] =	vst v0;
	v0 =	vld [tilespmem:s0+$0x860]  }
0x64: {  	v1 =	vld [tilespmem:$0x119E0];
	_ =	sdelay $0x4  }
0x65: {  	v0 =	vadd.f32 v1, v0;
	_ =	sdelay $0x1  }
0x66: {  	[tilespmem:s0+$0x8860] =	vst v0;
	v0 =	vld [tilespmem:s0+$0x870]  }
0x67: {  	v1 =	vld [tilespmem:$0x119F0];
	_ =	sdelay $0x4  }
0x68: {  	v0 =	vadd.f32 v1, v0;
	_ =	sdelay $0x1  }
0x69: {  	[tilespmem:s0+$0x8870] =	vst v0;
	v0 =	vld [tilespmem:s0+$0xC00]  }
0x6a: {  	v1 =	vld [tilespmem:$0x11D80];
	_ =	sdelay $0x4  }
0x6b: {  	v0 =	vadd.f32 v1, v0;
	_ =	sdelay $0x1  }
0x6c: {  	[tilespmem:s0+$0x8C00] =	vst v0;
	v0 =	vld [tilespmem:s0+$0xC10]  }
0x6d: {  	v1 =	vld [tilespmem:$0x11D90];
	_ =	sdelay $0x4  }
0x6e: {  	v0 =	vadd.f32 v1, v0;
	_ =	sdelay $0x1  }
0x6f: {  	[tilespmem:s0+$0x8C10] =	vst v0;
	v0 =	vld [tilespmem:s0+$0xC20]  }
0x70: {  	v1 =	vld [tilespmem:$0x11DA0];
	_ =	sdelay $0x4  }
0x71: {  	v0 =	vadd.f32 v1, v0;
	_ =	sdelay $0x1  }
0x72: {  	[tilespmem:s0+$0x8C20] =	vst v0;
	v0 =	vld [tilespmem:s0+$0xC30]  }
0x73: {  	v1 =	vld [tilespmem:$0x11DB0];
	_ =	sdelay $0x4  }
0x74: {  	v0 =	vadd.f32 v1, v0;
	_ =	sdelay $0x1  }
0x75: {  	[tilespmem:s0+$0x8C30] =	vst v0;
	v0 =	vld [tilespmem:s0+$0xC40]  }
0x76: {  	v1 =	vld [tilespmem:$0x11DC0];
	_ =	sdelay $0x4  }
0x77: {  	v0 =	vadd.f32 v1, v0;
	_ =	sdelay $0x1  }
0x78: {  	[tilespmem:s0+$0x8C40] =	vst v0;
	v0 =	vld [tilespmem:s0+$0xC50]  }
0x79: {  	v1 =	vld [tilespmem:$0x11DD0];
	_ =	sdelay $0x4  }
0x7a: {  	v0 =	vadd.f32 v1, v0;
	_ =	sdelay $0x1  }
0x7b: {  	[tilespmem:s0+$0x8C50] =	vst v0;
	v0 =	vld [tilespmem:s0+$0xC60]  }
0x7c: {  	v1 =	vld [tilespmem:$0x11DE0];
	_ =	sdelay $0x4  }
0x7d: {  	v0 =	vadd.f32 v1, v0;
	_ =	sdelay $0x1  }
0x7e: {  	[tilespmem:s0+$0x8C60] =	vst v0;
	v0 =	vld [tilespmem:s0+$0xC70]  }
0x7f: {  	v1 =	vld [tilespmem:$0x11DF0];
	_ =	sdelay $0x3  }
0x80: {  	s19 =	simm.s32 $0x200;
	s2 =	simm.s32 $0x80  }
0x81: {  	s16 =	sand.u32 $0x1000, s19;
	s18 =	sand.u32 $0x380, s2;
	v0 =	vadd.f32 v1, v0  }
0x82: {  	p0 =	por p1, p1;
	s18 =	sor.u32 s18, s16;
	s16 =	simm.s32 $0x400  }
.LBB2_3:
0x83: {  	p1 =	sne.s32 s16, $0x1E00;
	v1 =	vld [tilespmem:s18+$0x0];
	[tilespmem:s0+$0x8C70] =	vst v0;
	s0 =	smov.u32 s18  }
0x84: {  	v0 =	vld [tilespmem:$0x11180];
	_ =	sdelay $0x4  }
0x85: {  	v0 =	vadd.f32 v0, v1;
	_ =	sdelay $0x1  }
0x86: {  	[tilespmem:s0+$0x8000] =	vst v0;
	v0 =	vld [tilespmem:s0+$0x10]  }
0x87: {  	v1 =	vld [tilespmem:$0x11190];
	_ =	sdelay $0x4  }
0x88: {  	v0 =	vadd.f32 v1, v0;
	_ =	sdelay $0x1  }
0x89: {  	[tilespmem:s0+$0x8010] =	vst v0;
	v0 =	vld [tilespmem:s0+$0x20]  }
0x8a: {  	v1 =	vld [tilespmem:$0x111A0];
	_ =	sdelay $0x4  }
0x8b: {  	v0 =	vadd.f32 v1, v0;
	_ =	sdelay $0x1  }
0x8c: {  	[tilespmem:s0+$0x8020] =	vst v0;
	v0 =	vld [tilespmem:s0+$0x30]  }
0x8d: {  	v1 =	vld [tilespmem:$0x111B0];
	_ =	sdelay $0x4  }
0x8e: {  	v0 =	vadd.f32 v1, v0;
	_ =	sdelay $0x1  }
0x8f: {  	[tilespmem:s0+$0x8030] =	vst v0;
	v0 =	vld [tilespmem:s0+$0x40]  }
0x90: {  	v1 =	vld [tilespmem:$0x111C0];
	_ =	sdelay $0x4  }
0x91: {  	v0 =	vadd.f32 v1, v0;
	_ =	sdelay $0x1  }
0x92: {  	[tilespmem:s0+$0x8040] =	vst v0;
	v0 =	vld [tilespmem:s0+$0x50]  }
0x93: {  	v1 =	vld [tilespmem:$0x111D0];
	_ =	sdelay $0x4  }
0x94: {  	v0 =	vadd.f32 v1, v0;
	_ =	sdelay $0x1  }
0x95: {  	[tilespmem:s0+$0x8050] =	vst v0;
	v0 =	vld [tilespmem:s0+$0x60]  }
0x96: {  	v1 =	vld [tilespmem:$0x111E0];
	_ =	sdelay $0x4  }
0x97: {  	v0 =	vadd.f32 v1, v0;
	_ =	sdelay $0x1  }
0x98: {  	[tilespmem:s0+$0x8060] =	vst v0;
	v0 =	vld [tilespmem:s0+$0x70]  }
0x99: {  	v1 =	vld [tilespmem:$0x111F0];
	_ =	sdelay $0x4  }
0x9a: {  	v0 =	vadd.f32 v1, v0;
	_ =	sdelay $0x1  }
0x9b: {  	[tilespmem:s0+$0x8070] =	vst v0;
	v0 =	vld [tilespmem:s0+$0x400]  }
0x9c: {  	v1 =	vld [tilespmem:$0x11580];
	_ =	sdelay $0x4  }
0x9d: {  	v0 =	vadd.f32 v1, v0;
	_ =	sdelay $0x1  }
0x9e: {  	[tilespmem:s0+$0x8400] =	vst v0;
	v0 =	vld [tilespmem:s0+$0x410]  }
0x9f: {  	v1 =	vld [tilespmem:$0x11590];
	_ =	sdelay $0x4  }
0xa0: {  	v0 =	vadd.f32 v1, v0;
	_ =	sdelay $0x1  }
0xa1: {  	[tilespmem:s0+$0x8410] =	vst v0;
	v0 =	vld [tilespmem:s0+$0x420]  }
0xa2: {  	v1 =	vld [tilespmem:$0x115A0];
	_ =	sdelay $0x4  }
0xa3: {  	v0 =	vadd.f32 v1, v0;
	_ =	sdelay $0x1  }
0xa4: {  	[tilespmem:s0+$0x8420] =	vst v0;
	v0 =	vld [tilespmem:s0+$0x430]  }
0xa5: {  	v1 =	vld [tilespmem:$0x115B0];
	_ =	sdelay $0x4  }
0xa6: {  	v0 =	vadd.f32 v1, v0;
	_ =	sdelay $0x1  }
0xa7: {  	[tilespmem:s0+$0x8430] =	vst v0;
	v0 =	vld [tilespmem:s0+$0x440]  }
0xa8: {  	v1 =	vld [tilespmem:$0x115C0];
	_ =	sdelay $0x4  }
0xa9: {  	v0 =	vadd.f32 v1, v0;
	_ =	sdelay $0x1  }
0xaa: {  	[tilespmem:s0+$0x8440] =	vst v0;
	v0 =	vld [tilespmem:s0+$0x450]  }
0xab: {  	v1 =	vld [tilespmem:$0x115D0];
	_ =	sdelay $0x4  }
0xac: {  	v0 =	vadd.f32 v1, v0;
	_ =	sdelay $0x1  }
0xad: {  	[tilespmem:s0+$0x8450] =	vst v0;
	v0 =	vld [tilespmem:s0+$0x460]  }
0xae: {  	v1 =	vld [tilespmem:$0x115E0];
	_ =	sdelay $0x4  }
0xaf: {  	v0 =	vadd.f32 v1, v0;
	_ =	sdelay $0x1  }
0xb0: {  	[tilespmem:s0+$0x8460] =	vst v0;
	v0 =	vld [tilespmem:s0+$0x470]  }
0xb1: {  	v1 =	vld [tilespmem:$0x115F0];
	_ =	sdelay $0x4  }
0xb2: {  	v0 =	vadd.f32 v1, v0;
	_ =	sdelay $0x1  }
0xb3: {  	[tilespmem:s0+$0x8470] =	vst v0;
	v0 =	vld [tilespmem:s0+$0x800]  }
0xb4: {  	v1 =	vld [tilespmem:$0x11980];
	_ =	sdelay $0x4  }
0xb5: {  	v0 =	vadd.f32 v1, v0;
	_ =	sdelay $0x1  }
0xb6: {  	[tilespmem:s0+$0x8800] =	vst v0;
	v0 =	vld [tilespmem:s0+$0x810]  }
0xb7: {  	v1 =	vld [tilespmem:$0x11990];
	_ =	sdelay $0x4  }
0xb8: {  	v0 =	vadd.f32 v1, v0;
	_ =	sdelay $0x1  }
0xb9: {  	[tilespmem:s0+$0x8810] =	vst v0;
	v0 =	vld [tilespmem:s0+$0x820]  }
0xba: {  	v1 =	vld [tilespmem:$0x119A0];
	_ =	sdelay $0x4  }
0xbb: {  	v0 =	vadd.f32 v1, v0;
	_ =	sdelay $0x1  }
0xbc: {  	[tilespmem:s0+$0x8820] =	vst v0;
	v0 =	vld [tilespmem:s0+$0x830]  }
0xbd: {  	v1 =	vld [tilespmem:$0x119B0];
	_ =	sdelay $0x4  }
0xbe: {  	v0 =	vadd.f32 v1, v0;
	_ =	sdelay $0x1  }
0xbf: {  	[tilespmem:s0+$0x8830] =	vst v0;
	v0 =	vld [tilespmem:s0+$0x840]  }
0xc0: {  	v1 =	vld [tilespmem:$0x119C0];
	_ =	sdelay $0x4  }
0xc1: {  	v0 =	vadd.f32 v1, v0;
	_ =	sdelay $0x1  }
0xc2: {  	[tilespmem:s0+$0x8840] =	vst v0;
	v0 =	vld [tilespmem:s0+$0x850]  }
0xc3: {  	v1 =	vld [tilespmem:$0x119D0];
	_ =	sdelay $0x4  }
0xc4: {  	v0 =	vadd.f32 v1, v0;
	_ =	sdelay $0x1  }
0xc5: {  	[tilespmem:s0+$0x8850] =	vst v0;
	v0 =	vld [tilespmem:s0+$0x860]  }
0xc6: {  	v1 =	vld [tilespmem:$0x119E0];
	_ =	sdelay $0x4  }
0xc7: {  	v0 =	vadd.f32 v1, v0;
	_ =	sdelay $0x1  }
0xc8: {  	[tilespmem:s0+$0x8860] =	vst v0;
	v0 =	vld [tilespmem:s0+$0x870]  }
0xc9: {  	v1 =	vld [tilespmem:$0x119F0];
	_ =	sdelay $0x4  }
0xca: {  	v0 =	vadd.f32 v1, v0;
	_ =	sdelay $0x1  }
0xcb: {  	[tilespmem:s0+$0x8870] =	vst v0;
	v0 =	vld [tilespmem:s0+$0xC00]  }
0xcc: {  	v1 =	vld [tilespmem:$0x11D80];
	_ =	sdelay $0x4  }
0xcd: {  	v0 =	vadd.f32 v1, v0;
	_ =	sdelay $0x1  }
0xce: {  	[tilespmem:s0+$0x8C00] =	vst v0;
	v0 =	vld [tilespmem:s0+$0xC10]  }
0xcf: {  	v1 =	vld [tilespmem:$0x11D90];
	_ =	sdelay $0x4  }
0xd0: {  	v0 =	vadd.f32 v1, v0;
	_ =	sdelay $0x1  }
0xd1: {  	[tilespmem:s0+$0x8C10] =	vst v0;
	v0 =	vld [tilespmem:s0+$0xC20]  }
0xd2: {  	v1 =	vld [tilespmem:$0x11DA0];
	_ =	sdelay $0x4  }
0xd3: {  	v0 =	vadd.f32 v1, v0;
	_ =	sdelay $0x1  }
0xd4: {  	[tilespmem:s0+$0x8C20] =	vst v0;
	v0 =	vld [tilespmem:s0+$0xC30]  }
0xd5: {  	v1 =	vld [tilespmem:$0x11DB0];
	_ =	sdelay $0x4  }
0xd6: {  	v0 =	vadd.f32 v1, v0;
	_ =	sdelay $0x1  }
0xd7: {  	[tilespmem:s0+$0x8C30] =	vst v0;
	v0 =	vld [tilespmem:s0+$0xC40]  }
0xd8: {  	v1 =	vld [tilespmem:$0x11DC0];
	_ =	sdelay $0x4  }
0xd9: {  	v0 =	vadd.f32 v1, v0;
	_ =	sdelay $0x1  }
0xda: {  	[tilespmem:s0+$0x8C40] =	vst v0;
	v0 =	vld [tilespmem:s0+$0xC50]  }
0xdb: {  	v1 =	vld [tilespmem:$0x11DD0];
	_ =	sdelay $0x4  }
0xdc: {  	v0 =	vadd.f32 v1, v0;
	_ =	sdelay $0x1  }
0xdd: {  	[tilespmem:s0+$0x8C50] =	vst v0;
	v0 =	vld [tilespmem:s0+$0xC60]  }
0xde: {  	v1 =	vld [tilespmem:$0x11DE0];
	_ =	sdelay $0x4  }
0xdf: {  	v0 =	vadd.f32 v1, v0;
	_ =	sdelay $0x1  }
0xe0: {  	[tilespmem:s0+$0x8C60] =	vst v0;
	v0 =	vld [tilespmem:s0+$0xC70]  }
0xe1: {  	v1 =	vld [tilespmem:$0x11DF0];
	_ =	sdelay $0x1  }
.Ltmp0:
0xe2: {  	(pc) =	sbr.rel @p1 .LBB2_3-.Ltmp0, $4  }
0xe3: {  	_ = 	snop  }
0xe4: {  	s2 =	sadd.s32 $0x80, s2  }
0xe5: {  	s18 =	sand.u32 $0x1000, s16;
	s19 =	sand.u32 $0x380, s2;
	v0 =	vadd.f32 v1, v0  }
0xe6: {  	s16 =	sadd.s32 $0x200, s16;
	s18 =	sor.u32 s19, s18  }
0xe7: {  	v1 =	vld [tilespmem:s18+$0x0];
	[tilespmem:s0+$0x8C70] =	vst v0  }
0xe8: {  	v0 =	vld [tilespmem:$0x11180];
	_ =	sdelay $0x4  }
0xe9: {  	v0 =	vadd.f32 v0, v1;
	_ =	sdelay $0x1  }
0xea: {  	[tilespmem:s18+$0x8000] =	vst v0;
	v0 =	vld [tilespmem:s18+$0x10]  }
0xeb: {  	v1 =	vld [tilespmem:$0x11190];
	_ =	sdelay $0x4  }
0xec: {  	v0 =	vadd.f32 v1, v0;
	_ =	sdelay $0x1  }
0xed: {  	[tilespmem:s18+$0x8010] =	vst v0;
	v0 =	vld [tilespmem:s18+$0x20]  }
0xee: {  	v1 =	vld [tilespmem:$0x111A0];
	_ =	sdelay $0x4  }
0xef: {  	v0 =	vadd.f32 v1, v0;
	_ =	sdelay $0x1  }
0xf0: {  	[tilespmem:s18+$0x8020] =	vst v0;
	v0 =	vld [tilespmem:s18+$0x30]  }
0xf1: {  	v1 =	vld [tilespmem:$0x111B0];
	_ =	sdelay $0x4  }
0xf2: {  	v0 =	vadd.f32 v1, v0;
	_ =	sdelay $0x1  }
0xf3: {  	[tilespmem:s18+$0x8030] =	vst v0;
	v0 =	vld [tilespmem:s18+$0x40]  }
0xf4: {  	v1 =	vld [tilespmem:$0x111C0];
	_ =	sdelay $0x4  }
0xf5: {  	v0 =	vadd.f32 v1, v0;
	_ =	sdelay $0x1  }
0xf6: {  	[tilespmem:s18+$0x8040] =	vst v0;
	v0 =	vld [tilespmem:s18+$0x50]  }
0xf7: {  	v1 =	vld [tilespmem:$0x111D0];
	_ =	sdelay $0x4  }
0xf8: {  	v0 =	vadd.f32 v1, v0;
	_ =	sdelay $0x1  }
0xf9: {  	[tilespmem:s18+$0x8050] =	vst v0;
	v0 =	vld [tilespmem:s18+$0x60]  }
0xfa: {  	v1 =	vld [tilespmem:$0x111E0];
	_ =	sdelay $0x4  }
0xfb: {  	v0 =	vadd.f32 v1, v0;
	_ =	sdelay $0x1  }
0xfc: {  	[tilespmem:s18+$0x8060] =	vst v0;
	v0 =	vld [tilespmem:s18+$0x70]  }
0xfd: {  	v1 =	vld [tilespmem:$0x111F0];
	_ =	sdelay $0x4  }
0xfe: {  	v0 =	vadd.f32 v1, v0;
	_ =	sdelay $0x1  }
0xff: {  	[tilespmem:s18+$0x8070] =	vst v0;
	v0 =	vld [tilespmem:s18+$0x400]  }
0x100: {  	v1 =	vld [tilespmem:$0x11580];
	_ =	sdelay $0x4  }
0x101: {  	v0 =	vadd.f32 v1, v0;
	_ =	sdelay $0x1  }
0x102: {  	[tilespmem:s18+$0x8400] =	vst v0;
	v0 =	vld [tilespmem:s18+$0x410]  }
0x103: {  	v1 =	vld [tilespmem:$0x11590];
	_ =	sdelay $0x4  }
0x104: {  	v0 =	vadd.f32 v1, v0;
	_ =	sdelay $0x1  }
0x105: {  	[tilespmem:s18+$0x8410] =	vst v0;
	v0 =	vld [tilespmem:s18+$0x420]  }
0x106: {  	v1 =	vld [tilespmem:$0x115A0];
	_ =	sdelay $0x4  }
0x107: {  	v0 =	vadd.f32 v1, v0;
	_ =	sdelay $0x1  }
0x108: {  	[tilespmem:s18+$0x8420] =	vst v0;
	v0 =	vld [tilespmem:s18+$0x430]  }
0x109: {  	v1 =	vld [tilespmem:$0x115B0];
	_ =	sdelay $0x4  }
0x10a: {  	v0 =	vadd.f32 v1, v0;
	_ =	sdelay $0x1  }
0x10b: {  	[tilespmem:s18+$0x8430] =	vst v0;
	v0 =	vld [tilespmem:s18+$0x440]  }
0x10c: {  	v1 =	vld [tilespmem:$0x115C0];
	_ =	sdelay $0x4  }
0x10d: {  	v0 =	vadd.f32 v1, v0;
	_ =	sdelay $0x1  }
0x10e: {  	[tilespmem:s18+$0x8440] =	vst v0;
	v0 =	vld [tilespmem:s18+$0x450]  }
0x10f: {  	v1 =	vld [tilespmem:$0x115D0];
	_ =	sdelay $0x4  }
0x110: {  	v0 =	vadd.f32 v1, v0;
	_ =	sdelay $0x1  }
0x111: {  	[tilespmem:s18+$0x8450] =	vst v0;
	v0 =	vld [tilespmem:s18+$0x460]  }
0x112: {  	v1 =	vld [tilespmem:$0x115E0];
	_ =	sdelay $0x4  }
0x113: {  	v0 =	vadd.f32 v1, v0;
	_ =	sdelay $0x1  }
0x114: {  	[tilespmem:s18+$0x8460] =	vst v0;
	v0 =	vld [tilespmem:s18+$0x470]  }
0x115: {  	v1 =	vld [tilespmem:$0x115F0];
	_ =	sdelay $0x4  }
0x116: {  	v0 =	vadd.f32 v1, v0;
	_ =	sdelay $0x1  }
0x117: {  	[tilespmem:s18+$0x8470] =	vst v0;
	v0 =	vld [tilespmem:s18+$0x800]  }
0x118: {  	v1 =	vld [tilespmem:$0x11980];
	_ =	sdelay $0x4  }
0x119: {  	v0 =	vadd.f32 v1, v0;
	_ =	sdelay $0x1  }
0x11a: {  	[tilespmem:s18+$0x8800] =	vst v0;
	v0 =	vld [tilespmem:s18+$0x810]  }
0x11b: {  	v1 =	vld [tilespmem:$0x11990];
	_ =	sdelay $0x4  }
0x11c: {  	v0 =	vadd.f32 v1, v0;
	_ =	sdelay $0x1  }
0x11d: {  	[tilespmem:s18+$0x8810] =	vst v0;
	v0 =	vld [tilespmem:s18+$0x820]  }
0x11e: {  	v1 =	vld [tilespmem:$0x119A0];
	_ =	sdelay $0x4  }
0x11f: {  	v0 =	vadd.f32 v1, v0;
	_ =	sdelay $0x1  }
0x120: {  	[tilespmem:s18+$0x8820] =	vst v0;
	v0 =	vld [tilespmem:s18+$0x830]  }
0x121: {  	v1 =	vld [tilespmem:$0x119B0];
	_ =	sdelay $0x4  }
0x122: {  	v0 =	vadd.f32 v1, v0;
	_ =	sdelay $0x1  }
0x123: {  	[tilespmem:s18+$0x8830] =	vst v0;
	v0 =	vld [tilespmem:s18+$0x840]  }
0x124: {  	v1 =	vld [tilespmem:$0x119C0];
	_ =	sdelay $0x4  }
0x125: {  	v0 =	vadd.f32 v1, v0;
	_ =	sdelay $0x1  }
0x126: {  	[tilespmem:s18+$0x8840] =	vst v0;
	v0 =	vld [tilespmem:s18+$0x850]  }
0x127: {  	v1 =	vld [tilespmem:$0x119D0];
	_ =	sdelay $0x4  }
0x128: {  	v0 =	vadd.f32 v1, v0;
	_ =	sdelay $0x1  }
0x129: {  	[tilespmem:s18+$0x8850] =	vst v0;
	v0 =	vld [tilespmem:s18+$0x860]  }
0x12a: {  	v1 =	vld [tilespmem:$0x119E0];
	_ =	sdelay $0x4  }
0x12b: {  	v0 =	vadd.f32 v1, v0;
	_ =	sdelay $0x1  }
0x12c: {  	[tilespmem:s18+$0x8860] =	vst v0;
	v0 =	vld [tilespmem:s18+$0x870]  }
0x12d: {  	v1 =	vld [tilespmem:$0x119F0];
	_ =	sdelay $0x4  }
0x12e: {  	v0 =	vadd.f32 v1, v0;
	_ =	sdelay $0x1  }
0x12f: {  	[tilespmem:s18+$0x8870] =	vst v0;
	v0 =	vld [tilespmem:s18+$0xC00]  }
0x130: {  	v1 =	vld [tilespmem:$0x11D80];
	_ =	sdelay $0x4  }
0x131: {  	v0 =	vadd.f32 v1, v0;
	_ =	sdelay $0x1  }
0x132: {  	[tilespmem:s18+$0x8C00] =	vst v0;
	v0 =	vld [tilespmem:s18+$0xC10]  }
0x133: {  	v1 =	vld [tilespmem:$0x11D90];
	_ =	sdelay $0x4  }
0x134: {  	v0 =	vadd.f32 v1, v0;
	_ =	sdelay $0x1  }
0x135: {  	[tilespmem:s18+$0x8C10] =	vst v0;
	v0 =	vld [tilespmem:s18+$0xC20]  }
0x136: {  	v1 =	vld [tilespmem:$0x11DA0];
	_ =	sdelay $0x4  }
0x137: {  	v0 =	vadd.f32 v1, v0;
	_ =	sdelay $0x1  }
0x138: {  	[tilespmem:s18+$0x8C20] =	vst v0;
	v0 =	vld [tilespmem:s18+$0xC30]  }
0x139: {  	v1 =	vld [tilespmem:$0x11DB0];
	_ =	sdelay $0x4  }
0x13a: {  	v0 =	vadd.f32 v1, v0;
	_ =	sdelay $0x1  }
0x13b: {  	[tilespmem:s18+$0x8C30] =	vst v0;
	v0 =	vld [tilespmem:s18+$0xC40]  }
0x13c: {  	v1 =	vld [tilespmem:$0x11DC0];
	_ =	sdelay $0x4  }
0x13d: {  	v0 =	vadd.f32 v1, v0;
	_ =	sdelay $0x1  }
0x13e: {  	[tilespmem:s18+$0x8C40] =	vst v0;
	v0 =	vld [tilespmem:s18+$0xC50]  }
0x13f: {  	v1 =	vld [tilespmem:$0x11DD0];
	_ =	sdelay $0x4  }
0x140: {  	v0 =	vadd.f32 v1, v0;
	_ =	sdelay $0x1  }
0x141: {  	[tilespmem:s18+$0x8C50] =	vst v0;
	v0 =	vld [tilespmem:s18+$0xC60]  }
0x142: {  	v1 =	vld [tilespmem:$0x11DE0];
	_ =	sdelay $0x4  }
0x143: {  	v0 =	vadd.f32 v1, v0;
	_ =	sdelay $0x1  }
0x144: {  	[tilespmem:s18+$0x8C60] =	vst v0;
	v0 =	vld [tilespmem:s18+$0xC70]  }
0x145: {  	v1 =	vld [tilespmem:$0x11DF0];
	_ =	sdelay $0x4  }
0x146: {  	v0 =	vadd.f32 v1, v0;
	_ =	sdelay $0x1  }
0x147: {  	s2 =	sadd.s32 s1, s10;
	s0 =	simm.s32 @!p0 $0x2;
	[tilespmem:s18+$0x8C70] =	vst v0  }
0x148: {  	[hbm4b:s2+s3] =	stream.linear.scatter [tilespmem:s22], [sflag:$0x5], $0x2000, $0x38;
	[tilespmem:$0x12000] =	vst v63  }
0x149: {  	_ =	swait.ge @!p0 [sflag:s0], $0x2000  }
0x14a: {  	[sflag:s0] =	ssyncset.done @!p0 $0x0  }
0x14b: {  	[sflag:s0] =	ssyncadd.s32 @!p0 $0xFFFFE000;
	s0 =	simm.s32 @!p0 $0x6  }
0x14c: {  	_ =	swait.ge @!p0 [sflag:s0], $0x2000  }
0x14d: {  	[sflag:s0] =	ssyncset.done @!p0 $0x0  }
0x14e: {  	s2 =	simm.s32 @p0 $0x2;
	[sflag:s0] =	ssyncadd.s32 @!p0 $0xFFFFE000;
	s0 =	simm.s32 @p0 $0x0  }
0x14f: {  	[tilespmem:s0], [sflag:$0x1] =	stream.linear.gather @p0 [hbm4b:s11+s0], $0x2000, $0x38;
	[tilespmem:$0x12000] =	vst v63  }
0x150: {  	s0 =	simm.s32 $0x0;
	_ =	swait.ge @p0 [sflag:s2], $0x2000  }
0x151: {  	s16 =	sand.u32 $0x1000, s0;
	s5 =	sand.u32 $0x380, s0;
	[sflag:s2] =	ssyncset.done @p0 $0x0  }
0x152: {  	[sflag:s2] =	ssyncadd.s32 @p0 $0xFFFFE000;
	s2 =	sor.u32 s5, s16  }
0x153: {  	v0 =	vld [tilespmem:s2+$0x2000]  }
0x154: {  	v1 =	vld [tilespmem:$0x11180];
	_ =	sdelay $0x4  }
0x155: {  	v0 =	vadd.f32 v1, v0;
	_ =	sdelay $0x1  }
0x156: {  	v1 =	vld [tilespmem:s2+$0x2010];
	[tilespmem:s2+$0xA000] =	vst v0  }
0x157: {  	v0 =	vld [tilespmem:$0x11190];
	_ =	sdelay $0x4  }
0x158: {  	v0 =	vadd.f32 v0, v1;
	_ =	sdelay $0x1  }
0x159: {  	v1 =	vld [tilespmem:s2+$0x2020];
	[tilespmem:s2+$0xA010] =	vst v0  }
0x15a: {  	v0 =	vld [tilespmem:$0x111A0];
	_ =	sdelay $0x4  }
0x15b: {  	v0 =	vadd.f32 v0, v1;
	_ =	sdelay $0x1  }
0x15c: {  	[tilespmem:s2+$0xA020] =	vst v0;
	v0 =	vld [tilespmem:s2+$0x2030]  }
0x15d: {  	v1 =	vld [tilespmem:$0x111B0];
	_ =	sdelay $0x4  }
0x15e: {  	v0 =	vadd.f32 v1, v0;
	_ =	sdelay $0x1  }
0x15f: {  	[tilespmem:s2+$0xA030] =	vst v0;
	v0 =	vld [tilespmem:s2+$0x2040]  }
0x160: {  	v1 =	vld [tilespmem:$0x111C0];
	_ =	sdelay $0x4  }
0x161: {  	v0 =	vadd.f32 v1, v0;
	_ =	sdelay $0x1  }
0x162: {  	[tilespmem:s2+$0xA040] =	vst v0;
	v0 =	vld [tilespmem:s2+$0x2050]  }
0x163: {  	v1 =	vld [tilespmem:$0x111D0];
	_ =	sdelay $0x4  }
0x164: {  	v0 =	vadd.f32 v1, v0;
	_ =	sdelay $0x1  }
0x165: {  	[tilespmem:s2+$0xA050] =	vst v0;
	v0 =	vld [tilespmem:s2+$0x2060]  }
0x166: {  	v1 =	vld [tilespmem:$0x111E0];
	_ =	sdelay $0x4  }
0x167: {  	v0 =	vadd.f32 v1, v0;
	_ =	sdelay $0x1  }
0x168: {  	[tilespmem:s2+$0xA060] =	vst v0;
	v0 =	vld [tilespmem:s2+$0x2070]  }
0x169: {  	v1 =	vld [tilespmem:$0x111F0];
	_ =	sdelay $0x4  }
0x16a: {  	s18 =	sand.u32 $0xFFFFF000, s0;
	v0 =	vadd.f32 v1, v0  }
0x16b: {  	s16 =	sadd.s32 $0x0, s18  }
0x16c: {  	s19 =	sor.u32 $0x2400, s16;
	[tilespmem:s2+$0xA070] =	vst v0  }
0x16d: {  	v0 =	vld [tilespmem:s19+$0x0]  }
0x16e: {  	v1 =	vld [tilespmem:$0x11580];
	_ =	sdelay $0x4  }
0x16f: {  	v0 =	vadd.f32 v1, v0;
	_ =	sdelay $0x1  }
0x170: {  	s5 =	sor.u32 $0x2410, s16;
	[tilespmem:s19+$0x8000] =	vst v0  }
0x171: {  	v0 =	vld [tilespmem:s5+$0x0]  }
0x172: {  	v1 =	vld [tilespmem:$0x11590];
	_ =	sdelay $0x4  }
0x173: {  	v0 =	vadd.f32 v1, v0;
	_ =	sdelay $0x1  }
0x174: {  	s19 =	sor.u32 $0x2420, s16;
	[tilespmem:s5+$0x8000] =	vst v0  }
0x175: {  	v0 =	vld [tilespmem:s19+$0x0]  }
0x176: {  	v1 =	vld [tilespmem:$0x115A0];
	_ =	sdelay $0x4  }
0x177: {  	v0 =	vadd.f32 v1, v0;
	_ =	sdelay $0x1  }
0x178: {  	s5 =	sor.u32 $0x2430, s16;
	[tilespmem:s19+$0x8000] =	vst v0  }
0x179: {  	v0 =	vld [tilespmem:s5+$0x0]  }
0x17a: {  	v1 =	vld [tilespmem:$0x115B0];
	_ =	sdelay $0x4  }
0x17b: {  	v0 =	vadd.f32 v1, v0;
	_ =	sdelay $0x1  }
0x17c: {  	s19 =	sor.u32 $0x2440, s16;
	[tilespmem:s5+$0x8000] =	vst v0  }
0x17d: {  	v0 =	vld [tilespmem:s19+$0x0]  }
0x17e: {  	v1 =	vld [tilespmem:$0x115C0];
	_ =	sdelay $0x4  }
0x17f: {  	v0 =	vadd.f32 v1, v0;
	_ =	sdelay $0x1  }
0x180: {  	s5 =	sor.u32 $0x2450, s16;
	[tilespmem:s19+$0x8000] =	vst v0  }
0x181: {  	v0 =	vld [tilespmem:s5+$0x0]  }
0x182: {  	v1 =	vld [tilespmem:$0x115D0];
	_ =	sdelay $0x4  }
0x183: {  	v0 =	vadd.f32 v1, v0;
	_ =	sdelay $0x1  }
0x184: {  	s19 =	sor.u32 $0x2460, s16;
	[tilespmem:s5+$0x8000] =	vst v0  }
0x185: {  	v0 =	vld [tilespmem:s19+$0x0]  }
0x186: {  	v1 =	vld [tilespmem:$0x115E0];
	_ =	sdelay $0x4  }
0x187: {  	v0 =	vadd.f32 v1, v0;
	_ =	sdelay $0x1  }
0x188: {  	s5 =	sor.u32 $0x2470, s16;
	[tilespmem:s19+$0x8000] =	vst v0  }
0x189: {  	v0 =	vld [tilespmem:s5+$0x0]  }
0x18a: {  	v1 =	vld [tilespmem:$0x115F0];
	_ =	sdelay $0x4  }
0x18b: {  	v0 =	vadd.f32 v1, v0;
	_ =	sdelay $0x1  }
0x18c: {  	[tilespmem:s5+$0x8000] =	vst v0  }
0x18d: {  	v0 =	vld [tilespmem:s2+$0x2800]  }
0x18e: {  	v1 =	vld [tilespmem:$0x11980];
	_ =	sdelay $0x4  }
0x18f: {  	v0 =	vadd.f32 v1, v0;
	_ =	sdelay $0x1  }
0x190: {  	[tilespmem:s2+$0xA800] =	vst v0;
	v0 =	vld [tilespmem:s2+$0x2810]  }
0x191: {  	v1 =	vld [tilespmem:$0x11990];
	_ =	sdelay $0x4  }
0x192: {  	v0 =	vadd.f32 v1, v0;
	_ =	sdelay $0x1  }
0x193: {  	[tilespmem:s2+$0xA810] =	vst v0;
	v0 =	vld [tilespmem:s2+$0x2820]  }
0x194: {  	v1 =	vld [tilespmem:$0x119A0];
	_ =	sdelay $0x4  }
0x195: {  	v0 =	vadd.f32 v1, v0;
	_ =	sdelay $0x1  }
0x196: {  	[tilespmem:s2+$0xA820] =	vst v0;
	v0 =	vld [tilespmem:s2+$0x2830]  }
0x197: {  	v1 =	vld [tilespmem:$0x119B0];
	_ =	sdelay $0x4  }
0x198: {  	v0 =	vadd.f32 v1, v0;
	_ =	sdelay $0x1  }
0x199: {  	[tilespmem:s2+$0xA830] =	vst v0;
	v0 =	vld [tilespmem:s2+$0x2840]  }
0x19a: {  	v1 =	vld [tilespmem:$0x119C0];
	_ =	sdelay $0x4  }
0x19b: {  	v0 =	vadd.f32 v1, v0;
	_ =	sdelay $0x1  }
0x19c: {  	[tilespmem:s2+$0xA840] =	vst v0;
	v0 =	vld [tilespmem:s2+$0x2850]  }
0x19d: {  	v1 =	vld [tilespmem:$0x119D0];
	_ =	sdelay $0x4  }
0x19e: {  	v0 =	vadd.f32 v1, v0;
	_ =	sdelay $0x1  }
0x19f: {  	[tilespmem:s2+$0xA850] =	vst v0;
	v0 =	vld [tilespmem:s2+$0x2860]  }
0x1a0: {  	v1 =	vld [tilespmem:$0x119E0];
	_ =	sdelay $0x4  }
0x1a1: {  	v0 =	vadd.f32 v1, v0;
	_ =	sdelay $0x1  }
0x1a2: {  	[tilespmem:s2+$0xA860] =	vst v0;
	v0 =	vld [tilespmem:s2+$0x2870]  }
0x1a3: {  	v1 =	vld [tilespmem:$0x119F0];
	_ =	sdelay $0x4  }
0x1a4: {  	v0 =	vadd.f32 v1, v0;
	_ =	sdelay $0x1  }
0x1a5: {  	s18 =	sor.u32 $0x2C00, s16;
	[tilespmem:s2+$0xA870] =	vst v0  }
0x1a6: {  	v0 =	vld [tilespmem:s18+$0x0]  }
0x1a7: {  	v1 =	vld [tilespmem:$0x11D80];
	_ =	sdelay $0x4  }
0x1a8: {  	v0 =	vadd.f32 v1, v0;
	_ =	sdelay $0x1  }
0x1a9: {  	s19 =	sor.u32 $0x2C10, s16;
	[tilespmem:s18+$0x8000] =	vst v0  }
0x1aa: {  	v0 =	vld [tilespmem:s19+$0x0]  }
0x1ab: {  	v1 =	vld [tilespmem:$0x11D90];
	_ =	sdelay $0x4  }
0x1ac: {  	v0 =	vadd.f32 v1, v0;
	_ =	sdelay $0x1  }
0x1ad: {  	s5 =	sor.u32 $0x2C20, s16;
	[tilespmem:s19+$0x8000] =	vst v0  }
0x1ae: {  	v0 =	vld [tilespmem:s5+$0x0]  }
0x1af: {  	v1 =	vld [tilespmem:$0x11DA0];
	_ =	sdelay $0x4  }
0x1b0: {  	v0 =	vadd.f32 v1, v0;
	_ =	sdelay $0x1  }
0x1b1: {  	s18 =	sor.u32 $0x2C30, s16;
	[tilespmem:s5+$0x8000] =	vst v0  }
0x1b2: {  	v0 =	vld [tilespmem:s18+$0x0]  }
0x1b3: {  	v1 =	vld [tilespmem:$0x11DB0];
	_ =	sdelay $0x4  }
0x1b4: {  	v0 =	vadd.f32 v1, v0;
	_ =	sdelay $0x1  }
0x1b5: {  	s19 =	sor.u32 $0x2C40, s16;
	[tilespmem:s18+$0x8000] =	vst v0  }
0x1b6: {  	v0 =	vld [tilespmem:s19+$0x0]  }
0x1b7: {  	v1 =	vld [tilespmem:$0x11DC0];
	_ =	sdelay $0x4  }
0x1b8: {  	v0 =	vadd.f32 v1, v0;
	_ =	sdelay $0x1  }
0x1b9: {  	s18 =	sor.u32 $0x2C50, s16;
	[tilespmem:s19+$0x8000] =	vst v0  }
0x1ba: {  	v0 =	vld [tilespmem:s18+$0x0]  }
0x1bb: {  	s2 =	simm.s32 $0x200;
	v1 =	vld [tilespmem:$0x11DD0]  }
.LBB2_5:
0x1bc: {  	_ =	sdelay $0x1  }
0x1bd: {  	p1 =	sne.s32 s2, $0x1E00  }
0x1be: {  	s0 =	sadd.s32 $0x80, s0;
	s19 =	smov.u32 s2;
	s2 =	sadd.s32 $0x200, s2  }
0x1bf: {  	v0 =	vadd.f32 v1, v0;
	_ =	sdelay $0x1  }
0x1c0: {  	[tilespmem:s18+$0x8000] =	vst v0;
	s18 =	sor.u32 $0x2C60, s16  }
0x1c1: {  	v0 =	vld [tilespmem:s18+$0x0]  }
0x1c2: {  	v1 =	vld [tilespmem:$0x11DE0];
	_ =	sdelay $0x4  }
0x1c3: {  	v0 =	vadd.f32 v1, v0;
	_ =	sdelay $0x1  }
0x1c4: {  	s16 =	sor.u32 $0x2C70, s16;
	[tilespmem:s18+$0x8000] =	vst v0  }
0x1c5: {  	v0 =	vld [tilespmem:s16+$0x0]  }
0x1c6: {  	v1 =	vld [tilespmem:$0x11DF0];
	_ =	sdelay $0x2  }
0x1c7: {  	s5 =	sand.u32 $0x380, s0;
	s18 =	sand.u32 $0x1000, s19  }
0x1c8: {  	s18 =	sor.u32 s5, s18  }
0x1c9: {  	v0 =	vadd.f32 v1, v0;
	_ =	sdelay $0x1  }
0x1ca: {  	[tilespmem:s16+$0x8000] =	vst v0  }
0x1cb: {  	v0 =	vld [tilespmem:s18+$0x2000]  }
0x1cc: {  	v1 =	vld [tilespmem:$0x11180];
	_ =	sdelay $0x3  }
0x1cd: {  	v2 =	vld [tilespmem:s18+$0x2010]  }
0x1ce: {  	v0 =	vadd.f32 v1, v0;
	_ =	sdelay $0x1  }
0x1cf: {  	[tilespmem:s18+$0xA000] =	vst v0  }
0x1d0: {  	v0 =	vld [tilespmem:$0x11190];
	_ =	sdelay $0x4  }
0x1d1: {  	v0 =	vadd.f32 v0, v2  }
0x1d2: {  	v1 =	vld [tilespmem:s18+$0x2020]  }
0x1d3: {  	[tilespmem:s18+$0xA010] =	vst v0  }
0x1d4: {  	v0 =	vld [tilespmem:$0x111A0];
	_ =	sdelay $0x4  }
0x1d5: {  	v0 =	vadd.f32 v0, v1;
	_ =	sdelay $0x1  }
0x1d6: {  	[tilespmem:s18+$0xA020] =	vst v0;
	v0 =	vld [tilespmem:s18+$0x2030]  }
0x1d7: {  	v1 =	vld [tilespmem:$0x111B0];
	_ =	sdelay $0x4  }
0x1d8: {  	v0 =	vadd.f32 v1, v0;
	_ =	sdelay $0x1  }
0x1d9: {  	[tilespmem:s18+$0xA030] =	vst v0;
	v0 =	vld [tilespmem:s18+$0x2040]  }
0x1da: {  	v1 =	vld [tilespmem:$0x111C0];
	_ =	sdelay $0x4  }
0x1db: {  	v0 =	vadd.f32 v1, v0;
	_ =	sdelay $0x1  }
0x1dc: {  	[tilespmem:s18+$0xA040] =	vst v0;
	v0 =	vld [tilespmem:s18+$0x2050]  }
0x1dd: {  	v1 =	vld [tilespmem:$0x111D0];
	_ =	sdelay $0x4  }
0x1de: {  	v0 =	vadd.f32 v1, v0;
	_ =	sdelay $0x1  }
0x1df: {  	[tilespmem:s18+$0xA050] =	vst v0;
	v0 =	vld [tilespmem:s18+$0x2060]  }
0x1e0: {  	v1 =	vld [tilespmem:$0x111E0];
	_ =	sdelay $0x4  }
0x1e1: {  	v0 =	vadd.f32 v1, v0;
	_ =	sdelay $0x1  }
0x1e2: {  	[tilespmem:s18+$0xA060] =	vst v0;
	v0 =	vld [tilespmem:s18+$0x2070]  }
0x1e3: {  	v1 =	vld [tilespmem:$0x111F0];
	_ =	sdelay $0x4  }
0x1e4: {  	s5 =	sand.u32 $0xFFFFF000, s19;
	v0 =	vadd.f32 v1, v0  }
0x1e5: {  	s16 =	sadd.s32 s5, s0  }
0x1e6: {  	s5 =	sor.u32 $0x2400, s16;
	[tilespmem:s18+$0xA070] =	vst v0  }
0x1e7: {  	v0 =	vld [tilespmem:s5+$0x0]  }
0x1e8: {  	v1 =	vld [tilespmem:$0x11580];
	_ =	sdelay $0x4  }
0x1e9: {  	v0 =	vadd.f32 v1, v0;
	_ =	sdelay $0x1  }
0x1ea: {  	[tilespmem:s5+$0x8000] =	vst v0;
	s5 =	sor.u32 $0x2410, s16  }
0x1eb: {  	v0 =	vld [tilespmem:s5+$0x0]  }
0x1ec: {  	v1 =	vld [tilespmem:$0x11590];
	_ =	sdelay $0x4  }
0x1ed: {  	v0 =	vadd.f32 v1, v0;
	_ =	sdelay $0x1  }
0x1ee: {  	[tilespmem:s5+$0x8000] =	vst v0;
	s5 =	sor.u32 $0x2420, s16  }
0x1ef: {  	v0 =	vld [tilespmem:s5+$0x0]  }
0x1f0: {  	v1 =	vld [tilespmem:$0x115A0];
	_ =	sdelay $0x4  }
0x1f1: {  	v0 =	vadd.f32 v1, v0;
	_ =	sdelay $0x1  }
0x1f2: {  	[tilespmem:s5+$0x8000] =	vst v0;
	s5 =	sor.u32 $0x2430, s16  }
0x1f3: {  	v0 =	vld [tilespmem:s5+$0x0]  }
0x1f4: {  	v1 =	vld [tilespmem:$0x115B0];
	_ =	sdelay $0x4  }
0x1f5: {  	v0 =	vadd.f32 v1, v0;
	_ =	sdelay $0x1  }
0x1f6: {  	[tilespmem:s5+$0x8000] =	vst v0;
	s5 =	sor.u32 $0x2440, s16  }
0x1f7: {  	v0 =	vld [tilespmem:s5+$0x0]  }
0x1f8: {  	v1 =	vld [tilespmem:$0x115C0];
	_ =	sdelay $0x4  }
0x1f9: {  	v0 =	vadd.f32 v1, v0;
	_ =	sdelay $0x1  }
0x1fa: {  	[tilespmem:s5+$0x8000] =	vst v0;
	s5 =	sor.u32 $0x2450, s16  }
0x1fb: {  	v0 =	vld [tilespmem:s5+$0x0]  }
0x1fc: {  	v1 =	vld [tilespmem:$0x115D0];
	_ =	sdelay $0x4  }
0x1fd: {  	v0 =	vadd.f32 v1, v0;
	_ =	sdelay $0x1  }
0x1fe: {  	[tilespmem:s5+$0x8000] =	vst v0;
	s5 =	sor.u32 $0x2460, s16  }
0x1ff: {  	v0 =	vld [tilespmem:s5+$0x0]  }
0x200: {  	v1 =	vld [tilespmem:$0x115E0];
	_ =	sdelay $0x4  }
0x201: {  	v0 =	vadd.f32 v1, v0;
	_ =	sdelay $0x1  }
0x202: {  	[tilespmem:s5+$0x8000] =	vst v0;
	s5 =	sor.u32 $0x2470, s16  }
0x203: {  	v0 =	vld [tilespmem:s5+$0x0]  }
0x204: {  	v1 =	vld [tilespmem:$0x115F0];
	_ =	sdelay $0x4  }
0x205: {  	v0 =	vadd.f32 v1, v0;
	_ =	sdelay $0x1  }
0x206: {  	[tilespmem:s5+$0x8000] =	vst v0  }
0x207: {  	v0 =	vld [tilespmem:s18+$0x2800]  }
0x208: {  	v1 =	vld [tilespmem:$0x11980];
	_ =	sdelay $0x4  }
0x209: {  	v0 =	vadd.f32 v1, v0;
	_ =	sdelay $0x1  }
0x20a: {  	[tilespmem:s18+$0xA800] =	vst v0;
	v0 =	vld [tilespmem:s18+$0x2810]  }
0x20b: {  	v1 =	vld [tilespmem:$0x11990];
	_ =	sdelay $0x4  }
0x20c: {  	v0 =	vadd.f32 v1, v0;
	_ =	sdelay $0x1  }
0x20d: {  	[tilespmem:s18+$0xA810] =	vst v0;
	v0 =	vld [tilespmem:s18+$0x2820]  }
0x20e: {  	v1 =	vld [tilespmem:$0x119A0];
	_ =	sdelay $0x4  }
0x20f: {  	v0 =	vadd.f32 v1, v0;
	_ =	sdelay $0x1  }
0x210: {  	[tilespmem:s18+$0xA820] =	vst v0;
	v0 =	vld [tilespmem:s18+$0x2830]  }
0x211: {  	v1 =	vld [tilespmem:$0x119B0];
	_ =	sdelay $0x4  }
0x212: {  	v0 =	vadd.f32 v1, v0;
	_ =	sdelay $0x1  }
0x213: {  	[tilespmem:s18+$0xA830] =	vst v0;
	v0 =	vld [tilespmem:s18+$0x2840]  }
0x214: {  	v1 =	vld [tilespmem:$0x119C0];
	_ =	sdelay $0x4  }
0x215: {  	v0 =	vadd.f32 v1, v0;
	_ =	sdelay $0x1  }
0x216: {  	[tilespmem:s18+$0xA840] =	vst v0;
	v0 =	vld [tilespmem:s18+$0x2850]  }
0x217: {  	v1 =	vld [tilespmem:$0x119D0];
	_ =	sdelay $0x4  }
0x218: {  	v0 =	vadd.f32 v1, v0;
	_ =	sdelay $0x1  }
0x219: {  	[tilespmem:s18+$0xA850] =	vst v0;
	v0 =	vld [tilespmem:s18+$0x2860]  }
0x21a: {  	v1 =	vld [tilespmem:$0x119E0];
	_ =	sdelay $0x4  }
0x21b: {  	v0 =	vadd.f32 v1, v0;
	_ =	sdelay $0x1  }
0x21c: {  	[tilespmem:s18+$0xA860] =	vst v0;
	v0 =	vld [tilespmem:s18+$0x2870]  }
0x21d: {  	v1 =	vld [tilespmem:$0x119F0];
	_ =	sdelay $0x4  }
0x21e: {  	v0 =	vadd.f32 v1, v0;
	_ =	sdelay $0x1  }
0x21f: {  	s5 =	sor.u32 $0x2C00, s16;
	[tilespmem:s18+$0xA870] =	vst v0  }
0x220: {  	v0 =	vld [tilespmem:s5+$0x0]  }
0x221: {  	v1 =	vld [tilespmem:$0x11D80];
	_ =	sdelay $0x4  }
0x222: {  	v0 =	vadd.f32 v1, v0;
	_ =	sdelay $0x1  }
0x223: {  	[tilespmem:s5+$0x8000] =	vst v0;
	s5 =	sor.u32 $0x2C10, s16  }
0x224: {  	v0 =	vld [tilespmem:s5+$0x0]  }
0x225: {  	v1 =	vld [tilespmem:$0x11D90];
	_ =	sdelay $0x4  }
0x226: {  	v0 =	vadd.f32 v1, v0;
	_ =	sdelay $0x1  }
0x227: {  	[tilespmem:s5+$0x8000] =	vst v0;
	s5 =	sor.u32 $0x2C20, s16  }
0x228: {  	v0 =	vld [tilespmem:s5+$0x0]  }
0x229: {  	v1 =	vld [tilespmem:$0x11DA0];
	_ =	sdelay $0x4  }
0x22a: {  	v0 =	vadd.f32 v1, v0;
	_ =	sdelay $0x1  }
0x22b: {  	[tilespmem:s5+$0x8000] =	vst v0;
	s5 =	sor.u32 $0x2C30, s16  }
0x22c: {  	v0 =	vld [tilespmem:s5+$0x0]  }
0x22d: {  	v1 =	vld [tilespmem:$0x11DB0];
	_ =	sdelay $0x4  }
0x22e: {  	v0 =	vadd.f32 v1, v0;
	_ =	sdelay $0x1  }
0x22f: {  	[tilespmem:s5+$0x8000] =	vst v0;
	s5 =	sor.u32 $0x2C40, s16  }
0x230: {  	v0 =	vld [tilespmem:s5+$0x0]  }
0x231: {  	v1 =	vld [tilespmem:$0x11DC0];
	_ =	sdelay $0x4  }
.Ltmp1:
0x232: {  	v0 =	vadd.f32 v1, v0;
	(pc) =	sbr.rel @p1 .LBB2_5-.Ltmp1, $4  }
0x233: {  	_ = 	snop  }
0x234: {  	s18 =	sor.u32 $0x2C50, s16;
	[tilespmem:s5+$0x8000] =	vst v0  }
0x235: {  	v0 =	vld [tilespmem:s18+$0x0]  }
0x236: {  	v1 =	vld [tilespmem:$0x11DD0]  }
0x237: {  	_ =	sdelay $0x3  }
0x238: {  	v0 =	vadd.f32 v1, v0;
	_ =	sdelay $0x1  }
0x239: {  	s0 =	sor.u32 $0x2C60, s16;
	[tilespmem:s18+$0x8000] =	vst v0  }
0x23a: {  	v0 =	vld [tilespmem:s0+$0x0]  }
0x23b: {  	v1 =	vld [tilespmem:$0x11DE0];
	_ =	sdelay $0x4  }
0x23c: {  	v0 =	vadd.f32 v1, v0;
	_ =	sdelay $0x1  }
0x23d: {  	s16 =	sor.u32 $0x2C70, s16;
	[tilespmem:s0+$0x8000] =	vst v0  }
0x23e: {  	v0 =	vld [tilespmem:s16+$0x0]  }
0x23f: {  	v1 =	vld [tilespmem:$0x11DF0];
	_ =	sdelay $0x4  }
0x240: {  	s1 =	sor.u32 s4, s1;
	v0 =	vadd.f32 v1, v0  }
0x241: {  	s1 =	sadd.s32 s1, s9  }
0x242: {  	s18 =	sadd.s32 $0x400, s1;
	s0 =	simm.s32 @!p0 $0x3;
	[tilespmem:s16+$0x8000] =	vst v0  }
0x243: {  	[hbm4b:s18+s3] =	stream.linear.scatter [tilespmem:s23], [sflag:$0x6], $0x2000, $0x38;
	[tilespmem:$0x12000] =	vst v63  }
0x244: {  	_ =	swait.ge @!p0 [sflag:s0], $0x2000  }
0x245: {  	[sflag:s0] =	ssyncset.done @!p0 $0x0  }
0x246: {  	[sflag:s0] =	ssyncadd.s32 @!p0 $0xFFFFE000;
	s0 =	simm.s32 @!p0 $0x7  }
0x247: {  	_ =	swait.ge @!p0 [sflag:s0], $0x2000  }
0x248: {  	[sflag:s0] =	ssyncset.done @!p0 $0x0  }
0x249: {  	s2 =	simm.s32 @p0 $0x2000;
	[sflag:s0] =	ssyncadd.s32 @!p0 $0xFFFFE000;
	s0 =	simm.s32 @p0 $0x0  }
0x24a: {  	[tilespmem:s2], [sflag:$0x2] =	stream.linear.gather @p0 [hbm4b:s12+s0], $0x2000, $0x38;
	[tilespmem:$0x12000] =	vst v63  }
0x24b: {  	s2 =	simm.s32 @p0 $0x3  }
0x24c: {  	s0 =	simm.s32 $0x0;
	_ =	swait.ge @p0 [sflag:s2], $0x2000  }
0x24d: {  	s5 =	sand.u32 $0x1000, s0;
	s19 =	sand.u32 $0x380, s0;
	[sflag:s2] =	ssyncset.done @p0 $0x0  }
0x24e: {  	[sflag:s2] =	ssyncadd.s32 @p0 $0xFFFFE000;
	s2 =	sor.u32 s19, s5  }
0x24f: {  	v0 =	vld [tilespmem:s2+$0x4000]  }
0x250: {  	v1 =	vld [tilespmem:$0x11180];
	_ =	sdelay $0x4  }
0x251: {  	v0 =	vadd.f32 v1, v0;
	_ =	sdelay $0x1  }
0x252: {  	v1 =	vld [tilespmem:s2+$0x4010];
	[tilespmem:s2+$0xC000] =	vst v0  }
0x253: {  	v0 =	vld [tilespmem:$0x11190];
	_ =	sdelay $0x4  }
0x254: {  	v0 =	vadd.f32 v0, v1;
	_ =	sdelay $0x1  }
0x255: {  	v1 =	vld [tilespmem:s2+$0x4020];
	[tilespmem:s2+$0xC010] =	vst v0  }
0x256: {  	v0 =	vld [tilespmem:$0x111A0];
	_ =	sdelay $0x4  }
0x257: {  	v0 =	vadd.f32 v0, v1;
	_ =	sdelay $0x1  }
0x258: {  	[tilespmem:s2+$0xC020] =	vst v0;
	v0 =	vld [tilespmem:s2+$0x4030]  }
0x259: {  	v1 =	vld [tilespmem:$0x111B0];
	_ =	sdelay $0x4  }
0x25a: {  	v0 =	vadd.f32 v1, v0;
	_ =	sdelay $0x1  }
0x25b: {  	[tilespmem:s2+$0xC030] =	vst v0;
	v0 =	vld [tilespmem:s2+$0x4040]  }
0x25c: {  	v1 =	vld [tilespmem:$0x111C0];
	_ =	sdelay $0x4  }
0x25d: {  	v0 =	vadd.f32 v1, v0;
	_ =	sdelay $0x1  }
0x25e: {  	[tilespmem:s2+$0xC040] =	vst v0;
	v0 =	vld [tilespmem:s2+$0x4050]  }
0x25f: {  	v1 =	vld [tilespmem:$0x111D0];
	_ =	sdelay $0x4  }
0x260: {  	v0 =	vadd.f32 v1, v0;
	_ =	sdelay $0x1  }
0x261: {  	[tilespmem:s2+$0xC050] =	vst v0;
	v0 =	vld [tilespmem:s2+$0x4060]  }
0x262: {  	v1 =	vld [tilespmem:$0x111E0];
	_ =	sdelay $0x4  }
0x263: {  	v0 =	vadd.f32 v1, v0;
	_ =	sdelay $0x1  }
0x264: {  	[tilespmem:s2+$0xC060] =	vst v0;
	v0 =	vld [tilespmem:s2+$0x4070]  }
0x265: {  	v1 =	vld [tilespmem:$0x111F0];
	_ =	sdelay $0x4  }
0x266: {  	s18 =	sand.u32 $0xFFFFF000, s0;
	v0 =	vadd.f32 v1, v0  }
0x267: {  	s16 =	sadd.s32 $0x0, s18  }
0x268: {  	s5 =	sor.u32 $0x4400, s16;
	[tilespmem:s2+$0xC070] =	vst v0  }
0x269: {  	v0 =	vld [tilespmem:s5+$0x0]  }
0x26a: {  	v1 =	vld [tilespmem:$0x11580];
	_ =	sdelay $0x4  }
0x26b: {  	v0 =	vadd.f32 v1, v0;
	_ =	sdelay $0x1  }
0x26c: {  	s19 =	sor.u32 $0x4410, s16;
	[tilespmem:s5+$0x8000] =	vst v0  }
0x26d: {  	v0 =	vld [tilespmem:s19+$0x0]  }
0x26e: {  	v1 =	vld [tilespmem:$0x11590];
	_ =	sdelay $0x4  }
0x26f: {  	v0 =	vadd.f32 v1, v0;
	_ =	sdelay $0x1  }
0x270: {  	s18 =	sor.u32 $0x4420, s16;
	[tilespmem:s19+$0x8000] =	vst v0  }
0x271: {  	v0 =	vld [tilespmem:s18+$0x0]  }
0x272: {  	v1 =	vld [tilespmem:$0x115A0];
	_ =	sdelay $0x4  }
0x273: {  	v0 =	vadd.f32 v1, v0;
	_ =	sdelay $0x1  }
0x274: {  	s19 =	sor.u32 $0x4430, s16;
	[tilespmem:s18+$0x8000] =	vst v0  }
0x275: {  	v0 =	vld [tilespmem:s19+$0x0]  }
0x276: {  	v1 =	vld [tilespmem:$0x115B0];
	_ =	sdelay $0x4  }
0x277: {  	v0 =	vadd.f32 v1, v0;
	_ =	sdelay $0x1  }
0x278: {  	s18 =	sor.u32 $0x4440, s16;
	[tilespmem:s19+$0x8000] =	vst v0  }
0x279: {  	v0 =	vld [tilespmem:s18+$0x0]  }
0x27a: {  	v1 =	vld [tilespmem:$0x115C0];
	_ =	sdelay $0x4  }
0x27b: {  	v0 =	vadd.f32 v1, v0;
	_ =	sdelay $0x1  }
0x27c: {  	s19 =	sor.u32 $0x4450, s16;
	[tilespmem:s18+$0x8000] =	vst v0  }
0x27d: {  	v0 =	vld [tilespmem:s19+$0x0]  }
0x27e: {  	v1 =	vld [tilespmem:$0x115D0];
	_ =	sdelay $0x4  }
0x27f: {  	v0 =	vadd.f32 v1, v0;
	_ =	sdelay $0x1  }
0x280: {  	s18 =	sor.u32 $0x4460, s16;
	[tilespmem:s19+$0x8000] =	vst v0  }
0x281: {  	v0 =	vld [tilespmem:s18+$0x0]  }
0x282: {  	v1 =	vld [tilespmem:$0x115E0];
	_ =	sdelay $0x4  }
0x283: {  	v0 =	vadd.f32 v1, v0;
	_ =	sdelay $0x1  }
0x284: {  	s19 =	sor.u32 $0x4470, s16;
	[tilespmem:s18+$0x8000] =	vst v0  }
0x285: {  	v0 =	vld [tilespmem:s19+$0x0]  }
0x286: {  	v1 =	vld [tilespmem:$0x115F0];
	_ =	sdelay $0x4  }
0x287: {  	v0 =	vadd.f32 v1, v0;
	_ =	sdelay $0x1  }
0x288: {  	[tilespmem:s19+$0x8000] =	vst v0  }
0x289: {  	v0 =	vld [tilespmem:s2+$0x4800]  }
0x28a: {  	v1 =	vld [tilespmem:$0x11980];
	_ =	sdelay $0x4  }
0x28b: {  	v0 =	vadd.f32 v1, v0;
	_ =	sdelay $0x1  }
0x28c: {  	[tilespmem:s2+$0xC800] =	vst v0;
	v0 =	vld [tilespmem:s2+$0x4810]  }
0x28d: {  	v1 =	vld [tilespmem:$0x11990];
	_ =	sdelay $0x4  }
0x28e: {  	v0 =	vadd.f32 v1, v0;
	_ =	sdelay $0x1  }
0x28f: {  	[tilespmem:s2+$0xC810] =	vst v0;
	v0 =	vld [tilespmem:s2+$0x4820]  }
0x290: {  	v1 =	vld [tilespmem:$0x119A0];
	_ =	sdelay $0x4  }
0x291: {  	v0 =	vadd.f32 v1, v0;
	_ =	sdelay $0x1  }
0x292: {  	[tilespmem:s2+$0xC820] =	vst v0;
	v0 =	vld [tilespmem:s2+$0x4830]  }
0x293: {  	v1 =	vld [tilespmem:$0x119B0];
	_ =	sdelay $0x4  }
0x294: {  	v0 =	vadd.f32 v1, v0;
	_ =	sdelay $0x1  }
0x295: {  	[tilespmem:s2+$0xC830] =	vst v0;
	v0 =	vld [tilespmem:s2+$0x4840]  }
0x296: {  	v1 =	vld [tilespmem:$0x119C0];
	_ =	sdelay $0x4  }
0x297: {  	v0 =	vadd.f32 v1, v0;
	_ =	sdelay $0x1  }
0x298: {  	[tilespmem:s2+$0xC840] =	vst v0;
	v0 =	vld [tilespmem:s2+$0x4850]  }
0x299: {  	v1 =	vld [tilespmem:$0x119D0];
	_ =	sdelay $0x4  }
0x29a: {  	v0 =	vadd.f32 v1, v0;
	_ =	sdelay $0x1  }
0x29b: {  	[tilespmem:s2+$0xC850] =	vst v0;
	v0 =	vld [tilespmem:s2+$0x4860]  }
0x29c: {  	v1 =	vld [tilespmem:$0x119E0];
	_ =	sdelay $0x4  }
0x29d: {  	v0 =	vadd.f32 v1, v0;
	_ =	sdelay $0x1  }
0x29e: {  	[tilespmem:s2+$0xC860] =	vst v0;
	v0 =	vld [tilespmem:s2+$0x4870]  }
0x29f: {  	v1 =	vld [tilespmem:$0x119F0];
	_ =	sdelay $0x4  }
0x2a0: {  	v0 =	vadd.f32 v1, v0;
	_ =	sdelay $0x1  }
0x2a1: {  	s18 =	sor.u32 $0x4C00, s16;
	[tilespmem:s2+$0xC870] =	vst v0  }
0x2a2: {  	v0 =	vld [tilespmem:s18+$0x0]  }
0x2a3: {  	v1 =	vld [tilespmem:$0x11D80];
	_ =	sdelay $0x4  }
0x2a4: {  	v0 =	vadd.f32 v1, v0;
	_ =	sdelay $0x1  }
0x2a5: {  	s19 =	sor.u32 $0x4C10, s16;
	[tilespmem:s18+$0x8000] =	vst v0  }
0x2a6: {  	v0 =	vld [tilespmem:s19+$0x0]  }
0x2a7: {  	v1 =	vld [tilespmem:$0x11D90];
	_ =	sdelay $0x4  }
0x2a8: {  	v0 =	vadd.f32 v1, v0;
	_ =	sdelay $0x1  }
0x2a9: {  	s5 =	sor.u32 $0x4C20, s16;
	[tilespmem:s19+$0x8000] =	vst v0  }
0x2aa: {  	v0 =	vld [tilespmem:s5+$0x0]  }
0x2ab: {  	v1 =	vld [tilespmem:$0x11DA0];
	_ =	sdelay $0x4  }
0x2ac: {  	v0 =	vadd.f32 v1, v0;
	_ =	sdelay $0x1  }
0x2ad: {  	s18 =	sor.u32 $0x4C30, s16;
	[tilespmem:s5+$0x8000] =	vst v0  }
0x2ae: {  	v0 =	vld [tilespmem:s18+$0x0]  }
0x2af: {  	v1 =	vld [tilespmem:$0x11DB0];
	_ =	sdelay $0x4  }
0x2b0: {  	v0 =	vadd.f32 v1, v0;
	_ =	sdelay $0x1  }
0x2b1: {  	s19 =	sor.u32 $0x4C40, s16;
	[tilespmem:s18+$0x8000] =	vst v0  }
0x2b2: {  	v0 =	vld [tilespmem:s19+$0x0]  }
0x2b3: {  	v1 =	vld [tilespmem:$0x11DC0];
	_ =	sdelay $0x4  }
0x2b4: {  	v0 =	vadd.f32 v1, v0;
	_ =	sdelay $0x1  }
0x2b5: {  	s18 =	sor.u32 $0x4C50, s16;
	[tilespmem:s19+$0x8000] =	vst v0  }
0x2b6: {  	v0 =	vld [tilespmem:s18+$0x0]  }
0x2b7: {  	s2 =	simm.s32 $0x200;
	v1 =	vld [tilespmem:$0x11DD0]  }
.LBB2_7:
0x2b8: {  	_ =	sdelay $0x1  }
0x2b9: {  	p1 =	sne.s32 s2, $0x1E00  }
0x2ba: {  	s0 =	sadd.s32 $0x80, s0;
	s19 =	smov.u32 s2;
	s2 =	sadd.s32 $0x200, s2  }
0x2bb: {  	v0 =	vadd.f32 v1, v0;
	_ =	sdelay $0x1  }
0x2bc: {  	s5 =	sor.u32 $0x4C60, s16;
	[tilespmem:s18+$0x8000] =	vst v0  }
0x2bd: {  	v0 =	vld [tilespmem:s5+$0x0]  }
0x2be: {  	v1 =	vld [tilespmem:$0x11DE0];
	_ =	sdelay $0x4  }
0x2bf: {  	v0 =	vadd.f32 v1, v0;
	_ =	sdelay $0x1  }
0x2c0: {  	[tilespmem:s5+$0x8000] =	vst v0;
	s5 =	sor.u32 $0x4C70, s16  }
0x2c1: {  	v0 =	vld [tilespmem:s5+$0x0]  }
0x2c2: {  	v1 =	vld [tilespmem:$0x11DF0];
	_ =	sdelay $0x2  }
0x2c3: {  	s18 =	sand.u32 $0x380, s0;
	s16 =	sand.u32 $0x1000, s19  }
0x2c4: {  	s18 =	sor.u32 s18, s16  }
0x2c5: {  	v0 =	vadd.f32 v1, v0;
	_ =	sdelay $0x1  }
0x2c6: {  	[tilespmem:s5+$0x8000] =	vst v0  }
0x2c7: {  	v0 =	vld [tilespmem:s18+$0x4000]  }
0x2c8: {  	v1 =	vld [tilespmem:$0x11180];
	_ =	sdelay $0x3  }
0x2c9: {  	v2 =	vld [tilespmem:s18+$0x4010]  }
0x2ca: {  	v0 =	vadd.f32 v1, v0;
	_ =	sdelay $0x1  }
0x2cb: {  	[tilespmem:s18+$0xC000] =	vst v0  }
0x2cc: {  	v0 =	vld [tilespmem:$0x11190];
	_ =	sdelay $0x4  }
0x2cd: {  	v0 =	vadd.f32 v0, v2  }
0x2ce: {  	v1 =	vld [tilespmem:s18+$0x4020]  }
0x2cf: {  	[tilespmem:s18+$0xC010] =	vst v0  }
0x2d0: {  	v0 =	vld [tilespmem:$0x111A0];
	_ =	sdelay $0x4  }
0x2d1: {  	v0 =	vadd.f32 v0, v1;
	_ =	sdelay $0x1  }
0x2d2: {  	[tilespmem:s18+$0xC020] =	vst v0;
	v0 =	vld [tilespmem:s18+$0x4030]  }
0x2d3: {  	v1 =	vld [tilespmem:$0x111B0];
	_ =	sdelay $0x4  }
0x2d4: {  	v0 =	vadd.f32 v1, v0;
	_ =	sdelay $0x1  }
0x2d5: {  	[tilespmem:s18+$0xC030] =	vst v0;
	v0 =	vld [tilespmem:s18+$0x4040]  }
0x2d6: {  	v1 =	vld [tilespmem:$0x111C0];
	_ =	sdelay $0x4  }
0x2d7: {  	v0 =	vadd.f32 v1, v0;
	_ =	sdelay $0x1  }
0x2d8: {  	[tilespmem:s18+$0xC040] =	vst v0;
	v0 =	vld [tilespmem:s18+$0x4050]  }
0x2d9: {  	v1 =	vld [tilespmem:$0x111D0];
	_ =	sdelay $0x4  }
0x2da: {  	v0 =	vadd.f32 v1, v0;
	_ =	sdelay $0x1  }
0x2db: {  	[tilespmem:s18+$0xC050] =	vst v0;
	v0 =	vld [tilespmem:s18+$0x4060]  }
0x2dc: {  	v1 =	vld [tilespmem:$0x111E0];
	_ =	sdelay $0x4  }
0x2dd: {  	v0 =	vadd.f32 v1, v0;
	_ =	sdelay $0x1  }
0x2de: {  	[tilespmem:s18+$0xC060] =	vst v0;
	v0 =	vld [tilespmem:s18+$0x4070]  }
0x2df: {  	v1 =	vld [tilespmem:$0x111F0];
	_ =	sdelay $0x4  }
0x2e0: {  	s5 =	sand.u32 $0xFFFFF000, s19;
	v0 =	vadd.f32 v1, v0  }
0x2e1: {  	s16 =	sadd.s32 s5, s0  }
0x2e2: {  	s5 =	sor.u32 $0x4400, s16;
	[tilespmem:s18+$0xC070] =	vst v0  }
0x2e3: {  	v0 =	vld [tilespmem:s5+$0x0]  }
0x2e4: {  	v1 =	vld [tilespmem:$0x11580];
	_ =	sdelay $0x4  }
0x2e5: {  	v0 =	vadd.f32 v1, v0;
	_ =	sdelay $0x1  }
0x2e6: {  	[tilespmem:s5+$0x8000] =	vst v0;
	s5 =	sor.u32 $0x4410, s16  }
0x2e7: {  	v0 =	vld [tilespmem:s5+$0x0]  }
0x2e8: {  	v1 =	vld [tilespmem:$0x11590];
	_ =	sdelay $0x4  }
0x2e9: {  	v0 =	vadd.f32 v1, v0;
	_ =	sdelay $0x1  }
0x2ea: {  	[tilespmem:s5+$0x8000] =	vst v0;
	s5 =	sor.u32 $0x4420, s16  }
0x2eb: {  	v0 =	vld [tilespmem:s5+$0x0]  }
0x2ec: {  	v1 =	vld [tilespmem:$0x115A0];
	_ =	sdelay $0x4  }
0x2ed: {  	v0 =	vadd.f32 v1, v0;
	_ =	sdelay $0x1  }
0x2ee: {  	[tilespmem:s5+$0x8000] =	vst v0;
	s5 =	sor.u32 $0x4430, s16  }
0x2ef: {  	v0 =	vld [tilespmem:s5+$0x0]  }
0x2f0: {  	v1 =	vld [tilespmem:$0x115B0];
	_ =	sdelay $0x4  }
0x2f1: {  	v0 =	vadd.f32 v1, v0;
	_ =	sdelay $0x1  }
0x2f2: {  	[tilespmem:s5+$0x8000] =	vst v0;
	s5 =	sor.u32 $0x4440, s16  }
0x2f3: {  	v0 =	vld [tilespmem:s5+$0x0]  }
0x2f4: {  	v1 =	vld [tilespmem:$0x115C0];
	_ =	sdelay $0x4  }
0x2f5: {  	v0 =	vadd.f32 v1, v0;
	_ =	sdelay $0x1  }
0x2f6: {  	[tilespmem:s5+$0x8000] =	vst v0;
	s5 =	sor.u32 $0x4450, s16  }
0x2f7: {  	v0 =	vld [tilespmem:s5+$0x0]  }
0x2f8: {  	v1 =	vld [tilespmem:$0x115D0];
	_ =	sdelay $0x4  }
0x2f9: {  	v0 =	vadd.f32 v1, v0;
	_ =	sdelay $0x1  }
0x2fa: {  	[tilespmem:s5+$0x8000] =	vst v0;
	s5 =	sor.u32 $0x4460, s16  }
0x2fb: {  	v0 =	vld [tilespmem:s5+$0x0]  }
0x2fc: {  	v1 =	vld [tilespmem:$0x115E0];
	_ =	sdelay $0x4  }
0x2fd: {  	v0 =	vadd.f32 v1, v0;
	_ =	sdelay $0x1  }
0x2fe: {  	[tilespmem:s5+$0x8000] =	vst v0;
	s5 =	sor.u32 $0x4470, s16  }
0x2ff: {  	v0 =	vld [tilespmem:s5+$0x0]  }
0x300: {  	v1 =	vld [tilespmem:$0x115F0];
	_ =	sdelay $0x4  }
0x301: {  	v0 =	vadd.f32 v1, v0;
	_ =	sdelay $0x1  }
0x302: {  	[tilespmem:s5+$0x8000] =	vst v0  }
0x303: {  	v0 =	vld [tilespmem:s18+$0x4800]  }
0x304: {  	v1 =	vld [tilespmem:$0x11980];
	_ =	sdelay $0x4  }
0x305: {  	v0 =	vadd.f32 v1, v0;
	_ =	sdelay $0x1  }
0x306: {  	[tilespmem:s18+$0xC800] =	vst v0;
	v0 =	vld [tilespmem:s18+$0x4810]  }
0x307: {  	v1 =	vld [tilespmem:$0x11990];
	_ =	sdelay $0x4  }
0x308: {  	v0 =	vadd.f32 v1, v0;
	_ =	sdelay $0x1  }
0x309: {  	[tilespmem:s18+$0xC810] =	vst v0;
	v0 =	vld [tilespmem:s18+$0x4820]  }
0x30a: {  	v1 =	vld [tilespmem:$0x119A0];
	_ =	sdelay $0x4  }
0x30b: {  	v0 =	vadd.f32 v1, v0;
	_ =	sdelay $0x1  }
0x30c: {  	[tilespmem:s18+$0xC820] =	vst v0;
	v0 =	vld [tilespmem:s18+$0x4830]  }
0x30d: {  	v1 =	vld [tilespmem:$0x119B0];
	_ =	sdelay $0x4  }
0x30e: {  	v0 =	vadd.f32 v1, v0;
	_ =	sdelay $0x1  }
0x30f: {  	[tilespmem:s18+$0xC830] =	vst v0;
	v0 =	vld [tilespmem:s18+$0x4840]  }
0x310: {  	v1 =	vld [tilespmem:$0x119C0];
	_ =	sdelay $0x4  }
0x311: {  	v0 =	vadd.f32 v1, v0;
	_ =	sdelay $0x1  }
0x312: {  	[tilespmem:s18+$0xC840] =	vst v0;
	v0 =	vld [tilespmem:s18+$0x4850]  }
0x313: {  	v1 =	vld [tilespmem:$0x119D0];
	_ =	sdelay $0x4  }
0x314: {  	v0 =	vadd.f32 v1, v0;
	_ =	sdelay $0x1  }
0x315: {  	[tilespmem:s18+$0xC850] =	vst v0;
	v0 =	vld [tilespmem:s18+$0x4860]  }
0x316: {  	v1 =	vld [tilespmem:$0x119E0];
	_ =	sdelay $0x4  }
0x317: {  	v0 =	vadd.f32 v1, v0;
	_ =	sdelay $0x1  }
0x318: {  	[tilespmem:s18+$0xC860] =	vst v0;
	v0 =	vld [tilespmem:s18+$0x4870]  }
0x319: {  	v1 =	vld [tilespmem:$0x119F0];
	_ =	sdelay $0x4  }
0x31a: {  	v0 =	vadd.f32 v1, v0;
	_ =	sdelay $0x1  }
0x31b: {  	s5 =	sor.u32 $0x4C00, s16;
	[tilespmem:s18+$0xC870] =	vst v0  }
0x31c: {  	v0 =	vld [tilespmem:s5+$0x0]  }
0x31d: {  	v1 =	vld [tilespmem:$0x11D80];
	_ =	sdelay $0x4  }
0x31e: {  	v0 =	vadd.f32 v1, v0;
	_ =	sdelay $0x1  }
0x31f: {  	[tilespmem:s5+$0x8000] =	vst v0;
	s5 =	sor.u32 $0x4C10, s16  }
0x320: {  	v0 =	vld [tilespmem:s5+$0x0]  }
0x321: {  	v1 =	vld [tilespmem:$0x11D90];
	_ =	sdelay $0x4  }
0x322: {  	v0 =	vadd.f32 v1, v0;
	_ =	sdelay $0x1  }
0x323: {  	[tilespmem:s5+$0x8000] =	vst v0;
	s5 =	sor.u32 $0x4C20, s16  }
0x324: {  	v0 =	vld [tilespmem:s5+$0x0]  }
0x325: {  	v1 =	vld [tilespmem:$0x11DA0];
	_ =	sdelay $0x4  }
0x326: {  	v0 =	vadd.f32 v1, v0;
	_ =	sdelay $0x1  }
0x327: {  	[tilespmem:s5+$0x8000] =	vst v0;
	s5 =	sor.u32 $0x4C30, s16  }
0x328: {  	v0 =	vld [tilespmem:s5+$0x0]  }
0x329: {  	v1 =	vld [tilespmem:$0x11DB0];
	_ =	sdelay $0x4  }
0x32a: {  	v0 =	vadd.f32 v1, v0;
	_ =	sdelay $0x1  }
0x32b: {  	[tilespmem:s5+$0x8000] =	vst v0;
	s5 =	sor.u32 $0x4C40, s16  }
0x32c: {  	v0 =	vld [tilespmem:s5+$0x0]  }
0x32d: {  	v1 =	vld [tilespmem:$0x11DC0];
	_ =	sdelay $0x4  }
.Ltmp2:
0x32e: {  	v0 =	vadd.f32 v1, v0;
	(pc) =	sbr.rel @p1 .LBB2_7-.Ltmp2, $4  }
0x32f: {  	_ = 	snop  }
0x330: {  	s18 =	sor.u32 $0x4C50, s16;
	[tilespmem:s5+$0x8000] =	vst v0  }
0x331: {  	v0 =	vld [tilespmem:s18+$0x0]  }
0x332: {  	v1 =	vld [tilespmem:$0x11DD0]  }
0x333: {  	_ =	sdelay $0x3  }
0x334: {  	v0 =	vadd.f32 v1, v0;
	_ =	sdelay $0x1  }
0x335: {  	s0 =	sor.u32 $0x4C60, s16;
	[tilespmem:s18+$0x8000] =	vst v0  }
0x336: {  	v0 =	vld [tilespmem:s0+$0x0]  }
0x337: {  	v1 =	vld [tilespmem:$0x11DE0];
	_ =	sdelay $0x4  }
0x338: {  	v0 =	vadd.f32 v1, v0;
	_ =	sdelay $0x1  }
0x339: {  	s16 =	sor.u32 $0x4C70, s16;
	[tilespmem:s0+$0x8000] =	vst v0  }
0x33a: {  	v0 =	vld [tilespmem:s16+$0x0]  }
0x33b: {  	v1 =	vld [tilespmem:$0x11DF0];
	_ =	sdelay $0x4  }
0x33c: {  	v0 =	vadd.f32 v1, v0;
	_ =	sdelay $0x1  }
0x33d: {  	s18 =	sadd.s32 $0x800, s1;
	s0 =	simm.s32 @!p0 $0x4;
	[tilespmem:s16+$0x8000] =	vst v0  }
0x33e: {  	[hbm4b:s18+s3] =	stream.linear.scatter [tilespmem:s24], [sflag:$0x7], $0x2000, $0x38;
	[tilespmem:$0x12000] =	vst v63  }
0x33f: {  	_ =	swait.ge @!p0 [sflag:s0], $0x2000  }
0x340: {  	[sflag:s0] =	ssyncset.done @!p0 $0x0  }
0x341: {  	[sflag:s0] =	ssyncadd.s32 @!p0 $0xFFFFE000;
	s0 =	simm.s32 @!p0 $0x8  }
0x342: {  	_ =	swait.ge @!p0 [sflag:s0], $0x2000  }
0x343: {  	[sflag:s0] =	ssyncset.done @!p0 $0x0  }
0x344: {  	s2 =	simm.s32 @p0 $0x4000;
	[sflag:s0] =	ssyncadd.s32 @!p0 $0xFFFFE000;
	s0 =	simm.s32 @p0 $0x0  }
0x345: {  	[tilespmem:s2], [sflag:$0x3] =	stream.linear.gather @p0 [hbm4b:s13+s0], $0x2000, $0x38;
	[tilespmem:$0x12000] =	vst v63  }
0x346: {  	s2 =	simm.s32 @p0 $0x4  }
0x347: {  	s0 =	simm.s32 $0x0;
	_ =	swait.ge @p0 [sflag:s2], $0x2000  }
0x348: {  	s5 =	sand.u32 $0x1000, s0;
	s19 =	sand.u32 $0x380, s0;
	[sflag:s2] =	ssyncset.done @p0 $0x0  }
0x349: {  	[sflag:s2] =	ssyncadd.s32 @p0 $0xFFFFE000;
	s2 =	sor.u32 s19, s5  }
0x34a: {  	v0 =	vld [tilespmem:s2+$0x6000]  }
0x34b: {  	v1 =	vld [tilespmem:$0x11180];
	_ =	sdelay $0x4  }
0x34c: {  	v0 =	vadd.f32 v1, v0;
	_ =	sdelay $0x1  }
0x34d: {  	v1 =	vld [tilespmem:s2+$0x6010];
	[tilespmem:s2+$0xE000] =	vst v0  }
0x34e: {  	v0 =	vld [tilespmem:$0x11190];
	_ =	sdelay $0x4  }
0x34f: {  	v0 =	vadd.f32 v0, v1;
	_ =	sdelay $0x1  }
0x350: {  	v1 =	vld [tilespmem:s2+$0x6020];
	[tilespmem:s2+$0xE010] =	vst v0  }
0x351: {  	v0 =	vld [tilespmem:$0x111A0];
	_ =	sdelay $0x4  }
0x352: {  	v0 =	vadd.f32 v0, v1;
	_ =	sdelay $0x1  }
0x353: {  	[tilespmem:s2+$0xE020] =	vst v0;
	v0 =	vld [tilespmem:s2+$0x6030]  }
0x354: {  	v1 =	vld [tilespmem:$0x111B0];
	_ =	sdelay $0x4  }
0x355: {  	v0 =	vadd.f32 v1, v0;
	_ =	sdelay $0x1  }
0x356: {  	[tilespmem:s2+$0xE030] =	vst v0;
	v0 =	vld [tilespmem:s2+$0x6040]  }
0x357: {  	v1 =	vld [tilespmem:$0x111C0];
	_ =	sdelay $0x4  }
0x358: {  	v0 =	vadd.f32 v1, v0;
	_ =	sdelay $0x1  }
0x359: {  	[tilespmem:s2+$0xE040] =	vst v0;
	v0 =	vld [tilespmem:s2+$0x6050]  }
0x35a: {  	v1 =	vld [tilespmem:$0x111D0];
	_ =	sdelay $0x4  }
0x35b: {  	v0 =	vadd.f32 v1, v0;
	_ =	sdelay $0x1  }
0x35c: {  	[tilespmem:s2+$0xE050] =	vst v0;
	v0 =	vld [tilespmem:s2+$0x6060]  }
0x35d: {  	v1 =	vld [tilespmem:$0x111E0];
	_ =	sdelay $0x4  }
0x35e: {  	v0 =	vadd.f32 v1, v0;
	_ =	sdelay $0x1  }
0x35f: {  	[tilespmem:s2+$0xE060] =	vst v0;
	v0 =	vld [tilespmem:s2+$0x6070]  }
0x360: {  	v1 =	vld [tilespmem:$0x111F0];
	_ =	sdelay $0x4  }
0x361: {  	s18 =	sand.u32 $0xFFFFF000, s0;
	v0 =	vadd.f32 v1, v0  }
0x362: {  	s16 =	sadd.s32 $0x0, s18  }
0x363: {  	s5 =	sor.u32 $0x6400, s16;
	[tilespmem:s2+$0xE070] =	vst v0  }
0x364: {  	v0 =	vld [tilespmem:s5+$0x0]  }
0x365: {  	v1 =	vld [tilespmem:$0x11580];
	_ =	sdelay $0x4  }
0x366: {  	v0 =	vadd.f32 v1, v0;
	_ =	sdelay $0x1  }
0x367: {  	s19 =	sor.u32 $0x6410, s16;
	[tilespmem:s5+$0x8000] =	vst v0  }
0x368: {  	v0 =	vld [tilespmem:s19+$0x0]  }
0x369: {  	v1 =	vld [tilespmem:$0x11590];
	_ =	sdelay $0x4  }
0x36a: {  	v0 =	vadd.f32 v1, v0;
	_ =	sdelay $0x1  }
0x36b: {  	s18 =	sor.u32 $0x6420, s16;
	[tilespmem:s19+$0x8000] =	vst v0  }
0x36c: {  	v0 =	vld [tilespmem:s18+$0x0]  }
0x36d: {  	v1 =	vld [tilespmem:$0x115A0];
	_ =	sdelay $0x4  }
0x36e: {  	v0 =	vadd.f32 v1, v0;
	_ =	sdelay $0x1  }
0x36f: {  	s19 =	sor.u32 $0x6430, s16;
	[tilespmem:s18+$0x8000] =	vst v0  }
0x370: {  	v0 =	vld [tilespmem:s19+$0x0]  }
0x371: {  	v1 =	vld [tilespmem:$0x115B0];
	_ =	sdelay $0x4  }
0x372: {  	v0 =	vadd.f32 v1, v0;
	_ =	sdelay $0x1  }
0x373: {  	s18 =	sor.u32 $0x6440, s16;
	[tilespmem:s19+$0x8000] =	vst v0  }
0x374: {  	v0 =	vld [tilespmem:s18+$0x0]  }
0x375: {  	v1 =	vld [tilespmem:$0x115C0];
	_ =	sdelay $0x4  }
0x376: {  	v0 =	vadd.f32 v1, v0;
	_ =	sdelay $0x1  }
0x377: {  	s19 =	sor.u32 $0x6450, s16;
	[tilespmem:s18+$0x8000] =	vst v0  }
0x378: {  	v0 =	vld [tilespmem:s19+$0x0]  }
0x379: {  	v1 =	vld [tilespmem:$0x115D0];
	_ =	sdelay $0x4  }
0x37a: {  	v0 =	vadd.f32 v1, v0;
	_ =	sdelay $0x1  }
0x37b: {  	s18 =	sor.u32 $0x6460, s16;
	[tilespmem:s19+$0x8000] =	vst v0  }
0x37c: {  	v0 =	vld [tilespmem:s18+$0x0]  }
0x37d: {  	v1 =	vld [tilespmem:$0x115E0];
	_ =	sdelay $0x4  }
0x37e: {  	v0 =	vadd.f32 v1, v0;
	_ =	sdelay $0x1  }
0x37f: {  	s19 =	sor.u32 $0x6470, s16;
	[tilespmem:s18+$0x8000] =	vst v0  }
0x380: {  	v0 =	vld [tilespmem:s19+$0x0]  }
0x381: {  	v1 =	vld [tilespmem:$0x115F0];
	_ =	sdelay $0x4  }
0x382: {  	v0 =	vadd.f32 v1, v0;
	_ =	sdelay $0x1  }
0x383: {  	[tilespmem:s19+$0x8000] =	vst v0  }
0x384: {  	v0 =	vld [tilespmem:s2+$0x6800]  }
0x385: {  	v1 =	vld [tilespmem:$0x11980];
	_ =	sdelay $0x4  }
0x386: {  	v0 =	vadd.f32 v1, v0;
	_ =	sdelay $0x1  }
0x387: {  	[tilespmem:s2+$0xE800] =	vst v0;
	v0 =	vld [tilespmem:s2+$0x6810]  }
0x388: {  	v1 =	vld [tilespmem:$0x11990];
	_ =	sdelay $0x4  }
0x389: {  	v0 =	vadd.f32 v1, v0;
	_ =	sdelay $0x1  }
0x38a: {  	[tilespmem:s2+$0xE810] =	vst v0;
	v0 =	vld [tilespmem:s2+$0x6820]  }
0x38b: {  	v1 =	vld [tilespmem:$0x119A0];
	_ =	sdelay $0x4  }
0x38c: {  	v0 =	vadd.f32 v1, v0;
	_ =	sdelay $0x1  }
0x38d: {  	[tilespmem:s2+$0xE820] =	vst v0;
	v0 =	vld [tilespmem:s2+$0x6830]  }
0x38e: {  	v1 =	vld [tilespmem:$0x119B0];
	_ =	sdelay $0x4  }
0x38f: {  	v0 =	vadd.f32 v1, v0;
	_ =	sdelay $0x1  }
0x390: {  	[tilespmem:s2+$0xE830] =	vst v0;
	v0 =	vld [tilespmem:s2+$0x6840]  }
0x391: {  	v1 =	vld [tilespmem:$0x119C0];
	_ =	sdelay $0x4  }
0x392: {  	v0 =	vadd.f32 v1, v0;
	_ =	sdelay $0x1  }
0x393: {  	[tilespmem:s2+$0xE840] =	vst v0;
	v0 =	vld [tilespmem:s2+$0x6850]  }
0x394: {  	v1 =	vld [tilespmem:$0x119D0];
	_ =	sdelay $0x4  }
0x395: {  	v0 =	vadd.f32 v1, v0;
	_ =	sdelay $0x1  }
0x396: {  	[tilespmem:s2+$0xE850] =	vst v0;
	v0 =	vld [tilespmem:s2+$0x6860]  }
0x397: {  	v1 =	vld [tilespmem:$0x119E0];
	_ =	sdelay $0x4  }
0x398: {  	v0 =	vadd.f32 v1, v0;
	_ =	sdelay $0x1  }
0x399: {  	[tilespmem:s2+$0xE860] =	vst v0;
	v0 =	vld [tilespmem:s2+$0x6870]  }
0x39a: {  	v1 =	vld [tilespmem:$0x119F0];
	_ =	sdelay $0x4  }
0x39b: {  	v0 =	vadd.f32 v1, v0;
	_ =	sdelay $0x1  }
0x39c: {  	s18 =	sor.u32 $0x6C00, s16;
	[tilespmem:s2+$0xE870] =	vst v0  }
0x39d: {  	v0 =	vld [tilespmem:s18+$0x0]  }
0x39e: {  	v1 =	vld [tilespmem:$0x11D80];
	_ =	sdelay $0x4  }
0x39f: {  	v0 =	vadd.f32 v1, v0;
	_ =	sdelay $0x1  }
0x3a0: {  	s19 =	sor.u32 $0x6C10, s16;
	[tilespmem:s18+$0x8000] =	vst v0  }
0x3a1: {  	v0 =	vld [tilespmem:s19+$0x0]  }
0x3a2: {  	v1 =	vld [tilespmem:$0x11D90];
	_ =	sdelay $0x4  }
0x3a3: {  	v0 =	vadd.f32 v1, v0;
	_ =	sdelay $0x1  }
0x3a4: {  	s5 =	sor.u32 $0x6C20, s16;
	[tilespmem:s19+$0x8000] =	vst v0  }
0x3a5: {  	v0 =	vld [tilespmem:s5+$0x0]  }
0x3a6: {  	v1 =	vld [tilespmem:$0x11DA0];
	_ =	sdelay $0x4  }
0x3a7: {  	v0 =	vadd.f32 v1, v0;
	_ =	sdelay $0x1  }
0x3a8: {  	s18 =	sor.u32 $0x6C30, s16;
	[tilespmem:s5+$0x8000] =	vst v0  }
0x3a9: {  	v0 =	vld [tilespmem:s18+$0x0]  }
0x3aa: {  	v1 =	vld [tilespmem:$0x11DB0];
	_ =	sdelay $0x4  }
0x3ab: {  	v0 =	vadd.f32 v1, v0;
	_ =	sdelay $0x1  }
0x3ac: {  	s19 =	sor.u32 $0x6C40, s16;
	[tilespmem:s18+$0x8000] =	vst v0  }
0x3ad: {  	v0 =	vld [tilespmem:s19+$0x0]  }
0x3ae: {  	v1 =	vld [tilespmem:$0x11DC0];
	_ =	sdelay $0x4  }
0x3af: {  	v0 =	vadd.f32 v1, v0;
	_ =	sdelay $0x1  }
0x3b0: {  	s18 =	sor.u32 $0x6C50, s16;
	[tilespmem:s19+$0x8000] =	vst v0  }
0x3b1: {  	v0 =	vld [tilespmem:s18+$0x0]  }
0x3b2: {  	s2 =	simm.s32 $0x200;
	v1 =	vld [tilespmem:$0x11DD0]  }
.LBB2_9:
0x3b3: {  	_ =	sdelay $0x1  }
0x3b4: {  	p1 =	sne.s32 s2, $0x1E00  }
0x3b5: {  	s0 =	sadd.s32 $0x80, s0;
	s19 =	smov.u32 s2;
	s2 =	sadd.s32 $0x200, s2  }
0x3b6: {  	v0 =	vadd.f32 v1, v0;
	_ =	sdelay $0x1  }
0x3b7: {  	s5 =	sor.u32 $0x6C60, s16;
	[tilespmem:s18+$0x8000] =	vst v0  }
0x3b8: {  	v0 =	vld [tilespmem:s5+$0x0]  }
0x3b9: {  	v1 =	vld [tilespmem:$0x11DE0];
	_ =	sdelay $0x4  }
0x3ba: {  	v0 =	vadd.f32 v1, v0;
	_ =	sdelay $0x1  }
0x3bb: {  	[tilespmem:s5+$0x8000] =	vst v0;
	s5 =	sor.u32 $0x6C70, s16  }
0x3bc: {  	v0 =	vld [tilespmem:s5+$0x0]  }
0x3bd: {  	v1 =	vld [tilespmem:$0x11DF0];
	_ =	sdelay $0x2  }
0x3be: {  	s18 =	sand.u32 $0x380, s0;
	s16 =	sand.u32 $0x1000, s19  }
0x3bf: {  	s18 =	sor.u32 s18, s16  }
0x3c0: {  	v0 =	vadd.f32 v1, v0;
	_ =	sdelay $0x1  }
0x3c1: {  	[tilespmem:s5+$0x8000] =	vst v0  }
0x3c2: {  	v0 =	vld [tilespmem:s18+$0x6000]  }
0x3c3: {  	v1 =	vld [tilespmem:$0x11180];
	_ =	sdelay $0x3  }
0x3c4: {  	v2 =	vld [tilespmem:s18+$0x6010]  }
0x3c5: {  	v0 =	vadd.f32 v1, v0;
	_ =	sdelay $0x1  }
0x3c6: {  	[tilespmem:s18+$0xE000] =	vst v0  }
0x3c7: {  	v0 =	vld [tilespmem:$0x11190];
	_ =	sdelay $0x4  }
0x3c8: {  	v0 =	vadd.f32 v0, v2  }
0x3c9: {  	v1 =	vld [tilespmem:s18+$0x6020]  }
0x3ca: {  	[tilespmem:s18+$0xE010] =	vst v0  }
0x3cb: {  	v0 =	vld [tilespmem:$0x111A0];
	_ =	sdelay $0x4  }
0x3cc: {  	v0 =	vadd.f32 v0, v1;
	_ =	sdelay $0x1  }
0x3cd: {  	[tilespmem:s18+$0xE020] =	vst v0;
	v0 =	vld [tilespmem:s18+$0x6030]  }
0x3ce: {  	v1 =	vld [tilespmem:$0x111B0];
	_ =	sdelay $0x4  }
0x3cf: {  	v0 =	vadd.f32 v1, v0;
	_ =	sdelay $0x1  }
0x3d0: {  	[tilespmem:s18+$0xE030] =	vst v0;
	v0 =	vld [tilespmem:s18+$0x6040]  }
0x3d1: {  	v1 =	vld [tilespmem:$0x111C0];
	_ =	sdelay $0x4  }
0x3d2: {  	v0 =	vadd.f32 v1, v0;
	_ =	sdelay $0x1  }
0x3d3: {  	[tilespmem:s18+$0xE040] =	vst v0;
	v0 =	vld [tilespmem:s18+$0x6050]  }
0x3d4: {  	v1 =	vld [tilespmem:$0x111D0];
	_ =	sdelay $0x4  }
0x3d5: {  	v0 =	vadd.f32 v1, v0;
	_ =	sdelay $0x1  }
0x3d6: {  	[tilespmem:s18+$0xE050] =	vst v0;
	v0 =	vld [tilespmem:s18+$0x6060]  }
0x3d7: {  	v1 =	vld [tilespmem:$0x111E0];
	_ =	sdelay $0x4  }
0x3d8: {  	v0 =	vadd.f32 v1, v0;
	_ =	sdelay $0x1  }
0x3d9: {  	[tilespmem:s18+$0xE060] =	vst v0;
	v0 =	vld [tilespmem:s18+$0x6070]  }
0x3da: {  	v1 =	vld [tilespmem:$0x111F0];
	_ =	sdelay $0x4  }
0x3db: {  	s5 =	sand.u32 $0xFFFFF000, s19;
	v0 =	vadd.f32 v1, v0  }
0x3dc: {  	s16 =	sadd.s32 s5, s0  }
0x3dd: {  	s5 =	sor.u32 $0x6400, s16;
	[tilespmem:s18+$0xE070] =	vst v0  }
0x3de: {  	v0 =	vld [tilespmem:s5+$0x0]  }
0x3df: {  	v1 =	vld [tilespmem:$0x11580];
	_ =	sdelay $0x4  }
0x3e0: {  	v0 =	vadd.f32 v1, v0;
	_ =	sdelay $0x1  }
0x3e1: {  	[tilespmem:s5+$0x8000] =	vst v0;
	s5 =	sor.u32 $0x6410, s16  }
0x3e2: {  	v0 =	vld [tilespmem:s5+$0x0]  }
0x3e3: {  	v1 =	vld [tilespmem:$0x11590];
	_ =	sdelay $0x4  }
0x3e4: {  	v0 =	vadd.f32 v1, v0;
	_ =	sdelay $0x1  }
0x3e5: {  	[tilespmem:s5+$0x8000] =	vst v0;
	s5 =	sor.u32 $0x6420, s16  }
0x3e6: {  	v0 =	vld [tilespmem:s5+$0x0]  }
0x3e7: {  	v1 =	vld [tilespmem:$0x115A0];
	_ =	sdelay $0x4  }
0x3e8: {  	v0 =	vadd.f32 v1, v0;
	_ =	sdelay $0x1  }
0x3e9: {  	[tilespmem:s5+$0x8000] =	vst v0;
	s5 =	sor.u32 $0x6430, s16  }
0x3ea: {  	v0 =	vld [tilespmem:s5+$0x0]  }
0x3eb: {  	v1 =	vld [tilespmem:$0x115B0];
	_ =	sdelay $0x4  }
0x3ec: {  	v0 =	vadd.f32 v1, v0;
	_ =	sdelay $0x1  }
0x3ed: {  	[tilespmem:s5+$0x8000] =	vst v0;
	s5 =	sor.u32 $0x6440, s16  }
0x3ee: {  	v0 =	vld [tilespmem:s5+$0x0]  }
0x3ef: {  	v1 =	vld [tilespmem:$0x115C0];
	_ =	sdelay $0x4  }
0x3f0: {  	v0 =	vadd.f32 v1, v0;
	_ =	sdelay $0x1  }
0x3f1: {  	[tilespmem:s5+$0x8000] =	vst v0;
	s5 =	sor.u32 $0x6450, s16  }
0x3f2: {  	v0 =	vld [tilespmem:s5+$0x0]  }
0x3f3: {  	v1 =	vld [tilespmem:$0x115D0];
	_ =	sdelay $0x4  }
0x3f4: {  	v0 =	vadd.f32 v1, v0;
	_ =	sdelay $0x1  }
0x3f5: {  	[tilespmem:s5+$0x8000] =	vst v0;
	s5 =	sor.u32 $0x6460, s16  }
0x3f6: {  	v0 =	vld [tilespmem:s5+$0x0]  }
0x3f7: {  	v1 =	vld [tilespmem:$0x115E0];
	_ =	sdelay $0x4  }
0x3f8: {  	v0 =	vadd.f32 v1, v0;
	_ =	sdelay $0x1  }
0x3f9: {  	[tilespmem:s5+$0x8000] =	vst v0;
	s5 =	sor.u32 $0x6470, s16  }
0x3fa: {  	v0 =	vld [tilespmem:s5+$0x0]  }
0x3fb: {  	v1 =	vld [tilespmem:$0x115F0];
	_ =	sdelay $0x4  }
0x3fc: {  	v0 =	vadd.f32 v1, v0;
	_ =	sdelay $0x1  }
0x3fd: {  	[tilespmem:s5+$0x8000] =	vst v0  }
0x3fe: {  	v0 =	vld [tilespmem:s18+$0x6800]  }
0x3ff: {  	v1 =	vld [tilespmem:$0x11980];
	_ =	sdelay $0x4  }
0x400: {  	v0 =	vadd.f32 v1, v0;
	_ =	sdelay $0x1  }
0x401: {  	[tilespmem:s18+$0xE800] =	vst v0;
	v0 =	vld [tilespmem:s18+$0x6810]  }
0x402: {  	v1 =	vld [tilespmem:$0x11990];
	_ =	sdelay $0x4  }
0x403: {  	v0 =	vadd.f32 v1, v0;
	_ =	sdelay $0x1  }
0x404: {  	[tilespmem:s18+$0xE810] =	vst v0;
	v0 =	vld [tilespmem:s18+$0x6820]  }
0x405: {  	v1 =	vld [tilespmem:$0x119A0];
	_ =	sdelay $0x4  }
0x406: {  	v0 =	vadd.f32 v1, v0;
	_ =	sdelay $0x1  }
0x407: {  	[tilespmem:s18+$0xE820] =	vst v0;
	v0 =	vld [tilespmem:s18+$0x6830]  }
0x408: {  	v1 =	vld [tilespmem:$0x119B0];
	_ =	sdelay $0x4  }
0x409: {  	v0 =	vadd.f32 v1, v0;
	_ =	sdelay $0x1  }
0x40a: {  	[tilespmem:s18+$0xE830] =	vst v0;
	v0 =	vld [tilespmem:s18+$0x6840]  }
0x40b: {  	v1 =	vld [tilespmem:$0x119C0];
	_ =	sdelay $0x4  }
0x40c: {  	v0 =	vadd.f32 v1, v0;
	_ =	sdelay $0x1  }
0x40d: {  	[tilespmem:s18+$0xE840] =	vst v0;
	v0 =	vld [tilespmem:s18+$0x6850]  }
0x40e: {  	v1 =	vld [tilespmem:$0x119D0];
	_ =	sdelay $0x4  }
0x40f: {  	v0 =	vadd.f32 v1, v0;
	_ =	sdelay $0x1  }
0x410: {  	[tilespmem:s18+$0xE850] =	vst v0;
	v0 =	vld [tilespmem:s18+$0x6860]  }
0x411: {  	v1 =	vld [tilespmem:$0x119E0];
	_ =	sdelay $0x4  }
0x412: {  	v0 =	vadd.f32 v1, v0;
	_ =	sdelay $0x1  }
0x413: {  	[tilespmem:s18+$0xE860] =	vst v0;
	v0 =	vld [tilespmem:s18+$0x6870]  }
0x414: {  	v1 =	vld [tilespmem:$0x119F0];
	_ =	sdelay $0x4  }
0x415: {  	v0 =	vadd.f32 v1, v0;
	_ =	sdelay $0x1  }
0x416: {  	s5 =	sor.u32 $0x6C00, s16;
	[tilespmem:s18+$0xE870] =	vst v0  }
0x417: {  	v0 =	vld [tilespmem:s5+$0x0]  }
0x418: {  	v1 =	vld [tilespmem:$0x11D80];
	_ =	sdelay $0x4  }
0x419: {  	v0 =	vadd.f32 v1, v0;
	_ =	sdelay $0x1  }
0x41a: {  	[tilespmem:s5+$0x8000] =	vst v0;
	s5 =	sor.u32 $0x6C10, s16  }
0x41b: {  	v0 =	vld [tilespmem:s5+$0x0]  }
0x41c: {  	v1 =	vld [tilespmem:$0x11D90];
	_ =	sdelay $0x4  }
0x41d: {  	v0 =	vadd.f32 v1, v0;
	_ =	sdelay $0x1  }
0x41e: {  	[tilespmem:s5+$0x8000] =	vst v0;
	s5 =	sor.u32 $0x6C20, s16  }
0x41f: {  	v0 =	vld [tilespmem:s5+$0x0]  }
0x420: {  	v1 =	vld [tilespmem:$0x11DA0];
	_ =	sdelay $0x4  }
0x421: {  	v0 =	vadd.f32 v1, v0;
	_ =	sdelay $0x1  }
0x422: {  	[tilespmem:s5+$0x8000] =	vst v0;
	s5 =	sor.u32 $0x6C30, s16  }
0x423: {  	v0 =	vld [tilespmem:s5+$0x0]  }
0x424: {  	v1 =	vld [tilespmem:$0x11DB0];
	_ =	sdelay $0x4  }
0x425: {  	v0 =	vadd.f32 v1, v0;
	_ =	sdelay $0x1  }
0x426: {  	[tilespmem:s5+$0x8000] =	vst v0;
	s5 =	sor.u32 $0x6C40, s16  }
0x427: {  	v0 =	vld [tilespmem:s5+$0x0]  }
0x428: {  	v1 =	vld [tilespmem:$0x11DC0];
	_ =	sdelay $0x4  }
.Ltmp3:
0x429: {  	v0 =	vadd.f32 v1, v0;
	(pc) =	sbr.rel @p1 .LBB2_9-.Ltmp3, $4  }
0x42a: {  	_ = 	snop  }
0x42b: {  	s18 =	sor.u32 $0x6C50, s16;
	[tilespmem:s5+$0x8000] =	vst v0  }
0x42c: {  	v0 =	vld [tilespmem:s18+$0x0]  }
0x42d: {  	v1 =	vld [tilespmem:$0x11DD0]  }
0x42e: {  	_ =	sdelay $0x3  }
0x42f: {  	v0 =	vadd.f32 v1, v0;
	_ =	sdelay $0x1  }
0x430: {  	s0 =	sor.u32 $0x6C60, s16;
	[tilespmem:s18+$0x8000] =	vst v0  }
0x431: {  	v0 =	vld [tilespmem:s0+$0x0]  }
0x432: {  	v62 =	vld [tilespmem:$0x11DE0];
	_ =	sdelay $0x4  }
0x433: {  	v0 =	vadd.f32 v62, v0;
	_ =	sdelay $0x1  }
0x434: {  	s18 =	sor.u32 $0x6C70, s16;
	[tilespmem:s0+$0x8000] =	vst v0  }
0x435: {  	v0 =	vld [tilespmem:s18+$0x0]  }
0x436: {  	v63 =	vld [tilespmem:$0x11DF0];
	_ =	sdelay $0x3  }
.Ltmp4:
0x437: {  	_ = 	snop;
	(pc) =	sbr.rel @p0 .LBB2_2-.Ltmp4, $4  }
0x438: {  	v0 =	vadd.f32 v63, v0  }
0x439: {  	s19 =	sadd.s32 $0xC00, s1  }
0x43a: {  	s1 =	simm.s32 $0x1000;
	p1 =	por $0x0, $0x0;
	s0 =	smov.u32 s14;
	[tilespmem:s18+$0x8000] =	vst v0  }
0x43b: {  	[hbm4b:s19+s3] =	stream.linear.scatter [tilespmem:s25], [sflag:$0x8], $0x2000, $0x38;
	[tilespmem:$0x12000] =	vst v63  }
0x43c: {  	_ =	swait.ge [sflag:s26], $0x2000  }
0x43d: {  	[sflag:s26] =	ssyncset.done $0x0  }
0x43e: {  	[sflag:s26] =	ssyncadd.s32 $0xFFFFE000  }
0x43f: {  	_ =	swait.ge [sflag:s28], $0x2000  }
0x440: {  	[sflag:s28] =	ssyncset.done $0x0  }
0x441: {  	s31 =	sadd.s32 $0x1, s31;
	[sflag:s28] =	ssyncadd.s32 $0xFFFFE000  }
0x442: {  	p0 =	sne.s32 s31, s15;
	_ =	swait.ge [sflag:s29], $0x2000  }
.Ltmp5:
0x443: {  	[sflag:s29] =	ssyncset.done $0x0;
	(pc) =	sbr.rel @p0 .LBB2_1-.Ltmp5, $4  }
0x444: {  	[sflag:s29] =	ssyncadd.s32 $0xFFFFE000  }
0x445: {  	_ =	swait.ge [sflag:s30], $0x2000  }
0x446: {  	[sflag:s30] =	ssyncset.done $0x0  }
0x447: {  	[sflag:s30] =	ssyncadd.s32 $0xFFFFE000  }
0x448: {  	_ =	sfence.sel $0x180000  }
0x449: {  	[bflag:$0x0] =	sbarrier.arrive $0xFFFF  }
0x44a: {  	_ =	strace $0x90000047  }
0x44b: {  	s0 =	stileid.u32;
	[bflag:$0x2] =	sbarrier.arrive $0xFFFF  }
0x44c: {  	p0 =	sne.s32 s0, $0x0;
	s0 =	rddreg [dreg:$0x3]  }
0x44d: {  	s0 =	sadd.s32 @!p0 $0x100000, s0  }
0x44e: {  	[sflag:s0] =	ssyncadd.tile.s32 @!p0 $0x1;
	_ =	shalt  }
.Lfunc_end2:
_tile_overlayer_lowered:
.L_overlay_start_2:
0x44f: {  	(tag) =	ssettag $0x2  }
0x450: {  	s0 =	rddreg [dreg:$0x0];
	s2 =	stileid.u32  }
0x451: {  	s1 =	rddreg [dreg:$0x1];
	p0 =	sne.s32 s2, $0x0  }
0x452: {  	s3 =	rddreg [dreg:$0x2];
	[bflag:$0x3] =	sbarrier.arrive $0xFFFF;
	s2 =	simm.s32 @!p0 $0x1C09  }
0x453: {  	[timem:s3], [sflag:s2] =	dma.local @!p0 [hbm:s0], s1  }
0x454: {  	s0 =	simm.s32 @!p0 $0x9  }
0x455: {  	_ =	swait.ge @!p0 [sflag:s0], s1  }
0x456: {  	s1 =	ssub.s32 @!p0 $0x0, s1;
	[sflag:s0] =	ssyncset.done @!p0 $0x0  }
0x457: {  	[sflag:s0] =	ssyncadd.s32 @!p0 s1  }
0x458: {  	[bflag:$0x3] =	sbarrier.arrive $0xFFFF  }
0x459: {  	_ =	shalt  }

</sc_bundles>
